<compile_context>
chip_gen: v7x
topology: tpu7x:2x2x1
jax: 0.10.2.dev20260603
libtpu: 0.0.44.dev20260713+nightly
codegen_flags: <defaults>
</compile_context>

<pallas_src>
import functools

import jax
import jax.numpy as jnp
from jax import lax
from jax.experimental import pallas as pl
from jax.experimental.pallas import tpu as pltpu
from jax.experimental.pallas import tpu_sc as plsc

_ANCHOR_MASK = [3, 4, 5]
_ANCHORS = [10.0, 13.0, 16.0, 30.0, 33.0, 23.0, 30.0, 61.0, 62.0, 45.0,
            59.0, 119.0, 116.0, 90.0, 156.0, 198.0, 373.0, 326.0]
_STRIDE = 32
_NCLS = 80
_CH = 5 + _NCLS

_B, _NA, _H, _W = 8, 3, 64, 64
_HW = _H * _W
_NSLAB = _B * _NA
_NPOS = _NSLAB * _HW

_NWORKERS = 32
_PER_W = _NPOS // _NWORKERS
_CHUNK = 256
_NSUB = _PER_W // _CHUNK
_GROUPS = _CHUNK // 16

_AW = [_ANCHORS[m * 2] / _STRIDE / _W for m in _ANCHOR_MASK]
_AH = [_ANCHORS[m * 2 + 1] / _STRIDE / _H for m in _ANCHOR_MASK]


def _work(wid, x_hbm, thr_hbm, out_hbm, in_v0, in_v1, out_v, thr_v, sem0, sem1):
    pltpu.sync_copy(thr_hbm, thr_v)
    thr = thr_v[...]

    lane_f = lax.iota(jnp.int32, 16).astype(jnp.float32)

    def src(j):
        g = wid * _PER_W + j * _CHUNK
        s = g // _HW
        p0 = g % _HW
        return g, s, p0

    def window(j):
        _, s, p0 = src(j)
        b = s // _NA
        a = s % _NA
        h0 = pl.multiple_of(p0 // _W, _CHUNK // _W)
        return x_hbm.at[b, pl.ds(a * _CH, _CH), pl.ds(h0, _CHUNK // _W), :]

    def start(j, buf, sem):
        pltpu.async_copy(window(j), buf, sem)

    def wait(j, buf, sem):
        pltpu.make_async_copy(window(j), buf, sem).wait()

    def compute(j, in_v):
        g, s, p0 = src(j)
        a = s % _NA
        aw = jnp.where(a == 0, _AW[0], jnp.where(a == 1, _AW[1], _AW[2]))
        ah = jnp.where(a == 0, _AH[0], jnp.where(a == 1, _AH[1], _AH[2]))

        def group(i, carry2):
            q = i * 16
            p = p0 + q
            gx0 = (p % _W).astype(jnp.float32)
            gy0 = (p // _W).astype(jnp.float32)
            r = q // _W
            cc = q % _W

            def ld(c):
                return in_v[c, r, pl.ds(cc, 16)]

            x0 = ld(0)
            x1 = ld(1)
            x2 = ld(2)
            x3 = ld(3)
            x4 = ld(4)

            one = jnp.float32(1.0)
            sig0 = one / (one + jnp.exp(-x0))
            sig1 = one / (one + jnp.exp(-x1))
            det = one / (one + jnp.exp(-x4))

            xs = (sig0 + gx0 + lane_f) * jnp.float32(1.0 / _W)
            ys = (sig1 + gy0) * jnp.float32(1.0 / _H)
            ws = jnp.exp(x2) * aw
            hs = jnp.exp(x3) * ah

            parts = []
            for h in range(4):
                lo = h * (_NCLS // 4)
                m = ld(5 + lo)
                cid_v = jnp.full((16,), jnp.float32(lo))
                s0 = jnp.exp(m)
                s1 = jnp.zeros((16,), jnp.float32)
                for k in range(1, _NCLS // 4):
                    c = lo + k
                    l = ld(5 + c)
                    e = jnp.exp(l)
                    if k % 2 == 0:
                        s0 = s0 + e
                    else:
                        s1 = s1 + e
                    upd = l > m
                    m = jnp.maximum(l, m)
                    cid_v = jnp.where(upd, jnp.float32(c), cid_v)
                parts.append((m, cid_v, s0 + s1))

            def merge(a, b):
                ma, ca, sa = a
                mb, cb, sb = b
                u = mb > ma
                return (jnp.where(u, mb, ma), jnp.where(u, cb, ca), sa + sb)

            m, cid_v, ssum = merge(merge(parts[0], parts[1]),
                                   merge(parts[2], parts[3]))
            cconf = jnp.exp(m) / ssum

            keep = jnp.where(det > thr, one, jnp.float32(0.0))

            t = q // 128
            l0 = q % 128
            vals = (xs, ys, ws, hs, det, cconf, cid_v)
            for f in range(7):
                out_v[f, t, pl.ds(l0, 16)] = vals[f] * keep
            return carry2

        lax.fori_loop(0, _GROUPS, group, 0)
        b = s // _NA
        k0 = a * (_HW // 128) + pl.multiple_of(p0 // 128, _CHUNK // 128)
        pltpu.sync_copy(out_v, out_hbm.at[:, pl.ds(k0, _CHUNK // 128), b, :])

    start(0, in_v0, sem0)
    start(1, in_v1, sem1)

    def outer(jj, carry):
        j0 = jj * 2
        wait(j0, in_v0, sem0)
        compute(j0, in_v0)

        @pl.when(j0 + 2 < _NSUB)
        def _():
            start(j0 + 2, in_v0, sem0)

        j1 = jj * 2 + 1
        wait(j1, in_v1, sem1)
        compute(j1, in_v1)

        @pl.when(j1 + 2 < _NSUB)
        def _():
            start(j1 + 2, in_v1, sem1)

        return carry

    lax.fori_loop(0, _NSUB // 2, outer, 0)


def _body(x_hbm, thr_hbm, out_hbm, in_v0, in_v1, out_v, thr_v, sem0, sem1):
    wid = lax.axis_index("s") * 2 + lax.axis_index("c")
    _work(wid, x_hbm, thr_hbm, out_hbm, in_v0, in_v1, out_v, thr_v, sem0, sem1)


@jax.jit
def _yolo_sc(x, thr):
    mesh = plsc.VectorSubcoreMesh(core_axis_name="c", subcore_axis_name="s")
    return pl.kernel(
        _body,
        out_type=jax.ShapeDtypeStruct((7, _NA * _HW // 128, _B, 128), jnp.float32),
        mesh=mesh,
        scratch_types=[
            pltpu.VMEM((_CH, _CHUNK // _W, _W), jnp.float32),
            pltpu.VMEM((_CH, _CHUNK // _W, _W), jnp.float32),
            pltpu.VMEM((7, _CHUNK // 128, 128), jnp.float32),
            pltpu.VMEM((16,), jnp.float32),
            pltpu.SemaphoreType.DMA,
            pltpu.SemaphoreType.DMA,
        ],
        compiler_params=pltpu.CompilerParams(needs_layout_passes=False),
    )(x, thr)


def kernel(output, nms_thresh):
    thr = jnp.full((16,), nms_thresh, dtype=jnp.float32)
    out4 = _yolo_sc(output, thr)
    return out4.transpose(2, 1, 3, 0).reshape(_B, _NA * _HW, 7)

# --- scband reference (transcript-rebuilt; emitter-appended) ---
"""Pipeline reference for scband-yolo-27728308863226 (READ-ONLY COPY).

The authoritative reference and input builder live on the scoring server;
editing this copy changes nothing except your own understanding.
"""

import jax, jax.numpy as jnp
import numpy as np

ANCHOR_MASK = [3, 4, 5]
NUM_CLASSES = 80
ANCHORS = [10.0, 13.0, 16.0, 30.0, 33.0, 23.0, 30.0, 61.0, 62.0, 45.0, 59.0, 119.0, 116.0, 90.0, 156.0, 198.0, 373.0, 326.0]
NUM_ANCHORS = 9
ANCHOR_STEP = 2
STRIDE = 32


def setup_inputs(seed: int = 0) -> dict:
    key = jax.random.key(seed)
    output = jax.random.normal(key, (8, 255, 64, 64), dtype=jnp.float32)
    return {"output": output, "nms_thresh": 0}


def reference(output, nms_thresh):
    # Faithful port of Yolo.forward -> get_region_boxes (marvis/pytorch-yolo2 region decode).
    masked_anchors = []
    for m in ANCHOR_MASK:
        masked_anchors += ANCHORS[m * ANCHOR_STEP:(m + 1) * ANCHOR_STEP]
    masked_anchors = [a / STRIDE for a in masked_anchors]
    nA = len(ANCHOR_MASK)
    nC = NUM_CLASSES
    B, C, H, W = output.shape
    # [B, nA*(5+nC), H, W] -> [5+nC, B*nA*H*W]
    out = output.reshape(B * nA, 5 + nC, H * W).transpose(1, 0, 2).reshape(5 + nC, B * nA * H * W)
    grid_x = jnp.tile(jnp.tile(jnp.arange(W, dtype=jnp.float32), H), B * nA)
    grid_y = jnp.tile(jnp.repeat(jnp.arange(H, dtype=jnp.float32), W), B * nA)
    aw = jnp.asarray(masked_anchors[0::2], dtype=jnp.float32)
    ah = jnp.asarray(masked_anchors[1::2], dtype=jnp.float32)
    anchor_w = jnp.tile(jnp.repeat(aw, H * W), B)
    anchor_h = jnp.tile(jnp.repeat(ah, H * W), B)
    xs = jax.nn.sigmoid(out[0]) + grid_x
    ys = jax.nn.sigmoid(out[1]) + grid_y
    ws = jnp.exp(out[2]) * anchor_w
    hs = jnp.exp(out[3]) * anchor_h
    det_confs = jax.nn.sigmoid(out[4])
    cls_confs = jax.nn.softmax(out[5:5 + nC].T, axis=1)
    cls_max_confs = jnp.max(cls_confs, axis=1)
    cls_max_ids = jax.lax.stop_gradient(jnp.argmax(cls_confs, axis=1)).astype(jnp.float32)
    boxes = jnp.stack([xs / W, ys / H, ws / W, hs / H, det_confs, cls_max_confs, cls_max_ids], axis=1)
    # Dense (jit-friendly) equivalent of the conf_thresh filter: zero out non-kept boxes.
    keep = (det_confs > jnp.float32(nms_thresh)).astype(jnp.float32)
    boxes = boxes * keep[:, None]
    return boxes.reshape(B, nA * H * W, 7)

if __name__ == "__main__":
    import jax
    _d = setup_inputs()
    print(jax.jit(kernel)(*tuple(_d.values())))

</pallas_src>

<mosaic_0001>
#map = affine_map<(d0, d1) -> (0, 0, 0, 0)>
#map1 = affine_map<(d0, d1) -> (0)>
module attributes {stable_mosaic.version = 14 : i64} {
  func.func @_body(%arg0: i32, %arg1: i32, %arg2: memref<8x255x64x64xf32, #tpu.memory_space<hbm>>, %arg3: memref<16xf32, #tpu.memory_space<hbm>>, %arg4: memref<7x96x8x128xf32, #tpu.memory_space<hbm>>, %arg5: memref<85x4x64xf32, #tpu.memory_space<vmem>>, %arg6: memref<85x4x64xf32, #tpu.memory_space<vmem>>, %arg7: memref<7x2x128xf32, #tpu.memory_space<vmem>>, %arg8: memref<16xf32, #tpu.memory_space<vmem>>, %arg9: memref<!tpu.dma_semaphore, #tpu.memory_space<semaphore_mem>>, %arg10: memref<!tpu.dma_semaphore, #tpu.memory_space<semaphore_mem>>) attributes {dimension_semantics = [#tpu.dimension_semantics<core_parallel>, #tpu.dimension_semantics<subcore_parallel>], iteration_bounds = array<i64: 2, 16>, scalar_prefetch = 0 : i64, scratch_operands = 6 : i64, tpu.core_type = #tpu.core_type<sc_vector_subcore>, window_params = [{transform_indices = #map}, {transform_indices = #map1}, {transform_indices = #map}]} {
    %mul3A = arith.constant 2 : i32
    %mul3A_0 = arith.muli %arg1, %mul3A : i32
    %add3A = arith.addi %mul3A_0, %arg0 : i32
    "tpu.region"() ({
      %run_scoped3A = tpu.sem_alloc : memref<!tpu.dma_semaphore, #tpu.memory_space<semaphore_mem>>
      tpu.enqueue_dma source(%arg3 : memref<16xf32, #tpu.memory_space<hbm>>) target(%arg8 : memref<16xf32, #tpu.memory_space<vmem>>) target_semaphore(%run_scoped3A : memref<!tpu.dma_semaphore, #tpu.memory_space<semaphore_mem>>)
      tpu.wait_dma2 semaphore(%run_scoped3A : memref<!tpu.dma_semaphore, #tpu.memory_space<semaphore_mem>>) src(%arg3 : memref<16xf32, #tpu.memory_space<hbm>>) dst(%arg8 : memref<16xf32, #tpu.memory_space<vmem>>)
      tpu.yield
    }) : () -> ()
    %get3A = arith.constant 0 : index
    %get3A_1 = tpu.vector_load %arg8[%get3A] {strides = array<i32>} : memref<16xf32, #tpu.memory_space<vmem>>, vector<16xf32>,
    %iota3A = tpu.iota {dimensions = array<i32: 0>} : vector<16xi32>
    %convert_element_type3A = arith.sitofp %iota3A : vector<16xi32> to vector<16xf32>
    %mul3A_2 = arith.constant 3072 : i32
    %mul3A_3 = arith.muli %add3A, %mul3A_2 : i32
    %add3A_4 = arith.constant 0 : i32
    %add3A_5 = arith.addi %mul3A_3, %add3A_4 : i32
    %jit3A = arith.constant 4096 : i32
    %div3A = arith.divsi %add3A_5, %jit3A : i32
    %sign3A = arith.constant 0 : i32
    %sign3A_6 = arith.cmpi sgt, %add3A_5, %sign3A : i32
    %sign3A_7 = arith.extui %sign3A_6 : i1 to i32
    %sign3A_8 = arith.constant 0 : i32
    %sign3A_9 = arith.cmpi slt, %add3A_5, %sign3A_8 : i32
    %sign3A_10 = arith.extui %sign3A_9 : i1 to i32
    %sign3A_11 = arith.subi %sign3A_7, %sign3A_10 : i32
    %sign3A_12 = arith.constant 0 : i32
    %sign3A_13 = arith.cmpi sgt, %jit3A, %sign3A_12 : i32
    %sign3A_14 = arith.extui %sign3A_13 : i1 to i32
    %sign3A_15 = arith.constant 0 : i32
    %sign3A_16 = arith.cmpi slt, %jit3A, %sign3A_15 : i32
    %sign3A_17 = arith.extui %sign3A_16 : i1 to i32
    %sign3A_18 = arith.subi %sign3A_14, %sign3A_17 : i32
    %ne3A = arith.cmpi ne, %sign3A_11, %sign3A_18 : i32
    %rem3A = arith.remsi %add3A_5, %jit3A : i32
    %ne3A_19 = arith.constant 0 : i32
    %ne3A_20 = arith.cmpi ne, %rem3A, %ne3A_19 : i32
    %and3A = arith.andi %ne3A, %ne3A_20 : i1
    %sub3A = arith.constant 1 : i32
    %sub3A_21 = arith.subi %div3A, %sub3A : i32
    %select_n3A = arith.select %and3A, %sub3A_21, %div3A : i32
    %jit3A_22 = arith.constant 4096 : i32
    %eq3A = arith.constant 0 : i32
    %eq3A_23 = arith.cmpi eq, %jit3A_22, %eq3A : i32
    %jit3A_24 = arith.constant 1 : i32
    %select_n3A_25 = arith.select %eq3A_23, %jit3A_24, %jit3A_22 : i32
    %rem3A_26 = arith.remsi %add3A_5, %select_n3A_25 : i32
    %ne3A_27 = arith.constant 0 : i32
    %ne3A_28 = arith.cmpi ne, %rem3A_26, %ne3A_27 : i32
    %lt3A = arith.constant 0 : i32
    %lt3A_29 = arith.cmpi slt, %rem3A_26, %lt3A : i32
    %lt3A_30 = arith.constant 0 : i32
    %lt3A_31 = arith.cmpi slt, %select_n3A_25, %lt3A_30 : i32
    %ne3A_32 = arith.xori %lt3A_29, %lt3A_31 : i1
    %and3A_33 = arith.andi %ne3A_32, %ne3A_28 : i1
    %add3A_34 = arith.addi %rem3A_26, %select_n3A_25 : i32
    %select_n3A_35 = arith.select %and3A_33, %add3A_34, %rem3A_26 : i32
    %jit3A_36 = arith.constant 3 : i32
    %div3A_37 = arith.divsi %select_n3A, %jit3A_36 : i32
    %sign3A_38 = arith.constant 0 : i32
    %sign3A_39 = arith.cmpi sgt, %select_n3A, %sign3A_38 : i32
    %sign3A_40 = arith.extui %sign3A_39 : i1 to i32
    %sign3A_41 = arith.constant 0 : i32
    %sign3A_42 = arith.cmpi slt, %select_n3A, %sign3A_41 : i32
    %sign3A_43 = arith.extui %sign3A_42 : i1 to i32
    %sign3A_44 = arith.subi %sign3A_40, %sign3A_43 : i32
    %sign3A_45 = arith.constant 0 : i32
    %sign3A_46 = arith.cmpi sgt, %jit3A_36, %sign3A_45 : i32
    %sign3A_47 = arith.extui %sign3A_46 : i1 to i32
    %sign3A_48 = arith.constant 0 : i32
    %sign3A_49 = arith.cmpi slt, %jit3A_36, %sign3A_48 : i32
    %sign3A_50 = arith.extui %sign3A_49 : i1 to i32
    %sign3A_51 = arith.subi %sign3A_47, %sign3A_50 : i32
    %ne3A_52 = arith.cmpi ne, %sign3A_44, %sign3A_51 : i32
    %rem3A_53 = arith.remsi %select_n3A, %jit3A_36 : i32
    %ne3A_54 = arith.constant 0 : i32
    %ne3A_55 = arith.cmpi ne, %rem3A_53, %ne3A_54 : i32
    %and3A_56 = arith.andi %ne3A_52, %ne3A_55 : i1
    %sub3A_57 = arith.constant 1 : i32
    %sub3A_58 = arith.subi %div3A_37, %sub3A_57 : i32
    %select_n3A_59 = arith.select %and3A_56, %sub3A_58, %div3A_37 : i32
    %jit3A_60 = arith.constant 3 : i32
    %eq3A_61 = arith.constant 0 : i32
    %eq3A_62 = arith.cmpi eq, %jit3A_60, %eq3A_61 : i32
    %jit3A_63 = arith.constant 1 : i32
    %select_n3A_64 = arith.select %eq3A_62, %jit3A_63, %jit3A_60 : i32
    %rem3A_65 = arith.remsi %select_n3A, %select_n3A_64 : i32
    %ne3A_66 = arith.constant 0 : i32
    %ne3A_67 = arith.cmpi ne, %rem3A_65, %ne3A_66 : i32
    %lt3A_68 = arith.constant 0 : i32
    %lt3A_69 = arith.cmpi slt, %rem3A_65, %lt3A_68 : i32
    %lt3A_70 = arith.constant 0 : i32
    %lt3A_71 = arith.cmpi slt, %select_n3A_64, %lt3A_70 : i32
    %ne3A_72 = arith.xori %lt3A_69, %lt3A_71 : i1
    %and3A_73 = arith.andi %ne3A_72, %ne3A_67 : i1
    %add3A_74 = arith.addi %rem3A_65, %select_n3A_64 : i32
    %select_n3A_75 = arith.select %and3A_73, %add3A_74, %rem3A_65 : i32
    %jit3A_76 = arith.constant 64 : i32
    %div3A_77 = arith.divsi %select_n3A_35, %jit3A_76 : i32
    %sign3A_78 = arith.constant 0 : i32
    %sign3A_79 = arith.cmpi sgt, %select_n3A_35, %sign3A_78 : i32
    %sign3A_80 = arith.extui %sign3A_79 : i1 to i32
    %sign3A_81 = arith.constant 0 : i32
    %sign3A_82 = arith.cmpi slt, %select_n3A_35, %sign3A_81 : i32
    %sign3A_83 = arith.extui %sign3A_82 : i1 to i32
    %sign3A_84 = arith.subi %sign3A_80, %sign3A_83 : i32
    %sign3A_85 = arith.constant 0 : i32
    %sign3A_86 = arith.cmpi sgt, %jit3A_76, %sign3A_85 : i32
    %sign3A_87 = arith.extui %sign3A_86 : i1 to i32
    %sign3A_88 = arith.constant 0 : i32
    %sign3A_89 = arith.cmpi slt, %jit3A_76, %sign3A_88 : i32
    %sign3A_90 = arith.extui %sign3A_89 : i1 to i32
    %sign3A_91 = arith.subi %sign3A_87, %sign3A_90 : i32
    %ne3A_92 = arith.cmpi ne, %sign3A_84, %sign3A_91 : i32
    %rem3A_93 = arith.remsi %select_n3A_35, %jit3A_76 : i32
    %ne3A_94 = arith.constant 0 : i32
    %ne3A_95 = arith.cmpi ne, %rem3A_93, %ne3A_94 : i32
    %and3A_96 = arith.andi %ne3A_92, %ne3A_95 : i1
    %sub3A_97 = arith.constant 1 : i32
    %sub3A_98 = arith.subi %div3A_77, %sub3A_97 : i32
    %select_n3A_99 = arith.select %and3A_96, %sub3A_98, %div3A_77 : i32
    %multiple_of3A = tpu.assume_multiple %select_n3A_99, 4 : i32
    %mul3A_100 = arith.constant 85 : i32
    %mul3A_101 = arith.muli %select_n3A_75, %mul3A_100 : i32
    %dma_start3A = arith.constant 0 : i32
    %dma_start3A_102 = tpu.memref_slice %arg2[%select_n3A_59, %mul3A_101, %multiple_of3A, %dma_start3A] : memref<8x255x64x64xf32, #tpu.memory_space<hbm>> -> memref<1x85x4x64xf32, #tpu.memory_space<hbm>>
    %dma_start3A_103 = tpu.memref_squeeze %dma_start3A_102 : memref<1x85x4x64xf32, #tpu.memory_space<hbm>> -> memref<85x4x64xf32, #tpu.memory_space<hbm>>
    %dma_start3A_104 = arith.constant 0 : i32
    %dma_start3A_105 = tpu.memref_slice %arg2[%select_n3A_59, %mul3A_101, %multiple_of3A, %dma_start3A_104] : memref<8x255x64x64xf32, #tpu.memory_space<hbm>> -> memref<1x85x4x64xf32, #tpu.memory_space<hbm>>
    %dma_start3A_106 = tpu.memref_squeeze %dma_start3A_105 : memref<1x85x4x64xf32, #tpu.memory_space<hbm>> -> memref<85x4x64xf32, #tpu.memory_space<hbm>>
    tpu.enqueue_dma source(%dma_start3A_106 : memref<85x4x64xf32, #tpu.memory_space<hbm>>) target(%arg5 : memref<85x4x64xf32, #tpu.memory_space<vmem>>) target_semaphore(%arg9 : memref<!tpu.dma_semaphore, #tpu.memory_space<semaphore_mem>>)
    %mul3A_107 = arith.constant 3072 : i32
    %mul3A_108 = arith.muli %add3A, %mul3A_107 : i32
    %add3A_109 = arith.constant 256 : i32
    %add3A_110 = arith.addi %mul3A_108, %add3A_109 : i32
    %jit3A_111 = arith.constant 4096 : i32
    %div3A_112 = arith.divsi %add3A_110, %jit3A_111 : i32
    %sign3A_113 = arith.constant 0 : i32
    %sign3A_114 = arith.cmpi sgt, %add3A_110, %sign3A_113 : i32
    %sign3A_115 = arith.extui %sign3A_114 : i1 to i32
    %sign3A_116 = arith.constant 0 : i32
    %sign3A_117 = arith.cmpi slt, %add3A_110, %sign3A_116 : i32
    %sign3A_118 = arith.extui %sign3A_117 : i1 to i32
    %sign3A_119 = arith.subi %sign3A_115, %sign3A_118 : i32
    %sign3A_120 = arith.constant 0 : i32
    %sign3A_121 = arith.cmpi sgt, %jit3A_111, %sign3A_120 : i32
    %sign3A_122 = arith.extui %sign3A_121 : i1 to i32
    %sign3A_123 = arith.constant 0 : i32
    %sign3A_124 = arith.cmpi slt, %jit3A_111, %sign3A_123 : i32
    %sign3A_125 = arith.extui %sign3A_124 : i1 to i32
    %sign3A_126 = arith.subi %sign3A_122, %sign3A_125 : i32
    %ne3A_127 = arith.cmpi ne, %sign3A_119, %sign3A_126 : i32
    %rem3A_128 = arith.remsi %add3A_110, %jit3A_111 : i32
    %ne3A_129 = arith.constant 0 : i32
    %ne3A_130 = arith.cmpi ne, %rem3A_128, %ne3A_129 : i32
    %and3A_131 = arith.andi %ne3A_127, %ne3A_130 : i1
    %sub3A_132 = arith.constant 1 : i32
    %sub3A_133 = arith.subi %div3A_112, %sub3A_132 : i32
    %select_n3A_134 = arith.select %and3A_131, %sub3A_133, %div3A_112 : i32
    %jit3A_135 = arith.constant 4096 : i32
    %eq3A_136 = arith.constant 0 : i32
    %eq3A_137 = arith.cmpi eq, %jit3A_135, %eq3A_136 : i32
    %jit3A_138 = arith.constant 1 : i32
    %select_n3A_139 = arith.select %eq3A_137, %jit3A_138, %jit3A_135 : i32
    %rem3A_140 = arith.remsi %add3A_110, %select_n3A_139 : i32
    %ne3A_141 = arith.constant 0 : i32
    %ne3A_142 = arith.cmpi ne, %rem3A_140, %ne3A_141 : i32
    %lt3A_143 = arith.constant 0 : i32
    %lt3A_144 = arith.cmpi slt, %rem3A_140, %lt3A_143 : i32
    %lt3A_145 = arith.constant 0 : i32
    %lt3A_146 = arith.cmpi slt, %select_n3A_139, %lt3A_145 : i32
    %ne3A_147 = arith.xori %lt3A_144, %lt3A_146 : i1
    %and3A_148 = arith.andi %ne3A_147, %ne3A_142 : i1
    %add3A_149 = arith.addi %rem3A_140, %select_n3A_139 : i32
    %select_n3A_150 = arith.select %and3A_148, %add3A_149, %rem3A_140 : i32
    %jit3A_151 = arith.constant 3 : i32
    %div3A_152 = arith.divsi %select_n3A_134, %jit3A_151 : i32
    %sign3A_153 = arith.constant 0 : i32
    %sign3A_154 = arith.cmpi sgt, %select_n3A_134, %sign3A_153 : i32
    %sign3A_155 = arith.extui %sign3A_154 : i1 to i32
    %sign3A_156 = arith.constant 0 : i32
    %sign3A_157 = arith.cmpi slt, %select_n3A_134, %sign3A_156 : i32
    %sign3A_158 = arith.extui %sign3A_157 : i1 to i32
    %sign3A_159 = arith.subi %sign3A_155, %sign3A_158 : i32
    %sign3A_160 = arith.constant 0 : i32
    %sign3A_161 = arith.cmpi sgt, %jit3A_151, %sign3A_160 : i32
    %sign3A_162 = arith.extui %sign3A_161 : i1 to i32
    %sign3A_163 = arith.constant 0 : i32
    %sign3A_164 = arith.cmpi slt, %jit3A_151, %sign3A_163 : i32
    %sign3A_165 = arith.extui %sign3A_164 : i1 to i32
    %sign3A_166 = arith.subi %sign3A_162, %sign3A_165 : i32
    %ne3A_167 = arith.cmpi ne, %sign3A_159, %sign3A_166 : i32
    %rem3A_168 = arith.remsi %select_n3A_134, %jit3A_151 : i32
    %ne3A_169 = arith.constant 0 : i32
    %ne3A_170 = arith.cmpi ne, %rem3A_168, %ne3A_169 : i32
    %and3A_171 = arith.andi %ne3A_167, %ne3A_170 : i1
    %sub3A_172 = arith.constant 1 : i32
    %sub3A_173 = arith.subi %div3A_152, %sub3A_172 : i32
    %select_n3A_174 = arith.select %and3A_171, %sub3A_173, %div3A_152 : i32
    %jit3A_175 = arith.constant 3 : i32
    %eq3A_176 = arith.constant 0 : i32
    %eq3A_177 = arith.cmpi eq, %jit3A_175, %eq3A_176 : i32
    %jit3A_178 = arith.constant 1 : i32
    %select_n3A_179 = arith.select %eq3A_177, %jit3A_178, %jit3A_175 : i32
    %rem3A_180 = arith.remsi %select_n3A_134, %select_n3A_179 : i32
    %ne3A_181 = arith.constant 0 : i32
    %ne3A_182 = arith.cmpi ne, %rem3A_180, %ne3A_181 : i32
    %lt3A_183 = arith.constant 0 : i32
    %lt3A_184 = arith.cmpi slt, %rem3A_180, %lt3A_183 : i32
    %lt3A_185 = arith.constant 0 : i32
    %lt3A_186 = arith.cmpi slt, %select_n3A_179, %lt3A_185 : i32
    %ne3A_187 = arith.xori %lt3A_184, %lt3A_186 : i1
    %and3A_188 = arith.andi %ne3A_187, %ne3A_182 : i1
    %add3A_189 = arith.addi %rem3A_180, %select_n3A_179 : i32
    %select_n3A_190 = arith.select %and3A_188, %add3A_189, %rem3A_180 : i32
    %jit3A_191 = arith.constant 64 : i32
    %div3A_192 = arith.divsi %select_n3A_150, %jit3A_191 : i32
    %sign3A_193 = arith.constant 0 : i32
    %sign3A_194 = arith.cmpi sgt, %select_n3A_150, %sign3A_193 : i32
    %sign3A_195 = arith.extui %sign3A_194 : i1 to i32
    %sign3A_196 = arith.constant 0 : i32
    %sign3A_197 = arith.cmpi slt, %select_n3A_150, %sign3A_196 : i32
    %sign3A_198 = arith.extui %sign3A_197 : i1 to i32
    %sign3A_199 = arith.subi %sign3A_195, %sign3A_198 : i32
    %sign3A_200 = arith.constant 0 : i32
    %sign3A_201 = arith.cmpi sgt, %jit3A_191, %sign3A_200 : i32
    %sign3A_202 = arith.extui %sign3A_201 : i1 to i32
    %sign3A_203 = arith.constant 0 : i32
    %sign3A_204 = arith.cmpi slt, %jit3A_191, %sign3A_203 : i32
    %sign3A_205 = arith.extui %sign3A_204 : i1 to i32
    %sign3A_206 = arith.subi %sign3A_202, %sign3A_205 : i32
    %ne3A_207 = arith.cmpi ne, %sign3A_199, %sign3A_206 : i32
    %rem3A_208 = arith.remsi %select_n3A_150, %jit3A_191 : i32
    %ne3A_209 = arith.constant 0 : i32
    %ne3A_210 = arith.cmpi ne, %rem3A_208, %ne3A_209 : i32
    %and3A_211 = arith.andi %ne3A_207, %ne3A_210 : i1
    %sub3A_212 = arith.constant 1 : i32
    %sub3A_213 = arith.subi %div3A_192, %sub3A_212 : i32
    %select_n3A_214 = arith.select %and3A_211, %sub3A_213, %div3A_192 : i32
    %multiple_of3A_215 = tpu.assume_multiple %select_n3A_214, 4 : i32
    %mul3A_216 = arith.constant 85 : i32
    %mul3A_217 = arith.muli %select_n3A_190, %mul3A_216 : i32
    %dma_start3A_218 = arith.constant 0 : i32
    %dma_start3A_219 = tpu.memref_slice %arg2[%select_n3A_174, %mul3A_217, %multiple_of3A_215, %dma_start3A_218] : memref<8x255x64x64xf32, #tpu.memory_space<hbm>> -> memref<1x85x4x64xf32, #tpu.memory_space<hbm>>
    %dma_start3A_220 = tpu.memref_squeeze %dma_start3A_219 : memref<1x85x4x64xf32, #tpu.memory_space<hbm>> -> memref<85x4x64xf32, #tpu.memory_space<hbm>>
    %dma_start3A_221 = arith.constant 0 : i32
    %dma_start3A_222 = tpu.memref_slice %arg2[%select_n3A_174, %mul3A_217, %multiple_of3A_215, %dma_start3A_221] : memref<8x255x64x64xf32, #tpu.memory_space<hbm>> -> memref<1x85x4x64xf32, #tpu.memory_space<hbm>>
    %dma_start3A_223 = tpu.memref_squeeze %dma_start3A_222 : memref<1x85x4x64xf32, #tpu.memory_space<hbm>> -> memref<85x4x64xf32, #tpu.memory_space<hbm>>
    tpu.enqueue_dma source(%dma_start3A_223 : memref<85x4x64xf32, #tpu.memory_space<hbm>>) target(%arg6 : memref<85x4x64xf32, #tpu.memory_space<vmem>>) target_semaphore(%arg10 : memref<!tpu.dma_semaphore, #tpu.memory_space<semaphore_mem>>)
    %scan3A = arith.constant 0 : i32
    %scan3A_224 = arith.constant 0 : i32
    %scan3A_225 = arith.constant 6 : i32
    %scan3A_226 = arith.addi %scan3A_224, %scan3A_225 : i32
    %scan3A_227 = arith.constant 1 : i32
    scf.for %scan3A_229 = %scan3A_224 to %scan3A_226 step %scan3A_227  : i32 {
      %mul3A_230 = arith.constant 2 : i32
      %mul3A_231 = arith.muli %scan3A_229, %mul3A_230 : i32
      %mul3A_232 = arith.constant 3072 : i32
      %mul3A_233 = arith.muli %add3A, %mul3A_232 : i32
      %mul3A_234 = arith.constant 256 : i32
      %mul3A_235 = arith.muli %mul3A_231, %mul3A_234 : i32
      %add3A_236 = arith.addi %mul3A_233, %mul3A_235 : i32
      %jit3A_237 = arith.constant 4096 : i32
      %div3A_238 = arith.divsi %add3A_236, %jit3A_237 : i32
      %sign3A_239 = arith.constant 0 : i32
      %sign3A_240 = arith.cmpi sgt, %add3A_236, %sign3A_239 : i32
      %sign3A_241 = arith.extui %sign3A_240 : i1 to i32
      %sign3A_242 = arith.constant 0 : i32
      %sign3A_243 = arith.cmpi slt, %add3A_236, %sign3A_242 : i32
      %sign3A_244 = arith.extui %sign3A_243 : i1 to i32
      %sign3A_245 = arith.subi %sign3A_241, %sign3A_244 : i32
      %sign3A_246 = arith.constant 0 : i32
      %sign3A_247 = arith.cmpi sgt, %jit3A_237, %sign3A_246 : i32
      %sign3A_248 = arith.extui %sign3A_247 : i1 to i32
      %sign3A_249 = arith.constant 0 : i32
      %sign3A_250 = arith.cmpi slt, %jit3A_237, %sign3A_249 : i32
      %sign3A_251 = arith.extui %sign3A_250 : i1 to i32
      %sign3A_252 = arith.subi %sign3A_248, %sign3A_251 : i32
      %ne3A_253 = arith.cmpi ne, %sign3A_245, %sign3A_252 : i32
      %rem3A_254 = arith.remsi %add3A_236, %jit3A_237 : i32
      %ne3A_255 = arith.constant 0 : i32
      %ne3A_256 = arith.cmpi ne, %rem3A_254, %ne3A_255 : i32
      %and3A_257 = arith.andi %ne3A_253, %ne3A_256 : i1
      %sub3A_258 = arith.constant 1 : i32
      %sub3A_259 = arith.subi %div3A_238, %sub3A_258 : i32
      %select_n3A_260 = arith.select %and3A_257, %sub3A_259, %div3A_238 : i32
      %jit3A_261 = arith.constant 4096 : i32
      %eq3A_262 = arith.constant 0 : i32
      %eq3A_263 = arith.cmpi eq, %jit3A_261, %eq3A_262 : i32
      %jit3A_264 = arith.constant 1 : i32
      %select_n3A_265 = arith.select %eq3A_263, %jit3A_264, %jit3A_261 : i32
      %rem3A_266 = arith.remsi %add3A_236, %select_n3A_265 : i32
      %ne3A_267 = arith.constant 0 : i32
      %ne3A_268 = arith.cmpi ne, %rem3A_266, %ne3A_267 : i32
      %lt3A_269 = arith.constant 0 : i32
      %lt3A_270 = arith.cmpi slt, %rem3A_266, %lt3A_269 : i32
      %lt3A_271 = arith.constant 0 : i32
      %lt3A_272 = arith.cmpi slt, %select_n3A_265, %lt3A_271 : i32
      %ne3A_273 = arith.xori %lt3A_270, %lt3A_272 : i1
      %and3A_274 = arith.andi %ne3A_273, %ne3A_268 : i1
      %add3A_275 = arith.addi %rem3A_266, %select_n3A_265 : i32
      %select_n3A_276 = arith.select %and3A_274, %add3A_275, %rem3A_266 : i32
      %jit3A_277 = arith.constant 3 : i32
      %div3A_278 = arith.divsi %select_n3A_260, %jit3A_277 : i32
      %sign3A_279 = arith.constant 0 : i32
      %sign3A_280 = arith.cmpi sgt, %select_n3A_260, %sign3A_279 : i32
      %sign3A_281 = arith.extui %sign3A_280 : i1 to i32
      %sign3A_282 = arith.constant 0 : i32
      %sign3A_283 = arith.cmpi slt, %select_n3A_260, %sign3A_282 : i32
      %sign3A_284 = arith.extui %sign3A_283 : i1 to i32
      %sign3A_285 = arith.subi %sign3A_281, %sign3A_284 : i32
      %sign3A_286 = arith.constant 0 : i32
      %sign3A_287 = arith.cmpi sgt, %jit3A_277, %sign3A_286 : i32
      %sign3A_288 = arith.extui %sign3A_287 : i1 to i32
      %sign3A_289 = arith.constant 0 : i32
      %sign3A_290 = arith.cmpi slt, %jit3A_277, %sign3A_289 : i32
      %sign3A_291 = arith.extui %sign3A_290 : i1 to i32
      %sign3A_292 = arith.subi %sign3A_288, %sign3A_291 : i32
      %ne3A_293 = arith.cmpi ne, %sign3A_285, %sign3A_292 : i32
      %rem3A_294 = arith.remsi %select_n3A_260, %jit3A_277 : i32
      %ne3A_295 = arith.constant 0 : i32
      %ne3A_296 = arith.cmpi ne, %rem3A_294, %ne3A_295 : i32
      %and3A_297 = arith.andi %ne3A_293, %ne3A_296 : i1
      %sub3A_298 = arith.constant 1 : i32
      %sub3A_299 = arith.subi %div3A_278, %sub3A_298 : i32
      %select_n3A_300 = arith.select %and3A_297, %sub3A_299, %div3A_278 : i32
      %jit3A_301 = arith.constant 3 : i32
      %eq3A_302 = arith.constant 0 : i32
      %eq3A_303 = arith.cmpi eq, %jit3A_301, %eq3A_302 : i32
      %jit3A_304 = arith.constant 1 : i32
      %select_n3A_305 = arith.select %eq3A_303, %jit3A_304, %jit3A_301 : i32
      %rem3A_306 = arith.remsi %select_n3A_260, %select_n3A_305 : i32
      %ne3A_307 = arith.constant 0 : i32
      %ne3A_308 = arith.cmpi ne, %rem3A_306, %ne3A_307 : i32
      %lt3A_309 = arith.constant 0 : i32
      %lt3A_310 = arith.cmpi slt, %rem3A_306, %lt3A_309 : i32
      %lt3A_311 = arith.constant 0 : i32
      %lt3A_312 = arith.cmpi slt, %select_n3A_305, %lt3A_311 : i32
      %ne3A_313 = arith.xori %lt3A_310, %lt3A_312 : i1
      %and3A_314 = arith.andi %ne3A_313, %ne3A_308 : i1
      %add3A_315 = arith.addi %rem3A_306, %select_n3A_305 : i32
      %select_n3A_316 = arith.select %and3A_314, %add3A_315, %rem3A_306 : i32
      %jit3A_317 = arith.constant 64 : i32
      %div3A_318 = arith.divsi %select_n3A_276, %jit3A_317 : i32
      %sign3A_319 = arith.constant 0 : i32
      %sign3A_320 = arith.cmpi sgt, %select_n3A_276, %sign3A_319 : i32
      %sign3A_321 = arith.extui %sign3A_320 : i1 to i32
      %sign3A_322 = arith.constant 0 : i32
      %sign3A_323 = arith.cmpi slt, %select_n3A_276, %sign3A_322 : i32
      %sign3A_324 = arith.extui %sign3A_323 : i1 to i32
      %sign3A_325 = arith.subi %sign3A_321, %sign3A_324 : i32
      %sign3A_326 = arith.constant 0 : i32
      %sign3A_327 = arith.cmpi sgt, %jit3A_317, %sign3A_326 : i32
      %sign3A_328 = arith.extui %sign3A_327 : i1 to i32
      %sign3A_329 = arith.constant 0 : i32
      %sign3A_330 = arith.cmpi slt, %jit3A_317, %sign3A_329 : i32
      %sign3A_331 = arith.extui %sign3A_330 : i1 to i32
      %sign3A_332 = arith.subi %sign3A_328, %sign3A_331 : i32
      %ne3A_333 = arith.cmpi ne, %sign3A_325, %sign3A_332 : i32
      %rem3A_334 = arith.remsi %select_n3A_276, %jit3A_317 : i32
      %ne3A_335 = arith.constant 0 : i32
      %ne3A_336 = arith.cmpi ne, %rem3A_334, %ne3A_335 : i32
      %and3A_337 = arith.andi %ne3A_333, %ne3A_336 : i1
      %sub3A_338 = arith.constant 1 : i32
      %sub3A_339 = arith.subi %div3A_318, %sub3A_338 : i32
      %select_n3A_340 = arith.select %and3A_337, %sub3A_339, %div3A_318 : i32
      %multiple_of3A_341 = tpu.assume_multiple %select_n3A_340, 4 : i32
      %mul3A_342 = arith.constant 85 : i32
      %mul3A_343 = arith.muli %select_n3A_316, %mul3A_342 : i32
      %dma_wait3A = arith.constant 0 : i32
      %dma_wait3A_344 = tpu.memref_slice %arg2[%select_n3A_300, %mul3A_343, %multiple_of3A_341, %dma_wait3A] : memref<8x255x64x64xf32, #tpu.memory_space<hbm>> -> memref<1x85x4x64xf32, #tpu.memory_space<hbm>>
      %dma_wait3A_345 = tpu.memref_squeeze %dma_wait3A_344 : memref<1x85x4x64xf32, #tpu.memory_space<hbm>> -> memref<85x4x64xf32, #tpu.memory_space<hbm>>
      %dma_wait3A_346 = arith.constant 0 : i32
      %dma_wait3A_347 = tpu.memref_slice %arg2[%select_n3A_300, %mul3A_343, %multiple_of3A_341, %dma_wait3A_346] : memref<8x255x64x64xf32, #tpu.memory_space<hbm>> -> memref<1x85x4x64xf32, #tpu.memory_space<hbm>>
      %dma_wait3A_348 = tpu.memref_squeeze %dma_wait3A_347 : memref<1x85x4x64xf32, #tpu.memory_space<hbm>> -> memref<85x4x64xf32, #tpu.memory_space<hbm>>
      tpu.wait_dma2 semaphore(%arg9 : memref<!tpu.dma_semaphore, #tpu.memory_space<semaphore_mem>>) src(%dma_wait3A_348 : memref<85x4x64xf32, #tpu.memory_space<hbm>>) dst(%arg5 : memref<85x4x64xf32, #tpu.memory_space<vmem>>)
      %mul3A_349 = arith.constant 3072 : i32
      %mul3A_350 = arith.muli %add3A, %mul3A_349 : i32
      %mul3A_351 = arith.constant 256 : i32
      %mul3A_352 = arith.muli %mul3A_231, %mul3A_351 : i32
      %add3A_353 = arith.addi %mul3A_350, %mul3A_352 : i32
      %jit3A_354 = arith.constant 4096 : i32
      %div3A_355 = arith.divsi %add3A_353, %jit3A_354 : i32
      %sign3A_356 = arith.constant 0 : i32
      %sign3A_357 = arith.cmpi sgt, %add3A_353, %sign3A_356 : i32
      %sign3A_358 = arith.extui %sign3A_357 : i1 to i32
      %sign3A_359 = arith.constant 0 : i32
      %sign3A_360 = arith.cmpi slt, %add3A_353, %sign3A_359 : i32
      %sign3A_361 = arith.extui %sign3A_360 : i1 to i32
      %sign3A_362 = arith.subi %sign3A_358, %sign3A_361 : i32
      %sign3A_363 = arith.constant 0 : i32
      %sign3A_364 = arith.cmpi sgt, %jit3A_354, %sign3A_363 : i32
      %sign3A_365 = arith.extui %sign3A_364 : i1 to i32
      %sign3A_366 = arith.constant 0 : i32
      %sign3A_367 = arith.cmpi slt, %jit3A_354, %sign3A_366 : i32
      %sign3A_368 = arith.extui %sign3A_367 : i1 to i32
      %sign3A_369 = arith.subi %sign3A_365, %sign3A_368 : i32
      %ne3A_370 = arith.cmpi ne, %sign3A_362, %sign3A_369 : i32
      %rem3A_371 = arith.remsi %add3A_353, %jit3A_354 : i32
      %ne3A_372 = arith.constant 0 : i32
      %ne3A_373 = arith.cmpi ne, %rem3A_371, %ne3A_372 : i32
      %and3A_374 = arith.andi %ne3A_370, %ne3A_373 : i1
      %sub3A_375 = arith.constant 1 : i32
      %sub3A_376 = arith.subi %div3A_355, %sub3A_375 : i32
      %select_n3A_377 = arith.select %and3A_374, %sub3A_376, %div3A_355 : i32
      %jit3A_378 = arith.constant 4096 : i32
      %eq3A_379 = arith.constant 0 : i32
      %eq3A_380 = arith.cmpi eq, %jit3A_378, %eq3A_379 : i32
      %jit3A_381 = arith.constant 1 : i32
      %select_n3A_382 = arith.select %eq3A_380, %jit3A_381, %jit3A_378 : i32
      %rem3A_383 = arith.remsi %add3A_353, %select_n3A_382 : i32
      %ne3A_384 = arith.constant 0 : i32
      %ne3A_385 = arith.cmpi ne, %rem3A_383, %ne3A_384 : i32
      %lt3A_386 = arith.constant 0 : i32
      %lt3A_387 = arith.cmpi slt, %rem3A_383, %lt3A_386 : i32
      %lt3A_388 = arith.constant 0 : i32
      %lt3A_389 = arith.cmpi slt, %select_n3A_382, %lt3A_388 : i32
      %ne3A_390 = arith.xori %lt3A_387, %lt3A_389 : i1
      %and3A_391 = arith.andi %ne3A_390, %ne3A_385 : i1
      %add3A_392 = arith.addi %rem3A_383, %select_n3A_382 : i32
      %select_n3A_393 = arith.select %and3A_391, %add3A_392, %rem3A_383 : i32
      %jit3A_394 = arith.constant 3 : i32
      %eq3A_395 = arith.constant 0 : i32
      %eq3A_396 = arith.cmpi eq, %jit3A_394, %eq3A_395 : i32
      %jit3A_397 = arith.constant 1 : i32
      %select_n3A_398 = arith.select %eq3A_396, %jit3A_397, %jit3A_394 : i32
      %rem3A_399 = arith.remsi %select_n3A_377, %select_n3A_398 : i32
      %ne3A_400 = arith.constant 0 : i32
      %ne3A_401 = arith.cmpi ne, %rem3A_399, %ne3A_400 : i32
      %lt3A_402 = arith.constant 0 : i32
      %lt3A_403 = arith.cmpi slt, %rem3A_399, %lt3A_402 : i32
      %lt3A_404 = arith.constant 0 : i32
      %lt3A_405 = arith.cmpi slt, %select_n3A_398, %lt3A_404 : i32
      %ne3A_406 = arith.xori %lt3A_403, %lt3A_405 : i1
      %and3A_407 = arith.andi %ne3A_406, %ne3A_401 : i1
      %add3A_408 = arith.addi %rem3A_399, %select_n3A_398 : i32
      %select_n3A_409 = arith.select %and3A_407, %add3A_408, %rem3A_399 : i32
      %eq3A_410 = arith.constant 0 : i32
      %eq3A_411 = arith.cmpi eq, %select_n3A_409, %eq3A_410 : i32
      %eq3A_412 = arith.constant 1 : i32
      %eq3A_413 = arith.cmpi eq, %select_n3A_409, %eq3A_412 : i32
      %jit3A_414 = arith.constant 0.0302734375 : f32
      %jit3A_415 = arith.constant 0.0288085938 : f32
      %select_n3A_416 = arith.select %eq3A_413, %jit3A_414, %jit3A_415 : f32
      %jit3A_417 = arith.constant 0.0146484375 : f32
      %select_n3A_418 = arith.select %eq3A_411, %jit3A_417, %select_n3A_416 : f32
      %eq3A_419 = arith.constant 0 : i32
      %eq3A_420 = arith.cmpi eq, %select_n3A_409, %eq3A_419 : i32
      %eq3A_421 = arith.constant 1 : i32
      %eq3A_422 = arith.cmpi eq, %select_n3A_409, %eq3A_421 : i32
      %jit3A_423 = arith.constant 0.0219726563 : f32
      %jit3A_424 = arith.constant 0.0581054688 : f32
      %select_n3A_425 = arith.select %eq3A_422, %jit3A_423, %jit3A_424 : f32
      %jit3A_426 = arith.constant 0.0297851563 : f32
      %select_n3A_427 = arith.select %eq3A_420, %jit3A_426, %select_n3A_425 : f32
      %scan3A_428 = arith.constant 0 : i32
      %scan3A_429 = arith.constant 0 : i32
      %scan3A_430 = arith.constant 16 : i32
      %scan3A_431 = arith.addi %scan3A_429, %scan3A_430 : i32
      %scan3A_432 = arith.constant 1 : i32
      scf.for %scan3A_758 = %scan3A_429 to %scan3A_431 step %scan3A_432  : i32 {
        %mul3A_759 = arith.constant 16 : i32
        %mul3A_760 = arith.muli %scan3A_758, %mul3A_759 : i32
        %add3A_761 = arith.addi %select_n3A_393, %mul3A_760 : i32
        %jit3A_762 = arith.constant 64 : i32
        %eq3A_763 = arith.constant 0 : i32
        %eq3A_764 = arith.cmpi eq, %jit3A_762, %eq3A_763 : i32
        %jit3A_765 = arith.constant 1 : i32
        %select_n3A_766 = arith.select %eq3A_764, %jit3A_765, %jit3A_762 : i32
        %rem3A_767 = arith.remsi %add3A_761, %select_n3A_766 : i32
        %ne3A_768 = arith.constant 0 : i32
        %ne3A_769 = arith.cmpi ne, %rem3A_767, %ne3A_768 : i32
        %lt3A_770 = arith.constant 0 : i32
        %lt3A_771 = arith.cmpi slt, %rem3A_767, %lt3A_770 : i32
        %lt3A_772 = arith.constant 0 : i32
        %lt3A_773 = arith.cmpi slt, %select_n3A_766, %lt3A_772 : i32
        %ne3A_774 = arith.xori %lt3A_771, %lt3A_773 : i1
        %and3A_775 = arith.andi %ne3A_774, %ne3A_769 : i1
        %add3A_776 = arith.addi %rem3A_767, %select_n3A_766 : i32
        %select_n3A_777 = arith.select %and3A_775, %add3A_776, %rem3A_767 : i32
        %convert_element_type3A_778 = arith.sitofp %select_n3A_777 : i32 to f32
        %jit3A_779 = arith.constant 64 : i32
        %div3A_780 = arith.divsi %add3A_761, %jit3A_779 : i32
        %sign3A_781 = arith.constant 0 : i32
        %sign3A_782 = arith.cmpi sgt, %add3A_761, %sign3A_781 : i32
        %sign3A_783 = arith.extui %sign3A_782 : i1 to i32
        %sign3A_784 = arith.constant 0 : i32
        %sign3A_785 = arith.cmpi slt, %add3A_761, %sign3A_784 : i32
        %sign3A_786 = arith.extui %sign3A_785 : i1 to i32
        %sign3A_787 = arith.subi %sign3A_783, %sign3A_786 : i32
        %sign3A_788 = arith.constant 0 : i32
        %sign3A_789 = arith.cmpi sgt, %jit3A_779, %sign3A_788 : i32
        %sign3A_790 = arith.extui %sign3A_789 : i1 to i32
        %sign3A_791 = arith.constant 0 : i32
        %sign3A_792 = arith.cmpi slt, %jit3A_779, %sign3A_791 : i32
        %sign3A_793 = arith.extui %sign3A_792 : i1 to i32
        %sign3A_794 = arith.subi %sign3A_790, %sign3A_793 : i32
        %ne3A_795 = arith.cmpi ne, %sign3A_787, %sign3A_794 : i32
        %rem3A_796 = arith.remsi %add3A_761, %jit3A_779 : i32
        %ne3A_797 = arith.constant 0 : i32
        %ne3A_798 = arith.cmpi ne, %rem3A_796, %ne3A_797 : i32
        %and3A_799 = arith.andi %ne3A_795, %ne3A_798 : i1
        %sub3A_800 = arith.constant 1 : i32
        %sub3A_801 = arith.subi %div3A_780, %sub3A_800 : i32
        %select_n3A_802 = arith.select %and3A_799, %sub3A_801, %div3A_780 : i32
        %convert_element_type3A_803 = arith.sitofp %select_n3A_802 : i32 to f32
        %jit3A_804 = arith.constant 64 : i32
        %div3A_805 = arith.divsi %mul3A_760, %jit3A_804 : i32
        %sign3A_806 = arith.constant 0 : i32
        %sign3A_807 = arith.cmpi sgt, %mul3A_760, %sign3A_806 : i32
        %sign3A_808 = arith.extui %sign3A_807 : i1 to i32
        %sign3A_809 = arith.constant 0 : i32
        %sign3A_810 = arith.cmpi slt, %mul3A_760, %sign3A_809 : i32
        %sign3A_811 = arith.extui %sign3A_810 : i1 to i32
        %sign3A_812 = arith.subi %sign3A_808, %sign3A_811 : i32
        %sign3A_813 = arith.constant 0 : i32
        %sign3A_814 = arith.cmpi sgt, %jit3A_804, %sign3A_813 : i32
        %sign3A_815 = arith.extui %sign3A_814 : i1 to i32
        %sign3A_816 = arith.constant 0 : i32
        %sign3A_817 = arith.cmpi slt, %jit3A_804, %sign3A_816 : i32
        %sign3A_818 = arith.extui %sign3A_817 : i1 to i32
        %sign3A_819 = arith.subi %sign3A_815, %sign3A_818 : i32
        %ne3A_820 = arith.cmpi ne, %sign3A_812, %sign3A_819 : i32
        %rem3A_821 = arith.remsi %mul3A_760, %jit3A_804 : i32
        %ne3A_822 = arith.constant 0 : i32
        %ne3A_823 = arith.cmpi ne, %rem3A_821, %ne3A_822 : i32
        %and3A_824 = arith.andi %ne3A_820, %ne3A_823 : i1
        %sub3A_825 = arith.constant 1 : i32
        %sub3A_826 = arith.subi %div3A_805, %sub3A_825 : i32
        %select_n3A_827 = arith.select %and3A_824, %sub3A_826, %div3A_805 : i32
        %jit3A_828 = arith.constant 64 : i32
        %eq3A_829 = arith.constant 0 : i32
        %eq3A_830 = arith.cmpi eq, %jit3A_828, %eq3A_829 : i32
        %jit3A_831 = arith.constant 1 : i32
        %select_n3A_832 = arith.select %eq3A_830, %jit3A_831, %jit3A_828 : i32
        %rem3A_833 = arith.remsi %mul3A_760, %select_n3A_832 : i32
        %ne3A_834 = arith.constant 0 : i32
        %ne3A_835 = arith.cmpi ne, %rem3A_833, %ne3A_834 : i32
        %lt3A_836 = arith.constant 0 : i32
        %lt3A_837 = arith.cmpi slt, %rem3A_833, %lt3A_836 : i32
        %lt3A_838 = arith.constant 0 : i32
        %lt3A_839 = arith.cmpi slt, %select_n3A_832, %lt3A_838 : i32
        %ne3A_840 = arith.xori %lt3A_837, %lt3A_839 : i1
        %and3A_841 = arith.andi %ne3A_840, %ne3A_835 : i1
        %add3A_842 = arith.addi %rem3A_833, %select_n3A_832 : i32
        %select_n3A_843 = arith.select %and3A_841, %add3A_842, %rem3A_833 : i32
        %get3A_844 = arith.constant 0 : i32
        %get3A_845 = arith.index_cast %get3A_844 : i32 to index
        %get3A_846 = arith.index_cast %select_n3A_827 : i32 to index
        %get3A_847 = arith.index_cast %select_n3A_843 : i32 to index
        %get3A_848 = tpu.vector_load %arg5[%get3A_845, %get3A_846, %get3A_847] {strides = array<i32>} : memref<85x4x64xf32, #tpu.memory_space<vmem>>, vector<16xf32>,
        %get3A_849 = arith.constant 1 : i32
        %get3A_850 = arith.index_cast %get3A_849 : i32 to index
        %get3A_851 = arith.index_cast %select_n3A_827 : i32 to index
        %get3A_852 = arith.index_cast %select_n3A_843 : i32 to index
        %get3A_853 = tpu.vector_load %arg5[%get3A_850, %get3A_851, %get3A_852] {strides = array<i32>} : memref<85x4x64xf32, #tpu.memory_space<vmem>>, vector<16xf32>,
        %get3A_854 = arith.constant 2 : i32
        %get3A_855 = arith.index_cast %get3A_854 : i32 to index
        %get3A_856 = arith.index_cast %select_n3A_827 : i32 to index
        %get3A_857 = arith.index_cast %select_n3A_843 : i32 to index
        %get3A_858 = tpu.vector_load %arg5[%get3A_855, %get3A_856, %get3A_857] {strides = array<i32>} : memref<85x4x64xf32, #tpu.memory_space<vmem>>, vector<16xf32>,
        %get3A_859 = arith.constant 3 : i32
        %get3A_860 = arith.index_cast %get3A_859 : i32 to index
        %get3A_861 = arith.index_cast %select_n3A_827 : i32 to index
        %get3A_862 = arith.index_cast %select_n3A_843 : i32 to index
        %get3A_863 = tpu.vector_load %arg5[%get3A_860, %get3A_861, %get3A_862] {strides = array<i32>} : memref<85x4x64xf32, #tpu.memory_space<vmem>>, vector<16xf32>,
        %get3A_864 = arith.constant 4 : i32
        %get3A_865 = arith.index_cast %get3A_864 : i32 to index
        %get3A_866 = arith.index_cast %select_n3A_827 : i32 to index
        %get3A_867 = arith.index_cast %select_n3A_843 : i32 to index
        %get3A_868 = tpu.vector_load %arg5[%get3A_865, %get3A_866, %get3A_867] {strides = array<i32>} : memref<85x4x64xf32, #tpu.memory_space<vmem>>, vector<16xf32>,
        %neg3A = arith.constant 0.000000e+00 : f32
        %neg3A_869 = vector.broadcast %neg3A : f32 to vector<16xf32>
        %neg3A_870 = arith.subf %neg3A_869, %get3A_848 : vector<16xf32>
        %exp3A = math.exp %neg3A_870 : vector<16xf32>
        %add3A_871 = arith.constant 1.000000e+00 : f32
        %add3A_872 = vector.broadcast %add3A_871 : f32 to vector<16xf32>
        %add3A_873 = arith.addf %add3A_872, %exp3A : vector<16xf32>
        %div3A_874 = arith.constant 1.000000e+00 : f32
        %div3A_875 = vector.broadcast %div3A_874 : f32 to vector<16xf32>
        %div3A_876 = arith.divf %div3A_875, %add3A_873 : vector<16xf32>
        %neg3A_877 = arith.constant 0.000000e+00 : f32
        %neg3A_878 = vector.broadcast %neg3A_877 : f32 to vector<16xf32>
        %neg3A_879 = arith.subf %neg3A_878, %get3A_853 : vector<16xf32>
        %exp3A_880 = math.exp %neg3A_879 : vector<16xf32>
        %add3A_881 = arith.constant 1.000000e+00 : f32
        %add3A_882 = vector.broadcast %add3A_881 : f32 to vector<16xf32>
        %add3A_883 = arith.addf %add3A_882, %exp3A_880 : vector<16xf32>
        %div3A_884 = arith.constant 1.000000e+00 : f32
        %div3A_885 = vector.broadcast %div3A_884 : f32 to vector<16xf32>
        %div3A_886 = arith.divf %div3A_885, %add3A_883 : vector<16xf32>
        %neg3A_887 = arith.constant 0.000000e+00 : f32
        %neg3A_888 = vector.broadcast %neg3A_887 : f32 to vector<16xf32>
        %neg3A_889 = arith.subf %neg3A_888, %get3A_868 : vector<16xf32>
        %exp3A_890 = math.exp %neg3A_889 : vector<16xf32>
        %add3A_891 = arith.constant 1.000000e+00 : f32
        %add3A_892 = vector.broadcast %add3A_891 : f32 to vector<16xf32>
        %add3A_893 = arith.addf %add3A_892, %exp3A_890 : vector<16xf32>
        %div3A_894 = arith.constant 1.000000e+00 : f32
        %div3A_895 = vector.broadcast %div3A_894 : f32 to vector<16xf32>
        %div3A_896 = arith.divf %div3A_895, %add3A_893 : vector<16xf32>
        %add3A_897 = vector.broadcast %convert_element_type3A_778 : f32 to vector<16xf32>
        %add3A_898 = arith.addf %div3A_876, %add3A_897 : vector<16xf32>
        %add3A_899 = arith.addf %add3A_898, %convert_element_type3A : vector<16xf32>
        %mul3A_900 = arith.constant 1.562500e-02 : f32
        %mul3A_901 = vector.broadcast %mul3A_900 : f32 to vector<16xf32>
        %mul3A_902 = arith.mulf %add3A_899, %mul3A_901 : vector<16xf32>
        %add3A_903 = vector.broadcast %convert_element_type3A_803 : f32 to vector<16xf32>
        %add3A_904 = arith.addf %div3A_886, %add3A_903 : vector<16xf32>
        %mul3A_905 = arith.constant 1.562500e-02 : f32
        %mul3A_906 = vector.broadcast %mul3A_905 : f32 to vector<16xf32>
        %mul3A_907 = arith.mulf %add3A_904, %mul3A_906 : vector<16xf32>
        %exp3A_908 = math.exp %get3A_858 : vector<16xf32>
        %mul3A_909 = vector.broadcast %select_n3A_418 : f32 to vector<16xf32>
        %mul3A_910 = arith.mulf %exp3A_908, %mul3A_909 : vector<16xf32>
        %exp3A_911 = math.exp %get3A_863 : vector<16xf32>
        %mul3A_912 = vector.broadcast %select_n3A_427 : f32 to vector<16xf32>
        %mul3A_913 = arith.mulf %exp3A_911, %mul3A_912 : vector<16xf32>
        %get3A_914 = arith.constant 5 : i32
        %get3A_915 = arith.index_cast %get3A_914 : i32 to index
        %get3A_916 = arith.index_cast %select_n3A_827 : i32 to index
        %get3A_917 = arith.index_cast %select_n3A_843 : i32 to index
        %get3A_918 = tpu.vector_load %arg5[%get3A_915, %get3A_916, %get3A_917] {strides = array<i32>} : memref<85x4x64xf32, #tpu.memory_space<vmem>>, vector<16xf32>,
        %broadcast_in_dim3A = arith.constant 0.000000e+00 : f32
        %broadcast_in_dim3A_919 = vector.broadcast %broadcast_in_dim3A : f32 to vector<16xf32>
        %exp3A_920 = math.exp %get3A_918 : vector<16xf32>
        %broadcast_in_dim3A_921 = arith.constant 0.000000e+00 : f32
        %broadcast_in_dim3A_922 = vector.broadcast %broadcast_in_dim3A_921 : f32 to vector<16xf32>
        %get3A_923 = arith.constant 6 : i32
        %get3A_924 = arith.index_cast %get3A_923 : i32 to index
        %get3A_925 = arith.index_cast %select_n3A_827 : i32 to index
        %get3A_926 = arith.index_cast %select_n3A_843 : i32 to index
        %get3A_927 = tpu.vector_load %arg5[%get3A_924, %get3A_925, %get3A_926] {strides = array<i32>} : memref<85x4x64xf32, #tpu.memory_space<vmem>>, vector<16xf32>,
        %exp3A_928 = math.exp %get3A_927 : vector<16xf32>
        %add3A_929 = arith.addf %broadcast_in_dim3A_922, %exp3A_928 : vector<16xf32>
        %gt3A = arith.cmpf ogt, %get3A_927, %get3A_918 : vector<16xf32>
        %max3A = arith.maximumf %get3A_927, %get3A_918 : vector<16xf32>
        %jit3A_930 = arith.constant 1.000000e+00 : f32
        %broadcast_in_dim3A_931 = vector.broadcast %jit3A_930 : f32 to vector<16xf32>
        %select_n3A_932 = arith.select %gt3A, %broadcast_in_dim3A_931, %broadcast_in_dim3A_919 : vector<16xi1>, vector<16xf32>
        %get3A_933 = arith.constant 7 : i32
        %get3A_934 = arith.index_cast %get3A_933 : i32 to index
        %get3A_935 = arith.index_cast %select_n3A_827 : i32 to index
        %get3A_936 = arith.index_cast %select_n3A_843 : i32 to index
        %get3A_937 = tpu.vector_load %arg5[%get3A_934, %get3A_935, %get3A_936] {strides = array<i32>} : memref<85x4x64xf32, #tpu.memory_space<vmem>>, vector<16xf32>,
        %exp3A_938 = math.exp %get3A_937 : vector<16xf32>
        %add3A_939 = arith.addf %exp3A_920, %exp3A_938 : vector<16xf32>
        %gt3A_940 = arith.cmpf ogt, %get3A_937, %max3A : vector<16xf32>
        %max3A_941 = arith.maximumf %get3A_937, %max3A : vector<16xf32>
        %jit3A_942 = arith.constant 2.000000e+00 : f32
        %broadcast_in_dim3A_943 = vector.broadcast %jit3A_942 : f32 to vector<16xf32>
        %select_n3A_944 = arith.select %gt3A_940, %broadcast_in_dim3A_943, %select_n3A_932 : vector<16xi1>, vector<16xf32>
        %get3A_945 = arith.constant 8 : i32
        %get3A_946 = arith.index_cast %get3A_945 : i32 to index
        %get3A_947 = arith.index_cast %select_n3A_827 : i32 to index
        %get3A_948 = arith.index_cast %select_n3A_843 : i32 to index
        %get3A_949 = tpu.vector_load %arg5[%get3A_946, %get3A_947, %get3A_948] {strides = array<i32>} : memref<85x4x64xf32, #tpu.memory_space<vmem>>, vector<16xf32>,
        %exp3A_950 = math.exp %get3A_949 : vector<16xf32>
        %add3A_951 = arith.addf %add3A_929, %exp3A_950 : vector<16xf32>
        %gt3A_952 = arith.cmpf ogt, %get3A_949, %max3A_941 : vector<16xf32>
        %max3A_953 = arith.maximumf %get3A_949, %max3A_941 : vector<16xf32>
        %jit3A_954 = arith.constant 3.000000e+00 : f32
        %broadcast_in_dim3A_955 = vector.broadcast %jit3A_954 : f32 to vector<16xf32>
        %select_n3A_956 = arith.select %gt3A_952, %broadcast_in_dim3A_955, %select_n3A_944 : vector<16xi1>, vector<16xf32>
        %get3A_957 = arith.constant 9 : i32
        %get3A_958 = arith.index_cast %get3A_957 : i32 to index
        %get3A_959 = arith.index_cast %select_n3A_827 : i32 to index
        %get3A_960 = arith.index_cast %select_n3A_843 : i32 to index
        %get3A_961 = tpu.vector_load %arg5[%get3A_958, %get3A_959, %get3A_960] {strides = array<i32>} : memref<85x4x64xf32, #tpu.memory_space<vmem>>, vector<16xf32>,
        %exp3A_962 = math.exp %get3A_961 : vector<16xf32>
        %add3A_963 = arith.addf %add3A_939, %exp3A_962 : vector<16xf32>
        %gt3A_964 = arith.cmpf ogt, %get3A_961, %max3A_953 : vector<16xf32>
        %max3A_965 = arith.maximumf %get3A_961, %max3A_953 : vector<16xf32>
        %jit3A_966 = arith.constant 4.000000e+00 : f32
        %broadcast_in_dim3A_967 = vector.broadcast %jit3A_966 : f32 to vector<16xf32>
        %select_n3A_968 = arith.select %gt3A_964, %broadcast_in_dim3A_967, %select_n3A_956 : vector<16xi1>, vector<16xf32>
        %get3A_969 = arith.constant 10 : i32
        %get3A_970 = arith.index_cast %get3A_969 : i32 to index
        %get3A_971 = arith.index_cast %select_n3A_827 : i32 to index
        %get3A_972 = arith.index_cast %select_n3A_843 : i32 to index
        %get3A_973 = tpu.vector_load %arg5[%get3A_970, %get3A_971, %get3A_972] {strides = array<i32>} : memref<85x4x64xf32, #tpu.memory_space<vmem>>, vector<16xf32>,
        %exp3A_974 = math.exp %get3A_973 : vector<16xf32>
        %add3A_975 = arith.addf %add3A_951, %exp3A_974 : vector<16xf32>
        %gt3A_976 = arith.cmpf ogt, %get3A_973, %max3A_965 : vector<16xf32>
        %max3A_977 = arith.maximumf %get3A_973, %max3A_965 : vector<16xf32>
        %jit3A_978 = arith.constant 5.000000e+00 : f32
        %broadcast_in_dim3A_979 = vector.broadcast %jit3A_978 : f32 to vector<16xf32>
        %select_n3A_980 = arith.select %gt3A_976, %broadcast_in_dim3A_979, %select_n3A_968 : vector<16xi1>, vector<16xf32>
        %get3A_981 = arith.constant 11 : i32
        %get3A_982 = arith.index_cast %get3A_981 : i32 to index
        %get3A_983 = arith.index_cast %select_n3A_827 : i32 to index
        %get3A_984 = arith.index_cast %select_n3A_843 : i32 to index
        %get3A_985 = tpu.vector_load %arg5[%get3A_982, %get3A_983, %get3A_984] {strides = array<i32>} : memref<85x4x64xf32, #tpu.memory_space<vmem>>, vector<16xf32>,
        %exp3A_986 = math.exp %get3A_985 : vector<16xf32>
        %add3A_987 = arith.addf %add3A_963, %exp3A_986 : vector<16xf32>
        %gt3A_988 = arith.cmpf ogt, %get3A_985, %max3A_977 : vector<16xf32>
        %max3A_989 = arith.maximumf %get3A_985, %max3A_977 : vector<16xf32>
        %jit3A_990 = arith.constant 6.000000e+00 : f32
        %broadcast_in_dim3A_991 = vector.broadcast %jit3A_990 : f32 to vector<16xf32>
        %select_n3A_992 = arith.select %gt3A_988, %broadcast_in_dim3A_991, %select_n3A_980 : vector<16xi1>, vector<16xf32>
        %get3A_993 = arith.constant 12 : i32
        %get3A_994 = arith.index_cast %get3A_993 : i32 to index
        %get3A_995 = arith.index_cast %select_n3A_827 : i32 to index
        %get3A_996 = arith.index_cast %select_n3A_843 : i32 to index
        %get3A_997 = tpu.vector_load %arg5[%get3A_994, %get3A_995, %get3A_996] {strides = array<i32>} : memref<85x4x64xf32, #tpu.memory_space<vmem>>, vector<16xf32>,
        %exp3A_998 = math.exp %get3A_997 : vector<16xf32>
        %add3A_999 = arith.addf %add3A_975, %exp3A_998 : vector<16xf32>
        %gt3A_1000 = arith.cmpf ogt, %get3A_997, %max3A_989 : vector<16xf32>
        %max3A_1001 = arith.maximumf %get3A_997, %max3A_989 : vector<16xf32>
        %jit3A_1002 = arith.constant 7.000000e+00 : f32
        %broadcast_in_dim3A_1003 = vector.broadcast %jit3A_1002 : f32 to vector<16xf32>
        %select_n3A_1004 = arith.select %gt3A_1000, %broadcast_in_dim3A_1003, %select_n3A_992 : vector<16xi1>, vector<16xf32>
        %get3A_1005 = arith.constant 13 : i32
        %get3A_1006 = arith.index_cast %get3A_1005 : i32 to index
        %get3A_1007 = arith.index_cast %select_n3A_827 : i32 to index
        %get3A_1008 = arith.index_cast %select_n3A_843 : i32 to index
        %get3A_1009 = tpu.vector_load %arg5[%get3A_1006, %get3A_1007, %get3A_1008] {strides = array<i32>} : memref<85x4x64xf32, #tpu.memory_space<vmem>>, vector<16xf32>,
        %exp3A_1010 = math.exp %get3A_1009 : vector<16xf32>
        %add3A_1011 = arith.addf %add3A_987, %exp3A_1010 : vector<16xf32>
        %gt3A_1012 = arith.cmpf ogt, %get3A_1009, %max3A_1001 : vector<16xf32>
        %max3A_1013 = arith.maximumf %get3A_1009, %max3A_1001 : vector<16xf32>
        %jit3A_1014 = arith.constant 8.000000e+00 : f32
        %broadcast_in_dim3A_1015 = vector.broadcast %jit3A_1014 : f32 to vector<16xf32>
        %select_n3A_1016 = arith.select %gt3A_1012, %broadcast_in_dim3A_1015, %select_n3A_1004 : vector<16xi1>, vector<16xf32>
        %get3A_1017 = arith.constant 14 : i32
        %get3A_1018 = arith.index_cast %get3A_1017 : i32 to index
        %get3A_1019 = arith.index_cast %select_n3A_827 : i32 to index
        %get3A_1020 = arith.index_cast %select_n3A_843 : i32 to index
        %get3A_1021 = tpu.vector_load %arg5[%get3A_1018, %get3A_1019, %get3A_1020] {strides = array<i32>} : memref<85x4x64xf32, #tpu.memory_space<vmem>>, vector<16xf32>,
        %exp3A_1022 = math.exp %get3A_1021 : vector<16xf32>
        %add3A_1023 = arith.addf %add3A_999, %exp3A_1022 : vector<16xf32>
        %gt3A_1024 = arith.cmpf ogt, %get3A_1021, %max3A_1013 : vector<16xf32>
        %max3A_1025 = arith.maximumf %get3A_1021, %max3A_1013 : vector<16xf32>
        %jit3A_1026 = arith.constant 9.000000e+00 : f32
        %broadcast_in_dim3A_1027 = vector.broadcast %jit3A_1026 : f32 to vector<16xf32>
        %select_n3A_1028 = arith.select %gt3A_1024, %broadcast_in_dim3A_1027, %select_n3A_1016 : vector<16xi1>, vector<16xf32>
        %get3A_1029 = arith.constant 15 : i32
        %get3A_1030 = arith.index_cast %get3A_1029 : i32 to index
        %get3A_1031 = arith.index_cast %select_n3A_827 : i32 to index
        %get3A_1032 = arith.index_cast %select_n3A_843 : i32 to index
        %get3A_1033 = tpu.vector_load %arg5[%get3A_1030, %get3A_1031, %get3A_1032] {strides = array<i32>} : memref<85x4x64xf32, #tpu.memory_space<vmem>>, vector<16xf32>,
        %exp3A_1034 = math.exp %get3A_1033 : vector<16xf32>
        %add3A_1035 = arith.addf %add3A_1011, %exp3A_1034 : vector<16xf32>
        %gt3A_1036 = arith.cmpf ogt, %get3A_1033, %max3A_1025 : vector<16xf32>
        %max3A_1037 = arith.maximumf %get3A_1033, %max3A_1025 : vector<16xf32>
        %jit3A_1038 = arith.constant 1.000000e+01 : f32
        %broadcast_in_dim3A_1039 = vector.broadcast %jit3A_1038 : f32 to vector<16xf32>
        %select_n3A_1040 = arith.select %gt3A_1036, %broadcast_in_dim3A_1039, %select_n3A_1028 : vector<16xi1>, vector<16xf32>
        %get3A_1041 = arith.constant 16 : i32
        %get3A_1042 = arith.index_cast %get3A_1041 : i32 to index
        %get3A_1043 = arith.index_cast %select_n3A_827 : i32 to index
        %get3A_1044 = arith.index_cast %select_n3A_843 : i32 to index
        %get3A_1045 = tpu.vector_load %arg5[%get3A_1042, %get3A_1043, %get3A_1044] {strides = array<i32>} : memref<85x4x64xf32, #tpu.memory_space<vmem>>, vector<16xf32>,
        %exp3A_1046 = math.exp %get3A_1045 : vector<16xf32>
        %add3A_1047 = arith.addf %add3A_1023, %exp3A_1046 : vector<16xf32>
        %gt3A_1048 = arith.cmpf ogt, %get3A_1045, %max3A_1037 : vector<16xf32>
        %max3A_1049 = arith.maximumf %get3A_1045, %max3A_1037 : vector<16xf32>
        %jit3A_1050 = arith.constant 1.100000e+01 : f32
        %broadcast_in_dim3A_1051 = vector.broadcast %jit3A_1050 : f32 to vector<16xf32>
        %select_n3A_1052 = arith.select %gt3A_1048, %broadcast_in_dim3A_1051, %select_n3A_1040 : vector<16xi1>, vector<16xf32>
        %get3A_1053 = arith.constant 17 : i32
        %get3A_1054 = arith.index_cast %get3A_1053 : i32 to index
        %get3A_1055 = arith.index_cast %select_n3A_827 : i32 to index
        %get3A_1056 = arith.index_cast %select_n3A_843 : i32 to index
        %get3A_1057 = tpu.vector_load %arg5[%get3A_1054, %get3A_1055, %get3A_1056] {strides = array<i32>} : memref<85x4x64xf32, #tpu.memory_space<vmem>>, vector<16xf32>,
        %exp3A_1058 = math.exp %get3A_1057 : vector<16xf32>
        %add3A_1059 = arith.addf %add3A_1035, %exp3A_1058 : vector<16xf32>
        %gt3A_1060 = arith.cmpf ogt, %get3A_1057, %max3A_1049 : vector<16xf32>
        %max3A_1061 = arith.maximumf %get3A_1057, %max3A_1049 : vector<16xf32>
        %jit3A_1062 = arith.constant 1.200000e+01 : f32
        %broadcast_in_dim3A_1063 = vector.broadcast %jit3A_1062 : f32 to vector<16xf32>
        %select_n3A_1064 = arith.select %gt3A_1060, %broadcast_in_dim3A_1063, %select_n3A_1052 : vector<16xi1>, vector<16xf32>
        %get3A_1065 = arith.constant 18 : i32
        %get3A_1066 = arith.index_cast %get3A_1065 : i32 to index
        %get3A_1067 = arith.index_cast %select_n3A_827 : i32 to index
        %get3A_1068 = arith.index_cast %select_n3A_843 : i32 to index
        %get3A_1069 = tpu.vector_load %arg5[%get3A_1066, %get3A_1067, %get3A_1068] {strides = array<i32>} : memref<85x4x64xf32, #tpu.memory_space<vmem>>, vector<16xf32>,
        %exp3A_1070 = math.exp %get3A_1069 : vector<16xf32>
        %add3A_1071 = arith.addf %add3A_1047, %exp3A_1070 : vector<16xf32>
        %gt3A_1072 = arith.cmpf ogt, %get3A_1069, %max3A_1061 : vector<16xf32>
        %max3A_1073 = arith.maximumf %get3A_1069, %max3A_1061 : vector<16xf32>
        %jit3A_1074 = arith.constant 1.300000e+01 : f32
        %broadcast_in_dim3A_1075 = vector.broadcast %jit3A_1074 : f32 to vector<16xf32>
        %select_n3A_1076 = arith.select %gt3A_1072, %broadcast_in_dim3A_1075, %select_n3A_1064 : vector<16xi1>, vector<16xf32>
        %get3A_1077 = arith.constant 19 : i32
        %get3A_1078 = arith.index_cast %get3A_1077 : i32 to index
        %get3A_1079 = arith.index_cast %select_n3A_827 : i32 to index
        %get3A_1080 = arith.index_cast %select_n3A_843 : i32 to index
        %get3A_1081 = tpu.vector_load %arg5[%get3A_1078, %get3A_1079, %get3A_1080] {strides = array<i32>} : memref<85x4x64xf32, #tpu.memory_space<vmem>>, vector<16xf32>,
        %exp3A_1082 = math.exp %get3A_1081 : vector<16xf32>
        %add3A_1083 = arith.addf %add3A_1059, %exp3A_1082 : vector<16xf32>
        %gt3A_1084 = arith.cmpf ogt, %get3A_1081, %max3A_1073 : vector<16xf32>
        %max3A_1085 = arith.maximumf %get3A_1081, %max3A_1073 : vector<16xf32>
        %jit3A_1086 = arith.constant 1.400000e+01 : f32
        %broadcast_in_dim3A_1087 = vector.broadcast %jit3A_1086 : f32 to vector<16xf32>
        %select_n3A_1088 = arith.select %gt3A_1084, %broadcast_in_dim3A_1087, %select_n3A_1076 : vector<16xi1>, vector<16xf32>
        %get3A_1089 = arith.constant 20 : i32
        %get3A_1090 = arith.index_cast %get3A_1089 : i32 to index
        %get3A_1091 = arith.index_cast %select_n3A_827 : i32 to index
        %get3A_1092 = arith.index_cast %select_n3A_843 : i32 to index
        %get3A_1093 = tpu.vector_load %arg5[%get3A_1090, %get3A_1091, %get3A_1092] {strides = array<i32>} : memref<85x4x64xf32, #tpu.memory_space<vmem>>, vector<16xf32>,
        %exp3A_1094 = math.exp %get3A_1093 : vector<16xf32>
        %add3A_1095 = arith.addf %add3A_1071, %exp3A_1094 : vector<16xf32>
        %gt3A_1096 = arith.cmpf ogt, %get3A_1093, %max3A_1085 : vector<16xf32>
        %max3A_1097 = arith.maximumf %get3A_1093, %max3A_1085 : vector<16xf32>
        %jit3A_1098 = arith.constant 1.500000e+01 : f32
        %broadcast_in_dim3A_1099 = vector.broadcast %jit3A_1098 : f32 to vector<16xf32>
        %select_n3A_1100 = arith.select %gt3A_1096, %broadcast_in_dim3A_1099, %select_n3A_1088 : vector<16xi1>, vector<16xf32>
        %get3A_1101 = arith.constant 21 : i32
        %get3A_1102 = arith.index_cast %get3A_1101 : i32 to index
        %get3A_1103 = arith.index_cast %select_n3A_827 : i32 to index
        %get3A_1104 = arith.index_cast %select_n3A_843 : i32 to index
        %get3A_1105 = tpu.vector_load %arg5[%get3A_1102, %get3A_1103, %get3A_1104] {strides = array<i32>} : memref<85x4x64xf32, #tpu.memory_space<vmem>>, vector<16xf32>,
        %exp3A_1106 = math.exp %get3A_1105 : vector<16xf32>
        %add3A_1107 = arith.addf %add3A_1083, %exp3A_1106 : vector<16xf32>
        %gt3A_1108 = arith.cmpf ogt, %get3A_1105, %max3A_1097 : vector<16xf32>
        %max3A_1109 = arith.maximumf %get3A_1105, %max3A_1097 : vector<16xf32>
        %jit3A_1110 = arith.constant 1.600000e+01 : f32
        %broadcast_in_dim3A_1111 = vector.broadcast %jit3A_1110 : f32 to vector<16xf32>
        %select_n3A_1112 = arith.select %gt3A_1108, %broadcast_in_dim3A_1111, %select_n3A_1100 : vector<16xi1>, vector<16xf32>
        %get3A_1113 = arith.constant 22 : i32
        %get3A_1114 = arith.index_cast %get3A_1113 : i32 to index
        %get3A_1115 = arith.index_cast %select_n3A_827 : i32 to index
        %get3A_1116 = arith.index_cast %select_n3A_843 : i32 to index
        %get3A_1117 = tpu.vector_load %arg5[%get3A_1114, %get3A_1115, %get3A_1116] {strides = array<i32>} : memref<85x4x64xf32, #tpu.memory_space<vmem>>, vector<16xf32>,
        %exp3A_1118 = math.exp %get3A_1117 : vector<16xf32>
        %add3A_1119 = arith.addf %add3A_1095, %exp3A_1118 : vector<16xf32>
        %gt3A_1120 = arith.cmpf ogt, %get3A_1117, %max3A_1109 : vector<16xf32>
        %max3A_1121 = arith.maximumf %get3A_1117, %max3A_1109 : vector<16xf32>
        %jit3A_1122 = arith.constant 1.700000e+01 : f32
        %broadcast_in_dim3A_1123 = vector.broadcast %jit3A_1122 : f32 to vector<16xf32>
        %select_n3A_1124 = arith.select %gt3A_1120, %broadcast_in_dim3A_1123, %select_n3A_1112 : vector<16xi1>, vector<16xf32>
        %get3A_1125 = arith.constant 23 : i32
        %get3A_1126 = arith.index_cast %get3A_1125 : i32 to index
        %get3A_1127 = arith.index_cast %select_n3A_827 : i32 to index
        %get3A_1128 = arith.index_cast %select_n3A_843 : i32 to index
        %get3A_1129 = tpu.vector_load %arg5[%get3A_1126, %get3A_1127, %get3A_1128] {strides = array<i32>} : memref<85x4x64xf32, #tpu.memory_space<vmem>>, vector<16xf32>,
        %exp3A_1130 = math.exp %get3A_1129 : vector<16xf32>
        %add3A_1131 = arith.addf %add3A_1107, %exp3A_1130 : vector<16xf32>
        %gt3A_1132 = arith.cmpf ogt, %get3A_1129, %max3A_1121 : vector<16xf32>
        %max3A_1133 = arith.maximumf %get3A_1129, %max3A_1121 : vector<16xf32>
        %jit3A_1134 = arith.constant 1.800000e+01 : f32
        %broadcast_in_dim3A_1135 = vector.broadcast %jit3A_1134 : f32 to vector<16xf32>
        %select_n3A_1136 = arith.select %gt3A_1132, %broadcast_in_dim3A_1135, %select_n3A_1124 : vector<16xi1>, vector<16xf32>
        %get3A_1137 = arith.constant 24 : i32
        %get3A_1138 = arith.index_cast %get3A_1137 : i32 to index
        %get3A_1139 = arith.index_cast %select_n3A_827 : i32 to index
        %get3A_1140 = arith.index_cast %select_n3A_843 : i32 to index
        %get3A_1141 = tpu.vector_load %arg5[%get3A_1138, %get3A_1139, %get3A_1140] {strides = array<i32>} : memref<85x4x64xf32, #tpu.memory_space<vmem>>, vector<16xf32>,
        %exp3A_1142 = math.exp %get3A_1141 : vector<16xf32>
        %add3A_1143 = arith.addf %add3A_1119, %exp3A_1142 : vector<16xf32>
        %gt3A_1144 = arith.cmpf ogt, %get3A_1141, %max3A_1133 : vector<16xf32>
        %max3A_1145 = arith.maximumf %get3A_1141, %max3A_1133 : vector<16xf32>
        %jit3A_1146 = arith.constant 1.900000e+01 : f32
        %broadcast_in_dim3A_1147 = vector.broadcast %jit3A_1146 : f32 to vector<16xf32>
        %select_n3A_1148 = arith.select %gt3A_1144, %broadcast_in_dim3A_1147, %select_n3A_1136 : vector<16xi1>, vector<16xf32>
        %add3A_1149 = arith.addf %add3A_1131, %add3A_1143 : vector<16xf32>
        %get3A_1150 = arith.constant 25 : i32
        %get3A_1151 = arith.index_cast %get3A_1150 : i32 to index
        %get3A_1152 = arith.index_cast %select_n3A_827 : i32 to index
        %get3A_1153 = arith.index_cast %select_n3A_843 : i32 to index
        %get3A_1154 = tpu.vector_load %arg5[%get3A_1151, %get3A_1152, %get3A_1153] {strides = array<i32>} : memref<85x4x64xf32, #tpu.memory_space<vmem>>, vector<16xf32>,
        %broadcast_in_dim3A_1155 = arith.constant 2.000000e+01 : f32
        %broadcast_in_dim3A_1156 = vector.broadcast %broadcast_in_dim3A_1155 : f32 to vector<16xf32>
        %exp3A_1157 = math.exp %get3A_1154 : vector<16xf32>
        %broadcast_in_dim3A_1158 = arith.constant 0.000000e+00 : f32
        %broadcast_in_dim3A_1159 = vector.broadcast %broadcast_in_dim3A_1158 : f32 to vector<16xf32>
        %get3A_1160 = arith.constant 26 : i32
        %get3A_1161 = arith.index_cast %get3A_1160 : i32 to index
        %get3A_1162 = arith.index_cast %select_n3A_827 : i32 to index
        %get3A_1163 = arith.index_cast %select_n3A_843 : i32 to index
        %get3A_1164 = tpu.vector_load %arg5[%get3A_1161, %get3A_1162, %get3A_1163] {strides = array<i32>} : memref<85x4x64xf32, #tpu.memory_space<vmem>>, vector<16xf32>,
        %exp3A_1165 = math.exp %get3A_1164 : vector<16xf32>
        %add3A_1166 = arith.addf %broadcast_in_dim3A_1159, %exp3A_1165 : vector<16xf32>
        %gt3A_1167 = arith.cmpf ogt, %get3A_1164, %get3A_1154 : vector<16xf32>
        %max3A_1168 = arith.maximumf %get3A_1164, %get3A_1154 : vector<16xf32>
        %jit3A_1169 = arith.constant 2.100000e+01 : f32
        %broadcast_in_dim3A_1170 = vector.broadcast %jit3A_1169 : f32 to vector<16xf32>
        %select_n3A_1171 = arith.select %gt3A_1167, %broadcast_in_dim3A_1170, %broadcast_in_dim3A_1156 : vector<16xi1>, vector<16xf32>
        %get3A_1172 = arith.constant 27 : i32
        %get3A_1173 = arith.index_cast %get3A_1172 : i32 to index
        %get3A_1174 = arith.index_cast %select_n3A_827 : i32 to index
        %get3A_1175 = arith.index_cast %select_n3A_843 : i32 to index
        %get3A_1176 = tpu.vector_load %arg5[%get3A_1173, %get3A_1174, %get3A_1175] {strides = array<i32>} : memref<85x4x64xf32, #tpu.memory_space<vmem>>, vector<16xf32>,
        %exp3A_1177 = math.exp %get3A_1176 : vector<16xf32>
        %add3A_1178 = arith.addf %exp3A_1157, %exp3A_1177 : vector<16xf32>
        %gt3A_1179 = arith.cmpf ogt, %get3A_1176, %max3A_1168 : vector<16xf32>
        %max3A_1180 = arith.maximumf %get3A_1176, %max3A_1168 : vector<16xf32>
        %jit3A_1181 = arith.constant 2.200000e+01 : f32
        %broadcast_in_dim3A_1182 = vector.broadcast %jit3A_1181 : f32 to vector<16xf32>
        %select_n3A_1183 = arith.select %gt3A_1179, %broadcast_in_dim3A_1182, %select_n3A_1171 : vector<16xi1>, vector<16xf32>
        %get3A_1184 = arith.constant 28 : i32
        %get3A_1185 = arith.index_cast %get3A_1184 : i32 to index
        %get3A_1186 = arith.index_cast %select_n3A_827 : i32 to index
        %get3A_1187 = arith.index_cast %select_n3A_843 : i32 to index
        %get3A_1188 = tpu.vector_load %arg5[%get3A_1185, %get3A_1186, %get3A_1187] {strides = array<i32>} : memref<85x4x64xf32, #tpu.memory_space<vmem>>, vector<16xf32>,
        %exp3A_1189 = math.exp %get3A_1188 : vector<16xf32>
        %add3A_1190 = arith.addf %add3A_1166, %exp3A_1189 : vector<16xf32>
        %gt3A_1191 = arith.cmpf ogt, %get3A_1188, %max3A_1180 : vector<16xf32>
        %max3A_1192 = arith.maximumf %get3A_1188, %max3A_1180 : vector<16xf32>
        %jit3A_1193 = arith.constant 2.300000e+01 : f32
        %broadcast_in_dim3A_1194 = vector.broadcast %jit3A_1193 : f32 to vector<16xf32>
        %select_n3A_1195 = arith.select %gt3A_1191, %broadcast_in_dim3A_1194, %select_n3A_1183 : vector<16xi1>, vector<16xf32>
        %get3A_1196 = arith.constant 29 : i32
        %get3A_1197 = arith.index_cast %get3A_1196 : i32 to index
        %get3A_1198 = arith.index_cast %select_n3A_827 : i32 to index
        %get3A_1199 = arith.index_cast %select_n3A_843 : i32 to index
        %get3A_1200 = tpu.vector_load %arg5[%get3A_1197, %get3A_1198, %get3A_1199] {strides = array<i32>} : memref<85x4x64xf32, #tpu.memory_space<vmem>>, vector<16xf32>,
        %exp3A_1201 = math.exp %get3A_1200 : vector<16xf32>
        %add3A_1202 = arith.addf %add3A_1178, %exp3A_1201 : vector<16xf32>
        %gt3A_1203 = arith.cmpf ogt, %get3A_1200, %max3A_1192 : vector<16xf32>
        %max3A_1204 = arith.maximumf %get3A_1200, %max3A_1192 : vector<16xf32>
        %jit3A_1205 = arith.constant 2.400000e+01 : f32
        %broadcast_in_dim3A_1206 = vector.broadcast %jit3A_1205 : f32 to vector<16xf32>
        %select_n3A_1207 = arith.select %gt3A_1203, %broadcast_in_dim3A_1206, %select_n3A_1195 : vector<16xi1>, vector<16xf32>
        %get3A_1208 = arith.constant 30 : i32
        %get3A_1209 = arith.index_cast %get3A_1208 : i32 to index
        %get3A_1210 = arith.index_cast %select_n3A_827 : i32 to index
        %get3A_1211 = arith.index_cast %select_n3A_843 : i32 to index
        %get3A_1212 = tpu.vector_load %arg5[%get3A_1209, %get3A_1210, %get3A_1211] {strides = array<i32>} : memref<85x4x64xf32, #tpu.memory_space<vmem>>, vector<16xf32>,
        %exp3A_1213 = math.exp %get3A_1212 : vector<16xf32>
        %add3A_1214 = arith.addf %add3A_1190, %exp3A_1213 : vector<16xf32>
        %gt3A_1215 = arith.cmpf ogt, %get3A_1212, %max3A_1204 : vector<16xf32>
        %max3A_1216 = arith.maximumf %get3A_1212, %max3A_1204 : vector<16xf32>
        %jit3A_1217 = arith.constant 2.500000e+01 : f32
        %broadcast_in_dim3A_1218 = vector.broadcast %jit3A_1217 : f32 to vector<16xf32>
        %select_n3A_1219 = arith.select %gt3A_1215, %broadcast_in_dim3A_1218, %select_n3A_1207 : vector<16xi1>, vector<16xf32>
        %get3A_1220 = arith.constant 31 : i32
        %get3A_1221 = arith.index_cast %get3A_1220 : i32 to index
        %get3A_1222 = arith.index_cast %select_n3A_827 : i32 to index
        %get3A_1223 = arith.index_cast %select_n3A_843 : i32 to index
        %get3A_1224 = tpu.vector_load %arg5[%get3A_1221, %get3A_1222, %get3A_1223] {strides = array<i32>} : memref<85x4x64xf32, #tpu.memory_space<vmem>>, vector<16xf32>,
        %exp3A_1225 = math.exp %get3A_1224 : vector<16xf32>
        %add3A_1226 = arith.addf %add3A_1202, %exp3A_1225 : vector<16xf32>
        %gt3A_1227 = arith.cmpf ogt, %get3A_1224, %max3A_1216 : vector<16xf32>
        %max3A_1228 = arith.maximumf %get3A_1224, %max3A_1216 : vector<16xf32>
        %jit3A_1229 = arith.constant 2.600000e+01 : f32
        %broadcast_in_dim3A_1230 = vector.broadcast %jit3A_1229 : f32 to vector<16xf32>
        %select_n3A_1231 = arith.select %gt3A_1227, %broadcast_in_dim3A_1230, %select_n3A_1219 : vector<16xi1>, vector<16xf32>
        %get3A_1232 = arith.constant 32 : i32
        %get3A_1233 = arith.index_cast %get3A_1232 : i32 to index
        %get3A_1234 = arith.index_cast %select_n3A_827 : i32 to index
        %get3A_1235 = arith.index_cast %select_n3A_843 : i32 to index
        %get3A_1236 = tpu.vector_load %arg5[%get3A_1233, %get3A_1234, %get3A_1235] {strides = array<i32>} : memref<85x4x64xf32, #tpu.memory_space<vmem>>, vector<16xf32>,
        %exp3A_1237 = math.exp %get3A_1236 : vector<16xf32>
        %add3A_1238 = arith.addf %add3A_1214, %exp3A_1237 : vector<16xf32>
        %gt3A_1239 = arith.cmpf ogt, %get3A_1236, %max3A_1228 : vector<16xf32>
        %max3A_1240 = arith.maximumf %get3A_1236, %max3A_1228 : vector<16xf32>
        %jit3A_1241 = arith.constant 2.700000e+01 : f32
        %broadcast_in_dim3A_1242 = vector.broadcast %jit3A_1241 : f32 to vector<16xf32>
        %select_n3A_1243 = arith.select %gt3A_1239, %broadcast_in_dim3A_1242, %select_n3A_1231 : vector<16xi1>, vector<16xf32>
        %get3A_1244 = arith.constant 33 : i32
        %get3A_1245 = arith.index_cast %get3A_1244 : i32 to index
        %get3A_1246 = arith.index_cast %select_n3A_827 : i32 to index
        %get3A_1247 = arith.index_cast %select_n3A_843 : i32 to index
        %get3A_1248 = tpu.vector_load %arg5[%get3A_1245, %get3A_1246, %get3A_1247] {strides = array<i32>} : memref<85x4x64xf32, #tpu.memory_space<vmem>>, vector<16xf32>,
        %exp3A_1249 = math.exp %get3A_1248 : vector<16xf32>
        %add3A_1250 = arith.addf %add3A_1226, %exp3A_1249 : vector<16xf32>
        %gt3A_1251 = arith.cmpf ogt, %get3A_1248, %max3A_1240 : vector<16xf32>
        %max3A_1252 = arith.maximumf %get3A_1248, %max3A_1240 : vector<16xf32>
        %jit3A_1253 = arith.constant 2.800000e+01 : f32
        %broadcast_in_dim3A_1254 = vector.broadcast %jit3A_1253 : f32 to vector<16xf32>
        %select_n3A_1255 = arith.select %gt3A_1251, %broadcast_in_dim3A_1254, %select_n3A_1243 : vector<16xi1>, vector<16xf32>
        %get3A_1256 = arith.constant 34 : i32
        %get3A_1257 = arith.index_cast %get3A_1256 : i32 to index
        %get3A_1258 = arith.index_cast %select_n3A_827 : i32 to index
        %get3A_1259 = arith.index_cast %select_n3A_843 : i32 to index
        %get3A_1260 = tpu.vector_load %arg5[%get3A_1257, %get3A_1258, %get3A_1259] {strides = array<i32>} : memref<85x4x64xf32, #tpu.memory_space<vmem>>, vector<16xf32>,
        %exp3A_1261 = math.exp %get3A_1260 : vector<16xf32>
        %add3A_1262 = arith.addf %add3A_1238, %exp3A_1261 : vector<16xf32>
        %gt3A_1263 = arith.cmpf ogt, %get3A_1260, %max3A_1252 : vector<16xf32>
        %max3A_1264 = arith.maximumf %get3A_1260, %max3A_1252 : vector<16xf32>
        %jit3A_1265 = arith.constant 2.900000e+01 : f32
        %broadcast_in_dim3A_1266 = vector.broadcast %jit3A_1265 : f32 to vector<16xf32>
        %select_n3A_1267 = arith.select %gt3A_1263, %broadcast_in_dim3A_1266, %select_n3A_1255 : vector<16xi1>, vector<16xf32>
        %get3A_1268 = arith.constant 35 : i32
        %get3A_1269 = arith.index_cast %get3A_1268 : i32 to index
        %get3A_1270 = arith.index_cast %select_n3A_827 : i32 to index
        %get3A_1271 = arith.index_cast %select_n3A_843 : i32 to index
        %get3A_1272 = tpu.vector_load %arg5[%get3A_1269, %get3A_1270, %get3A_1271] {strides = array<i32>} : memref<85x4x64xf32, #tpu.memory_space<vmem>>, vector<16xf32>,
        %exp3A_1273 = math.exp %get3A_1272 : vector<16xf32>
        %add3A_1274 = arith.addf %add3A_1250, %exp3A_1273 : vector<16xf32>
        %gt3A_1275 = arith.cmpf ogt, %get3A_1272, %max3A_1264 : vector<16xf32>
        %max3A_1276 = arith.maximumf %get3A_1272, %max3A_1264 : vector<16xf32>
        %jit3A_1277 = arith.constant 3.000000e+01 : f32
        %broadcast_in_dim3A_1278 = vector.broadcast %jit3A_1277 : f32 to vector<16xf32>
        %select_n3A_1279 = arith.select %gt3A_1275, %broadcast_in_dim3A_1278, %select_n3A_1267 : vector<16xi1>, vector<16xf32>
        %get3A_1280 = arith.constant 36 : i32
        %get3A_1281 = arith.index_cast %get3A_1280 : i32 to index
        %get3A_1282 = arith.index_cast %select_n3A_827 : i32 to index
        %get3A_1283 = arith.index_cast %select_n3A_843 : i32 to index
        %get3A_1284 = tpu.vector_load %arg5[%get3A_1281, %get3A_1282, %get3A_1283] {strides = array<i32>} : memref<85x4x64xf32, #tpu.memory_space<vmem>>, vector<16xf32>,
        %exp3A_1285 = math.exp %get3A_1284 : vector<16xf32>
        %add3A_1286 = arith.addf %add3A_1262, %exp3A_1285 : vector<16xf32>
        %gt3A_1287 = arith.cmpf ogt, %get3A_1284, %max3A_1276 : vector<16xf32>
        %max3A_1288 = arith.maximumf %get3A_1284, %max3A_1276 : vector<16xf32>
        %jit3A_1289 = arith.constant 3.100000e+01 : f32
        %broadcast_in_dim3A_1290 = vector.broadcast %jit3A_1289 : f32 to vector<16xf32>
        %select_n3A_1291 = arith.select %gt3A_1287, %broadcast_in_dim3A_1290, %select_n3A_1279 : vector<16xi1>, vector<16xf32>
        %get3A_1292 = arith.constant 37 : i32
        %get3A_1293 = arith.index_cast %get3A_1292 : i32 to index
        %get3A_1294 = arith.index_cast %select_n3A_827 : i32 to index
        %get3A_1295 = arith.index_cast %select_n3A_843 : i32 to index
        %get3A_1296 = tpu.vector_load %arg5[%get3A_1293, %get3A_1294, %get3A_1295] {strides = array<i32>} : memref<85x4x64xf32, #tpu.memory_space<vmem>>, vector<16xf32>,
        %exp3A_1297 = math.exp %get3A_1296 : vector<16xf32>
        %add3A_1298 = arith.addf %add3A_1274, %exp3A_1297 : vector<16xf32>
        %gt3A_1299 = arith.cmpf ogt, %get3A_1296, %max3A_1288 : vector<16xf32>
        %max3A_1300 = arith.maximumf %get3A_1296, %max3A_1288 : vector<16xf32>
        %jit3A_1301 = arith.constant 3.200000e+01 : f32
        %broadcast_in_dim3A_1302 = vector.broadcast %jit3A_1301 : f32 to vector<16xf32>
        %select_n3A_1303 = arith.select %gt3A_1299, %broadcast_in_dim3A_1302, %select_n3A_1291 : vector<16xi1>, vector<16xf32>
        %get3A_1304 = arith.constant 38 : i32
        %get3A_1305 = arith.index_cast %get3A_1304 : i32 to index
        %get3A_1306 = arith.index_cast %select_n3A_827 : i32 to index
        %get3A_1307 = arith.index_cast %select_n3A_843 : i32 to index
        %get3A_1308 = tpu.vector_load %arg5[%get3A_1305, %get3A_1306, %get3A_1307] {strides = array<i32>} : memref<85x4x64xf32, #tpu.memory_space<vmem>>, vector<16xf32>,
        %exp3A_1309 = math.exp %get3A_1308 : vector<16xf32>
        %add3A_1310 = arith.addf %add3A_1286, %exp3A_1309 : vector<16xf32>
        %gt3A_1311 = arith.cmpf ogt, %get3A_1308, %max3A_1300 : vector<16xf32>
        %max3A_1312 = arith.maximumf %get3A_1308, %max3A_1300 : vector<16xf32>
        %jit3A_1313 = arith.constant 3.300000e+01 : f32
        %broadcast_in_dim3A_1314 = vector.broadcast %jit3A_1313 : f32 to vector<16xf32>
        %select_n3A_1315 = arith.select %gt3A_1311, %broadcast_in_dim3A_1314, %select_n3A_1303 : vector<16xi1>, vector<16xf32>
        %get3A_1316 = arith.constant 39 : i32
        %get3A_1317 = arith.index_cast %get3A_1316 : i32 to index
        %get3A_1318 = arith.index_cast %select_n3A_827 : i32 to index
        %get3A_1319 = arith.index_cast %select_n3A_843 : i32 to index
        %get3A_1320 = tpu.vector_load %arg5[%get3A_1317, %get3A_1318, %get3A_1319] {strides = array<i32>} : memref<85x4x64xf32, #tpu.memory_space<vmem>>, vector<16xf32>,
        %exp3A_1321 = math.exp %get3A_1320 : vector<16xf32>
        %add3A_1322 = arith.addf %add3A_1298, %exp3A_1321 : vector<16xf32>
        %gt3A_1323 = arith.cmpf ogt, %get3A_1320, %max3A_1312 : vector<16xf32>
        %max3A_1324 = arith.maximumf %get3A_1320, %max3A_1312 : vector<16xf32>
        %jit3A_1325 = arith.constant 3.400000e+01 : f32
        %broadcast_in_dim3A_1326 = vector.broadcast %jit3A_1325 : f32 to vector<16xf32>
        %select_n3A_1327 = arith.select %gt3A_1323, %broadcast_in_dim3A_1326, %select_n3A_1315 : vector<16xi1>, vector<16xf32>
        %get3A_1328 = arith.constant 40 : i32
        %get3A_1329 = arith.index_cast %get3A_1328 : i32 to index
        %get3A_1330 = arith.index_cast %select_n3A_827 : i32 to index
        %get3A_1331 = arith.index_cast %select_n3A_843 : i32 to index
        %get3A_1332 = tpu.vector_load %arg5[%get3A_1329, %get3A_1330, %get3A_1331] {strides = array<i32>} : memref<85x4x64xf32, #tpu.memory_space<vmem>>, vector<16xf32>,
        %exp3A_1333 = math.exp %get3A_1332 : vector<16xf32>
        %add3A_1334 = arith.addf %add3A_1310, %exp3A_1333 : vector<16xf32>
        %gt3A_1335 = arith.cmpf ogt, %get3A_1332, %max3A_1324 : vector<16xf32>
        %max3A_1336 = arith.maximumf %get3A_1332, %max3A_1324 : vector<16xf32>
        %jit3A_1337 = arith.constant 3.500000e+01 : f32
        %broadcast_in_dim3A_1338 = vector.broadcast %jit3A_1337 : f32 to vector<16xf32>
        %select_n3A_1339 = arith.select %gt3A_1335, %broadcast_in_dim3A_1338, %select_n3A_1327 : vector<16xi1>, vector<16xf32>
        %get3A_1340 = arith.constant 41 : i32
        %get3A_1341 = arith.index_cast %get3A_1340 : i32 to index
        %get3A_1342 = arith.index_cast %select_n3A_827 : i32 to index
        %get3A_1343 = arith.index_cast %select_n3A_843 : i32 to index
        %get3A_1344 = tpu.vector_load %arg5[%get3A_1341, %get3A_1342, %get3A_1343] {strides = array<i32>} : memref<85x4x64xf32, #tpu.memory_space<vmem>>, vector<16xf32>,
        %exp3A_1345 = math.exp %get3A_1344 : vector<16xf32>
        %add3A_1346 = arith.addf %add3A_1322, %exp3A_1345 : vector<16xf32>
        %gt3A_1347 = arith.cmpf ogt, %get3A_1344, %max3A_1336 : vector<16xf32>
        %max3A_1348 = arith.maximumf %get3A_1344, %max3A_1336 : vector<16xf32>
        %jit3A_1349 = arith.constant 3.600000e+01 : f32
        %broadcast_in_dim3A_1350 = vector.broadcast %jit3A_1349 : f32 to vector<16xf32>
        %select_n3A_1351 = arith.select %gt3A_1347, %broadcast_in_dim3A_1350, %select_n3A_1339 : vector<16xi1>, vector<16xf32>
        %get3A_1352 = arith.constant 42 : i32
        %get3A_1353 = arith.index_cast %get3A_1352 : i32 to index
        %get3A_1354 = arith.index_cast %select_n3A_827 : i32 to index
        %get3A_1355 = arith.index_cast %select_n3A_843 : i32 to index
        %get3A_1356 = tpu.vector_load %arg5[%get3A_1353, %get3A_1354, %get3A_1355] {strides = array<i32>} : memref<85x4x64xf32, #tpu.memory_space<vmem>>, vector<16xf32>,
        %exp3A_1357 = math.exp %get3A_1356 : vector<16xf32>
        %add3A_1358 = arith.addf %add3A_1334, %exp3A_1357 : vector<16xf32>
        %gt3A_1359 = arith.cmpf ogt, %get3A_1356, %max3A_1348 : vector<16xf32>
        %max3A_1360 = arith.maximumf %get3A_1356, %max3A_1348 : vector<16xf32>
        %jit3A_1361 = arith.constant 3.700000e+01 : f32
        %broadcast_in_dim3A_1362 = vector.broadcast %jit3A_1361 : f32 to vector<16xf32>
        %select_n3A_1363 = arith.select %gt3A_1359, %broadcast_in_dim3A_1362, %select_n3A_1351 : vector<16xi1>, vector<16xf32>
        %get3A_1364 = arith.constant 43 : i32
        %get3A_1365 = arith.index_cast %get3A_1364 : i32 to index
        %get3A_1366 = arith.index_cast %select_n3A_827 : i32 to index
        %get3A_1367 = arith.index_cast %select_n3A_843 : i32 to index
        %get3A_1368 = tpu.vector_load %arg5[%get3A_1365, %get3A_1366, %get3A_1367] {strides = array<i32>} : memref<85x4x64xf32, #tpu.memory_space<vmem>>, vector<16xf32>,
        %exp3A_1369 = math.exp %get3A_1368 : vector<16xf32>
        %add3A_1370 = arith.addf %add3A_1346, %exp3A_1369 : vector<16xf32>
        %gt3A_1371 = arith.cmpf ogt, %get3A_1368, %max3A_1360 : vector<16xf32>
        %max3A_1372 = arith.maximumf %get3A_1368, %max3A_1360 : vector<16xf32>
        %jit3A_1373 = arith.constant 3.800000e+01 : f32
        %broadcast_in_dim3A_1374 = vector.broadcast %jit3A_1373 : f32 to vector<16xf32>
        %select_n3A_1375 = arith.select %gt3A_1371, %broadcast_in_dim3A_1374, %select_n3A_1363 : vector<16xi1>, vector<16xf32>
        %get3A_1376 = arith.constant 44 : i32
        %get3A_1377 = arith.index_cast %get3A_1376 : i32 to index
        %get3A_1378 = arith.index_cast %select_n3A_827 : i32 to index
        %get3A_1379 = arith.index_cast %select_n3A_843 : i32 to index
        %get3A_1380 = tpu.vector_load %arg5[%get3A_1377, %get3A_1378, %get3A_1379] {strides = array<i32>} : memref<85x4x64xf32, #tpu.memory_space<vmem>>, vector<16xf32>,
        %exp3A_1381 = math.exp %get3A_1380 : vector<16xf32>
        %add3A_1382 = arith.addf %add3A_1358, %exp3A_1381 : vector<16xf32>
        %gt3A_1383 = arith.cmpf ogt, %get3A_1380, %max3A_1372 : vector<16xf32>
        %max3A_1384 = arith.maximumf %get3A_1380, %max3A_1372 : vector<16xf32>
        %jit3A_1385 = arith.constant 3.900000e+01 : f32
        %broadcast_in_dim3A_1386 = vector.broadcast %jit3A_1385 : f32 to vector<16xf32>
        %select_n3A_1387 = arith.select %gt3A_1383, %broadcast_in_dim3A_1386, %select_n3A_1375 : vector<16xi1>, vector<16xf32>
        %add3A_1388 = arith.addf %add3A_1370, %add3A_1382 : vector<16xf32>
        %get3A_1389 = arith.constant 45 : i32
        %get3A_1390 = arith.index_cast %get3A_1389 : i32 to index
        %get3A_1391 = arith.index_cast %select_n3A_827 : i32 to index
        %get3A_1392 = arith.index_cast %select_n3A_843 : i32 to index
        %get3A_1393 = tpu.vector_load %arg5[%get3A_1390, %get3A_1391, %get3A_1392] {strides = array<i32>} : memref<85x4x64xf32, #tpu.memory_space<vmem>>, vector<16xf32>,
        %broadcast_in_dim3A_1394 = arith.constant 4.000000e+01 : f32
        %broadcast_in_dim3A_1395 = vector.broadcast %broadcast_in_dim3A_1394 : f32 to vector<16xf32>
        %exp3A_1396 = math.exp %get3A_1393 : vector<16xf32>
        %broadcast_in_dim3A_1397 = arith.constant 0.000000e+00 : f32
        %broadcast_in_dim3A_1398 = vector.broadcast %broadcast_in_dim3A_1397 : f32 to vector<16xf32>
        %get3A_1399 = arith.constant 46 : i32
        %get3A_1400 = arith.index_cast %get3A_1399 : i32 to index
        %get3A_1401 = arith.index_cast %select_n3A_827 : i32 to index
        %get3A_1402 = arith.index_cast %select_n3A_843 : i32 to index
        %get3A_1403 = tpu.vector_load %arg5[%get3A_1400, %get3A_1401, %get3A_1402] {strides = array<i32>} : memref<85x4x64xf32, #tpu.memory_space<vmem>>, vector<16xf32>,
        %exp3A_1404 = math.exp %get3A_1403 : vector<16xf32>
        %add3A_1405 = arith.addf %broadcast_in_dim3A_1398, %exp3A_1404 : vector<16xf32>
        %gt3A_1406 = arith.cmpf ogt, %get3A_1403, %get3A_1393 : vector<16xf32>
        %max3A_1407 = arith.maximumf %get3A_1403, %get3A_1393 : vector<16xf32>
        %jit3A_1408 = arith.constant 4.100000e+01 : f32
        %broadcast_in_dim3A_1409 = vector.broadcast %jit3A_1408 : f32 to vector<16xf32>
        %select_n3A_1410 = arith.select %gt3A_1406, %broadcast_in_dim3A_1409, %broadcast_in_dim3A_1395 : vector<16xi1>, vector<16xf32>
        %get3A_1411 = arith.constant 47 : i32
        %get3A_1412 = arith.index_cast %get3A_1411 : i32 to index
        %get3A_1413 = arith.index_cast %select_n3A_827 : i32 to index
        %get3A_1414 = arith.index_cast %select_n3A_843 : i32 to index
        %get3A_1415 = tpu.vector_load %arg5[%get3A_1412, %get3A_1413, %get3A_1414] {strides = array<i32>} : memref<85x4x64xf32, #tpu.memory_space<vmem>>, vector<16xf32>,
        %exp3A_1416 = math.exp %get3A_1415 : vector<16xf32>
        %add3A_1417 = arith.addf %exp3A_1396, %exp3A_1416 : vector<16xf32>
        %gt3A_1418 = arith.cmpf ogt, %get3A_1415, %max3A_1407 : vector<16xf32>
        %max3A_1419 = arith.maximumf %get3A_1415, %max3A_1407 : vector<16xf32>
        %jit3A_1420 = arith.constant 4.200000e+01 : f32
        %broadcast_in_dim3A_1421 = vector.broadcast %jit3A_1420 : f32 to vector<16xf32>
        %select_n3A_1422 = arith.select %gt3A_1418, %broadcast_in_dim3A_1421, %select_n3A_1410 : vector<16xi1>, vector<16xf32>
        %get3A_1423 = arith.constant 48 : i32
        %get3A_1424 = arith.index_cast %get3A_1423 : i32 to index
        %get3A_1425 = arith.index_cast %select_n3A_827 : i32 to index
        %get3A_1426 = arith.index_cast %select_n3A_843 : i32 to index
        %get3A_1427 = tpu.vector_load %arg5[%get3A_1424, %get3A_1425, %get3A_1426] {strides = array<i32>} : memref<85x4x64xf32, #tpu.memory_space<vmem>>, vector<16xf32>,
        %exp3A_1428 = math.exp %get3A_1427 : vector<16xf32>
        %add3A_1429 = arith.addf %add3A_1405, %exp3A_1428 : vector<16xf32>
        %gt3A_1430 = arith.cmpf ogt, %get3A_1427, %max3A_1419 : vector<16xf32>
        %max3A_1431 = arith.maximumf %get3A_1427, %max3A_1419 : vector<16xf32>
        %jit3A_1432 = arith.constant 4.300000e+01 : f32
        %broadcast_in_dim3A_1433 = vector.broadcast %jit3A_1432 : f32 to vector<16xf32>
        %select_n3A_1434 = arith.select %gt3A_1430, %broadcast_in_dim3A_1433, %select_n3A_1422 : vector<16xi1>, vector<16xf32>
        %get3A_1435 = arith.constant 49 : i32
        %get3A_1436 = arith.index_cast %get3A_1435 : i32 to index
        %get3A_1437 = arith.index_cast %select_n3A_827 : i32 to index
        %get3A_1438 = arith.index_cast %select_n3A_843 : i32 to index
        %get3A_1439 = tpu.vector_load %arg5[%get3A_1436, %get3A_1437, %get3A_1438] {strides = array<i32>} : memref<85x4x64xf32, #tpu.memory_space<vmem>>, vector<16xf32>,
        %exp3A_1440 = math.exp %get3A_1439 : vector<16xf32>
        %add3A_1441 = arith.addf %add3A_1417, %exp3A_1440 : vector<16xf32>
        %gt3A_1442 = arith.cmpf ogt, %get3A_1439, %max3A_1431 : vector<16xf32>
        %max3A_1443 = arith.maximumf %get3A_1439, %max3A_1431 : vector<16xf32>
        %jit3A_1444 = arith.constant 4.400000e+01 : f32
        %broadcast_in_dim3A_1445 = vector.broadcast %jit3A_1444 : f32 to vector<16xf32>
        %select_n3A_1446 = arith.select %gt3A_1442, %broadcast_in_dim3A_1445, %select_n3A_1434 : vector<16xi1>, vector<16xf32>
        %get3A_1447 = arith.constant 50 : i32
        %get3A_1448 = arith.index_cast %get3A_1447 : i32 to index
        %get3A_1449 = arith.index_cast %select_n3A_827 : i32 to index
        %get3A_1450 = arith.index_cast %select_n3A_843 : i32 to index
        %get3A_1451 = tpu.vector_load %arg5[%get3A_1448, %get3A_1449, %get3A_1450] {strides = array<i32>} : memref<85x4x64xf32, #tpu.memory_space<vmem>>, vector<16xf32>,
        %exp3A_1452 = math.exp %get3A_1451 : vector<16xf32>
        %add3A_1453 = arith.addf %add3A_1429, %exp3A_1452 : vector<16xf32>
        %gt3A_1454 = arith.cmpf ogt, %get3A_1451, %max3A_1443 : vector<16xf32>
        %max3A_1455 = arith.maximumf %get3A_1451, %max3A_1443 : vector<16xf32>
        %jit3A_1456 = arith.constant 4.500000e+01 : f32
        %broadcast_in_dim3A_1457 = vector.broadcast %jit3A_1456 : f32 to vector<16xf32>
        %select_n3A_1458 = arith.select %gt3A_1454, %broadcast_in_dim3A_1457, %select_n3A_1446 : vector<16xi1>, vector<16xf32>
        %get3A_1459 = arith.constant 51 : i32
        %get3A_1460 = arith.index_cast %get3A_1459 : i32 to index
        %get3A_1461 = arith.index_cast %select_n3A_827 : i32 to index
        %get3A_1462 = arith.index_cast %select_n3A_843 : i32 to index
        %get3A_1463 = tpu.vector_load %arg5[%get3A_1460, %get3A_1461, %get3A_1462] {strides = array<i32>} : memref<85x4x64xf32, #tpu.memory_space<vmem>>, vector<16xf32>,
        %exp3A_1464 = math.exp %get3A_1463 : vector<16xf32>
        %add3A_1465 = arith.addf %add3A_1441, %exp3A_1464 : vector<16xf32>
        %gt3A_1466 = arith.cmpf ogt, %get3A_1463, %max3A_1455 : vector<16xf32>
        %max3A_1467 = arith.maximumf %get3A_1463, %max3A_1455 : vector<16xf32>
        %jit3A_1468 = arith.constant 4.600000e+01 : f32
        %broadcast_in_dim3A_1469 = vector.broadcast %jit3A_1468 : f32 to vector<16xf32>
        %select_n3A_1470 = arith.select %gt3A_1466, %broadcast_in_dim3A_1469, %select_n3A_1458 : vector<16xi1>, vector<16xf32>
        %get3A_1471 = arith.constant 52 : i32
        %get3A_1472 = arith.index_cast %get3A_1471 : i32 to index
        %get3A_1473 = arith.index_cast %select_n3A_827 : i32 to index
        %get3A_1474 = arith.index_cast %select_n3A_843 : i32 to index
        %get3A_1475 = tpu.vector_load %arg5[%get3A_1472, %get3A_1473, %get3A_1474] {strides = array<i32>} : memref<85x4x64xf32, #tpu.memory_space<vmem>>, vector<16xf32>,
        %exp3A_1476 = math.exp %get3A_1475 : vector<16xf32>
        %add3A_1477 = arith.addf %add3A_1453, %exp3A_1476 : vector<16xf32>
        %gt3A_1478 = arith.cmpf ogt, %get3A_1475, %max3A_1467 : vector<16xf32>
        %max3A_1479 = arith.maximumf %get3A_1475, %max3A_1467 : vector<16xf32>
        %jit3A_1480 = arith.constant 4.700000e+01 : f32
        %broadcast_in_dim3A_1481 = vector.broadcast %jit3A_1480 : f32 to vector<16xf32>
        %select_n3A_1482 = arith.select %gt3A_1478, %broadcast_in_dim3A_1481, %select_n3A_1470 : vector<16xi1>, vector<16xf32>
        %get3A_1483 = arith.constant 53 : i32
        %get3A_1484 = arith.index_cast %get3A_1483 : i32 to index
        %get3A_1485 = arith.index_cast %select_n3A_827 : i32 to index
        %get3A_1486 = arith.index_cast %select_n3A_843 : i32 to index
        %get3A_1487 = tpu.vector_load %arg5[%get3A_1484, %get3A_1485, %get3A_1486] {strides = array<i32>} : memref<85x4x64xf32, #tpu.memory_space<vmem>>, vector<16xf32>,
        %exp3A_1488 = math.exp %get3A_1487 : vector<16xf32>
        %add3A_1489 = arith.addf %add3A_1465, %exp3A_1488 : vector<16xf32>
        %gt3A_1490 = arith.cmpf ogt, %get3A_1487, %max3A_1479 : vector<16xf32>
        %max3A_1491 = arith.maximumf %get3A_1487, %max3A_1479 : vector<16xf32>
        %jit3A_1492 = arith.constant 4.800000e+01 : f32
        %broadcast_in_dim3A_1493 = vector.broadcast %jit3A_1492 : f32 to vector<16xf32>
        %select_n3A_1494 = arith.select %gt3A_1490, %broadcast_in_dim3A_1493, %select_n3A_1482 : vector<16xi1>, vector<16xf32>
        %get3A_1495 = arith.constant 54 : i32
        %get3A_1496 = arith.index_cast %get3A_1495 : i32 to index
        %get3A_1497 = arith.index_cast %select_n3A_827 : i32 to index
        %get3A_1498 = arith.index_cast %select_n3A_843 : i32 to index
        %get3A_1499 = tpu.vector_load %arg5[%get3A_1496, %get3A_1497, %get3A_1498] {strides = array<i32>} : memref<85x4x64xf32, #tpu.memory_space<vmem>>, vector<16xf32>,
        %exp3A_1500 = math.exp %get3A_1499 : vector<16xf32>
        %add3A_1501 = arith.addf %add3A_1477, %exp3A_1500 : vector<16xf32>
        %gt3A_1502 = arith.cmpf ogt, %get3A_1499, %max3A_1491 : vector<16xf32>
        %max3A_1503 = arith.maximumf %get3A_1499, %max3A_1491 : vector<16xf32>
        %jit3A_1504 = arith.constant 4.900000e+01 : f32
        %broadcast_in_dim3A_1505 = vector.broadcast %jit3A_1504 : f32 to vector<16xf32>
        %select_n3A_1506 = arith.select %gt3A_1502, %broadcast_in_dim3A_1505, %select_n3A_1494 : vector<16xi1>, vector<16xf32>
        %get3A_1507 = arith.constant 55 : i32
        %get3A_1508 = arith.index_cast %get3A_1507 : i32 to index
        %get3A_1509 = arith.index_cast %select_n3A_827 : i32 to index
        %get3A_1510 = arith.index_cast %select_n3A_843 : i32 to index
        %get3A_1511 = tpu.vector_load %arg5[%get3A_1508, %get3A_1509, %get3A_1510] {strides = array<i32>} : memref<85x4x64xf32, #tpu.memory_space<vmem>>, vector<16xf32>,
        %exp3A_1512 = math.exp %get3A_1511 : vector<16xf32>
        %add3A_1513 = arith.addf %add3A_1489, %exp3A_1512 : vector<16xf32>
        %gt3A_1514 = arith.cmpf ogt, %get3A_1511, %max3A_1503 : vector<16xf32>
        %max3A_1515 = arith.maximumf %get3A_1511, %max3A_1503 : vector<16xf32>
        %jit3A_1516 = arith.constant 5.000000e+01 : f32
        %broadcast_in_dim3A_1517 = vector.broadcast %jit3A_1516 : f32 to vector<16xf32>
        %select_n3A_1518 = arith.select %gt3A_1514, %broadcast_in_dim3A_1517, %select_n3A_1506 : vector<16xi1>, vector<16xf32>
        %get3A_1519 = arith.constant 56 : i32
        %get3A_1520 = arith.index_cast %get3A_1519 : i32 to index
        %get3A_1521 = arith.index_cast %select_n3A_827 : i32 to index
        %get3A_1522 = arith.index_cast %select_n3A_843 : i32 to index
        %get3A_1523 = tpu.vector_load %arg5[%get3A_1520, %get3A_1521, %get3A_1522] {strides = array<i32>} : memref<85x4x64xf32, #tpu.memory_space<vmem>>, vector<16xf32>,
        %exp3A_1524 = math.exp %get3A_1523 : vector<16xf32>
        %add3A_1525 = arith.addf %add3A_1501, %exp3A_1524 : vector<16xf32>
        %gt3A_1526 = arith.cmpf ogt, %get3A_1523, %max3A_1515 : vector<16xf32>
        %max3A_1527 = arith.maximumf %get3A_1523, %max3A_1515 : vector<16xf32>
        %jit3A_1528 = arith.constant 5.100000e+01 : f32
        %broadcast_in_dim3A_1529 = vector.broadcast %jit3A_1528 : f32 to vector<16xf32>
        %select_n3A_1530 = arith.select %gt3A_1526, %broadcast_in_dim3A_1529, %select_n3A_1518 : vector<16xi1>, vector<16xf32>
        %get3A_1531 = arith.constant 57 : i32
        %get3A_1532 = arith.index_cast %get3A_1531 : i32 to index
        %get3A_1533 = arith.index_cast %select_n3A_827 : i32 to index
        %get3A_1534 = arith.index_cast %select_n3A_843 : i32 to index
        %get3A_1535 = tpu.vector_load %arg5[%get3A_1532, %get3A_1533, %get3A_1534] {strides = array<i32>} : memref<85x4x64xf32, #tpu.memory_space<vmem>>, vector<16xf32>,
        %exp3A_1536 = math.exp %get3A_1535 : vector<16xf32>
        %add3A_1537 = arith.addf %add3A_1513, %exp3A_1536 : vector<16xf32>
        %gt3A_1538 = arith.cmpf ogt, %get3A_1535, %max3A_1527 : vector<16xf32>
        %max3A_1539 = arith.maximumf %get3A_1535, %max3A_1527 : vector<16xf32>
        %jit3A_1540 = arith.constant 5.200000e+01 : f32
        %broadcast_in_dim3A_1541 = vector.broadcast %jit3A_1540 : f32 to vector<16xf32>
        %select_n3A_1542 = arith.select %gt3A_1538, %broadcast_in_dim3A_1541, %select_n3A_1530 : vector<16xi1>, vector<16xf32>
        %get3A_1543 = arith.constant 58 : i32
        %get3A_1544 = arith.index_cast %get3A_1543 : i32 to index
        %get3A_1545 = arith.index_cast %select_n3A_827 : i32 to index
        %get3A_1546 = arith.index_cast %select_n3A_843 : i32 to index
        %get3A_1547 = tpu.vector_load %arg5[%get3A_1544, %get3A_1545, %get3A_1546] {strides = array<i32>} : memref<85x4x64xf32, #tpu.memory_space<vmem>>, vector<16xf32>,
        %exp3A_1548 = math.exp %get3A_1547 : vector<16xf32>
        %add3A_1549 = arith.addf %add3A_1525, %exp3A_1548 : vector<16xf32>
        %gt3A_1550 = arith.cmpf ogt, %get3A_1547, %max3A_1539 : vector<16xf32>
        %max3A_1551 = arith.maximumf %get3A_1547, %max3A_1539 : vector<16xf32>
        %jit3A_1552 = arith.constant 5.300000e+01 : f32
        %broadcast_in_dim3A_1553 = vector.broadcast %jit3A_1552 : f32 to vector<16xf32>
        %select_n3A_1554 = arith.select %gt3A_1550, %broadcast_in_dim3A_1553, %select_n3A_1542 : vector<16xi1>, vector<16xf32>
        %get3A_1555 = arith.constant 59 : i32
        %get3A_1556 = arith.index_cast %get3A_1555 : i32 to index
        %get3A_1557 = arith.index_cast %select_n3A_827 : i32 to index
        %get3A_1558 = arith.index_cast %select_n3A_843 : i32 to index
        %get3A_1559 = tpu.vector_load %arg5[%get3A_1556, %get3A_1557, %get3A_1558] {strides = array<i32>} : memref<85x4x64xf32, #tpu.memory_space<vmem>>, vector<16xf32>,
        %exp3A_1560 = math.exp %get3A_1559 : vector<16xf32>
        %add3A_1561 = arith.addf %add3A_1537, %exp3A_1560 : vector<16xf32>
        %gt3A_1562 = arith.cmpf ogt, %get3A_1559, %max3A_1551 : vector<16xf32>
        %max3A_1563 = arith.maximumf %get3A_1559, %max3A_1551 : vector<16xf32>
        %jit3A_1564 = arith.constant 5.400000e+01 : f32
        %broadcast_in_dim3A_1565 = vector.broadcast %jit3A_1564 : f32 to vector<16xf32>
        %select_n3A_1566 = arith.select %gt3A_1562, %broadcast_in_dim3A_1565, %select_n3A_1554 : vector<16xi1>, vector<16xf32>
        %get3A_1567 = arith.constant 60 : i32
        %get3A_1568 = arith.index_cast %get3A_1567 : i32 to index
        %get3A_1569 = arith.index_cast %select_n3A_827 : i32 to index
        %get3A_1570 = arith.index_cast %select_n3A_843 : i32 to index
        %get3A_1571 = tpu.vector_load %arg5[%get3A_1568, %get3A_1569, %get3A_1570] {strides = array<i32>} : memref<85x4x64xf32, #tpu.memory_space<vmem>>, vector<16xf32>,
        %exp3A_1572 = math.exp %get3A_1571 : vector<16xf32>
        %add3A_1573 = arith.addf %add3A_1549, %exp3A_1572 : vector<16xf32>
        %gt3A_1574 = arith.cmpf ogt, %get3A_1571, %max3A_1563 : vector<16xf32>
        %max3A_1575 = arith.maximumf %get3A_1571, %max3A_1563 : vector<16xf32>
        %jit3A_1576 = arith.constant 5.500000e+01 : f32
        %broadcast_in_dim3A_1577 = vector.broadcast %jit3A_1576 : f32 to vector<16xf32>
        %select_n3A_1578 = arith.select %gt3A_1574, %broadcast_in_dim3A_1577, %select_n3A_1566 : vector<16xi1>, vector<16xf32>
        %get3A_1579 = arith.constant 61 : i32
        %get3A_1580 = arith.index_cast %get3A_1579 : i32 to index
        %get3A_1581 = arith.index_cast %select_n3A_827 : i32 to index
        %get3A_1582 = arith.index_cast %select_n3A_843 : i32 to index
        %get3A_1583 = tpu.vector_load %arg5[%get3A_1580, %get3A_1581, %get3A_1582] {strides = array<i32>} : memref<85x4x64xf32, #tpu.memory_space<vmem>>, vector<16xf32>,
        %exp3A_1584 = math.exp %get3A_1583 : vector<16xf32>
        %add3A_1585 = arith.addf %add3A_1561, %exp3A_1584 : vector<16xf32>
        %gt3A_1586 = arith.cmpf ogt, %get3A_1583, %max3A_1575 : vector<16xf32>
        %max3A_1587 = arith.maximumf %get3A_1583, %max3A_1575 : vector<16xf32>
        %jit3A_1588 = arith.constant 5.600000e+01 : f32
        %broadcast_in_dim3A_1589 = vector.broadcast %jit3A_1588 : f32 to vector<16xf32>
        %select_n3A_1590 = arith.select %gt3A_1586, %broadcast_in_dim3A_1589, %select_n3A_1578 : vector<16xi1>, vector<16xf32>
        %get3A_1591 = arith.constant 62 : i32
        %get3A_1592 = arith.index_cast %get3A_1591 : i32 to index
        %get3A_1593 = arith.index_cast %select_n3A_827 : i32 to index
        %get3A_1594 = arith.index_cast %select_n3A_843 : i32 to index
        %get3A_1595 = tpu.vector_load %arg5[%get3A_1592, %get3A_1593, %get3A_1594] {strides = array<i32>} : memref<85x4x64xf32, #tpu.memory_space<vmem>>, vector<16xf32>,
        %exp3A_1596 = math.exp %get3A_1595 : vector<16xf32>
        %add3A_1597 = arith.addf %add3A_1573, %exp3A_1596 : vector<16xf32>
        %gt3A_1598 = arith.cmpf ogt, %get3A_1595, %max3A_1587 : vector<16xf32>
        %max3A_1599 = arith.maximumf %get3A_1595, %max3A_1587 : vector<16xf32>
        %jit3A_1600 = arith.constant 5.700000e+01 : f32
        %broadcast_in_dim3A_1601 = vector.broadcast %jit3A_1600 : f32 to vector<16xf32>
        %select_n3A_1602 = arith.select %gt3A_1598, %broadcast_in_dim3A_1601, %select_n3A_1590 : vector<16xi1>, vector<16xf32>
        %get3A_1603 = arith.constant 63 : i32
        %get3A_1604 = arith.index_cast %get3A_1603 : i32 to index
        %get3A_1605 = arith.index_cast %select_n3A_827 : i32 to index
        %get3A_1606 = arith.index_cast %select_n3A_843 : i32 to index
        %get3A_1607 = tpu.vector_load %arg5[%get3A_1604, %get3A_1605, %get3A_1606] {strides = array<i32>} : memref<85x4x64xf32, #tpu.memory_space<vmem>>, vector<16xf32>,
        %exp3A_1608 = math.exp %get3A_1607 : vector<16xf32>
        %add3A_1609 = arith.addf %add3A_1585, %exp3A_1608 : vector<16xf32>
        %gt3A_1610 = arith.cmpf ogt, %get3A_1607, %max3A_1599 : vector<16xf32>
        %max3A_1611 = arith.maximumf %get3A_1607, %max3A_1599 : vector<16xf32>
        %jit3A_1612 = arith.constant 5.800000e+01 : f32
        %broadcast_in_dim3A_1613 = vector.broadcast %jit3A_1612 : f32 to vector<16xf32>
        %select_n3A_1614 = arith.select %gt3A_1610, %broadcast_in_dim3A_1613, %select_n3A_1602 : vector<16xi1>, vector<16xf32>
        %get3A_1615 = arith.constant 64 : i32
        %get3A_1616 = arith.index_cast %get3A_1615 : i32 to index
        %get3A_1617 = arith.index_cast %select_n3A_827 : i32 to index
        %get3A_1618 = arith.index_cast %select_n3A_843 : i32 to index
        %get3A_1619 = tpu.vector_load %arg5[%get3A_1616, %get3A_1617, %get3A_1618] {strides = array<i32>} : memref<85x4x64xf32, #tpu.memory_space<vmem>>, vector<16xf32>,
        %exp3A_1620 = math.exp %get3A_1619 : vector<16xf32>
        %add3A_1621 = arith.addf %add3A_1597, %exp3A_1620 : vector<16xf32>
        %gt3A_1622 = arith.cmpf ogt, %get3A_1619, %max3A_1611 : vector<16xf32>
        %max3A_1623 = arith.maximumf %get3A_1619, %max3A_1611 : vector<16xf32>
        %jit3A_1624 = arith.constant 5.900000e+01 : f32
        %broadcast_in_dim3A_1625 = vector.broadcast %jit3A_1624 : f32 to vector<16xf32>
        %select_n3A_1626 = arith.select %gt3A_1622, %broadcast_in_dim3A_1625, %select_n3A_1614 : vector<16xi1>, vector<16xf32>
        %add3A_1627 = arith.addf %add3A_1609, %add3A_1621 : vector<16xf32>
        %get3A_1628 = arith.constant 65 : i32
        %get3A_1629 = arith.index_cast %get3A_1628 : i32 to index
        %get3A_1630 = arith.index_cast %select_n3A_827 : i32 to index
        %get3A_1631 = arith.index_cast %select_n3A_843 : i32 to index
        %get3A_1632 = tpu.vector_load %arg5[%get3A_1629, %get3A_1630, %get3A_1631] {strides = array<i32>} : memref<85x4x64xf32, #tpu.memory_space<vmem>>, vector<16xf32>,
        %broadcast_in_dim3A_1633 = arith.constant 6.000000e+01 : f32
        %broadcast_in_dim3A_1634 = vector.broadcast %broadcast_in_dim3A_1633 : f32 to vector<16xf32>
        %exp3A_1635 = math.exp %get3A_1632 : vector<16xf32>
        %broadcast_in_dim3A_1636 = arith.constant 0.000000e+00 : f32
        %broadcast_in_dim3A_1637 = vector.broadcast %broadcast_in_dim3A_1636 : f32 to vector<16xf32>
        %get3A_1638 = arith.constant 66 : i32
        %get3A_1639 = arith.index_cast %get3A_1638 : i32 to index
        %get3A_1640 = arith.index_cast %select_n3A_827 : i32 to index
        %get3A_1641 = arith.index_cast %select_n3A_843 : i32 to index
        %get3A_1642 = tpu.vector_load %arg5[%get3A_1639, %get3A_1640, %get3A_1641] {strides = array<i32>} : memref<85x4x64xf32, #tpu.memory_space<vmem>>, vector<16xf32>,
        %exp3A_1643 = math.exp %get3A_1642 : vector<16xf32>
        %add3A_1644 = arith.addf %broadcast_in_dim3A_1637, %exp3A_1643 : vector<16xf32>
        %gt3A_1645 = arith.cmpf ogt, %get3A_1642, %get3A_1632 : vector<16xf32>
        %max3A_1646 = arith.maximumf %get3A_1642, %get3A_1632 : vector<16xf32>
        %jit3A_1647 = arith.constant 6.100000e+01 : f32
        %broadcast_in_dim3A_1648 = vector.broadcast %jit3A_1647 : f32 to vector<16xf32>
        %select_n3A_1649 = arith.select %gt3A_1645, %broadcast_in_dim3A_1648, %broadcast_in_dim3A_1634 : vector<16xi1>, vector<16xf32>
        %get3A_1650 = arith.constant 67 : i32
        %get3A_1651 = arith.index_cast %get3A_1650 : i32 to index
        %get3A_1652 = arith.index_cast %select_n3A_827 : i32 to index
        %get3A_1653 = arith.index_cast %select_n3A_843 : i32 to index
        %get3A_1654 = tpu.vector_load %arg5[%get3A_1651, %get3A_1652, %get3A_1653] {strides = array<i32>} : memref<85x4x64xf32, #tpu.memory_space<vmem>>, vector<16xf32>,
        %exp3A_1655 = math.exp %get3A_1654 : vector<16xf32>
        %add3A_1656 = arith.addf %exp3A_1635, %exp3A_1655 : vector<16xf32>
        %gt3A_1657 = arith.cmpf ogt, %get3A_1654, %max3A_1646 : vector<16xf32>
        %max3A_1658 = arith.maximumf %get3A_1654, %max3A_1646 : vector<16xf32>
        %jit3A_1659 = arith.constant 6.200000e+01 : f32
        %broadcast_in_dim3A_1660 = vector.broadcast %jit3A_1659 : f32 to vector<16xf32>
        %select_n3A_1661 = arith.select %gt3A_1657, %broadcast_in_dim3A_1660, %select_n3A_1649 : vector<16xi1>, vector<16xf32>
        %get3A_1662 = arith.constant 68 : i32
        %get3A_1663 = arith.index_cast %get3A_1662 : i32 to index
        %get3A_1664 = arith.index_cast %select_n3A_827 : i32 to index
        %get3A_1665 = arith.index_cast %select_n3A_843 : i32 to index
        %get3A_1666 = tpu.vector_load %arg5[%get3A_1663, %get3A_1664, %get3A_1665] {strides = array<i32>} : memref<85x4x64xf32, #tpu.memory_space<vmem>>, vector<16xf32>,
        %exp3A_1667 = math.exp %get3A_1666 : vector<16xf32>
        %add3A_1668 = arith.addf %add3A_1644, %exp3A_1667 : vector<16xf32>
        %gt3A_1669 = arith.cmpf ogt, %get3A_1666, %max3A_1658 : vector<16xf32>
        %max3A_1670 = arith.maximumf %get3A_1666, %max3A_1658 : vector<16xf32>
        %jit3A_1671 = arith.constant 6.300000e+01 : f32
        %broadcast_in_dim3A_1672 = vector.broadcast %jit3A_1671 : f32 to vector<16xf32>
        %select_n3A_1673 = arith.select %gt3A_1669, %broadcast_in_dim3A_1672, %select_n3A_1661 : vector<16xi1>, vector<16xf32>
        %get3A_1674 = arith.constant 69 : i32
        %get3A_1675 = arith.index_cast %get3A_1674 : i32 to index
        %get3A_1676 = arith.index_cast %select_n3A_827 : i32 to index
        %get3A_1677 = arith.index_cast %select_n3A_843 : i32 to index
        %get3A_1678 = tpu.vector_load %arg5[%get3A_1675, %get3A_1676, %get3A_1677] {strides = array<i32>} : memref<85x4x64xf32, #tpu.memory_space<vmem>>, vector<16xf32>,
        %exp3A_1679 = math.exp %get3A_1678 : vector<16xf32>
        %add3A_1680 = arith.addf %add3A_1656, %exp3A_1679 : vector<16xf32>
        %gt3A_1681 = arith.cmpf ogt, %get3A_1678, %max3A_1670 : vector<16xf32>
        %max3A_1682 = arith.maximumf %get3A_1678, %max3A_1670 : vector<16xf32>
        %jit3A_1683 = arith.constant 6.400000e+01 : f32
        %broadcast_in_dim3A_1684 = vector.broadcast %jit3A_1683 : f32 to vector<16xf32>
        %select_n3A_1685 = arith.select %gt3A_1681, %broadcast_in_dim3A_1684, %select_n3A_1673 : vector<16xi1>, vector<16xf32>
        %get3A_1686 = arith.constant 70 : i32
        %get3A_1687 = arith.index_cast %get3A_1686 : i32 to index
        %get3A_1688 = arith.index_cast %select_n3A_827 : i32 to index
        %get3A_1689 = arith.index_cast %select_n3A_843 : i32 to index
        %get3A_1690 = tpu.vector_load %arg5[%get3A_1687, %get3A_1688, %get3A_1689] {strides = array<i32>} : memref<85x4x64xf32, #tpu.memory_space<vmem>>, vector<16xf32>,
        %exp3A_1691 = math.exp %get3A_1690 : vector<16xf32>
        %add3A_1692 = arith.addf %add3A_1668, %exp3A_1691 : vector<16xf32>
        %gt3A_1693 = arith.cmpf ogt, %get3A_1690, %max3A_1682 : vector<16xf32>
        %max3A_1694 = arith.maximumf %get3A_1690, %max3A_1682 : vector<16xf32>
        %jit3A_1695 = arith.constant 6.500000e+01 : f32
        %broadcast_in_dim3A_1696 = vector.broadcast %jit3A_1695 : f32 to vector<16xf32>
        %select_n3A_1697 = arith.select %gt3A_1693, %broadcast_in_dim3A_1696, %select_n3A_1685 : vector<16xi1>, vector<16xf32>
        %get3A_1698 = arith.constant 71 : i32
        %get3A_1699 = arith.index_cast %get3A_1698 : i32 to index
        %get3A_1700 = arith.index_cast %select_n3A_827 : i32 to index
        %get3A_1701 = arith.index_cast %select_n3A_843 : i32 to index
        %get3A_1702 = tpu.vector_load %arg5[%get3A_1699, %get3A_1700, %get3A_1701] {strides = array<i32>} : memref<85x4x64xf32, #tpu.memory_space<vmem>>, vector<16xf32>,
        %exp3A_1703 = math.exp %get3A_1702 : vector<16xf32>
        %add3A_1704 = arith.addf %add3A_1680, %exp3A_1703 : vector<16xf32>
        %gt3A_1705 = arith.cmpf ogt, %get3A_1702, %max3A_1694 : vector<16xf32>
        %max3A_1706 = arith.maximumf %get3A_1702, %max3A_1694 : vector<16xf32>
        %jit3A_1707 = arith.constant 6.600000e+01 : f32
        %broadcast_in_dim3A_1708 = vector.broadcast %jit3A_1707 : f32 to vector<16xf32>
        %select_n3A_1709 = arith.select %gt3A_1705, %broadcast_in_dim3A_1708, %select_n3A_1697 : vector<16xi1>, vector<16xf32>
        %get3A_1710 = arith.constant 72 : i32
        %get3A_1711 = arith.index_cast %get3A_1710 : i32 to index
        %get3A_1712 = arith.index_cast %select_n3A_827 : i32 to index
        %get3A_1713 = arith.index_cast %select_n3A_843 : i32 to index
        %get3A_1714 = tpu.vector_load %arg5[%get3A_1711, %get3A_1712, %get3A_1713] {strides = array<i32>} : memref<85x4x64xf32, #tpu.memory_space<vmem>>, vector<16xf32>,
        %exp3A_1715 = math.exp %get3A_1714 : vector<16xf32>
        %add3A_1716 = arith.addf %add3A_1692, %exp3A_1715 : vector<16xf32>
        %gt3A_1717 = arith.cmpf ogt, %get3A_1714, %max3A_1706 : vector<16xf32>
        %max3A_1718 = arith.maximumf %get3A_1714, %max3A_1706 : vector<16xf32>
        %jit3A_1719 = arith.constant 6.700000e+01 : f32
        %broadcast_in_dim3A_1720 = vector.broadcast %jit3A_1719 : f32 to vector<16xf32>
        %select_n3A_1721 = arith.select %gt3A_1717, %broadcast_in_dim3A_1720, %select_n3A_1709 : vector<16xi1>, vector<16xf32>
        %get3A_1722 = arith.constant 73 : i32
        %get3A_1723 = arith.index_cast %get3A_1722 : i32 to index
        %get3A_1724 = arith.index_cast %select_n3A_827 : i32 to index
        %get3A_1725 = arith.index_cast %select_n3A_843 : i32 to index
        %get3A_1726 = tpu.vector_load %arg5[%get3A_1723, %get3A_1724, %get3A_1725] {strides = array<i32>} : memref<85x4x64xf32, #tpu.memory_space<vmem>>, vector<16xf32>,
        %exp3A_1727 = math.exp %get3A_1726 : vector<16xf32>
        %add3A_1728 = arith.addf %add3A_1704, %exp3A_1727 : vector<16xf32>
        %gt3A_1729 = arith.cmpf ogt, %get3A_1726, %max3A_1718 : vector<16xf32>
        %max3A_1730 = arith.maximumf %get3A_1726, %max3A_1718 : vector<16xf32>
        %jit3A_1731 = arith.constant 6.800000e+01 : f32
        %broadcast_in_dim3A_1732 = vector.broadcast %jit3A_1731 : f32 to vector<16xf32>
        %select_n3A_1733 = arith.select %gt3A_1729, %broadcast_in_dim3A_1732, %select_n3A_1721 : vector<16xi1>, vector<16xf32>
        %get3A_1734 = arith.constant 74 : i32
        %get3A_1735 = arith.index_cast %get3A_1734 : i32 to index
        %get3A_1736 = arith.index_cast %select_n3A_827 : i32 to index
        %get3A_1737 = arith.index_cast %select_n3A_843 : i32 to index
        %get3A_1738 = tpu.vector_load %arg5[%get3A_1735, %get3A_1736, %get3A_1737] {strides = array<i32>} : memref<85x4x64xf32, #tpu.memory_space<vmem>>, vector<16xf32>,
        %exp3A_1739 = math.exp %get3A_1738 : vector<16xf32>
        %add3A_1740 = arith.addf %add3A_1716, %exp3A_1739 : vector<16xf32>
        %gt3A_1741 = arith.cmpf ogt, %get3A_1738, %max3A_1730 : vector<16xf32>
        %max3A_1742 = arith.maximumf %get3A_1738, %max3A_1730 : vector<16xf32>
        %jit3A_1743 = arith.constant 6.900000e+01 : f32
        %broadcast_in_dim3A_1744 = vector.broadcast %jit3A_1743 : f32 to vector<16xf32>
        %select_n3A_1745 = arith.select %gt3A_1741, %broadcast_in_dim3A_1744, %select_n3A_1733 : vector<16xi1>, vector<16xf32>
        %get3A_1746 = arith.constant 75 : i32
        %get3A_1747 = arith.index_cast %get3A_1746 : i32 to index
        %get3A_1748 = arith.index_cast %select_n3A_827 : i32 to index
        %get3A_1749 = arith.index_cast %select_n3A_843 : i32 to index
        %get3A_1750 = tpu.vector_load %arg5[%get3A_1747, %get3A_1748, %get3A_1749] {strides = array<i32>} : memref<85x4x64xf32, #tpu.memory_space<vmem>>, vector<16xf32>,
        %exp3A_1751 = math.exp %get3A_1750 : vector<16xf32>
        %add3A_1752 = arith.addf %add3A_1728, %exp3A_1751 : vector<16xf32>
        %gt3A_1753 = arith.cmpf ogt, %get3A_1750, %max3A_1742 : vector<16xf32>
        %max3A_1754 = arith.maximumf %get3A_1750, %max3A_1742 : vector<16xf32>
        %jit3A_1755 = arith.constant 7.000000e+01 : f32
        %broadcast_in_dim3A_1756 = vector.broadcast %jit3A_1755 : f32 to vector<16xf32>
        %select_n3A_1757 = arith.select %gt3A_1753, %broadcast_in_dim3A_1756, %select_n3A_1745 : vector<16xi1>, vector<16xf32>
        %get3A_1758 = arith.constant 76 : i32
        %get3A_1759 = arith.index_cast %get3A_1758 : i32 to index
        %get3A_1760 = arith.index_cast %select_n3A_827 : i32 to index
        %get3A_1761 = arith.index_cast %select_n3A_843 : i32 to index
        %get3A_1762 = tpu.vector_load %arg5[%get3A_1759, %get3A_1760, %get3A_1761] {strides = array<i32>} : memref<85x4x64xf32, #tpu.memory_space<vmem>>, vector<16xf32>,
        %exp3A_1763 = math.exp %get3A_1762 : vector<16xf32>
        %add3A_1764 = arith.addf %add3A_1740, %exp3A_1763 : vector<16xf32>
        %gt3A_1765 = arith.cmpf ogt, %get3A_1762, %max3A_1754 : vector<16xf32>
        %max3A_1766 = arith.maximumf %get3A_1762, %max3A_1754 : vector<16xf32>
        %jit3A_1767 = arith.constant 7.100000e+01 : f32
        %broadcast_in_dim3A_1768 = vector.broadcast %jit3A_1767 : f32 to vector<16xf32>
        %select_n3A_1769 = arith.select %gt3A_1765, %broadcast_in_dim3A_1768, %select_n3A_1757 : vector<16xi1>, vector<16xf32>
        %get3A_1770 = arith.constant 77 : i32
        %get3A_1771 = arith.index_cast %get3A_1770 : i32 to index
        %get3A_1772 = arith.index_cast %select_n3A_827 : i32 to index
        %get3A_1773 = arith.index_cast %select_n3A_843 : i32 to index
        %get3A_1774 = tpu.vector_load %arg5[%get3A_1771, %get3A_1772, %get3A_1773] {strides = array<i32>} : memref<85x4x64xf32, #tpu.memory_space<vmem>>, vector<16xf32>,
        %exp3A_1775 = math.exp %get3A_1774 : vector<16xf32>
        %add3A_1776 = arith.addf %add3A_1752, %exp3A_1775 : vector<16xf32>
        %gt3A_1777 = arith.cmpf ogt, %get3A_1774, %max3A_1766 : vector<16xf32>
        %max3A_1778 = arith.maximumf %get3A_1774, %max3A_1766 : vector<16xf32>
        %jit3A_1779 = arith.constant 7.200000e+01 : f32
        %broadcast_in_dim3A_1780 = vector.broadcast %jit3A_1779 : f32 to vector<16xf32>
        %select_n3A_1781 = arith.select %gt3A_1777, %broadcast_in_dim3A_1780, %select_n3A_1769 : vector<16xi1>, vector<16xf32>
        %get3A_1782 = arith.constant 78 : i32
        %get3A_1783 = arith.index_cast %get3A_1782 : i32 to index
        %get3A_1784 = arith.index_cast %select_n3A_827 : i32 to index
        %get3A_1785 = arith.index_cast %select_n3A_843 : i32 to index
        %get3A_1786 = tpu.vector_load %arg5[%get3A_1783, %get3A_1784, %get3A_1785] {strides = array<i32>} : memref<85x4x64xf32, #tpu.memory_space<vmem>>, vector<16xf32>,
        %exp3A_1787 = math.exp %get3A_1786 : vector<16xf32>
        %add3A_1788 = arith.addf %add3A_1764, %exp3A_1787 : vector<16xf32>
        %gt3A_1789 = arith.cmpf ogt, %get3A_1786, %max3A_1778 : vector<16xf32>
        %max3A_1790 = arith.maximumf %get3A_1786, %max3A_1778 : vector<16xf32>
        %jit3A_1791 = arith.constant 7.300000e+01 : f32
        %broadcast_in_dim3A_1792 = vector.broadcast %jit3A_1791 : f32 to vector<16xf32>
        %select_n3A_1793 = arith.select %gt3A_1789, %broadcast_in_dim3A_1792, %select_n3A_1781 : vector<16xi1>, vector<16xf32>
        %get3A_1794 = arith.constant 79 : i32
        %get3A_1795 = arith.index_cast %get3A_1794 : i32 to index
        %get3A_1796 = arith.index_cast %select_n3A_827 : i32 to index
        %get3A_1797 = arith.index_cast %select_n3A_843 : i32 to index
        %get3A_1798 = tpu.vector_load %arg5[%get3A_1795, %get3A_1796, %get3A_1797] {strides = array<i32>} : memref<85x4x64xf32, #tpu.memory_space<vmem>>, vector<16xf32>,
        %exp3A_1799 = math.exp %get3A_1798 : vector<16xf32>
        %add3A_1800 = arith.addf %add3A_1776, %exp3A_1799 : vector<16xf32>
        %gt3A_1801 = arith.cmpf ogt, %get3A_1798, %max3A_1790 : vector<16xf32>
        %max3A_1802 = arith.maximumf %get3A_1798, %max3A_1790 : vector<16xf32>
        %jit3A_1803 = arith.constant 7.400000e+01 : f32
        %broadcast_in_dim3A_1804 = vector.broadcast %jit3A_1803 : f32 to vector<16xf32>
        %select_n3A_1805 = arith.select %gt3A_1801, %broadcast_in_dim3A_1804, %select_n3A_1793 : vector<16xi1>, vector<16xf32>
        %get3A_1806 = arith.constant 80 : i32
        %get3A_1807 = arith.index_cast %get3A_1806 : i32 to index
        %get3A_1808 = arith.index_cast %select_n3A_827 : i32 to index
        %get3A_1809 = arith.index_cast %select_n3A_843 : i32 to index
        %get3A_1810 = tpu.vector_load %arg5[%get3A_1807, %get3A_1808, %get3A_1809] {strides = array<i32>} : memref<85x4x64xf32, #tpu.memory_space<vmem>>, vector<16xf32>,
        %exp3A_1811 = math.exp %get3A_1810 : vector<16xf32>
        %add3A_1812 = arith.addf %add3A_1788, %exp3A_1811 : vector<16xf32>
        %gt3A_1813 = arith.cmpf ogt, %get3A_1810, %max3A_1802 : vector<16xf32>
        %max3A_1814 = arith.maximumf %get3A_1810, %max3A_1802 : vector<16xf32>
        %jit3A_1815 = arith.constant 7.500000e+01 : f32
        %broadcast_in_dim3A_1816 = vector.broadcast %jit3A_1815 : f32 to vector<16xf32>
        %select_n3A_1817 = arith.select %gt3A_1813, %broadcast_in_dim3A_1816, %select_n3A_1805 : vector<16xi1>, vector<16xf32>
        %get3A_1818 = arith.constant 81 : i32
        %get3A_1819 = arith.index_cast %get3A_1818 : i32 to index
        %get3A_1820 = arith.index_cast %select_n3A_827 : i32 to index
        %get3A_1821 = arith.index_cast %select_n3A_843 : i32 to index
        %get3A_1822 = tpu.vector_load %arg5[%get3A_1819, %get3A_1820, %get3A_1821] {strides = array<i32>} : memref<85x4x64xf32, #tpu.memory_space<vmem>>, vector<16xf32>,
        %exp3A_1823 = math.exp %get3A_1822 : vector<16xf32>
        %add3A_1824 = arith.addf %add3A_1800, %exp3A_1823 : vector<16xf32>
        %gt3A_1825 = arith.cmpf ogt, %get3A_1822, %max3A_1814 : vector<16xf32>
        %max3A_1826 = arith.maximumf %get3A_1822, %max3A_1814 : vector<16xf32>
        %jit3A_1827 = arith.constant 7.600000e+01 : f32
        %broadcast_in_dim3A_1828 = vector.broadcast %jit3A_1827 : f32 to vector<16xf32>
        %select_n3A_1829 = arith.select %gt3A_1825, %broadcast_in_dim3A_1828, %select_n3A_1817 : vector<16xi1>, vector<16xf32>
        %get3A_1830 = arith.constant 82 : i32
        %get3A_1831 = arith.index_cast %get3A_1830 : i32 to index
        %get3A_1832 = arith.index_cast %select_n3A_827 : i32 to index
        %get3A_1833 = arith.index_cast %select_n3A_843 : i32 to index
        %get3A_1834 = tpu.vector_load %arg5[%get3A_1831, %get3A_1832, %get3A_1833] {strides = array<i32>} : memref<85x4x64xf32, #tpu.memory_space<vmem>>, vector<16xf32>,
        %exp3A_1835 = math.exp %get3A_1834 : vector<16xf32>
        %add3A_1836 = arith.addf %add3A_1812, %exp3A_1835 : vector<16xf32>
        %gt3A_1837 = arith.cmpf ogt, %get3A_1834, %max3A_1826 : vector<16xf32>
        %max3A_1838 = arith.maximumf %get3A_1834, %max3A_1826 : vector<16xf32>
        %jit3A_1839 = arith.constant 7.700000e+01 : f32
        %broadcast_in_dim3A_1840 = vector.broadcast %jit3A_1839 : f32 to vector<16xf32>
        %select_n3A_1841 = arith.select %gt3A_1837, %broadcast_in_dim3A_1840, %select_n3A_1829 : vector<16xi1>, vector<16xf32>
        %get3A_1842 = arith.constant 83 : i32
        %get3A_1843 = arith.index_cast %get3A_1842 : i32 to index
        %get3A_1844 = arith.index_cast %select_n3A_827 : i32 to index
        %get3A_1845 = arith.index_cast %select_n3A_843 : i32 to index
        %get3A_1846 = tpu.vector_load %arg5[%get3A_1843, %get3A_1844, %get3A_1845] {strides = array<i32>} : memref<85x4x64xf32, #tpu.memory_space<vmem>>, vector<16xf32>,
        %exp3A_1847 = math.exp %get3A_1846 : vector<16xf32>
        %add3A_1848 = arith.addf %add3A_1824, %exp3A_1847 : vector<16xf32>
        %gt3A_1849 = arith.cmpf ogt, %get3A_1846, %max3A_1838 : vector<16xf32>
        %max3A_1850 = arith.maximumf %get3A_1846, %max3A_1838 : vector<16xf32>
        %jit3A_1851 = arith.constant 7.800000e+01 : f32
        %broadcast_in_dim3A_1852 = vector.broadcast %jit3A_1851 : f32 to vector<16xf32>
        %select_n3A_1853 = arith.select %gt3A_1849, %broadcast_in_dim3A_1852, %select_n3A_1841 : vector<16xi1>, vector<16xf32>
        %get3A_1854 = arith.constant 84 : i32
        %get3A_1855 = arith.index_cast %get3A_1854 : i32 to index
        %get3A_1856 = arith.index_cast %select_n3A_827 : i32 to index
        %get3A_1857 = arith.index_cast %select_n3A_843 : i32 to index
        %get3A_1858 = tpu.vector_load %arg5[%get3A_1855, %get3A_1856, %get3A_1857] {strides = array<i32>} : memref<85x4x64xf32, #tpu.memory_space<vmem>>, vector<16xf32>,
        %exp3A_1859 = math.exp %get3A_1858 : vector<16xf32>
        %add3A_1860 = arith.addf %add3A_1836, %exp3A_1859 : vector<16xf32>
        %gt3A_1861 = arith.cmpf ogt, %get3A_1858, %max3A_1850 : vector<16xf32>
        %max3A_1862 = arith.maximumf %get3A_1858, %max3A_1850 : vector<16xf32>
        %jit3A_1863 = arith.constant 7.900000e+01 : f32
        %broadcast_in_dim3A_1864 = vector.broadcast %jit3A_1863 : f32 to vector<16xf32>
        %select_n3A_1865 = arith.select %gt3A_1861, %broadcast_in_dim3A_1864, %select_n3A_1853 : vector<16xi1>, vector<16xf32>
        %add3A_1866 = arith.addf %add3A_1848, %add3A_1860 : vector<16xf32>
        %gt3A_1867 = arith.cmpf ogt, %max3A_1384, %max3A_1145 : vector<16xf32>
        %select_n3A_1868 = arith.select %gt3A_1867, %max3A_1384, %max3A_1145 : vector<16xi1>, vector<16xf32>
        %select_n3A_1869 = arith.select %gt3A_1867, %select_n3A_1387, %select_n3A_1148 : vector<16xi1>, vector<16xf32>
        %add3A_1870 = arith.addf %add3A_1149, %add3A_1388 : vector<16xf32>
        %gt3A_1871 = arith.cmpf ogt, %max3A_1862, %max3A_1623 : vector<16xf32>
        %select_n3A_1872 = arith.select %gt3A_1871, %max3A_1862, %max3A_1623 : vector<16xi1>, vector<16xf32>
        %select_n3A_1873 = arith.select %gt3A_1871, %select_n3A_1865, %select_n3A_1626 : vector<16xi1>, vector<16xf32>
        %add3A_1874 = arith.addf %add3A_1627, %add3A_1866 : vector<16xf32>
        %gt3A_1875 = arith.cmpf ogt, %select_n3A_1872, %select_n3A_1868 : vector<16xf32>
        %select_n3A_1876 = arith.select %gt3A_1875, %select_n3A_1872, %select_n3A_1868 : vector<16xi1>, vector<16xf32>
        %select_n3A_1877 = arith.select %gt3A_1875, %select_n3A_1873, %select_n3A_1869 : vector<16xi1>, vector<16xf32>
        %add3A_1878 = arith.addf %add3A_1870, %add3A_1874 : vector<16xf32>
        %exp3A_1879 = math.exp %select_n3A_1876 : vector<16xf32>
        %div3A_1880 = arith.divf %exp3A_1879, %add3A_1878 : vector<16xf32>
        %gt3A_1881 = arith.cmpf ogt, %div3A_896, %get3A_1 : vector<16xf32>
        %jit3A_1882 = arith.constant 1.000000e+00 : f32
        %jit3A_1883 = arith.constant 0.000000e+00 : f32
        %broadcast_in_dim3A_1884 = vector.broadcast %jit3A_1882 : f32 to vector<16xf32>
        %broadcast_in_dim3A_1885 = vector.broadcast %jit3A_1883 : f32 to vector<16xf32>
        %select_n3A_1886 = arith.select %gt3A_1881, %broadcast_in_dim3A_1884, %broadcast_in_dim3A_1885 : vector<16xi1>, vector<16xf32>
        %jit3A_1887 = arith.constant 128 : i32
        %div3A_1888 = arith.divsi %mul3A_760, %jit3A_1887 : i32
        %sign3A_1889 = arith.constant 0 : i32
        %sign3A_1890 = arith.cmpi sgt, %mul3A_760, %sign3A_1889 : i32
        %sign3A_1891 = arith.extui %sign3A_1890 : i1 to i32
        %sign3A_1892 = arith.constant 0 : i32
        %sign3A_1893 = arith.cmpi slt, %mul3A_760, %sign3A_1892 : i32
        %sign3A_1894 = arith.extui %sign3A_1893 : i1 to i32
        %sign3A_1895 = arith.subi %sign3A_1891, %sign3A_1894 : i32
        %sign3A_1896 = arith.constant 0 : i32
        %sign3A_1897 = arith.cmpi sgt, %jit3A_1887, %sign3A_1896 : i32
        %sign3A_1898 = arith.extui %sign3A_1897 : i1 to i32
        %sign3A_1899 = arith.constant 0 : i32
        %sign3A_1900 = arith.cmpi slt, %jit3A_1887, %sign3A_1899 : i32
        %sign3A_1901 = arith.extui %sign3A_1900 : i1 to i32
        %sign3A_1902 = arith.subi %sign3A_1898, %sign3A_1901 : i32
        %ne3A_1903 = arith.cmpi ne, %sign3A_1895, %sign3A_1902 : i32
        %rem3A_1904 = arith.remsi %mul3A_760, %jit3A_1887 : i32
        %ne3A_1905 = arith.constant 0 : i32
        %ne3A_1906 = arith.cmpi ne, %rem3A_1904, %ne3A_1905 : i32
        %and3A_1907 = arith.andi %ne3A_1903, %ne3A_1906 : i1
        %sub3A_1908 = arith.constant 1 : i32
        %sub3A_1909 = arith.subi %div3A_1888, %sub3A_1908 : i32
        %select_n3A_1910 = arith.select %and3A_1907, %sub3A_1909, %div3A_1888 : i32
        %jit3A_1911 = arith.constant 128 : i32
        %eq3A_1912 = arith.constant 0 : i32
        %eq3A_1913 = arith.cmpi eq, %jit3A_1911, %eq3A_1912 : i32
        %jit3A_1914 = arith.constant 1 : i32
        %select_n3A_1915 = arith.select %eq3A_1913, %jit3A_1914, %jit3A_1911 : i32
        %rem3A_1916 = arith.remsi %mul3A_760, %select_n3A_1915 : i32
        %ne3A_1917 = arith.constant 0 : i32
        %ne3A_1918 = arith.cmpi ne, %rem3A_1916, %ne3A_1917 : i32
        %lt3A_1919 = arith.constant 0 : i32
        %lt3A_1920 = arith.cmpi slt, %rem3A_1916, %lt3A_1919 : i32
        %lt3A_1921 = arith.constant 0 : i32
        %lt3A_1922 = arith.cmpi slt, %select_n3A_1915, %lt3A_1921 : i32
        %ne3A_1923 = arith.xori %lt3A_1920, %lt3A_1922 : i1
        %and3A_1924 = arith.andi %ne3A_1923, %ne3A_1918 : i1
        %add3A_1925 = arith.addi %rem3A_1916, %select_n3A_1915 : i32
        %select_n3A_1926 = arith.select %and3A_1924, %add3A_1925, %rem3A_1916 : i32
        %mul3A_1927 = arith.mulf %mul3A_902, %select_n3A_1886 : vector<16xf32>
        %swap3A = arith.constant 0 : i32
        %swap3A_1928 = arith.index_cast %swap3A : i32 to index
        %swap3A_1929 = arith.index_cast %select_n3A_1910 : i32 to index
        %swap3A_1930 = arith.index_cast %select_n3A_1926 : i32 to index
        %swap3A_1931 = tpu.vector_load %arg7[%swap3A_1928, %swap3A_1929, %swap3A_1930] {strides = array<i32>} : memref<7x2x128xf32, #tpu.memory_space<vmem>>, vector<16xf32>,
        tpu.vector_store %arg7[%swap3A_1928, %swap3A_1929, %swap3A_1930], %mul3A_1927 {strides = array<i32>} : memref<7x2x128xf32, #tpu.memory_space<vmem>>, vector<16xf32>,
        %mul3A_1932 = arith.mulf %mul3A_907, %select_n3A_1886 : vector<16xf32>
        %swap3A_1933 = arith.constant 1 : i32
        %swap3A_1934 = arith.index_cast %swap3A_1933 : i32 to index
        %swap3A_1935 = arith.index_cast %select_n3A_1910 : i32 to index
        %swap3A_1936 = arith.index_cast %select_n3A_1926 : i32 to index
        %swap3A_1937 = tpu.vector_load %arg7[%swap3A_1934, %swap3A_1935, %swap3A_1936] {strides = array<i32>} : memref<7x2x128xf32, #tpu.memory_space<vmem>>, vector<16xf32>,
        tpu.vector_store %arg7[%swap3A_1934, %swap3A_1935, %swap3A_1936], %mul3A_1932 {strides = array<i32>} : memref<7x2x128xf32, #tpu.memory_space<vmem>>, vector<16xf32>,
        %mul3A_1938 = arith.mulf %mul3A_910, %select_n3A_1886 : vector<16xf32>
        %swap3A_1939 = arith.constant 2 : i32
        %swap3A_1940 = arith.index_cast %swap3A_1939 : i32 to index
        %swap3A_1941 = arith.index_cast %select_n3A_1910 : i32 to index
        %swap3A_1942 = arith.index_cast %select_n3A_1926 : i32 to index
        %swap3A_1943 = tpu.vector_load %arg7[%swap3A_1940, %swap3A_1941, %swap3A_1942] {strides = array<i32>} : memref<7x2x128xf32, #tpu.memory_space<vmem>>, vector<16xf32>,
        tpu.vector_store %arg7[%swap3A_1940, %swap3A_1941, %swap3A_1942], %mul3A_1938 {strides = array<i32>} : memref<7x2x128xf32, #tpu.memory_space<vmem>>, vector<16xf32>,
        %mul3A_1944 = arith.mulf %mul3A_913, %select_n3A_1886 : vector<16xf32>
        %swap3A_1945 = arith.constant 3 : i32
        %swap3A_1946 = arith.index_cast %swap3A_1945 : i32 to index
        %swap3A_1947 = arith.index_cast %select_n3A_1910 : i32 to index
        %swap3A_1948 = arith.index_cast %select_n3A_1926 : i32 to index
        %swap3A_1949 = tpu.vector_load %arg7[%swap3A_1946, %swap3A_1947, %swap3A_1948] {strides = array<i32>} : memref<7x2x128xf32, #tpu.memory_space<vmem>>, vector<16xf32>,
        tpu.vector_store %arg7[%swap3A_1946, %swap3A_1947, %swap3A_1948], %mul3A_1944 {strides = array<i32>} : memref<7x2x128xf32, #tpu.memory_space<vmem>>, vector<16xf32>,
        %mul3A_1950 = arith.mulf %div3A_896, %select_n3A_1886 : vector<16xf32>
        %swap3A_1951 = arith.constant 4 : i32
        %swap3A_1952 = arith.index_cast %swap3A_1951 : i32 to index
        %swap3A_1953 = arith.index_cast %select_n3A_1910 : i32 to index
        %swap3A_1954 = arith.index_cast %select_n3A_1926 : i32 to index
        %swap3A_1955 = tpu.vector_load %arg7[%swap3A_1952, %swap3A_1953, %swap3A_1954] {strides = array<i32>} : memref<7x2x128xf32, #tpu.memory_space<vmem>>, vector<16xf32>,
        tpu.vector_store %arg7[%swap3A_1952, %swap3A_1953, %swap3A_1954], %mul3A_1950 {strides = array<i32>} : memref<7x2x128xf32, #tpu.memory_space<vmem>>, vector<16xf32>,
        %mul3A_1956 = arith.mulf %div3A_1880, %select_n3A_1886 : vector<16xf32>
        %swap3A_1957 = arith.constant 5 : i32
        %swap3A_1958 = arith.index_cast %swap3A_1957 : i32 to index
        %swap3A_1959 = arith.index_cast %select_n3A_1910 : i32 to index
        %swap3A_1960 = arith.index_cast %select_n3A_1926 : i32 to index
        %swap3A_1961 = tpu.vector_load %arg7[%swap3A_1958, %swap3A_1959, %swap3A_1960] {strides = array<i32>} : memref<7x2x128xf32, #tpu.memory_space<vmem>>, vector<16xf32>,
        tpu.vector_store %arg7[%swap3A_1958, %swap3A_1959, %swap3A_1960], %mul3A_1956 {strides = array<i32>} : memref<7x2x128xf32, #tpu.memory_space<vmem>>, vector<16xf32>,
        %mul3A_1962 = arith.mulf %select_n3A_1877, %select_n3A_1886 : vector<16xf32>
        %swap3A_1963 = arith.constant 6 : i32
        %swap3A_1964 = arith.index_cast %swap3A_1963 : i32 to index
        %swap3A_1965 = arith.index_cast %select_n3A_1910 : i32 to index
        %swap3A_1966 = arith.index_cast %select_n3A_1926 : i32 to index
        %swap3A_1967 = tpu.vector_load %arg7[%swap3A_1964, %swap3A_1965, %swap3A_1966] {strides = array<i32>} : memref<7x2x128xf32, #tpu.memory_space<vmem>>, vector<16xf32>,
        tpu.vector_store %arg7[%swap3A_1964, %swap3A_1965, %swap3A_1966], %mul3A_1962 {strides = array<i32>} : memref<7x2x128xf32, #tpu.memory_space<vmem>>, vector<16xf32>,
      }
      %scan3A_433 = arith.constant 16 : i32
      %jit3A_434 = arith.constant 3 : i32
      %div3A_435 = arith.divsi %select_n3A_377, %jit3A_434 : i32
      %sign3A_436 = arith.constant 0 : i32
      %sign3A_437 = arith.cmpi sgt, %select_n3A_377, %sign3A_436 : i32
      %sign3A_438 = arith.extui %sign3A_437 : i1 to i32
      %sign3A_439 = arith.constant 0 : i32
      %sign3A_440 = arith.cmpi slt, %select_n3A_377, %sign3A_439 : i32
      %sign3A_441 = arith.extui %sign3A_440 : i1 to i32
      %sign3A_442 = arith.subi %sign3A_438, %sign3A_441 : i32
      %sign3A_443 = arith.constant 0 : i32
      %sign3A_444 = arith.cmpi sgt, %jit3A_434, %sign3A_443 : i32
      %sign3A_445 = arith.extui %sign3A_444 : i1 to i32
      %sign3A_446 = arith.constant 0 : i32
      %sign3A_447 = arith.cmpi slt, %jit3A_434, %sign3A_446 : i32
      %sign3A_448 = arith.extui %sign3A_447 : i1 to i32
      %sign3A_449 = arith.subi %sign3A_445, %sign3A_448 : i32
      %ne3A_450 = arith.cmpi ne, %sign3A_442, %sign3A_449 : i32
      %rem3A_451 = arith.remsi %select_n3A_377, %jit3A_434 : i32
      %ne3A_452 = arith.constant 0 : i32
      %ne3A_453 = arith.cmpi ne, %rem3A_451, %ne3A_452 : i32
      %and3A_454 = arith.andi %ne3A_450, %ne3A_453 : i1
      %sub3A_455 = arith.constant 1 : i32
      %sub3A_456 = arith.subi %div3A_435, %sub3A_455 : i32
      %select_n3A_457 = arith.select %and3A_454, %sub3A_456, %div3A_435 : i32
      %mul3A_458 = arith.constant 32 : i32
      %mul3A_459 = arith.muli %select_n3A_409, %mul3A_458 : i32
      %jit3A_460 = arith.constant 128 : i32
      %div3A_461 = arith.divsi %select_n3A_393, %jit3A_460 : i32
      %sign3A_462 = arith.constant 0 : i32
      %sign3A_463 = arith.cmpi sgt, %select_n3A_393, %sign3A_462 : i32
      %sign3A_464 = arith.extui %sign3A_463 : i1 to i32
      %sign3A_465 = arith.constant 0 : i32
      %sign3A_466 = arith.cmpi slt, %select_n3A_393, %sign3A_465 : i32
      %sign3A_467 = arith.extui %sign3A_466 : i1 to i32
      %sign3A_468 = arith.subi %sign3A_464, %sign3A_467 : i32
      %sign3A_469 = arith.constant 0 : i32
      %sign3A_470 = arith.cmpi sgt, %jit3A_460, %sign3A_469 : i32
      %sign3A_471 = arith.extui %sign3A_470 : i1 to i32
      %sign3A_472 = arith.constant 0 : i32
      %sign3A_473 = arith.cmpi slt, %jit3A_460, %sign3A_472 : i32
      %sign3A_474 = arith.extui %sign3A_473 : i1 to i32
      %sign3A_475 = arith.subi %sign3A_471, %sign3A_474 : i32
      %ne3A_476 = arith.cmpi ne, %sign3A_468, %sign3A_475 : i32
      %rem3A_477 = arith.remsi %select_n3A_393, %jit3A_460 : i32
      %ne3A_478 = arith.constant 0 : i32
      %ne3A_479 = arith.cmpi ne, %rem3A_477, %ne3A_478 : i32
      %and3A_480 = arith.andi %ne3A_476, %ne3A_479 : i1
      %sub3A_481 = arith.constant 1 : i32
      %sub3A_482 = arith.subi %div3A_461, %sub3A_481 : i32
      %select_n3A_483 = arith.select %and3A_480, %sub3A_482, %div3A_461 : i32
      %multiple_of3A_484 = tpu.assume_multiple %select_n3A_483, 2 : i32
      %add3A_485 = arith.addi %mul3A_459, %multiple_of3A_484 : i32
      "tpu.region"() ({
        %run_scoped3A = tpu.sem_alloc : memref<!tpu.dma_semaphore, #tpu.memory_space<semaphore_mem>>
        %dma_start3A_758 = arith.constant 0 : i32
        %dma_start3A_759 = arith.constant 0 : i32
        %dma_start3A_760 = tpu.memref_slice %arg4[%dma_start3A_758, %add3A_485, %select_n3A_457, %dma_start3A_759] : memref<7x96x8x128xf32, #tpu.memory_space<hbm>> -> memref<7x2x1x128xf32, #tpu.memory_space<hbm>>
        %dma_start3A_761 = tpu.memref_squeeze %dma_start3A_760 : memref<7x2x1x128xf32, #tpu.memory_space<hbm>> -> memref<7x2x128xf32, #tpu.memory_space<hbm>>
        %dma_start3A_762 = arith.constant 0 : i32
        %dma_start3A_763 = arith.constant 0 : i32
        %dma_start3A_764 = tpu.memref_slice %arg4[%dma_start3A_762, %add3A_485, %select_n3A_457, %dma_start3A_763] : memref<7x96x8x128xf32, #tpu.memory_space<hbm>> -> memref<7x2x1x128xf32, #tpu.memory_space<hbm>>
        %dma_start3A_765 = tpu.memref_squeeze %dma_start3A_764 : memref<7x2x1x128xf32, #tpu.memory_space<hbm>> -> memref<7x2x128xf32, #tpu.memory_space<hbm>>
        tpu.enqueue_dma source(%arg7 : memref<7x2x128xf32, #tpu.memory_space<vmem>>) target(%dma_start3A_765 : memref<7x2x128xf32, #tpu.memory_space<hbm>>) target_semaphore(%run_scoped3A : memref<!tpu.dma_semaphore, #tpu.memory_space<semaphore_mem>>)
        %dma_wait3A_766 = arith.constant 0 : i32
        %dma_wait3A_767 = arith.constant 0 : i32
        %dma_wait3A_768 = tpu.memref_slice %arg4[%dma_wait3A_766, %add3A_485, %select_n3A_457, %dma_wait3A_767] : memref<7x96x8x128xf32, #tpu.memory_space<hbm>> -> memref<7x2x1x128xf32, #tpu.memory_space<hbm>>
        %dma_wait3A_769 = tpu.memref_squeeze %dma_wait3A_768 : memref<7x2x1x128xf32, #tpu.memory_space<hbm>> -> memref<7x2x128xf32, #tpu.memory_space<hbm>>
        %dma_wait3A_770 = arith.constant 0 : i32
        %dma_wait3A_771 = arith.constant 0 : i32
        %dma_wait3A_772 = tpu.memref_slice %arg4[%dma_wait3A_770, %add3A_485, %select_n3A_457, %dma_wait3A_771] : memref<7x96x8x128xf32, #tpu.memory_space<hbm>> -> memref<7x2x1x128xf32, #tpu.memory_space<hbm>>
        %dma_wait3A_773 = tpu.memref_squeeze %dma_wait3A_772 : memref<7x2x1x128xf32, #tpu.memory_space<hbm>> -> memref<7x2x128xf32, #tpu.memory_space<hbm>>
        tpu.wait_dma2 semaphore(%run_scoped3A : memref<!tpu.dma_semaphore, #tpu.memory_space<semaphore_mem>>) src(%arg7 : memref<7x2x128xf32, #tpu.memory_space<vmem>>) dst(%dma_wait3A_773 : memref<7x2x128xf32, #tpu.memory_space<hbm>>)
        tpu.yield
      }) : () -> ()
      %add3A_486 = arith.constant 2 : i32
      %add3A_487 = arith.addi %mul3A_231, %add3A_486 : i32
      %lt3A_488 = arith.constant 12 : i32
      %lt3A_489 = arith.cmpi slt, %add3A_487, %lt3A_488 : i32
      %convert_element_type3A_490 = arith.extui %lt3A_489 : i1 to i32
      %cond3A = arith.constant 0 : i32
      %cond3A_491 = arith.cmpi ne, %convert_element_type3A_490, %cond3A : i32
      scf.if %cond3A_491 {
        %add3A_758 = arith.constant 2 : i32
        %add3A_759 = arith.addi %mul3A_231, %add3A_758 : i32
        %mul3A_760 = arith.constant 3072 : i32
        %mul3A_761 = arith.muli %add3A, %mul3A_760 : i32
        %mul3A_762 = arith.constant 256 : i32
        %mul3A_763 = arith.muli %add3A_759, %mul3A_762 : i32
        %add3A_764 = arith.addi %mul3A_761, %mul3A_763 : i32
        %jit3A_765 = arith.constant 4096 : i32
        %div3A_766 = arith.divsi %add3A_764, %jit3A_765 : i32
        %sign3A_767 = arith.constant 0 : i32
        %sign3A_768 = arith.cmpi sgt, %add3A_764, %sign3A_767 : i32
        %sign3A_769 = arith.extui %sign3A_768 : i1 to i32
        %sign3A_770 = arith.constant 0 : i32
        %sign3A_771 = arith.cmpi slt, %add3A_764, %sign3A_770 : i32
        %sign3A_772 = arith.extui %sign3A_771 : i1 to i32
        %sign3A_773 = arith.subi %sign3A_769, %sign3A_772 : i32
        %sign3A_774 = arith.constant 0 : i32
        %sign3A_775 = arith.cmpi sgt, %jit3A_765, %sign3A_774 : i32
        %sign3A_776 = arith.extui %sign3A_775 : i1 to i32
        %sign3A_777 = arith.constant 0 : i32
        %sign3A_778 = arith.cmpi slt, %jit3A_765, %sign3A_777 : i32
        %sign3A_779 = arith.extui %sign3A_778 : i1 to i32
        %sign3A_780 = arith.subi %sign3A_776, %sign3A_779 : i32
        %ne3A_781 = arith.cmpi ne, %sign3A_773, %sign3A_780 : i32
        %rem3A_782 = arith.remsi %add3A_764, %jit3A_765 : i32
        %ne3A_783 = arith.constant 0 : i32
        %ne3A_784 = arith.cmpi ne, %rem3A_782, %ne3A_783 : i32
        %and3A_785 = arith.andi %ne3A_781, %ne3A_784 : i1
        %sub3A_786 = arith.constant 1 : i32
        %sub3A_787 = arith.subi %div3A_766, %sub3A_786 : i32
        %select_n3A_788 = arith.select %and3A_785, %sub3A_787, %div3A_766 : i32
        %jit3A_789 = arith.constant 4096 : i32
        %eq3A_790 = arith.constant 0 : i32
        %eq3A_791 = arith.cmpi eq, %jit3A_789, %eq3A_790 : i32
        %jit3A_792 = arith.constant 1 : i32
        %select_n3A_793 = arith.select %eq3A_791, %jit3A_792, %jit3A_789 : i32
        %rem3A_794 = arith.remsi %add3A_764, %select_n3A_793 : i32
        %ne3A_795 = arith.constant 0 : i32
        %ne3A_796 = arith.cmpi ne, %rem3A_794, %ne3A_795 : i32
        %lt3A_797 = arith.constant 0 : i32
        %lt3A_798 = arith.cmpi slt, %rem3A_794, %lt3A_797 : i32
        %lt3A_799 = arith.constant 0 : i32
        %lt3A_800 = arith.cmpi slt, %select_n3A_793, %lt3A_799 : i32
        %ne3A_801 = arith.xori %lt3A_798, %lt3A_800 : i1
        %and3A_802 = arith.andi %ne3A_801, %ne3A_796 : i1
        %add3A_803 = arith.addi %rem3A_794, %select_n3A_793 : i32
        %select_n3A_804 = arith.select %and3A_802, %add3A_803, %rem3A_794 : i32
        %jit3A_805 = arith.constant 3 : i32
        %div3A_806 = arith.divsi %select_n3A_788, %jit3A_805 : i32
        %sign3A_807 = arith.constant 0 : i32
        %sign3A_808 = arith.cmpi sgt, %select_n3A_788, %sign3A_807 : i32
        %sign3A_809 = arith.extui %sign3A_808 : i1 to i32
        %sign3A_810 = arith.constant 0 : i32
        %sign3A_811 = arith.cmpi slt, %select_n3A_788, %sign3A_810 : i32
        %sign3A_812 = arith.extui %sign3A_811 : i1 to i32
        %sign3A_813 = arith.subi %sign3A_809, %sign3A_812 : i32
        %sign3A_814 = arith.constant 0 : i32
        %sign3A_815 = arith.cmpi sgt, %jit3A_805, %sign3A_814 : i32
        %sign3A_816 = arith.extui %sign3A_815 : i1 to i32
        %sign3A_817 = arith.constant 0 : i32
        %sign3A_818 = arith.cmpi slt, %jit3A_805, %sign3A_817 : i32
        %sign3A_819 = arith.extui %sign3A_818 : i1 to i32
        %sign3A_820 = arith.subi %sign3A_816, %sign3A_819 : i32
        %ne3A_821 = arith.cmpi ne, %sign3A_813, %sign3A_820 : i32
        %rem3A_822 = arith.remsi %select_n3A_788, %jit3A_805 : i32
        %ne3A_823 = arith.constant 0 : i32
        %ne3A_824 = arith.cmpi ne, %rem3A_822, %ne3A_823 : i32
        %and3A_825 = arith.andi %ne3A_821, %ne3A_824 : i1
        %sub3A_826 = arith.constant 1 : i32
        %sub3A_827 = arith.subi %div3A_806, %sub3A_826 : i32
        %select_n3A_828 = arith.select %and3A_825, %sub3A_827, %div3A_806 : i32
        %jit3A_829 = arith.constant 3 : i32
        %eq3A_830 = arith.constant 0 : i32
        %eq3A_831 = arith.cmpi eq, %jit3A_829, %eq3A_830 : i32
        %jit3A_832 = arith.constant 1 : i32
        %select_n3A_833 = arith.select %eq3A_831, %jit3A_832, %jit3A_829 : i32
        %rem3A_834 = arith.remsi %select_n3A_788, %select_n3A_833 : i32
        %ne3A_835 = arith.constant 0 : i32
        %ne3A_836 = arith.cmpi ne, %rem3A_834, %ne3A_835 : i32
        %lt3A_837 = arith.constant 0 : i32
        %lt3A_838 = arith.cmpi slt, %rem3A_834, %lt3A_837 : i32
        %lt3A_839 = arith.constant 0 : i32
        %lt3A_840 = arith.cmpi slt, %select_n3A_833, %lt3A_839 : i32
        %ne3A_841 = arith.xori %lt3A_838, %lt3A_840 : i1
        %and3A_842 = arith.andi %ne3A_841, %ne3A_836 : i1
        %add3A_843 = arith.addi %rem3A_834, %select_n3A_833 : i32
        %select_n3A_844 = arith.select %and3A_842, %add3A_843, %rem3A_834 : i32
        %jit3A_845 = arith.constant 64 : i32
        %div3A_846 = arith.divsi %select_n3A_804, %jit3A_845 : i32
        %sign3A_847 = arith.constant 0 : i32
        %sign3A_848 = arith.cmpi sgt, %select_n3A_804, %sign3A_847 : i32
        %sign3A_849 = arith.extui %sign3A_848 : i1 to i32
        %sign3A_850 = arith.constant 0 : i32
        %sign3A_851 = arith.cmpi slt, %select_n3A_804, %sign3A_850 : i32
        %sign3A_852 = arith.extui %sign3A_851 : i1 to i32
        %sign3A_853 = arith.subi %sign3A_849, %sign3A_852 : i32
        %sign3A_854 = arith.constant 0 : i32
        %sign3A_855 = arith.cmpi sgt, %jit3A_845, %sign3A_854 : i32
        %sign3A_856 = arith.extui %sign3A_855 : i1 to i32
        %sign3A_857 = arith.constant 0 : i32
        %sign3A_858 = arith.cmpi slt, %jit3A_845, %sign3A_857 : i32
        %sign3A_859 = arith.extui %sign3A_858 : i1 to i32
        %sign3A_860 = arith.subi %sign3A_856, %sign3A_859 : i32
        %ne3A_861 = arith.cmpi ne, %sign3A_853, %sign3A_860 : i32
        %rem3A_862 = arith.remsi %select_n3A_804, %jit3A_845 : i32
        %ne3A_863 = arith.constant 0 : i32
        %ne3A_864 = arith.cmpi ne, %rem3A_862, %ne3A_863 : i32
        %and3A_865 = arith.andi %ne3A_861, %ne3A_864 : i1
        %sub3A_866 = arith.constant 1 : i32
        %sub3A_867 = arith.subi %div3A_846, %sub3A_866 : i32
        %select_n3A_868 = arith.select %and3A_865, %sub3A_867, %div3A_846 : i32
        %multiple_of3A_869 = tpu.assume_multiple %select_n3A_868, 4 : i32
        %mul3A_870 = arith.constant 85 : i32
        %mul3A_871 = arith.muli %select_n3A_844, %mul3A_870 : i32
        %dma_start3A_872 = arith.constant 0 : i32
        %dma_start3A_873 = tpu.memref_slice %arg2[%select_n3A_828, %mul3A_871, %multiple_of3A_869, %dma_start3A_872] : memref<8x255x64x64xf32, #tpu.memory_space<hbm>> -> memref<1x85x4x64xf32, #tpu.memory_space<hbm>>
        %dma_start3A_874 = tpu.memref_squeeze %dma_start3A_873 : memref<1x85x4x64xf32, #tpu.memory_space<hbm>> -> memref<85x4x64xf32, #tpu.memory_space<hbm>>
        %dma_start3A_875 = arith.constant 0 : i32
        %dma_start3A_876 = tpu.memref_slice %arg2[%select_n3A_828, %mul3A_871, %multiple_of3A_869, %dma_start3A_875] : memref<8x255x64x64xf32, #tpu.memory_space<hbm>> -> memref<1x85x4x64xf32, #tpu.memory_space<hbm>>
        %dma_start3A_877 = tpu.memref_squeeze %dma_start3A_876 : memref<1x85x4x64xf32, #tpu.memory_space<hbm>> -> memref<85x4x64xf32, #tpu.memory_space<hbm>>
        tpu.enqueue_dma source(%dma_start3A_877 : memref<85x4x64xf32, #tpu.memory_space<hbm>>) target(%arg5 : memref<85x4x64xf32, #tpu.memory_space<vmem>>) target_semaphore(%arg9 : memref<!tpu.dma_semaphore, #tpu.memory_space<semaphore_mem>>)
      } else {
      }
      %mul3A_492 = arith.constant 2 : i32
      %mul3A_493 = arith.muli %scan3A_229, %mul3A_492 : i32
      %add3A_494 = arith.constant 1 : i32
      %add3A_495 = arith.addi %mul3A_493, %add3A_494 : i32
      %mul3A_496 = arith.constant 3072 : i32
      %mul3A_497 = arith.muli %add3A, %mul3A_496 : i32
      %mul3A_498 = arith.constant 256 : i32
      %mul3A_499 = arith.muli %add3A_495, %mul3A_498 : i32
      %add3A_500 = arith.addi %mul3A_497, %mul3A_499 : i32
      %jit3A_501 = arith.constant 4096 : i32
      %div3A_502 = arith.divsi %add3A_500, %jit3A_501 : i32
      %sign3A_503 = arith.constant 0 : i32
      %sign3A_504 = arith.cmpi sgt, %add3A_500, %sign3A_503 : i32
      %sign3A_505 = arith.extui %sign3A_504 : i1 to i32
      %sign3A_506 = arith.constant 0 : i32
      %sign3A_507 = arith.cmpi slt, %add3A_500, %sign3A_506 : i32
      %sign3A_508 = arith.extui %sign3A_507 : i1 to i32
      %sign3A_509 = arith.subi %sign3A_505, %sign3A_508 : i32
      %sign3A_510 = arith.constant 0 : i32
      %sign3A_511 = arith.cmpi sgt, %jit3A_501, %sign3A_510 : i32
      %sign3A_512 = arith.extui %sign3A_511 : i1 to i32
      %sign3A_513 = arith.constant 0 : i32
      %sign3A_514 = arith.cmpi slt, %jit3A_501, %sign3A_513 : i32
      %sign3A_515 = arith.extui %sign3A_514 : i1 to i32
      %sign3A_516 = arith.subi %sign3A_512, %sign3A_515 : i32
      %ne3A_517 = arith.cmpi ne, %sign3A_509, %sign3A_516 : i32
      %rem3A_518 = arith.remsi %add3A_500, %jit3A_501 : i32
      %ne3A_519 = arith.constant 0 : i32
      %ne3A_520 = arith.cmpi ne, %rem3A_518, %ne3A_519 : i32
      %and3A_521 = arith.andi %ne3A_517, %ne3A_520 : i1
      %sub3A_522 = arith.constant 1 : i32
      %sub3A_523 = arith.subi %div3A_502, %sub3A_522 : i32
      %select_n3A_524 = arith.select %and3A_521, %sub3A_523, %div3A_502 : i32
      %jit3A_525 = arith.constant 4096 : i32
      %eq3A_526 = arith.constant 0 : i32
      %eq3A_527 = arith.cmpi eq, %jit3A_525, %eq3A_526 : i32
      %jit3A_528 = arith.constant 1 : i32
      %select_n3A_529 = arith.select %eq3A_527, %jit3A_528, %jit3A_525 : i32
      %rem3A_530 = arith.remsi %add3A_500, %select_n3A_529 : i32
      %ne3A_531 = arith.constant 0 : i32
      %ne3A_532 = arith.cmpi ne, %rem3A_530, %ne3A_531 : i32
      %lt3A_533 = arith.constant 0 : i32
      %lt3A_534 = arith.cmpi slt, %rem3A_530, %lt3A_533 : i32
      %lt3A_535 = arith.constant 0 : i32
      %lt3A_536 = arith.cmpi slt, %select_n3A_529, %lt3A_535 : i32
      %ne3A_537 = arith.xori %lt3A_534, %lt3A_536 : i1
      %and3A_538 = arith.andi %ne3A_537, %ne3A_532 : i1
      %add3A_539 = arith.addi %rem3A_530, %select_n3A_529 : i32
      %select_n3A_540 = arith.select %and3A_538, %add3A_539, %rem3A_530 : i32
      %jit3A_541 = arith.constant 3 : i32
      %div3A_542 = arith.divsi %select_n3A_524, %jit3A_541 : i32
      %sign3A_543 = arith.constant 0 : i32
      %sign3A_544 = arith.cmpi sgt, %select_n3A_524, %sign3A_543 : i32
      %sign3A_545 = arith.extui %sign3A_544 : i1 to i32
      %sign3A_546 = arith.constant 0 : i32
      %sign3A_547 = arith.cmpi slt, %select_n3A_524, %sign3A_546 : i32
      %sign3A_548 = arith.extui %sign3A_547 : i1 to i32
      %sign3A_549 = arith.subi %sign3A_545, %sign3A_548 : i32
      %sign3A_550 = arith.constant 0 : i32
      %sign3A_551 = arith.cmpi sgt, %jit3A_541, %sign3A_550 : i32
      %sign3A_552 = arith.extui %sign3A_551 : i1 to i32
      %sign3A_553 = arith.constant 0 : i32
      %sign3A_554 = arith.cmpi slt, %jit3A_541, %sign3A_553 : i32
      %sign3A_555 = arith.extui %sign3A_554 : i1 to i32
      %sign3A_556 = arith.subi %sign3A_552, %sign3A_555 : i32
      %ne3A_557 = arith.cmpi ne, %sign3A_549, %sign3A_556 : i32
      %rem3A_558 = arith.remsi %select_n3A_524, %jit3A_541 : i32
      %ne3A_559 = arith.constant 0 : i32
      %ne3A_560 = arith.cmpi ne, %rem3A_558, %ne3A_559 : i32
      %and3A_561 = arith.andi %ne3A_557, %ne3A_560 : i1
      %sub3A_562 = arith.constant 1 : i32
      %sub3A_563 = arith.subi %div3A_542, %sub3A_562 : i32
      %select_n3A_564 = arith.select %and3A_561, %sub3A_563, %div3A_542 : i32
      %jit3A_565 = arith.constant 3 : i32
      %eq3A_566 = arith.constant 0 : i32
      %eq3A_567 = arith.cmpi eq, %jit3A_565, %eq3A_566 : i32
      %jit3A_568 = arith.constant 1 : i32
      %select_n3A_569 = arith.select %eq3A_567, %jit3A_568, %jit3A_565 : i32
      %rem3A_570 = arith.remsi %select_n3A_524, %select_n3A_569 : i32
      %ne3A_571 = arith.constant 0 : i32
      %ne3A_572 = arith.cmpi ne, %rem3A_570, %ne3A_571 : i32
      %lt3A_573 = arith.constant 0 : i32
      %lt3A_574 = arith.cmpi slt, %rem3A_570, %lt3A_573 : i32
      %lt3A_575 = arith.constant 0 : i32
      %lt3A_576 = arith.cmpi slt, %select_n3A_569, %lt3A_575 : i32
      %ne3A_577 = arith.xori %lt3A_574, %lt3A_576 : i1
      %and3A_578 = arith.andi %ne3A_577, %ne3A_572 : i1
      %add3A_579 = arith.addi %rem3A_570, %select_n3A_569 : i32
      %select_n3A_580 = arith.select %and3A_578, %add3A_579, %rem3A_570 : i32
      %jit3A_581 = arith.constant 64 : i32
      %div3A_582 = arith.divsi %select_n3A_540, %jit3A_581 : i32
      %sign3A_583 = arith.constant 0 : i32
      %sign3A_584 = arith.cmpi sgt, %select_n3A_540, %sign3A_583 : i32
      %sign3A_585 = arith.extui %sign3A_584 : i1 to i32
      %sign3A_586 = arith.constant 0 : i32
      %sign3A_587 = arith.cmpi slt, %select_n3A_540, %sign3A_586 : i32
      %sign3A_588 = arith.extui %sign3A_587 : i1 to i32
      %sign3A_589 = arith.subi %sign3A_585, %sign3A_588 : i32
      %sign3A_590 = arith.constant 0 : i32
      %sign3A_591 = arith.cmpi sgt, %jit3A_581, %sign3A_590 : i32
      %sign3A_592 = arith.extui %sign3A_591 : i1 to i32
      %sign3A_593 = arith.constant 0 : i32
      %sign3A_594 = arith.cmpi slt, %jit3A_581, %sign3A_593 : i32
      %sign3A_595 = arith.extui %sign3A_594 : i1 to i32
      %sign3A_596 = arith.subi %sign3A_592, %sign3A_595 : i32
      %ne3A_597 = arith.cmpi ne, %sign3A_589, %sign3A_596 : i32
      %rem3A_598 = arith.remsi %select_n3A_540, %jit3A_581 : i32
      %ne3A_599 = arith.constant 0 : i32
      %ne3A_600 = arith.cmpi ne, %rem3A_598, %ne3A_599 : i32
      %and3A_601 = arith.andi %ne3A_597, %ne3A_600 : i1
      %sub3A_602 = arith.constant 1 : i32
      %sub3A_603 = arith.subi %div3A_582, %sub3A_602 : i32
      %select_n3A_604 = arith.select %and3A_601, %sub3A_603, %div3A_582 : i32
      %multiple_of3A_605 = tpu.assume_multiple %select_n3A_604, 4 : i32
      %mul3A_606 = arith.constant 85 : i32
      %mul3A_607 = arith.muli %select_n3A_580, %mul3A_606 : i32
      %dma_wait3A_608 = arith.constant 0 : i32
      %dma_wait3A_609 = tpu.memref_slice %arg2[%select_n3A_564, %mul3A_607, %multiple_of3A_605, %dma_wait3A_608] : memref<8x255x64x64xf32, #tpu.memory_space<hbm>> -> memref<1x85x4x64xf32, #tpu.memory_space<hbm>>
      %dma_wait3A_610 = tpu.memref_squeeze %dma_wait3A_609 : memref<1x85x4x64xf32, #tpu.memory_space<hbm>> -> memref<85x4x64xf32, #tpu.memory_space<hbm>>
      %dma_wait3A_611 = arith.constant 0 : i32
      %dma_wait3A_612 = tpu.memref_slice %arg2[%select_n3A_564, %mul3A_607, %multiple_of3A_605, %dma_wait3A_611] : memref<8x255x64x64xf32, #tpu.memory_space<hbm>> -> memref<1x85x4x64xf32, #tpu.memory_space<hbm>>
      %dma_wait3A_613 = tpu.memref_squeeze %dma_wait3A_612 : memref<1x85x4x64xf32, #tpu.memory_space<hbm>> -> memref<85x4x64xf32, #tpu.memory_space<hbm>>
      tpu.wait_dma2 semaphore(%arg10 : memref<!tpu.dma_semaphore, #tpu.memory_space<semaphore_mem>>) src(%dma_wait3A_613 : memref<85x4x64xf32, #tpu.memory_space<hbm>>) dst(%arg6 : memref<85x4x64xf32, #tpu.memory_space<vmem>>)
      %mul3A_614 = arith.constant 3072 : i32
      %mul3A_615 = arith.muli %add3A, %mul3A_614 : i32
      %mul3A_616 = arith.constant 256 : i32
      %mul3A_617 = arith.muli %add3A_495, %mul3A_616 : i32
      %add3A_618 = arith.addi %mul3A_615, %mul3A_617 : i32
      %jit3A_619 = arith.constant 4096 : i32
      %div3A_620 = arith.divsi %add3A_618, %jit3A_619 : i32
      %sign3A_621 = arith.constant 0 : i32
      %sign3A_622 = arith.cmpi sgt, %add3A_618, %sign3A_621 : i32
      %sign3A_623 = arith.extui %sign3A_622 : i1 to i32
      %sign3A_624 = arith.constant 0 : i32
      %sign3A_625 = arith.cmpi slt, %add3A_618, %sign3A_624 : i32
      %sign3A_626 = arith.extui %sign3A_625 : i1 to i32
      %sign3A_627 = arith.subi %sign3A_623, %sign3A_626 : i32
      %sign3A_628 = arith.constant 0 : i32
      %sign3A_629 = arith.cmpi sgt, %jit3A_619, %sign3A_628 : i32
      %sign3A_630 = arith.extui %sign3A_629 : i1 to i32
      %sign3A_631 = arith.constant 0 : i32
      %sign3A_632 = arith.cmpi slt, %jit3A_619, %sign3A_631 : i32
      %sign3A_633 = arith.extui %sign3A_632 : i1 to i32
      %sign3A_634 = arith.subi %sign3A_630, %sign3A_633 : i32
      %ne3A_635 = arith.cmpi ne, %sign3A_627, %sign3A_634 : i32
      %rem3A_636 = arith.remsi %add3A_618, %jit3A_619 : i32
      %ne3A_637 = arith.constant 0 : i32
      %ne3A_638 = arith.cmpi ne, %rem3A_636, %ne3A_637 : i32
      %and3A_639 = arith.andi %ne3A_635, %ne3A_638 : i1
      %sub3A_640 = arith.constant 1 : i32
      %sub3A_641 = arith.subi %div3A_620, %sub3A_640 : i32
      %select_n3A_642 = arith.select %and3A_639, %sub3A_641, %div3A_620 : i32
      %jit3A_643 = arith.constant 4096 : i32
      %eq3A_644 = arith.constant 0 : i32
      %eq3A_645 = arith.cmpi eq, %jit3A_643, %eq3A_644 : i32
      %jit3A_646 = arith.constant 1 : i32
      %select_n3A_647 = arith.select %eq3A_645, %jit3A_646, %jit3A_643 : i32
      %rem3A_648 = arith.remsi %add3A_618, %select_n3A_647 : i32
      %ne3A_649 = arith.constant 0 : i32
      %ne3A_650 = arith.cmpi ne, %rem3A_648, %ne3A_649 : i32
      %lt3A_651 = arith.constant 0 : i32
      %lt3A_652 = arith.cmpi slt, %rem3A_648, %lt3A_651 : i32
      %lt3A_653 = arith.constant 0 : i32
      %lt3A_654 = arith.cmpi slt, %select_n3A_647, %lt3A_653 : i32
      %ne3A_655 = arith.xori %lt3A_652, %lt3A_654 : i1
      %and3A_656 = arith.andi %ne3A_655, %ne3A_650 : i1
      %add3A_657 = arith.addi %rem3A_648, %select_n3A_647 : i32
      %select_n3A_658 = arith.select %and3A_656, %add3A_657, %rem3A_648 : i32
      %jit3A_659 = arith.constant 3 : i32
      %eq3A_660 = arith.constant 0 : i32
      %eq3A_661 = arith.cmpi eq, %jit3A_659, %eq3A_660 : i32
      %jit3A_662 = arith.constant 1 : i32
      %select_n3A_663 = arith.select %eq3A_661, %jit3A_662, %jit3A_659 : i32
      %rem3A_664 = arith.remsi %select_n3A_642, %select_n3A_663 : i32
      %ne3A_665 = arith.constant 0 : i32
      %ne3A_666 = arith.cmpi ne, %rem3A_664, %ne3A_665 : i32
      %lt3A_667 = arith.constant 0 : i32
      %lt3A_668 = arith.cmpi slt, %rem3A_664, %lt3A_667 : i32
      %lt3A_669 = arith.constant 0 : i32
      %lt3A_670 = arith.cmpi slt, %select_n3A_663, %lt3A_669 : i32
      %ne3A_671 = arith.xori %lt3A_668, %lt3A_670 : i1
      %and3A_672 = arith.andi %ne3A_671, %ne3A_666 : i1
      %add3A_673 = arith.addi %rem3A_664, %select_n3A_663 : i32
      %select_n3A_674 = arith.select %and3A_672, %add3A_673, %rem3A_664 : i32
      %eq3A_675 = arith.constant 0 : i32
      %eq3A_676 = arith.cmpi eq, %select_n3A_674, %eq3A_675 : i32
      %eq3A_677 = arith.constant 1 : i32
      %eq3A_678 = arith.cmpi eq, %select_n3A_674, %eq3A_677 : i32
      %jit3A_679 = arith.constant 0.0302734375 : f32
      %jit3A_680 = arith.constant 0.0288085938 : f32
      %select_n3A_681 = arith.select %eq3A_678, %jit3A_679, %jit3A_680 : f32
      %jit3A_682 = arith.constant 0.0146484375 : f32
      %select_n3A_683 = arith.select %eq3A_676, %jit3A_682, %select_n3A_681 : f32
      %eq3A_684 = arith.constant 0 : i32
      %eq3A_685 = arith.cmpi eq, %select_n3A_674, %eq3A_684 : i32
      %eq3A_686 = arith.constant 1 : i32
      %eq3A_687 = arith.cmpi eq, %select_n3A_674, %eq3A_686 : i32
      %jit3A_688 = arith.constant 0.0219726563 : f32
      %jit3A_689 = arith.constant 0.0581054688 : f32
      %select_n3A_690 = arith.select %eq3A_687, %jit3A_688, %jit3A_689 : f32
      %jit3A_691 = arith.constant 0.0297851563 : f32
      %select_n3A_692 = arith.select %eq3A_685, %jit3A_691, %select_n3A_690 : f32
      %scan3A_693 = arith.constant 0 : i32
      %scan3A_694 = arith.constant 0 : i32
      %scan3A_695 = arith.constant 16 : i32
      %scan3A_696 = arith.addi %scan3A_694, %scan3A_695 : i32
      %scan3A_697 = arith.constant 1 : i32
      scf.for %scan3A_758 = %scan3A_694 to %scan3A_696 step %scan3A_697  : i32 {
        %mul3A_759 = arith.constant 16 : i32
        %mul3A_760 = arith.muli %scan3A_758, %mul3A_759 : i32
        %add3A_761 = arith.addi %select_n3A_658, %mul3A_760 : i32
        %jit3A_762 = arith.constant 64 : i32
        %eq3A_763 = arith.constant 0 : i32
        %eq3A_764 = arith.cmpi eq, %jit3A_762, %eq3A_763 : i32
        %jit3A_765 = arith.constant 1 : i32
        %select_n3A_766 = arith.select %eq3A_764, %jit3A_765, %jit3A_762 : i32
        %rem3A_767 = arith.remsi %add3A_761, %select_n3A_766 : i32
        %ne3A_768 = arith.constant 0 : i32
        %ne3A_769 = arith.cmpi ne, %rem3A_767, %ne3A_768 : i32
        %lt3A_770 = arith.constant 0 : i32
        %lt3A_771 = arith.cmpi slt, %rem3A_767, %lt3A_770 : i32
        %lt3A_772 = arith.constant 0 : i32
        %lt3A_773 = arith.cmpi slt, %select_n3A_766, %lt3A_772 : i32
        %ne3A_774 = arith.xori %lt3A_771, %lt3A_773 : i1
        %and3A_775 = arith.andi %ne3A_774, %ne3A_769 : i1
        %add3A_776 = arith.addi %rem3A_767, %select_n3A_766 : i32
        %select_n3A_777 = arith.select %and3A_775, %add3A_776, %rem3A_767 : i32
        %convert_element_type3A_778 = arith.sitofp %select_n3A_777 : i32 to f32
        %jit3A_779 = arith.constant 64 : i32
        %div3A_780 = arith.divsi %add3A_761, %jit3A_779 : i32
        %sign3A_781 = arith.constant 0 : i32
        %sign3A_782 = arith.cmpi sgt, %add3A_761, %sign3A_781 : i32
        %sign3A_783 = arith.extui %sign3A_782 : i1 to i32
        %sign3A_784 = arith.constant 0 : i32
        %sign3A_785 = arith.cmpi slt, %add3A_761, %sign3A_784 : i32
        %sign3A_786 = arith.extui %sign3A_785 : i1 to i32
        %sign3A_787 = arith.subi %sign3A_783, %sign3A_786 : i32
        %sign3A_788 = arith.constant 0 : i32
        %sign3A_789 = arith.cmpi sgt, %jit3A_779, %sign3A_788 : i32
        %sign3A_790 = arith.extui %sign3A_789 : i1 to i32
        %sign3A_791 = arith.constant 0 : i32
        %sign3A_792 = arith.cmpi slt, %jit3A_779, %sign3A_791 : i32
        %sign3A_793 = arith.extui %sign3A_792 : i1 to i32
        %sign3A_794 = arith.subi %sign3A_790, %sign3A_793 : i32
        %ne3A_795 = arith.cmpi ne, %sign3A_787, %sign3A_794 : i32
        %rem3A_796 = arith.remsi %add3A_761, %jit3A_779 : i32
        %ne3A_797 = arith.constant 0 : i32
        %ne3A_798 = arith.cmpi ne, %rem3A_796, %ne3A_797 : i32
        %and3A_799 = arith.andi %ne3A_795, %ne3A_798 : i1
        %sub3A_800 = arith.constant 1 : i32
        %sub3A_801 = arith.subi %div3A_780, %sub3A_800 : i32
        %select_n3A_802 = arith.select %and3A_799, %sub3A_801, %div3A_780 : i32
        %convert_element_type3A_803 = arith.sitofp %select_n3A_802 : i32 to f32
        %jit3A_804 = arith.constant 64 : i32
        %div3A_805 = arith.divsi %mul3A_760, %jit3A_804 : i32
        %sign3A_806 = arith.constant 0 : i32
        %sign3A_807 = arith.cmpi sgt, %mul3A_760, %sign3A_806 : i32
        %sign3A_808 = arith.extui %sign3A_807 : i1 to i32
        %sign3A_809 = arith.constant 0 : i32
        %sign3A_810 = arith.cmpi slt, %mul3A_760, %sign3A_809 : i32
        %sign3A_811 = arith.extui %sign3A_810 : i1 to i32
        %sign3A_812 = arith.subi %sign3A_808, %sign3A_811 : i32
        %sign3A_813 = arith.constant 0 : i32
        %sign3A_814 = arith.cmpi sgt, %jit3A_804, %sign3A_813 : i32
        %sign3A_815 = arith.extui %sign3A_814 : i1 to i32
        %sign3A_816 = arith.constant 0 : i32
        %sign3A_817 = arith.cmpi slt, %jit3A_804, %sign3A_816 : i32
        %sign3A_818 = arith.extui %sign3A_817 : i1 to i32
        %sign3A_819 = arith.subi %sign3A_815, %sign3A_818 : i32
        %ne3A_820 = arith.cmpi ne, %sign3A_812, %sign3A_819 : i32
        %rem3A_821 = arith.remsi %mul3A_760, %jit3A_804 : i32
        %ne3A_822 = arith.constant 0 : i32
        %ne3A_823 = arith.cmpi ne, %rem3A_821, %ne3A_822 : i32
        %and3A_824 = arith.andi %ne3A_820, %ne3A_823 : i1
        %sub3A_825 = arith.constant 1 : i32
        %sub3A_826 = arith.subi %div3A_805, %sub3A_825 : i32
        %select_n3A_827 = arith.select %and3A_824, %sub3A_826, %div3A_805 : i32
        %jit3A_828 = arith.constant 64 : i32
        %eq3A_829 = arith.constant 0 : i32
        %eq3A_830 = arith.cmpi eq, %jit3A_828, %eq3A_829 : i32
        %jit3A_831 = arith.constant 1 : i32
        %select_n3A_832 = arith.select %eq3A_830, %jit3A_831, %jit3A_828 : i32
        %rem3A_833 = arith.remsi %mul3A_760, %select_n3A_832 : i32
        %ne3A_834 = arith.constant 0 : i32
        %ne3A_835 = arith.cmpi ne, %rem3A_833, %ne3A_834 : i32
        %lt3A_836 = arith.constant 0 : i32
        %lt3A_837 = arith.cmpi slt, %rem3A_833, %lt3A_836 : i32
        %lt3A_838 = arith.constant 0 : i32
        %lt3A_839 = arith.cmpi slt, %select_n3A_832, %lt3A_838 : i32
        %ne3A_840 = arith.xori %lt3A_837, %lt3A_839 : i1
        %and3A_841 = arith.andi %ne3A_840, %ne3A_835 : i1
        %add3A_842 = arith.addi %rem3A_833, %select_n3A_832 : i32
        %select_n3A_843 = arith.select %and3A_841, %add3A_842, %rem3A_833 : i32
        %get3A_844 = arith.constant 0 : i32
        %get3A_845 = arith.index_cast %get3A_844 : i32 to index
        %get3A_846 = arith.index_cast %select_n3A_827 : i32 to index
        %get3A_847 = arith.index_cast %select_n3A_843 : i32 to index
        %get3A_848 = tpu.vector_load %arg6[%get3A_845, %get3A_846, %get3A_847] {strides = array<i32>} : memref<85x4x64xf32, #tpu.memory_space<vmem>>, vector<16xf32>,
        %get3A_849 = arith.constant 1 : i32
        %get3A_850 = arith.index_cast %get3A_849 : i32 to index
        %get3A_851 = arith.index_cast %select_n3A_827 : i32 to index
        %get3A_852 = arith.index_cast %select_n3A_843 : i32 to index
        %get3A_853 = tpu.vector_load %arg6[%get3A_850, %get3A_851, %get3A_852] {strides = array<i32>} : memref<85x4x64xf32, #tpu.memory_space<vmem>>, vector<16xf32>,
        %get3A_854 = arith.constant 2 : i32
        %get3A_855 = arith.index_cast %get3A_854 : i32 to index
        %get3A_856 = arith.index_cast %select_n3A_827 : i32 to index
        %get3A_857 = arith.index_cast %select_n3A_843 : i32 to index
        %get3A_858 = tpu.vector_load %arg6[%get3A_855, %get3A_856, %get3A_857] {strides = array<i32>} : memref<85x4x64xf32, #tpu.memory_space<vmem>>, vector<16xf32>,
        %get3A_859 = arith.constant 3 : i32
        %get3A_860 = arith.index_cast %get3A_859 : i32 to index
        %get3A_861 = arith.index_cast %select_n3A_827 : i32 to index
        %get3A_862 = arith.index_cast %select_n3A_843 : i32 to index
        %get3A_863 = tpu.vector_load %arg6[%get3A_860, %get3A_861, %get3A_862] {strides = array<i32>} : memref<85x4x64xf32, #tpu.memory_space<vmem>>, vector<16xf32>,
        %get3A_864 = arith.constant 4 : i32
        %get3A_865 = arith.index_cast %get3A_864 : i32 to index
        %get3A_866 = arith.index_cast %select_n3A_827 : i32 to index
        %get3A_867 = arith.index_cast %select_n3A_843 : i32 to index
        %get3A_868 = tpu.vector_load %arg6[%get3A_865, %get3A_866, %get3A_867] {strides = array<i32>} : memref<85x4x64xf32, #tpu.memory_space<vmem>>, vector<16xf32>,
        %neg3A = arith.constant 0.000000e+00 : f32
        %neg3A_869 = vector.broadcast %neg3A : f32 to vector<16xf32>
        %neg3A_870 = arith.subf %neg3A_869, %get3A_848 : vector<16xf32>
        %exp3A = math.exp %neg3A_870 : vector<16xf32>
        %add3A_871 = arith.constant 1.000000e+00 : f32
        %add3A_872 = vector.broadcast %add3A_871 : f32 to vector<16xf32>
        %add3A_873 = arith.addf %add3A_872, %exp3A : vector<16xf32>
        %div3A_874 = arith.constant 1.000000e+00 : f32
        %div3A_875 = vector.broadcast %div3A_874 : f32 to vector<16xf32>
        %div3A_876 = arith.divf %div3A_875, %add3A_873 : vector<16xf32>
        %neg3A_877 = arith.constant 0.000000e+00 : f32
        %neg3A_878 = vector.broadcast %neg3A_877 : f32 to vector<16xf32>
        %neg3A_879 = arith.subf %neg3A_878, %get3A_853 : vector<16xf32>
        %exp3A_880 = math.exp %neg3A_879 : vector<16xf32>
        %add3A_881 = arith.constant 1.000000e+00 : f32
        %add3A_882 = vector.broadcast %add3A_881 : f32 to vector<16xf32>
        %add3A_883 = arith.addf %add3A_882, %exp3A_880 : vector<16xf32>
        %div3A_884 = arith.constant 1.000000e+00 : f32
        %div3A_885 = vector.broadcast %div3A_884 : f32 to vector<16xf32>
        %div3A_886 = arith.divf %div3A_885, %add3A_883 : vector<16xf32>
        %neg3A_887 = arith.constant 0.000000e+00 : f32
        %neg3A_888 = vector.broadcast %neg3A_887 : f32 to vector<16xf32>
        %neg3A_889 = arith.subf %neg3A_888, %get3A_868 : vector<16xf32>
        %exp3A_890 = math.exp %neg3A_889 : vector<16xf32>
        %add3A_891 = arith.constant 1.000000e+00 : f32
        %add3A_892 = vector.broadcast %add3A_891 : f32 to vector<16xf32>
        %add3A_893 = arith.addf %add3A_892, %exp3A_890 : vector<16xf32>
        %div3A_894 = arith.constant 1.000000e+00 : f32
        %div3A_895 = vector.broadcast %div3A_894 : f32 to vector<16xf32>
        %div3A_896 = arith.divf %div3A_895, %add3A_893 : vector<16xf32>
        %add3A_897 = vector.broadcast %convert_element_type3A_778 : f32 to vector<16xf32>
        %add3A_898 = arith.addf %div3A_876, %add3A_897 : vector<16xf32>
        %add3A_899 = arith.addf %add3A_898, %convert_element_type3A : vector<16xf32>
        %mul3A_900 = arith.constant 1.562500e-02 : f32
        %mul3A_901 = vector.broadcast %mul3A_900 : f32 to vector<16xf32>
        %mul3A_902 = arith.mulf %add3A_899, %mul3A_901 : vector<16xf32>
        %add3A_903 = vector.broadcast %convert_element_type3A_803 : f32 to vector<16xf32>
        %add3A_904 = arith.addf %div3A_886, %add3A_903 : vector<16xf32>
        %mul3A_905 = arith.constant 1.562500e-02 : f32
        %mul3A_906 = vector.broadcast %mul3A_905 : f32 to vector<16xf32>
        %mul3A_907 = arith.mulf %add3A_904, %mul3A_906 : vector<16xf32>
        %exp3A_908 = math.exp %get3A_858 : vector<16xf32>
        %mul3A_909 = vector.broadcast %select_n3A_683 : f32 to vector<16xf32>
        %mul3A_910 = arith.mulf %exp3A_908, %mul3A_909 : vector<16xf32>
        %exp3A_911 = math.exp %get3A_863 : vector<16xf32>
        %mul3A_912 = vector.broadcast %select_n3A_692 : f32 to vector<16xf32>
        %mul3A_913 = arith.mulf %exp3A_911, %mul3A_912 : vector<16xf32>
        %get3A_914 = arith.constant 5 : i32
        %get3A_915 = arith.index_cast %get3A_914 : i32 to index
        %get3A_916 = arith.index_cast %select_n3A_827 : i32 to index
        %get3A_917 = arith.index_cast %select_n3A_843 : i32 to index
        %get3A_918 = tpu.vector_load %arg6[%get3A_915, %get3A_916, %get3A_917] {strides = array<i32>} : memref<85x4x64xf32, #tpu.memory_space<vmem>>, vector<16xf32>,
        %broadcast_in_dim3A = arith.constant 0.000000e+00 : f32
        %broadcast_in_dim3A_919 = vector.broadcast %broadcast_in_dim3A : f32 to vector<16xf32>
        %exp3A_920 = math.exp %get3A_918 : vector<16xf32>
        %broadcast_in_dim3A_921 = arith.constant 0.000000e+00 : f32
        %broadcast_in_dim3A_922 = vector.broadcast %broadcast_in_dim3A_921 : f32 to vector<16xf32>
        %get3A_923 = arith.constant 6 : i32
        %get3A_924 = arith.index_cast %get3A_923 : i32 to index
        %get3A_925 = arith.index_cast %select_n3A_827 : i32 to index
        %get3A_926 = arith.index_cast %select_n3A_843 : i32 to index
        %get3A_927 = tpu.vector_load %arg6[%get3A_924, %get3A_925, %get3A_926] {strides = array<i32>} : memref<85x4x64xf32, #tpu.memory_space<vmem>>, vector<16xf32>,
        %exp3A_928 = math.exp %get3A_927 : vector<16xf32>
        %add3A_929 = arith.addf %broadcast_in_dim3A_922, %exp3A_928 : vector<16xf32>
        %gt3A = arith.cmpf ogt, %get3A_927, %get3A_918 : vector<16xf32>
        %max3A = arith.maximumf %get3A_927, %get3A_918 : vector<16xf32>
        %jit3A_930 = arith.constant 1.000000e+00 : f32
        %broadcast_in_dim3A_931 = vector.broadcast %jit3A_930 : f32 to vector<16xf32>
        %select_n3A_932 = arith.select %gt3A, %broadcast_in_dim3A_931, %broadcast_in_dim3A_919 : vector<16xi1>, vector<16xf32>
        %get3A_933 = arith.constant 7 : i32
        %get3A_934 = arith.index_cast %get3A_933 : i32 to index
        %get3A_935 = arith.index_cast %select_n3A_827 : i32 to index
        %get3A_936 = arith.index_cast %select_n3A_843 : i32 to index
        %get3A_937 = tpu.vector_load %arg6[%get3A_934, %get3A_935, %get3A_936] {strides = array<i32>} : memref<85x4x64xf32, #tpu.memory_space<vmem>>, vector<16xf32>,
        %exp3A_938 = math.exp %get3A_937 : vector<16xf32>
        %add3A_939 = arith.addf %exp3A_920, %exp3A_938 : vector<16xf32>
        %gt3A_940 = arith.cmpf ogt, %get3A_937, %max3A : vector<16xf32>
        %max3A_941 = arith.maximumf %get3A_937, %max3A : vector<16xf32>
        %jit3A_942 = arith.constant 2.000000e+00 : f32
        %broadcast_in_dim3A_943 = vector.broadcast %jit3A_942 : f32 to vector<16xf32>
        %select_n3A_944 = arith.select %gt3A_940, %broadcast_in_dim3A_943, %select_n3A_932 : vector<16xi1>, vector<16xf32>
        %get3A_945 = arith.constant 8 : i32
        %get3A_946 = arith.index_cast %get3A_945 : i32 to index
        %get3A_947 = arith.index_cast %select_n3A_827 : i32 to index
        %get3A_948 = arith.index_cast %select_n3A_843 : i32 to index
        %get3A_949 = tpu.vector_load %arg6[%get3A_946, %get3A_947, %get3A_948] {strides = array<i32>} : memref<85x4x64xf32, #tpu.memory_space<vmem>>, vector<16xf32>,
        %exp3A_950 = math.exp %get3A_949 : vector<16xf32>
        %add3A_951 = arith.addf %add3A_929, %exp3A_950 : vector<16xf32>
        %gt3A_952 = arith.cmpf ogt, %get3A_949, %max3A_941 : vector<16xf32>
        %max3A_953 = arith.maximumf %get3A_949, %max3A_941 : vector<16xf32>
        %jit3A_954 = arith.constant 3.000000e+00 : f32
        %broadcast_in_dim3A_955 = vector.broadcast %jit3A_954 : f32 to vector<16xf32>
        %select_n3A_956 = arith.select %gt3A_952, %broadcast_in_dim3A_955, %select_n3A_944 : vector<16xi1>, vector<16xf32>
        %get3A_957 = arith.constant 9 : i32
        %get3A_958 = arith.index_cast %get3A_957 : i32 to index
        %get3A_959 = arith.index_cast %select_n3A_827 : i32 to index
        %get3A_960 = arith.index_cast %select_n3A_843 : i32 to index
        %get3A_961 = tpu.vector_load %arg6[%get3A_958, %get3A_959, %get3A_960] {strides = array<i32>} : memref<85x4x64xf32, #tpu.memory_space<vmem>>, vector<16xf32>,
        %exp3A_962 = math.exp %get3A_961 : vector<16xf32>
        %add3A_963 = arith.addf %add3A_939, %exp3A_962 : vector<16xf32>
        %gt3A_964 = arith.cmpf ogt, %get3A_961, %max3A_953 : vector<16xf32>
        %max3A_965 = arith.maximumf %get3A_961, %max3A_953 : vector<16xf32>
        %jit3A_966 = arith.constant 4.000000e+00 : f32
        %broadcast_in_dim3A_967 = vector.broadcast %jit3A_966 : f32 to vector<16xf32>
        %select_n3A_968 = arith.select %gt3A_964, %broadcast_in_dim3A_967, %select_n3A_956 : vector<16xi1>, vector<16xf32>
        %get3A_969 = arith.constant 10 : i32
        %get3A_970 = arith.index_cast %get3A_969 : i32 to index
        %get3A_971 = arith.index_cast %select_n3A_827 : i32 to index
        %get3A_972 = arith.index_cast %select_n3A_843 : i32 to index
        %get3A_973 = tpu.vector_load %arg6[%get3A_970, %get3A_971, %get3A_972] {strides = array<i32>} : memref<85x4x64xf32, #tpu.memory_space<vmem>>, vector<16xf32>,
        %exp3A_974 = math.exp %get3A_973 : vector<16xf32>
        %add3A_975 = arith.addf %add3A_951, %exp3A_974 : vector<16xf32>
        %gt3A_976 = arith.cmpf ogt, %get3A_973, %max3A_965 : vector<16xf32>
        %max3A_977 = arith.maximumf %get3A_973, %max3A_965 : vector<16xf32>
        %jit3A_978 = arith.constant 5.000000e+00 : f32
        %broadcast_in_dim3A_979 = vector.broadcast %jit3A_978 : f32 to vector<16xf32>
        %select_n3A_980 = arith.select %gt3A_976, %broadcast_in_dim3A_979, %select_n3A_968 : vector<16xi1>, vector<16xf32>
        %get3A_981 = arith.constant 11 : i32
        %get3A_982 = arith.index_cast %get3A_981 : i32 to index
        %get3A_983 = arith.index_cast %select_n3A_827 : i32 to index
        %get3A_984 = arith.index_cast %select_n3A_843 : i32 to index
        %get3A_985 = tpu.vector_load %arg6[%get3A_982, %get3A_983, %get3A_984] {strides = array<i32>} : memref<85x4x64xf32, #tpu.memory_space<vmem>>, vector<16xf32>,
        %exp3A_986 = math.exp %get3A_985 : vector<16xf32>
        %add3A_987 = arith.addf %add3A_963, %exp3A_986 : vector<16xf32>
        %gt3A_988 = arith.cmpf ogt, %get3A_985, %max3A_977 : vector<16xf32>
        %max3A_989 = arith.maximumf %get3A_985, %max3A_977 : vector<16xf32>
        %jit3A_990 = arith.constant 6.000000e+00 : f32
        %broadcast_in_dim3A_991 = vector.broadcast %jit3A_990 : f32 to vector<16xf32>
        %select_n3A_992 = arith.select %gt3A_988, %broadcast_in_dim3A_991, %select_n3A_980 : vector<16xi1>, vector<16xf32>
        %get3A_993 = arith.constant 12 : i32
        %get3A_994 = arith.index_cast %get3A_993 : i32 to index
        %get3A_995 = arith.index_cast %select_n3A_827 : i32 to index
        %get3A_996 = arith.index_cast %select_n3A_843 : i32 to index
        %get3A_997 = tpu.vector_load %arg6[%get3A_994, %get3A_995, %get3A_996] {strides = array<i32>} : memref<85x4x64xf32, #tpu.memory_space<vmem>>, vector<16xf32>,
        %exp3A_998 = math.exp %get3A_997 : vector<16xf32>
        %add3A_999 = arith.addf %add3A_975, %exp3A_998 : vector<16xf32>
        %gt3A_1000 = arith.cmpf ogt, %get3A_997, %max3A_989 : vector<16xf32>
        %max3A_1001 = arith.maximumf %get3A_997, %max3A_989 : vector<16xf32>
        %jit3A_1002 = arith.constant 7.000000e+00 : f32
        %broadcast_in_dim3A_1003 = vector.broadcast %jit3A_1002 : f32 to vector<16xf32>
        %select_n3A_1004 = arith.select %gt3A_1000, %broadcast_in_dim3A_1003, %select_n3A_992 : vector<16xi1>, vector<16xf32>
        %get3A_1005 = arith.constant 13 : i32
        %get3A_1006 = arith.index_cast %get3A_1005 : i32 to index
        %get3A_1007 = arith.index_cast %select_n3A_827 : i32 to index
        %get3A_1008 = arith.index_cast %select_n3A_843 : i32 to index
        %get3A_1009 = tpu.vector_load %arg6[%get3A_1006, %get3A_1007, %get3A_1008] {strides = array<i32>} : memref<85x4x64xf32, #tpu.memory_space<vmem>>, vector<16xf32>,
        %exp3A_1010 = math.exp %get3A_1009 : vector<16xf32>
        %add3A_1011 = arith.addf %add3A_987, %exp3A_1010 : vector<16xf32>
        %gt3A_1012 = arith.cmpf ogt, %get3A_1009, %max3A_1001 : vector<16xf32>
        %max3A_1013 = arith.maximumf %get3A_1009, %max3A_1001 : vector<16xf32>
        %jit3A_1014 = arith.constant 8.000000e+00 : f32
        %broadcast_in_dim3A_1015 = vector.broadcast %jit3A_1014 : f32 to vector<16xf32>
        %select_n3A_1016 = arith.select %gt3A_1012, %broadcast_in_dim3A_1015, %select_n3A_1004 : vector<16xi1>, vector<16xf32>
        %get3A_1017 = arith.constant 14 : i32
        %get3A_1018 = arith.index_cast %get3A_1017 : i32 to index
        %get3A_1019 = arith.index_cast %select_n3A_827 : i32 to index
        %get3A_1020 = arith.index_cast %select_n3A_843 : i32 to index
        %get3A_1021 = tpu.vector_load %arg6[%get3A_1018, %get3A_1019, %get3A_1020] {strides = array<i32>} : memref<85x4x64xf32, #tpu.memory_space<vmem>>, vector<16xf32>,
        %exp3A_1022 = math.exp %get3A_1021 : vector<16xf32>
        %add3A_1023 = arith.addf %add3A_999, %exp3A_1022 : vector<16xf32>
        %gt3A_1024 = arith.cmpf ogt, %get3A_1021, %max3A_1013 : vector<16xf32>
        %max3A_1025 = arith.maximumf %get3A_1021, %max3A_1013 : vector<16xf32>
        %jit3A_1026 = arith.constant 9.000000e+00 : f32
        %broadcast_in_dim3A_1027 = vector.broadcast %jit3A_1026 : f32 to vector<16xf32>
        %select_n3A_1028 = arith.select %gt3A_1024, %broadcast_in_dim3A_1027, %select_n3A_1016 : vector<16xi1>, vector<16xf32>
        %get3A_1029 = arith.constant 15 : i32
        %get3A_1030 = arith.index_cast %get3A_1029 : i32 to index
        %get3A_1031 = arith.index_cast %select_n3A_827 : i32 to index
        %get3A_1032 = arith.index_cast %select_n3A_843 : i32 to index
        %get3A_1033 = tpu.vector_load %arg6[%get3A_1030, %get3A_1031, %get3A_1032] {strides = array<i32>} : memref<85x4x64xf32, #tpu.memory_space<vmem>>, vector<16xf32>,
        %exp3A_1034 = math.exp %get3A_1033 : vector<16xf32>
        %add3A_1035 = arith.addf %add3A_1011, %exp3A_1034 : vector<16xf32>
        %gt3A_1036 = arith.cmpf ogt, %get3A_1033, %max3A_1025 : vector<16xf32>
        %max3A_1037 = arith.maximumf %get3A_1033, %max3A_1025 : vector<16xf32>
        %jit3A_1038 = arith.constant 1.000000e+01 : f32
        %broadcast_in_dim3A_1039 = vector.broadcast %jit3A_1038 : f32 to vector<16xf32>
        %select_n3A_1040 = arith.select %gt3A_1036, %broadcast_in_dim3A_1039, %select_n3A_1028 : vector<16xi1>, vector<16xf32>
        %get3A_1041 = arith.constant 16 : i32
        %get3A_1042 = arith.index_cast %get3A_1041 : i32 to index
        %get3A_1043 = arith.index_cast %select_n3A_827 : i32 to index
        %get3A_1044 = arith.index_cast %select_n3A_843 : i32 to index
        %get3A_1045 = tpu.vector_load %arg6[%get3A_1042, %get3A_1043, %get3A_1044] {strides = array<i32>} : memref<85x4x64xf32, #tpu.memory_space<vmem>>, vector<16xf32>,
        %exp3A_1046 = math.exp %get3A_1045 : vector<16xf32>
        %add3A_1047 = arith.addf %add3A_1023, %exp3A_1046 : vector<16xf32>
        %gt3A_1048 = arith.cmpf ogt, %get3A_1045, %max3A_1037 : vector<16xf32>
        %max3A_1049 = arith.maximumf %get3A_1045, %max3A_1037 : vector<16xf32>
        %jit3A_1050 = arith.constant 1.100000e+01 : f32
        %broadcast_in_dim3A_1051 = vector.broadcast %jit3A_1050 : f32 to vector<16xf32>
        %select_n3A_1052 = arith.select %gt3A_1048, %broadcast_in_dim3A_1051, %select_n3A_1040 : vector<16xi1>, vector<16xf32>
        %get3A_1053 = arith.constant 17 : i32
        %get3A_1054 = arith.index_cast %get3A_1053 : i32 to index
        %get3A_1055 = arith.index_cast %select_n3A_827 : i32 to index
        %get3A_1056 = arith.index_cast %select_n3A_843 : i32 to index
        %get3A_1057 = tpu.vector_load %arg6[%get3A_1054, %get3A_1055, %get3A_1056] {strides = array<i32>} : memref<85x4x64xf32, #tpu.memory_space<vmem>>, vector<16xf32>,
        %exp3A_1058 = math.exp %get3A_1057 : vector<16xf32>
        %add3A_1059 = arith.addf %add3A_1035, %exp3A_1058 : vector<16xf32>
        %gt3A_1060 = arith.cmpf ogt, %get3A_1057, %max3A_1049 : vector<16xf32>
        %max3A_1061 = arith.maximumf %get3A_1057, %max3A_1049 : vector<16xf32>
        %jit3A_1062 = arith.constant 1.200000e+01 : f32
        %broadcast_in_dim3A_1063 = vector.broadcast %jit3A_1062 : f32 to vector<16xf32>
        %select_n3A_1064 = arith.select %gt3A_1060, %broadcast_in_dim3A_1063, %select_n3A_1052 : vector<16xi1>, vector<16xf32>
        %get3A_1065 = arith.constant 18 : i32
        %get3A_1066 = arith.index_cast %get3A_1065 : i32 to index
        %get3A_1067 = arith.index_cast %select_n3A_827 : i32 to index
        %get3A_1068 = arith.index_cast %select_n3A_843 : i32 to index
        %get3A_1069 = tpu.vector_load %arg6[%get3A_1066, %get3A_1067, %get3A_1068] {strides = array<i32>} : memref<85x4x64xf32, #tpu.memory_space<vmem>>, vector<16xf32>,
        %exp3A_1070 = math.exp %get3A_1069 : vector<16xf32>
        %add3A_1071 = arith.addf %add3A_1047, %exp3A_1070 : vector<16xf32>
        %gt3A_1072 = arith.cmpf ogt, %get3A_1069, %max3A_1061 : vector<16xf32>
        %max3A_1073 = arith.maximumf %get3A_1069, %max3A_1061 : vector<16xf32>
        %jit3A_1074 = arith.constant 1.300000e+01 : f32
        %broadcast_in_dim3A_1075 = vector.broadcast %jit3A_1074 : f32 to vector<16xf32>
        %select_n3A_1076 = arith.select %gt3A_1072, %broadcast_in_dim3A_1075, %select_n3A_1064 : vector<16xi1>, vector<16xf32>
        %get3A_1077 = arith.constant 19 : i32
        %get3A_1078 = arith.index_cast %get3A_1077 : i32 to index
        %get3A_1079 = arith.index_cast %select_n3A_827 : i32 to index
        %get3A_1080 = arith.index_cast %select_n3A_843 : i32 to index
        %get3A_1081 = tpu.vector_load %arg6[%get3A_1078, %get3A_1079, %get3A_1080] {strides = array<i32>} : memref<85x4x64xf32, #tpu.memory_space<vmem>>, vector<16xf32>,
        %exp3A_1082 = math.exp %get3A_1081 : vector<16xf32>
        %add3A_1083 = arith.addf %add3A_1059, %exp3A_1082 : vector<16xf32>
        %gt3A_1084 = arith.cmpf ogt, %get3A_1081, %max3A_1073 : vector<16xf32>
        %max3A_1085 = arith.maximumf %get3A_1081, %max3A_1073 : vector<16xf32>
        %jit3A_1086 = arith.constant 1.400000e+01 : f32
        %broadcast_in_dim3A_1087 = vector.broadcast %jit3A_1086 : f32 to vector<16xf32>
        %select_n3A_1088 = arith.select %gt3A_1084, %broadcast_in_dim3A_1087, %select_n3A_1076 : vector<16xi1>, vector<16xf32>
        %get3A_1089 = arith.constant 20 : i32
        %get3A_1090 = arith.index_cast %get3A_1089 : i32 to index
        %get3A_1091 = arith.index_cast %select_n3A_827 : i32 to index
        %get3A_1092 = arith.index_cast %select_n3A_843 : i32 to index
        %get3A_1093 = tpu.vector_load %arg6[%get3A_1090, %get3A_1091, %get3A_1092] {strides = array<i32>} : memref<85x4x64xf32, #tpu.memory_space<vmem>>, vector<16xf32>,
        %exp3A_1094 = math.exp %get3A_1093 : vector<16xf32>
        %add3A_1095 = arith.addf %add3A_1071, %exp3A_1094 : vector<16xf32>
        %gt3A_1096 = arith.cmpf ogt, %get3A_1093, %max3A_1085 : vector<16xf32>
        %max3A_1097 = arith.maximumf %get3A_1093, %max3A_1085 : vector<16xf32>
        %jit3A_1098 = arith.constant 1.500000e+01 : f32
        %broadcast_in_dim3A_1099 = vector.broadcast %jit3A_1098 : f32 to vector<16xf32>
        %select_n3A_1100 = arith.select %gt3A_1096, %broadcast_in_dim3A_1099, %select_n3A_1088 : vector<16xi1>, vector<16xf32>
        %get3A_1101 = arith.constant 21 : i32
        %get3A_1102 = arith.index_cast %get3A_1101 : i32 to index
        %get3A_1103 = arith.index_cast %select_n3A_827 : i32 to index
        %get3A_1104 = arith.index_cast %select_n3A_843 : i32 to index
        %get3A_1105 = tpu.vector_load %arg6[%get3A_1102, %get3A_1103, %get3A_1104] {strides = array<i32>} : memref<85x4x64xf32, #tpu.memory_space<vmem>>, vector<16xf32>,
        %exp3A_1106 = math.exp %get3A_1105 : vector<16xf32>
        %add3A_1107 = arith.addf %add3A_1083, %exp3A_1106 : vector<16xf32>
        %gt3A_1108 = arith.cmpf ogt, %get3A_1105, %max3A_1097 : vector<16xf32>
        %max3A_1109 = arith.maximumf %get3A_1105, %max3A_1097 : vector<16xf32>
        %jit3A_1110 = arith.constant 1.600000e+01 : f32
        %broadcast_in_dim3A_1111 = vector.broadcast %jit3A_1110 : f32 to vector<16xf32>
        %select_n3A_1112 = arith.select %gt3A_1108, %broadcast_in_dim3A_1111, %select_n3A_1100 : vector<16xi1>, vector<16xf32>
        %get3A_1113 = arith.constant 22 : i32
        %get3A_1114 = arith.index_cast %get3A_1113 : i32 to index
        %get3A_1115 = arith.index_cast %select_n3A_827 : i32 to index
        %get3A_1116 = arith.index_cast %select_n3A_843 : i32 to index
        %get3A_1117 = tpu.vector_load %arg6[%get3A_1114, %get3A_1115, %get3A_1116] {strides = array<i32>} : memref<85x4x64xf32, #tpu.memory_space<vmem>>, vector<16xf32>,
        %exp3A_1118 = math.exp %get3A_1117 : vector<16xf32>
        %add3A_1119 = arith.addf %add3A_1095, %exp3A_1118 : vector<16xf32>
        %gt3A_1120 = arith.cmpf ogt, %get3A_1117, %max3A_1109 : vector<16xf32>
        %max3A_1121 = arith.maximumf %get3A_1117, %max3A_1109 : vector<16xf32>
        %jit3A_1122 = arith.constant 1.700000e+01 : f32
        %broadcast_in_dim3A_1123 = vector.broadcast %jit3A_1122 : f32 to vector<16xf32>
        %select_n3A_1124 = arith.select %gt3A_1120, %broadcast_in_dim3A_1123, %select_n3A_1112 : vector<16xi1>, vector<16xf32>
        %get3A_1125 = arith.constant 23 : i32
        %get3A_1126 = arith.index_cast %get3A_1125 : i32 to index
        %get3A_1127 = arith.index_cast %select_n3A_827 : i32 to index
        %get3A_1128 = arith.index_cast %select_n3A_843 : i32 to index
        %get3A_1129 = tpu.vector_load %arg6[%get3A_1126, %get3A_1127, %get3A_1128] {strides = array<i32>} : memref<85x4x64xf32, #tpu.memory_space<vmem>>, vector<16xf32>,
        %exp3A_1130 = math.exp %get3A_1129 : vector<16xf32>
        %add3A_1131 = arith.addf %add3A_1107, %exp3A_1130 : vector<16xf32>
        %gt3A_1132 = arith.cmpf ogt, %get3A_1129, %max3A_1121 : vector<16xf32>
        %max3A_1133 = arith.maximumf %get3A_1129, %max3A_1121 : vector<16xf32>
        %jit3A_1134 = arith.constant 1.800000e+01 : f32
        %broadcast_in_dim3A_1135 = vector.broadcast %jit3A_1134 : f32 to vector<16xf32>
        %select_n3A_1136 = arith.select %gt3A_1132, %broadcast_in_dim3A_1135, %select_n3A_1124 : vector<16xi1>, vector<16xf32>
        %get3A_1137 = arith.constant 24 : i32
        %get3A_1138 = arith.index_cast %get3A_1137 : i32 to index
        %get3A_1139 = arith.index_cast %select_n3A_827 : i32 to index
        %get3A_1140 = arith.index_cast %select_n3A_843 : i32 to index
        %get3A_1141 = tpu.vector_load %arg6[%get3A_1138, %get3A_1139, %get3A_1140] {strides = array<i32>} : memref<85x4x64xf32, #tpu.memory_space<vmem>>, vector<16xf32>,
        %exp3A_1142 = math.exp %get3A_1141 : vector<16xf32>
        %add3A_1143 = arith.addf %add3A_1119, %exp3A_1142 : vector<16xf32>
        %gt3A_1144 = arith.cmpf ogt, %get3A_1141, %max3A_1133 : vector<16xf32>
        %max3A_1145 = arith.maximumf %get3A_1141, %max3A_1133 : vector<16xf32>
        %jit3A_1146 = arith.constant 1.900000e+01 : f32
        %broadcast_in_dim3A_1147 = vector.broadcast %jit3A_1146 : f32 to vector<16xf32>
        %select_n3A_1148 = arith.select %gt3A_1144, %broadcast_in_dim3A_1147, %select_n3A_1136 : vector<16xi1>, vector<16xf32>
        %add3A_1149 = arith.addf %add3A_1131, %add3A_1143 : vector<16xf32>
        %get3A_1150 = arith.constant 25 : i32
        %get3A_1151 = arith.index_cast %get3A_1150 : i32 to index
        %get3A_1152 = arith.index_cast %select_n3A_827 : i32 to index
        %get3A_1153 = arith.index_cast %select_n3A_843 : i32 to index
        %get3A_1154 = tpu.vector_load %arg6[%get3A_1151, %get3A_1152, %get3A_1153] {strides = array<i32>} : memref<85x4x64xf32, #tpu.memory_space<vmem>>, vector<16xf32>,
        %broadcast_in_dim3A_1155 = arith.constant 2.000000e+01 : f32
        %broadcast_in_dim3A_1156 = vector.broadcast %broadcast_in_dim3A_1155 : f32 to vector<16xf32>
        %exp3A_1157 = math.exp %get3A_1154 : vector<16xf32>
        %broadcast_in_dim3A_1158 = arith.constant 0.000000e+00 : f32
        %broadcast_in_dim3A_1159 = vector.broadcast %broadcast_in_dim3A_1158 : f32 to vector<16xf32>
        %get3A_1160 = arith.constant 26 : i32
        %get3A_1161 = arith.index_cast %get3A_1160 : i32 to index
        %get3A_1162 = arith.index_cast %select_n3A_827 : i32 to index
        %get3A_1163 = arith.index_cast %select_n3A_843 : i32 to index
        %get3A_1164 = tpu.vector_load %arg6[%get3A_1161, %get3A_1162, %get3A_1163] {strides = array<i32>} : memref<85x4x64xf32, #tpu.memory_space<vmem>>, vector<16xf32>,
        %exp3A_1165 = math.exp %get3A_1164 : vector<16xf32>
        %add3A_1166 = arith.addf %broadcast_in_dim3A_1159, %exp3A_1165 : vector<16xf32>
        %gt3A_1167 = arith.cmpf ogt, %get3A_1164, %get3A_1154 : vector<16xf32>
        %max3A_1168 = arith.maximumf %get3A_1164, %get3A_1154 : vector<16xf32>
        %jit3A_1169 = arith.constant 2.100000e+01 : f32
        %broadcast_in_dim3A_1170 = vector.broadcast %jit3A_1169 : f32 to vector<16xf32>
        %select_n3A_1171 = arith.select %gt3A_1167, %broadcast_in_dim3A_1170, %broadcast_in_dim3A_1156 : vector<16xi1>, vector<16xf32>
        %get3A_1172 = arith.constant 27 : i32
        %get3A_1173 = arith.index_cast %get3A_1172 : i32 to index
        %get3A_1174 = arith.index_cast %select_n3A_827 : i32 to index
        %get3A_1175 = arith.index_cast %select_n3A_843 : i32 to index
        %get3A_1176 = tpu.vector_load %arg6[%get3A_1173, %get3A_1174, %get3A_1175] {strides = array<i32>} : memref<85x4x64xf32, #tpu.memory_space<vmem>>, vector<16xf32>,
        %exp3A_1177 = math.exp %get3A_1176 : vector<16xf32>
        %add3A_1178 = arith.addf %exp3A_1157, %exp3A_1177 : vector<16xf32>
        %gt3A_1179 = arith.cmpf ogt, %get3A_1176, %max3A_1168 : vector<16xf32>
        %max3A_1180 = arith.maximumf %get3A_1176, %max3A_1168 : vector<16xf32>
        %jit3A_1181 = arith.constant 2.200000e+01 : f32
        %broadcast_in_dim3A_1182 = vector.broadcast %jit3A_1181 : f32 to vector<16xf32>
        %select_n3A_1183 = arith.select %gt3A_1179, %broadcast_in_dim3A_1182, %select_n3A_1171 : vector<16xi1>, vector<16xf32>
        %get3A_1184 = arith.constant 28 : i32
        %get3A_1185 = arith.index_cast %get3A_1184 : i32 to index
        %get3A_1186 = arith.index_cast %select_n3A_827 : i32 to index
        %get3A_1187 = arith.index_cast %select_n3A_843 : i32 to index
        %get3A_1188 = tpu.vector_load %arg6[%get3A_1185, %get3A_1186, %get3A_1187] {strides = array<i32>} : memref<85x4x64xf32, #tpu.memory_space<vmem>>, vector<16xf32>,
        %exp3A_1189 = math.exp %get3A_1188 : vector<16xf32>
        %add3A_1190 = arith.addf %add3A_1166, %exp3A_1189 : vector<16xf32>
        %gt3A_1191 = arith.cmpf ogt, %get3A_1188, %max3A_1180 : vector<16xf32>
        %max3A_1192 = arith.maximumf %get3A_1188, %max3A_1180 : vector<16xf32>
        %jit3A_1193 = arith.constant 2.300000e+01 : f32
        %broadcast_in_dim3A_1194 = vector.broadcast %jit3A_1193 : f32 to vector<16xf32>
        %select_n3A_1195 = arith.select %gt3A_1191, %broadcast_in_dim3A_1194, %select_n3A_1183 : vector<16xi1>, vector<16xf32>
        %get3A_1196 = arith.constant 29 : i32
        %get3A_1197 = arith.index_cast %get3A_1196 : i32 to index
        %get3A_1198 = arith.index_cast %select_n3A_827 : i32 to index
        %get3A_1199 = arith.index_cast %select_n3A_843 : i32 to index
        %get3A_1200 = tpu.vector_load %arg6[%get3A_1197, %get3A_1198, %get3A_1199] {strides = array<i32>} : memref<85x4x64xf32, #tpu.memory_space<vmem>>, vector<16xf32>,
        %exp3A_1201 = math.exp %get3A_1200 : vector<16xf32>
        %add3A_1202 = arith.addf %add3A_1178, %exp3A_1201 : vector<16xf32>
        %gt3A_1203 = arith.cmpf ogt, %get3A_1200, %max3A_1192 : vector<16xf32>
        %max3A_1204 = arith.maximumf %get3A_1200, %max3A_1192 : vector<16xf32>
        %jit3A_1205 = arith.constant 2.400000e+01 : f32
        %broadcast_in_dim3A_1206 = vector.broadcast %jit3A_1205 : f32 to vector<16xf32>
        %select_n3A_1207 = arith.select %gt3A_1203, %broadcast_in_dim3A_1206, %select_n3A_1195 : vector<16xi1>, vector<16xf32>
        %get3A_1208 = arith.constant 30 : i32
        %get3A_1209 = arith.index_cast %get3A_1208 : i32 to index
        %get3A_1210 = arith.index_cast %select_n3A_827 : i32 to index
        %get3A_1211 = arith.index_cast %select_n3A_843 : i32 to index
        %get3A_1212 = tpu.vector_load %arg6[%get3A_1209, %get3A_1210, %get3A_1211] {strides = array<i32>} : memref<85x4x64xf32, #tpu.memory_space<vmem>>, vector<16xf32>,
        %exp3A_1213 = math.exp %get3A_1212 : vector<16xf32>
        %add3A_1214 = arith.addf %add3A_1190, %exp3A_1213 : vector<16xf32>
        %gt3A_1215 = arith.cmpf ogt, %get3A_1212, %max3A_1204 : vector<16xf32>
        %max3A_1216 = arith.maximumf %get3A_1212, %max3A_1204 : vector<16xf32>
        %jit3A_1217 = arith.constant 2.500000e+01 : f32
        %broadcast_in_dim3A_1218 = vector.broadcast %jit3A_1217 : f32 to vector<16xf32>
        %select_n3A_1219 = arith.select %gt3A_1215, %broadcast_in_dim3A_1218, %select_n3A_1207 : vector<16xi1>, vector<16xf32>
        %get3A_1220 = arith.constant 31 : i32
        %get3A_1221 = arith.index_cast %get3A_1220 : i32 to index
        %get3A_1222 = arith.index_cast %select_n3A_827 : i32 to index
        %get3A_1223 = arith.index_cast %select_n3A_843 : i32 to index
        %get3A_1224 = tpu.vector_load %arg6[%get3A_1221, %get3A_1222, %get3A_1223] {strides = array<i32>} : memref<85x4x64xf32, #tpu.memory_space<vmem>>, vector<16xf32>,
        %exp3A_1225 = math.exp %get3A_1224 : vector<16xf32>
        %add3A_1226 = arith.addf %add3A_1202, %exp3A_1225 : vector<16xf32>
        %gt3A_1227 = arith.cmpf ogt, %get3A_1224, %max3A_1216 : vector<16xf32>
        %max3A_1228 = arith.maximumf %get3A_1224, %max3A_1216 : vector<16xf32>
        %jit3A_1229 = arith.constant 2.600000e+01 : f32
        %broadcast_in_dim3A_1230 = vector.broadcast %jit3A_1229 : f32 to vector<16xf32>
        %select_n3A_1231 = arith.select %gt3A_1227, %broadcast_in_dim3A_1230, %select_n3A_1219 : vector<16xi1>, vector<16xf32>
        %get3A_1232 = arith.constant 32 : i32
        %get3A_1233 = arith.index_cast %get3A_1232 : i32 to index
        %get3A_1234 = arith.index_cast %select_n3A_827 : i32 to index
        %get3A_1235 = arith.index_cast %select_n3A_843 : i32 to index
        %get3A_1236 = tpu.vector_load %arg6[%get3A_1233, %get3A_1234, %get3A_1235] {strides = array<i32>} : memref<85x4x64xf32, #tpu.memory_space<vmem>>, vector<16xf32>,
        %exp3A_1237 = math.exp %get3A_1236 : vector<16xf32>
        %add3A_1238 = arith.addf %add3A_1214, %exp3A_1237 : vector<16xf32>
        %gt3A_1239 = arith.cmpf ogt, %get3A_1236, %max3A_1228 : vector<16xf32>
        %max3A_1240 = arith.maximumf %get3A_1236, %max3A_1228 : vector<16xf32>
        %jit3A_1241 = arith.constant 2.700000e+01 : f32
        %broadcast_in_dim3A_1242 = vector.broadcast %jit3A_1241 : f32 to vector<16xf32>
        %select_n3A_1243 = arith.select %gt3A_1239, %broadcast_in_dim3A_1242, %select_n3A_1231 : vector<16xi1>, vector<16xf32>
        %get3A_1244 = arith.constant 33 : i32
        %get3A_1245 = arith.index_cast %get3A_1244 : i32 to index
        %get3A_1246 = arith.index_cast %select_n3A_827 : i32 to index
        %get3A_1247 = arith.index_cast %select_n3A_843 : i32 to index
        %get3A_1248 = tpu.vector_load %arg6[%get3A_1245, %get3A_1246, %get3A_1247] {strides = array<i32>} : memref<85x4x64xf32, #tpu.memory_space<vmem>>, vector<16xf32>,
        %exp3A_1249 = math.exp %get3A_1248 : vector<16xf32>
        %add3A_1250 = arith.addf %add3A_1226, %exp3A_1249 : vector<16xf32>
        %gt3A_1251 = arith.cmpf ogt, %get3A_1248, %max3A_1240 : vector<16xf32>
        %max3A_1252 = arith.maximumf %get3A_1248, %max3A_1240 : vector<16xf32>
        %jit3A_1253 = arith.constant 2.800000e+01 : f32
        %broadcast_in_dim3A_1254 = vector.broadcast %jit3A_1253 : f32 to vector<16xf32>
        %select_n3A_1255 = arith.select %gt3A_1251, %broadcast_in_dim3A_1254, %select_n3A_1243 : vector<16xi1>, vector<16xf32>
        %get3A_1256 = arith.constant 34 : i32
        %get3A_1257 = arith.index_cast %get3A_1256 : i32 to index
        %get3A_1258 = arith.index_cast %select_n3A_827 : i32 to index
        %get3A_1259 = arith.index_cast %select_n3A_843 : i32 to index
        %get3A_1260 = tpu.vector_load %arg6[%get3A_1257, %get3A_1258, %get3A_1259] {strides = array<i32>} : memref<85x4x64xf32, #tpu.memory_space<vmem>>, vector<16xf32>,
        %exp3A_1261 = math.exp %get3A_1260 : vector<16xf32>
        %add3A_1262 = arith.addf %add3A_1238, %exp3A_1261 : vector<16xf32>
        %gt3A_1263 = arith.cmpf ogt, %get3A_1260, %max3A_1252 : vector<16xf32>
        %max3A_1264 = arith.maximumf %get3A_1260, %max3A_1252 : vector<16xf32>
        %jit3A_1265 = arith.constant 2.900000e+01 : f32
        %broadcast_in_dim3A_1266 = vector.broadcast %jit3A_1265 : f32 to vector<16xf32>
        %select_n3A_1267 = arith.select %gt3A_1263, %broadcast_in_dim3A_1266, %select_n3A_1255 : vector<16xi1>, vector<16xf32>
        %get3A_1268 = arith.constant 35 : i32
        %get3A_1269 = arith.index_cast %get3A_1268 : i32 to index
        %get3A_1270 = arith.index_cast %select_n3A_827 : i32 to index
        %get3A_1271 = arith.index_cast %select_n3A_843 : i32 to index
        %get3A_1272 = tpu.vector_load %arg6[%get3A_1269, %get3A_1270, %get3A_1271] {strides = array<i32>} : memref<85x4x64xf32, #tpu.memory_space<vmem>>, vector<16xf32>,
        %exp3A_1273 = math.exp %get3A_1272 : vector<16xf32>
        %add3A_1274 = arith.addf %add3A_1250, %exp3A_1273 : vector<16xf32>
        %gt3A_1275 = arith.cmpf ogt, %get3A_1272, %max3A_1264 : vector<16xf32>
        %max3A_1276 = arith.maximumf %get3A_1272, %max3A_1264 : vector<16xf32>
        %jit3A_1277 = arith.constant 3.000000e+01 : f32
        %broadcast_in_dim3A_1278 = vector.broadcast %jit3A_1277 : f32 to vector<16xf32>
        %select_n3A_1279 = arith.select %gt3A_1275, %broadcast_in_dim3A_1278, %select_n3A_1267 : vector<16xi1>, vector<16xf32>
        %get3A_1280 = arith.constant 36 : i32
        %get3A_1281 = arith.index_cast %get3A_1280 : i32 to index
        %get3A_1282 = arith.index_cast %select_n3A_827 : i32 to index
        %get3A_1283 = arith.index_cast %select_n3A_843 : i32 to index
        %get3A_1284 = tpu.vector_load %arg6[%get3A_1281, %get3A_1282, %get3A_1283] {strides = array<i32>} : memref<85x4x64xf32, #tpu.memory_space<vmem>>, vector<16xf32>,
        %exp3A_1285 = math.exp %get3A_1284 : vector<16xf32>
        %add3A_1286 = arith.addf %add3A_1262, %exp3A_1285 : vector<16xf32>
        %gt3A_1287 = arith.cmpf ogt, %get3A_1284, %max3A_1276 : vector<16xf32>
        %max3A_1288 = arith.maximumf %get3A_1284, %max3A_1276 : vector<16xf32>
        %jit3A_1289 = arith.constant 3.100000e+01 : f32
        %broadcast_in_dim3A_1290 = vector.broadcast %jit3A_1289 : f32 to vector<16xf32>
        %select_n3A_1291 = arith.select %gt3A_1287, %broadcast_in_dim3A_1290, %select_n3A_1279 : vector<16xi1>, vector<16xf32>
        %get3A_1292 = arith.constant 37 : i32
        %get3A_1293 = arith.index_cast %get3A_1292 : i32 to index
        %get3A_1294 = arith.index_cast %select_n3A_827 : i32 to index
        %get3A_1295 = arith.index_cast %select_n3A_843 : i32 to index
        %get3A_1296 = tpu.vector_load %arg6[%get3A_1293, %get3A_1294, %get3A_1295] {strides = array<i32>} : memref<85x4x64xf32, #tpu.memory_space<vmem>>, vector<16xf32>,
        %exp3A_1297 = math.exp %get3A_1296 : vector<16xf32>
        %add3A_1298 = arith.addf %add3A_1274, %exp3A_1297 : vector<16xf32>
        %gt3A_1299 = arith.cmpf ogt, %get3A_1296, %max3A_1288 : vector<16xf32>
        %max3A_1300 = arith.maximumf %get3A_1296, %max3A_1288 : vector<16xf32>
        %jit3A_1301 = arith.constant 3.200000e+01 : f32
        %broadcast_in_dim3A_1302 = vector.broadcast %jit3A_1301 : f32 to vector<16xf32>
        %select_n3A_1303 = arith.select %gt3A_1299, %broadcast_in_dim3A_1302, %select_n3A_1291 : vector<16xi1>, vector<16xf32>
        %get3A_1304 = arith.constant 38 : i32
        %get3A_1305 = arith.index_cast %get3A_1304 : i32 to index
        %get3A_1306 = arith.index_cast %select_n3A_827 : i32 to index
        %get3A_1307 = arith.index_cast %select_n3A_843 : i32 to index
        %get3A_1308 = tpu.vector_load %arg6[%get3A_1305, %get3A_1306, %get3A_1307] {strides = array<i32>} : memref<85x4x64xf32, #tpu.memory_space<vmem>>, vector<16xf32>,
        %exp3A_1309 = math.exp %get3A_1308 : vector<16xf32>
        %add3A_1310 = arith.addf %add3A_1286, %exp3A_1309 : vector<16xf32>
        %gt3A_1311 = arith.cmpf ogt, %get3A_1308, %max3A_1300 : vector<16xf32>
        %max3A_1312 = arith.maximumf %get3A_1308, %max3A_1300 : vector<16xf32>
        %jit3A_1313 = arith.constant 3.300000e+01 : f32
        %broadcast_in_dim3A_1314 = vector.broadcast %jit3A_1313 : f32 to vector<16xf32>
        %select_n3A_1315 = arith.select %gt3A_1311, %broadcast_in_dim3A_1314, %select_n3A_1303 : vector<16xi1>, vector<16xf32>
        %get3A_1316 = arith.constant 39 : i32
        %get3A_1317 = arith.index_cast %get3A_1316 : i32 to index
        %get3A_1318 = arith.index_cast %select_n3A_827 : i32 to index
        %get3A_1319 = arith.index_cast %select_n3A_843 : i32 to index
        %get3A_1320 = tpu.vector_load %arg6[%get3A_1317, %get3A_1318, %get3A_1319] {strides = array<i32>} : memref<85x4x64xf32, #tpu.memory_space<vmem>>, vector<16xf32>,
        %exp3A_1321 = math.exp %get3A_1320 : vector<16xf32>
        %add3A_1322 = arith.addf %add3A_1298, %exp3A_1321 : vector<16xf32>
        %gt3A_1323 = arith.cmpf ogt, %get3A_1320, %max3A_1312 : vector<16xf32>
        %max3A_1324 = arith.maximumf %get3A_1320, %max3A_1312 : vector<16xf32>
        %jit3A_1325 = arith.constant 3.400000e+01 : f32
        %broadcast_in_dim3A_1326 = vector.broadcast %jit3A_1325 : f32 to vector<16xf32>
        %select_n3A_1327 = arith.select %gt3A_1323, %broadcast_in_dim3A_1326, %select_n3A_1315 : vector<16xi1>, vector<16xf32>
        %get3A_1328 = arith.constant 40 : i32
        %get3A_1329 = arith.index_cast %get3A_1328 : i32 to index
        %get3A_1330 = arith.index_cast %select_n3A_827 : i32 to index
        %get3A_1331 = arith.index_cast %select_n3A_843 : i32 to index
        %get3A_1332 = tpu.vector_load %arg6[%get3A_1329, %get3A_1330, %get3A_1331] {strides = array<i32>} : memref<85x4x64xf32, #tpu.memory_space<vmem>>, vector<16xf32>,
        %exp3A_1333 = math.exp %get3A_1332 : vector<16xf32>
        %add3A_1334 = arith.addf %add3A_1310, %exp3A_1333 : vector<16xf32>
        %gt3A_1335 = arith.cmpf ogt, %get3A_1332, %max3A_1324 : vector<16xf32>
        %max3A_1336 = arith.maximumf %get3A_1332, %max3A_1324 : vector<16xf32>
        %jit3A_1337 = arith.constant 3.500000e+01 : f32
        %broadcast_in_dim3A_1338 = vector.broadcast %jit3A_1337 : f32 to vector<16xf32>
        %select_n3A_1339 = arith.select %gt3A_1335, %broadcast_in_dim3A_1338, %select_n3A_1327 : vector<16xi1>, vector<16xf32>
        %get3A_1340 = arith.constant 41 : i32
        %get3A_1341 = arith.index_cast %get3A_1340 : i32 to index
        %get3A_1342 = arith.index_cast %select_n3A_827 : i32 to index
        %get3A_1343 = arith.index_cast %select_n3A_843 : i32 to index
        %get3A_1344 = tpu.vector_load %arg6[%get3A_1341, %get3A_1342, %get3A_1343] {strides = array<i32>} : memref<85x4x64xf32, #tpu.memory_space<vmem>>, vector<16xf32>,
        %exp3A_1345 = math.exp %get3A_1344 : vector<16xf32>
        %add3A_1346 = arith.addf %add3A_1322, %exp3A_1345 : vector<16xf32>
        %gt3A_1347 = arith.cmpf ogt, %get3A_1344, %max3A_1336 : vector<16xf32>
        %max3A_1348 = arith.maximumf %get3A_1344, %max3A_1336 : vector<16xf32>
        %jit3A_1349 = arith.constant 3.600000e+01 : f32
        %broadcast_in_dim3A_1350 = vector.broadcast %jit3A_1349 : f32 to vector<16xf32>
        %select_n3A_1351 = arith.select %gt3A_1347, %broadcast_in_dim3A_1350, %select_n3A_1339 : vector<16xi1>, vector<16xf32>
        %get3A_1352 = arith.constant 42 : i32
        %get3A_1353 = arith.index_cast %get3A_1352 : i32 to index
        %get3A_1354 = arith.index_cast %select_n3A_827 : i32 to index
        %get3A_1355 = arith.index_cast %select_n3A_843 : i32 to index
        %get3A_1356 = tpu.vector_load %arg6[%get3A_1353, %get3A_1354, %get3A_1355] {strides = array<i32>} : memref<85x4x64xf32, #tpu.memory_space<vmem>>, vector<16xf32>,
        %exp3A_1357 = math.exp %get3A_1356 : vector<16xf32>
        %add3A_1358 = arith.addf %add3A_1334, %exp3A_1357 : vector<16xf32>
        %gt3A_1359 = arith.cmpf ogt, %get3A_1356, %max3A_1348 : vector<16xf32>
        %max3A_1360 = arith.maximumf %get3A_1356, %max3A_1348 : vector<16xf32>
        %jit3A_1361 = arith.constant 3.700000e+01 : f32
        %broadcast_in_dim3A_1362 = vector.broadcast %jit3A_1361 : f32 to vector<16xf32>
        %select_n3A_1363 = arith.select %gt3A_1359, %broadcast_in_dim3A_1362, %select_n3A_1351 : vector<16xi1>, vector<16xf32>
        %get3A_1364 = arith.constant 43 : i32
        %get3A_1365 = arith.index_cast %get3A_1364 : i32 to index
        %get3A_1366 = arith.index_cast %select_n3A_827 : i32 to index
        %get3A_1367 = arith.index_cast %select_n3A_843 : i32 to index
        %get3A_1368 = tpu.vector_load %arg6[%get3A_1365, %get3A_1366, %get3A_1367] {strides = array<i32>} : memref<85x4x64xf32, #tpu.memory_space<vmem>>, vector<16xf32>,
        %exp3A_1369 = math.exp %get3A_1368 : vector<16xf32>
        %add3A_1370 = arith.addf %add3A_1346, %exp3A_1369 : vector<16xf32>
        %gt3A_1371 = arith.cmpf ogt, %get3A_1368, %max3A_1360 : vector<16xf32>
        %max3A_1372 = arith.maximumf %get3A_1368, %max3A_1360 : vector<16xf32>
        %jit3A_1373 = arith.constant 3.800000e+01 : f32
        %broadcast_in_dim3A_1374 = vector.broadcast %jit3A_1373 : f32 to vector<16xf32>
        %select_n3A_1375 = arith.select %gt3A_1371, %broadcast_in_dim3A_1374, %select_n3A_1363 : vector<16xi1>, vector<16xf32>
        %get3A_1376 = arith.constant 44 : i32
        %get3A_1377 = arith.index_cast %get3A_1376 : i32 to index
        %get3A_1378 = arith.index_cast %select_n3A_827 : i32 to index
        %get3A_1379 = arith.index_cast %select_n3A_843 : i32 to index
        %get3A_1380 = tpu.vector_load %arg6[%get3A_1377, %get3A_1378, %get3A_1379] {strides = array<i32>} : memref<85x4x64xf32, #tpu.memory_space<vmem>>, vector<16xf32>,
        %exp3A_1381 = math.exp %get3A_1380 : vector<16xf32>
        %add3A_1382 = arith.addf %add3A_1358, %exp3A_1381 : vector<16xf32>
        %gt3A_1383 = arith.cmpf ogt, %get3A_1380, %max3A_1372 : vector<16xf32>
        %max3A_1384 = arith.maximumf %get3A_1380, %max3A_1372 : vector<16xf32>
        %jit3A_1385 = arith.constant 3.900000e+01 : f32
        %broadcast_in_dim3A_1386 = vector.broadcast %jit3A_1385 : f32 to vector<16xf32>
        %select_n3A_1387 = arith.select %gt3A_1383, %broadcast_in_dim3A_1386, %select_n3A_1375 : vector<16xi1>, vector<16xf32>
        %add3A_1388 = arith.addf %add3A_1370, %add3A_1382 : vector<16xf32>
        %get3A_1389 = arith.constant 45 : i32
        %get3A_1390 = arith.index_cast %get3A_1389 : i32 to index
        %get3A_1391 = arith.index_cast %select_n3A_827 : i32 to index
        %get3A_1392 = arith.index_cast %select_n3A_843 : i32 to index
        %get3A_1393 = tpu.vector_load %arg6[%get3A_1390, %get3A_1391, %get3A_1392] {strides = array<i32>} : memref<85x4x64xf32, #tpu.memory_space<vmem>>, vector<16xf32>,
        %broadcast_in_dim3A_1394 = arith.constant 4.000000e+01 : f32
        %broadcast_in_dim3A_1395 = vector.broadcast %broadcast_in_dim3A_1394 : f32 to vector<16xf32>
        %exp3A_1396 = math.exp %get3A_1393 : vector<16xf32>
        %broadcast_in_dim3A_1397 = arith.constant 0.000000e+00 : f32
        %broadcast_in_dim3A_1398 = vector.broadcast %broadcast_in_dim3A_1397 : f32 to vector<16xf32>
        %get3A_1399 = arith.constant 46 : i32
        %get3A_1400 = arith.index_cast %get3A_1399 : i32 to index
        %get3A_1401 = arith.index_cast %select_n3A_827 : i32 to index
        %get3A_1402 = arith.index_cast %select_n3A_843 : i32 to index
        %get3A_1403 = tpu.vector_load %arg6[%get3A_1400, %get3A_1401, %get3A_1402] {strides = array<i32>} : memref<85x4x64xf32, #tpu.memory_space<vmem>>, vector<16xf32>,
        %exp3A_1404 = math.exp %get3A_1403 : vector<16xf32>
        %add3A_1405 = arith.addf %broadcast_in_dim3A_1398, %exp3A_1404 : vector<16xf32>
        %gt3A_1406 = arith.cmpf ogt, %get3A_1403, %get3A_1393 : vector<16xf32>
        %max3A_1407 = arith.maximumf %get3A_1403, %get3A_1393 : vector<16xf32>
        %jit3A_1408 = arith.constant 4.100000e+01 : f32
        %broadcast_in_dim3A_1409 = vector.broadcast %jit3A_1408 : f32 to vector<16xf32>
        %select_n3A_1410 = arith.select %gt3A_1406, %broadcast_in_dim3A_1409, %broadcast_in_dim3A_1395 : vector<16xi1>, vector<16xf32>
        %get3A_1411 = arith.constant 47 : i32
        %get3A_1412 = arith.index_cast %get3A_1411 : i32 to index
        %get3A_1413 = arith.index_cast %select_n3A_827 : i32 to index
        %get3A_1414 = arith.index_cast %select_n3A_843 : i32 to index
        %get3A_1415 = tpu.vector_load %arg6[%get3A_1412, %get3A_1413, %get3A_1414] {strides = array<i32>} : memref<85x4x64xf32, #tpu.memory_space<vmem>>, vector<16xf32>,
        %exp3A_1416 = math.exp %get3A_1415 : vector<16xf32>
        %add3A_1417 = arith.addf %exp3A_1396, %exp3A_1416 : vector<16xf32>
        %gt3A_1418 = arith.cmpf ogt, %get3A_1415, %max3A_1407 : vector<16xf32>
        %max3A_1419 = arith.maximumf %get3A_1415, %max3A_1407 : vector<16xf32>
        %jit3A_1420 = arith.constant 4.200000e+01 : f32
        %broadcast_in_dim3A_1421 = vector.broadcast %jit3A_1420 : f32 to vector<16xf32>
        %select_n3A_1422 = arith.select %gt3A_1418, %broadcast_in_dim3A_1421, %select_n3A_1410 : vector<16xi1>, vector<16xf32>
        %get3A_1423 = arith.constant 48 : i32
        %get3A_1424 = arith.index_cast %get3A_1423 : i32 to index
        %get3A_1425 = arith.index_cast %select_n3A_827 : i32 to index
        %get3A_1426 = arith.index_cast %select_n3A_843 : i32 to index
        %get3A_1427 = tpu.vector_load %arg6[%get3A_1424, %get3A_1425, %get3A_1426] {strides = array<i32>} : memref<85x4x64xf32, #tpu.memory_space<vmem>>, vector<16xf32>,
        %exp3A_1428 = math.exp %get3A_1427 : vector<16xf32>
        %add3A_1429 = arith.addf %add3A_1405, %exp3A_1428 : vector<16xf32>
        %gt3A_1430 = arith.cmpf ogt, %get3A_1427, %max3A_1419 : vector<16xf32>
        %max3A_1431 = arith.maximumf %get3A_1427, %max3A_1419 : vector<16xf32>
        %jit3A_1432 = arith.constant 4.300000e+01 : f32
        %broadcast_in_dim3A_1433 = vector.broadcast %jit3A_1432 : f32 to vector<16xf32>
        %select_n3A_1434 = arith.select %gt3A_1430, %broadcast_in_dim3A_1433, %select_n3A_1422 : vector<16xi1>, vector<16xf32>
        %get3A_1435 = arith.constant 49 : i32
        %get3A_1436 = arith.index_cast %get3A_1435 : i32 to index
        %get3A_1437 = arith.index_cast %select_n3A_827 : i32 to index
        %get3A_1438 = arith.index_cast %select_n3A_843 : i32 to index
        %get3A_1439 = tpu.vector_load %arg6[%get3A_1436, %get3A_1437, %get3A_1438] {strides = array<i32>} : memref<85x4x64xf32, #tpu.memory_space<vmem>>, vector<16xf32>,
        %exp3A_1440 = math.exp %get3A_1439 : vector<16xf32>
        %add3A_1441 = arith.addf %add3A_1417, %exp3A_1440 : vector<16xf32>
        %gt3A_1442 = arith.cmpf ogt, %get3A_1439, %max3A_1431 : vector<16xf32>
        %max3A_1443 = arith.maximumf %get3A_1439, %max3A_1431 : vector<16xf32>
        %jit3A_1444 = arith.constant 4.400000e+01 : f32
        %broadcast_in_dim3A_1445 = vector.broadcast %jit3A_1444 : f32 to vector<16xf32>
        %select_n3A_1446 = arith.select %gt3A_1442, %broadcast_in_dim3A_1445, %select_n3A_1434 : vector<16xi1>, vector<16xf32>
        %get3A_1447 = arith.constant 50 : i32
        %get3A_1448 = arith.index_cast %get3A_1447 : i32 to index
        %get3A_1449 = arith.index_cast %select_n3A_827 : i32 to index
        %get3A_1450 = arith.index_cast %select_n3A_843 : i32 to index
        %get3A_1451 = tpu.vector_load %arg6[%get3A_1448, %get3A_1449, %get3A_1450] {strides = array<i32>} : memref<85x4x64xf32, #tpu.memory_space<vmem>>, vector<16xf32>,
        %exp3A_1452 = math.exp %get3A_1451 : vector<16xf32>
        %add3A_1453 = arith.addf %add3A_1429, %exp3A_1452 : vector<16xf32>
        %gt3A_1454 = arith.cmpf ogt, %get3A_1451, %max3A_1443 : vector<16xf32>
        %max3A_1455 = arith.maximumf %get3A_1451, %max3A_1443 : vector<16xf32>
        %jit3A_1456 = arith.constant 4.500000e+01 : f32
        %broadcast_in_dim3A_1457 = vector.broadcast %jit3A_1456 : f32 to vector<16xf32>
        %select_n3A_1458 = arith.select %gt3A_1454, %broadcast_in_dim3A_1457, %select_n3A_1446 : vector<16xi1>, vector<16xf32>
        %get3A_1459 = arith.constant 51 : i32
        %get3A_1460 = arith.index_cast %get3A_1459 : i32 to index
        %get3A_1461 = arith.index_cast %select_n3A_827 : i32 to index
        %get3A_1462 = arith.index_cast %select_n3A_843 : i32 to index
        %get3A_1463 = tpu.vector_load %arg6[%get3A_1460, %get3A_1461, %get3A_1462] {strides = array<i32>} : memref<85x4x64xf32, #tpu.memory_space<vmem>>, vector<16xf32>,
        %exp3A_1464 = math.exp %get3A_1463 : vector<16xf32>
        %add3A_1465 = arith.addf %add3A_1441, %exp3A_1464 : vector<16xf32>
        %gt3A_1466 = arith.cmpf ogt, %get3A_1463, %max3A_1455 : vector<16xf32>
        %max3A_1467 = arith.maximumf %get3A_1463, %max3A_1455 : vector<16xf32>
        %jit3A_1468 = arith.constant 4.600000e+01 : f32
        %broadcast_in_dim3A_1469 = vector.broadcast %jit3A_1468 : f32 to vector<16xf32>
        %select_n3A_1470 = arith.select %gt3A_1466, %broadcast_in_dim3A_1469, %select_n3A_1458 : vector<16xi1>, vector<16xf32>
        %get3A_1471 = arith.constant 52 : i32
        %get3A_1472 = arith.index_cast %get3A_1471 : i32 to index
        %get3A_1473 = arith.index_cast %select_n3A_827 : i32 to index
        %get3A_1474 = arith.index_cast %select_n3A_843 : i32 to index
        %get3A_1475 = tpu.vector_load %arg6[%get3A_1472, %get3A_1473, %get3A_1474] {strides = array<i32>} : memref<85x4x64xf32, #tpu.memory_space<vmem>>, vector<16xf32>,
        %exp3A_1476 = math.exp %get3A_1475 : vector<16xf32>
        %add3A_1477 = arith.addf %add3A_1453, %exp3A_1476 : vector<16xf32>
        %gt3A_1478 = arith.cmpf ogt, %get3A_1475, %max3A_1467 : vector<16xf32>
        %max3A_1479 = arith.maximumf %get3A_1475, %max3A_1467 : vector<16xf32>
        %jit3A_1480 = arith.constant 4.700000e+01 : f32
        %broadcast_in_dim3A_1481 = vector.broadcast %jit3A_1480 : f32 to vector<16xf32>
        %select_n3A_1482 = arith.select %gt3A_1478, %broadcast_in_dim3A_1481, %select_n3A_1470 : vector<16xi1>, vector<16xf32>
        %get3A_1483 = arith.constant 53 : i32
        %get3A_1484 = arith.index_cast %get3A_1483 : i32 to index
        %get3A_1485 = arith.index_cast %select_n3A_827 : i32 to index
        %get3A_1486 = arith.index_cast %select_n3A_843 : i32 to index
        %get3A_1487 = tpu.vector_load %arg6[%get3A_1484, %get3A_1485, %get3A_1486] {strides = array<i32>} : memref<85x4x64xf32, #tpu.memory_space<vmem>>, vector<16xf32>,
        %exp3A_1488 = math.exp %get3A_1487 : vector<16xf32>
        %add3A_1489 = arith.addf %add3A_1465, %exp3A_1488 : vector<16xf32>
        %gt3A_1490 = arith.cmpf ogt, %get3A_1487, %max3A_1479 : vector<16xf32>
        %max3A_1491 = arith.maximumf %get3A_1487, %max3A_1479 : vector<16xf32>
        %jit3A_1492 = arith.constant 4.800000e+01 : f32
        %broadcast_in_dim3A_1493 = vector.broadcast %jit3A_1492 : f32 to vector<16xf32>
        %select_n3A_1494 = arith.select %gt3A_1490, %broadcast_in_dim3A_1493, %select_n3A_1482 : vector<16xi1>, vector<16xf32>
        %get3A_1495 = arith.constant 54 : i32
        %get3A_1496 = arith.index_cast %get3A_1495 : i32 to index
        %get3A_1497 = arith.index_cast %select_n3A_827 : i32 to index
        %get3A_1498 = arith.index_cast %select_n3A_843 : i32 to index
        %get3A_1499 = tpu.vector_load %arg6[%get3A_1496, %get3A_1497, %get3A_1498] {strides = array<i32>} : memref<85x4x64xf32, #tpu.memory_space<vmem>>, vector<16xf32>,
        %exp3A_1500 = math.exp %get3A_1499 : vector<16xf32>
        %add3A_1501 = arith.addf %add3A_1477, %exp3A_1500 : vector<16xf32>
        %gt3A_1502 = arith.cmpf ogt, %get3A_1499, %max3A_1491 : vector<16xf32>
        %max3A_1503 = arith.maximumf %get3A_1499, %max3A_1491 : vector<16xf32>
        %jit3A_1504 = arith.constant 4.900000e+01 : f32
        %broadcast_in_dim3A_1505 = vector.broadcast %jit3A_1504 : f32 to vector<16xf32>
        %select_n3A_1506 = arith.select %gt3A_1502, %broadcast_in_dim3A_1505, %select_n3A_1494 : vector<16xi1>, vector<16xf32>
        %get3A_1507 = arith.constant 55 : i32
        %get3A_1508 = arith.index_cast %get3A_1507 : i32 to index
        %get3A_1509 = arith.index_cast %select_n3A_827 : i32 to index
        %get3A_1510 = arith.index_cast %select_n3A_843 : i32 to index
        %get3A_1511 = tpu.vector_load %arg6[%get3A_1508, %get3A_1509, %get3A_1510] {strides = array<i32>} : memref<85x4x64xf32, #tpu.memory_space<vmem>>, vector<16xf32>,
        %exp3A_1512 = math.exp %get3A_1511 : vector<16xf32>
        %add3A_1513 = arith.addf %add3A_1489, %exp3A_1512 : vector<16xf32>
        %gt3A_1514 = arith.cmpf ogt, %get3A_1511, %max3A_1503 : vector<16xf32>
        %max3A_1515 = arith.maximumf %get3A_1511, %max3A_1503 : vector<16xf32>
        %jit3A_1516 = arith.constant 5.000000e+01 : f32
        %broadcast_in_dim3A_1517 = vector.broadcast %jit3A_1516 : f32 to vector<16xf32>
        %select_n3A_1518 = arith.select %gt3A_1514, %broadcast_in_dim3A_1517, %select_n3A_1506 : vector<16xi1>, vector<16xf32>
        %get3A_1519 = arith.constant 56 : i32
        %get3A_1520 = arith.index_cast %get3A_1519 : i32 to index
        %get3A_1521 = arith.index_cast %select_n3A_827 : i32 to index
        %get3A_1522 = arith.index_cast %select_n3A_843 : i32 to index
        %get3A_1523 = tpu.vector_load %arg6[%get3A_1520, %get3A_1521, %get3A_1522] {strides = array<i32>} : memref<85x4x64xf32, #tpu.memory_space<vmem>>, vector<16xf32>,
        %exp3A_1524 = math.exp %get3A_1523 : vector<16xf32>
        %add3A_1525 = arith.addf %add3A_1501, %exp3A_1524 : vector<16xf32>
        %gt3A_1526 = arith.cmpf ogt, %get3A_1523, %max3A_1515 : vector<16xf32>
        %max3A_1527 = arith.maximumf %get3A_1523, %max3A_1515 : vector<16xf32>
        %jit3A_1528 = arith.constant 5.100000e+01 : f32
        %broadcast_in_dim3A_1529 = vector.broadcast %jit3A_1528 : f32 to vector<16xf32>
        %select_n3A_1530 = arith.select %gt3A_1526, %broadcast_in_dim3A_1529, %select_n3A_1518 : vector<16xi1>, vector<16xf32>
        %get3A_1531 = arith.constant 57 : i32
        %get3A_1532 = arith.index_cast %get3A_1531 : i32 to index
        %get3A_1533 = arith.index_cast %select_n3A_827 : i32 to index
        %get3A_1534 = arith.index_cast %select_n3A_843 : i32 to index
        %get3A_1535 = tpu.vector_load %arg6[%get3A_1532, %get3A_1533, %get3A_1534] {strides = array<i32>} : memref<85x4x64xf32, #tpu.memory_space<vmem>>, vector<16xf32>,
        %exp3A_1536 = math.exp %get3A_1535 : vector<16xf32>
        %add3A_1537 = arith.addf %add3A_1513, %exp3A_1536 : vector<16xf32>
        %gt3A_1538 = arith.cmpf ogt, %get3A_1535, %max3A_1527 : vector<16xf32>
        %max3A_1539 = arith.maximumf %get3A_1535, %max3A_1527 : vector<16xf32>
        %jit3A_1540 = arith.constant 5.200000e+01 : f32
        %broadcast_in_dim3A_1541 = vector.broadcast %jit3A_1540 : f32 to vector<16xf32>
        %select_n3A_1542 = arith.select %gt3A_1538, %broadcast_in_dim3A_1541, %select_n3A_1530 : vector<16xi1>, vector<16xf32>
        %get3A_1543 = arith.constant 58 : i32
        %get3A_1544 = arith.index_cast %get3A_1543 : i32 to index
        %get3A_1545 = arith.index_cast %select_n3A_827 : i32 to index
        %get3A_1546 = arith.index_cast %select_n3A_843 : i32 to index
        %get3A_1547 = tpu.vector_load %arg6[%get3A_1544, %get3A_1545, %get3A_1546] {strides = array<i32>} : memref<85x4x64xf32, #tpu.memory_space<vmem>>, vector<16xf32>,
        %exp3A_1548 = math.exp %get3A_1547 : vector<16xf32>
        %add3A_1549 = arith.addf %add3A_1525, %exp3A_1548 : vector<16xf32>
        %gt3A_1550 = arith.cmpf ogt, %get3A_1547, %max3A_1539 : vector<16xf32>
        %max3A_1551 = arith.maximumf %get3A_1547, %max3A_1539 : vector<16xf32>
        %jit3A_1552 = arith.constant 5.300000e+01 : f32
        %broadcast_in_dim3A_1553 = vector.broadcast %jit3A_1552 : f32 to vector<16xf32>
        %select_n3A_1554 = arith.select %gt3A_1550, %broadcast_in_dim3A_1553, %select_n3A_1542 : vector<16xi1>, vector<16xf32>
        %get3A_1555 = arith.constant 59 : i32
        %get3A_1556 = arith.index_cast %get3A_1555 : i32 to index
        %get3A_1557 = arith.index_cast %select_n3A_827 : i32 to index
        %get3A_1558 = arith.index_cast %select_n3A_843 : i32 to index
        %get3A_1559 = tpu.vector_load %arg6[%get3A_1556, %get3A_1557, %get3A_1558] {strides = array<i32>} : memref<85x4x64xf32, #tpu.memory_space<vmem>>, vector<16xf32>,
        %exp3A_1560 = math.exp %get3A_1559 : vector<16xf32>
        %add3A_1561 = arith.addf %add3A_1537, %exp3A_1560 : vector<16xf32>
        %gt3A_1562 = arith.cmpf ogt, %get3A_1559, %max3A_1551 : vector<16xf32>
        %max3A_1563 = arith.maximumf %get3A_1559, %max3A_1551 : vector<16xf32>
        %jit3A_1564 = arith.constant 5.400000e+01 : f32
        %broadcast_in_dim3A_1565 = vector.broadcast %jit3A_1564 : f32 to vector<16xf32>
        %select_n3A_1566 = arith.select %gt3A_1562, %broadcast_in_dim3A_1565, %select_n3A_1554 : vector<16xi1>, vector<16xf32>
        %get3A_1567 = arith.constant 60 : i32
        %get3A_1568 = arith.index_cast %get3A_1567 : i32 to index
        %get3A_1569 = arith.index_cast %select_n3A_827 : i32 to index
        %get3A_1570 = arith.index_cast %select_n3A_843 : i32 to index
        %get3A_1571 = tpu.vector_load %arg6[%get3A_1568, %get3A_1569, %get3A_1570] {strides = array<i32>} : memref<85x4x64xf32, #tpu.memory_space<vmem>>, vector<16xf32>,
        %exp3A_1572 = math.exp %get3A_1571 : vector<16xf32>
        %add3A_1573 = arith.addf %add3A_1549, %exp3A_1572 : vector<16xf32>
        %gt3A_1574 = arith.cmpf ogt, %get3A_1571, %max3A_1563 : vector<16xf32>
        %max3A_1575 = arith.maximumf %get3A_1571, %max3A_1563 : vector<16xf32>
        %jit3A_1576 = arith.constant 5.500000e+01 : f32
        %broadcast_in_dim3A_1577 = vector.broadcast %jit3A_1576 : f32 to vector<16xf32>
        %select_n3A_1578 = arith.select %gt3A_1574, %broadcast_in_dim3A_1577, %select_n3A_1566 : vector<16xi1>, vector<16xf32>
        %get3A_1579 = arith.constant 61 : i32
        %get3A_1580 = arith.index_cast %get3A_1579 : i32 to index
        %get3A_1581 = arith.index_cast %select_n3A_827 : i32 to index
        %get3A_1582 = arith.index_cast %select_n3A_843 : i32 to index
        %get3A_1583 = tpu.vector_load %arg6[%get3A_1580, %get3A_1581, %get3A_1582] {strides = array<i32>} : memref<85x4x64xf32, #tpu.memory_space<vmem>>, vector<16xf32>,
        %exp3A_1584 = math.exp %get3A_1583 : vector<16xf32>
        %add3A_1585 = arith.addf %add3A_1561, %exp3A_1584 : vector<16xf32>
        %gt3A_1586 = arith.cmpf ogt, %get3A_1583, %max3A_1575 : vector<16xf32>
        %max3A_1587 = arith.maximumf %get3A_1583, %max3A_1575 : vector<16xf32>
        %jit3A_1588 = arith.constant 5.600000e+01 : f32
        %broadcast_in_dim3A_1589 = vector.broadcast %jit3A_1588 : f32 to vector<16xf32>
        %select_n3A_1590 = arith.select %gt3A_1586, %broadcast_in_dim3A_1589, %select_n3A_1578 : vector<16xi1>, vector<16xf32>
        %get3A_1591 = arith.constant 62 : i32
        %get3A_1592 = arith.index_cast %get3A_1591 : i32 to index
        %get3A_1593 = arith.index_cast %select_n3A_827 : i32 to index
        %get3A_1594 = arith.index_cast %select_n3A_843 : i32 to index
        %get3A_1595 = tpu.vector_load %arg6[%get3A_1592, %get3A_1593, %get3A_1594] {strides = array<i32>} : memref<85x4x64xf32, #tpu.memory_space<vmem>>, vector<16xf32>,
        %exp3A_1596 = math.exp %get3A_1595 : vector<16xf32>
        %add3A_1597 = arith.addf %add3A_1573, %exp3A_1596 : vector<16xf32>
        %gt3A_1598 = arith.cmpf ogt, %get3A_1595, %max3A_1587 : vector<16xf32>
        %max3A_1599 = arith.maximumf %get3A_1595, %max3A_1587 : vector<16xf32>
        %jit3A_1600 = arith.constant 5.700000e+01 : f32
        %broadcast_in_dim3A_1601 = vector.broadcast %jit3A_1600 : f32 to vector<16xf32>
        %select_n3A_1602 = arith.select %gt3A_1598, %broadcast_in_dim3A_1601, %select_n3A_1590 : vector<16xi1>, vector<16xf32>
        %get3A_1603 = arith.constant 63 : i32
        %get3A_1604 = arith.index_cast %get3A_1603 : i32 to index
        %get3A_1605 = arith.index_cast %select_n3A_827 : i32 to index
        %get3A_1606 = arith.index_cast %select_n3A_843 : i32 to index
        %get3A_1607 = tpu.vector_load %arg6[%get3A_1604, %get3A_1605, %get3A_1606] {strides = array<i32>} : memref<85x4x64xf32, #tpu.memory_space<vmem>>, vector<16xf32>,
        %exp3A_1608 = math.exp %get3A_1607 : vector<16xf32>
        %add3A_1609 = arith.addf %add3A_1585, %exp3A_1608 : vector<16xf32>
        %gt3A_1610 = arith.cmpf ogt, %get3A_1607, %max3A_1599 : vector<16xf32>
        %max3A_1611 = arith.maximumf %get3A_1607, %max3A_1599 : vector<16xf32>
        %jit3A_1612 = arith.constant 5.800000e+01 : f32
        %broadcast_in_dim3A_1613 = vector.broadcast %jit3A_1612 : f32 to vector<16xf32>
        %select_n3A_1614 = arith.select %gt3A_1610, %broadcast_in_dim3A_1613, %select_n3A_1602 : vector<16xi1>, vector<16xf32>
        %get3A_1615 = arith.constant 64 : i32
        %get3A_1616 = arith.index_cast %get3A_1615 : i32 to index
        %get3A_1617 = arith.index_cast %select_n3A_827 : i32 to index
        %get3A_1618 = arith.index_cast %select_n3A_843 : i32 to index
        %get3A_1619 = tpu.vector_load %arg6[%get3A_1616, %get3A_1617, %get3A_1618] {strides = array<i32>} : memref<85x4x64xf32, #tpu.memory_space<vmem>>, vector<16xf32>,
        %exp3A_1620 = math.exp %get3A_1619 : vector<16xf32>
        %add3A_1621 = arith.addf %add3A_1597, %exp3A_1620 : vector<16xf32>
        %gt3A_1622 = arith.cmpf ogt, %get3A_1619, %max3A_1611 : vector<16xf32>
        %max3A_1623 = arith.maximumf %get3A_1619, %max3A_1611 : vector<16xf32>
        %jit3A_1624 = arith.constant 5.900000e+01 : f32
        %broadcast_in_dim3A_1625 = vector.broadcast %jit3A_1624 : f32 to vector<16xf32>
        %select_n3A_1626 = arith.select %gt3A_1622, %broadcast_in_dim3A_1625, %select_n3A_1614 : vector<16xi1>, vector<16xf32>
        %add3A_1627 = arith.addf %add3A_1609, %add3A_1621 : vector<16xf32>
        %get3A_1628 = arith.constant 65 : i32
        %get3A_1629 = arith.index_cast %get3A_1628 : i32 to index
        %get3A_1630 = arith.index_cast %select_n3A_827 : i32 to index
        %get3A_1631 = arith.index_cast %select_n3A_843 : i32 to index
        %get3A_1632 = tpu.vector_load %arg6[%get3A_1629, %get3A_1630, %get3A_1631] {strides = array<i32>} : memref<85x4x64xf32, #tpu.memory_space<vmem>>, vector<16xf32>,
        %broadcast_in_dim3A_1633 = arith.constant 6.000000e+01 : f32
        %broadcast_in_dim3A_1634 = vector.broadcast %broadcast_in_dim3A_1633 : f32 to vector<16xf32>
        %exp3A_1635 = math.exp %get3A_1632 : vector<16xf32>
        %broadcast_in_dim3A_1636 = arith.constant 0.000000e+00 : f32
        %broadcast_in_dim3A_1637 = vector.broadcast %broadcast_in_dim3A_1636 : f32 to vector<16xf32>
        %get3A_1638 = arith.constant 66 : i32
        %get3A_1639 = arith.index_cast %get3A_1638 : i32 to index
        %get3A_1640 = arith.index_cast %select_n3A_827 : i32 to index
        %get3A_1641 = arith.index_cast %select_n3A_843 : i32 to index
        %get3A_1642 = tpu.vector_load %arg6[%get3A_1639, %get3A_1640, %get3A_1641] {strides = array<i32>} : memref<85x4x64xf32, #tpu.memory_space<vmem>>, vector<16xf32>,
        %exp3A_1643 = math.exp %get3A_1642 : vector<16xf32>
        %add3A_1644 = arith.addf %broadcast_in_dim3A_1637, %exp3A_1643 : vector<16xf32>
        %gt3A_1645 = arith.cmpf ogt, %get3A_1642, %get3A_1632 : vector<16xf32>
        %max3A_1646 = arith.maximumf %get3A_1642, %get3A_1632 : vector<16xf32>
        %jit3A_1647 = arith.constant 6.100000e+01 : f32
        %broadcast_in_dim3A_1648 = vector.broadcast %jit3A_1647 : f32 to vector<16xf32>
        %select_n3A_1649 = arith.select %gt3A_1645, %broadcast_in_dim3A_1648, %broadcast_in_dim3A_1634 : vector<16xi1>, vector<16xf32>
        %get3A_1650 = arith.constant 67 : i32
        %get3A_1651 = arith.index_cast %get3A_1650 : i32 to index
        %get3A_1652 = arith.index_cast %select_n3A_827 : i32 to index
        %get3A_1653 = arith.index_cast %select_n3A_843 : i32 to index
        %get3A_1654 = tpu.vector_load %arg6[%get3A_1651, %get3A_1652, %get3A_1653] {strides = array<i32>} : memref<85x4x64xf32, #tpu.memory_space<vmem>>, vector<16xf32>,
        %exp3A_1655 = math.exp %get3A_1654 : vector<16xf32>
        %add3A_1656 = arith.addf %exp3A_1635, %exp3A_1655 : vector<16xf32>
        %gt3A_1657 = arith.cmpf ogt, %get3A_1654, %max3A_1646 : vector<16xf32>
        %max3A_1658 = arith.maximumf %get3A_1654, %max3A_1646 : vector<16xf32>
        %jit3A_1659 = arith.constant 6.200000e+01 : f32
        %broadcast_in_dim3A_1660 = vector.broadcast %jit3A_1659 : f32 to vector<16xf32>
        %select_n3A_1661 = arith.select %gt3A_1657, %broadcast_in_dim3A_1660, %select_n3A_1649 : vector<16xi1>, vector<16xf32>
        %get3A_1662 = arith.constant 68 : i32
        %get3A_1663 = arith.index_cast %get3A_1662 : i32 to index
        %get3A_1664 = arith.index_cast %select_n3A_827 : i32 to index
        %get3A_1665 = arith.index_cast %select_n3A_843 : i32 to index
        %get3A_1666 = tpu.vector_load %arg6[%get3A_1663, %get3A_1664, %get3A_1665] {strides = array<i32>} : memref<85x4x64xf32, #tpu.memory_space<vmem>>, vector<16xf32>,
        %exp3A_1667 = math.exp %get3A_1666 : vector<16xf32>
        %add3A_1668 = arith.addf %add3A_1644, %exp3A_1667 : vector<16xf32>
        %gt3A_1669 = arith.cmpf ogt, %get3A_1666, %max3A_1658 : vector<16xf32>
        %max3A_1670 = arith.maximumf %get3A_1666, %max3A_1658 : vector<16xf32>
        %jit3A_1671 = arith.constant 6.300000e+01 : f32
        %broadcast_in_dim3A_1672 = vector.broadcast %jit3A_1671 : f32 to vector<16xf32>
        %select_n3A_1673 = arith.select %gt3A_1669, %broadcast_in_dim3A_1672, %select_n3A_1661 : vector<16xi1>, vector<16xf32>
        %get3A_1674 = arith.constant 69 : i32
        %get3A_1675 = arith.index_cast %get3A_1674 : i32 to index
        %get3A_1676 = arith.index_cast %select_n3A_827 : i32 to index
        %get3A_1677 = arith.index_cast %select_n3A_843 : i32 to index
        %get3A_1678 = tpu.vector_load %arg6[%get3A_1675, %get3A_1676, %get3A_1677] {strides = array<i32>} : memref<85x4x64xf32, #tpu.memory_space<vmem>>, vector<16xf32>,
        %exp3A_1679 = math.exp %get3A_1678 : vector<16xf32>
        %add3A_1680 = arith.addf %add3A_1656, %exp3A_1679 : vector<16xf32>
        %gt3A_1681 = arith.cmpf ogt, %get3A_1678, %max3A_1670 : vector<16xf32>
        %max3A_1682 = arith.maximumf %get3A_1678, %max3A_1670 : vector<16xf32>
        %jit3A_1683 = arith.constant 6.400000e+01 : f32
        %broadcast_in_dim3A_1684 = vector.broadcast %jit3A_1683 : f32 to vector<16xf32>
        %select_n3A_1685 = arith.select %gt3A_1681, %broadcast_in_dim3A_1684, %select_n3A_1673 : vector<16xi1>, vector<16xf32>
        %get3A_1686 = arith.constant 70 : i32
        %get3A_1687 = arith.index_cast %get3A_1686 : i32 to index
        %get3A_1688 = arith.index_cast %select_n3A_827 : i32 to index
        %get3A_1689 = arith.index_cast %select_n3A_843 : i32 to index
        %get3A_1690 = tpu.vector_load %arg6[%get3A_1687, %get3A_1688, %get3A_1689] {strides = array<i32>} : memref<85x4x64xf32, #tpu.memory_space<vmem>>, vector<16xf32>,
        %exp3A_1691 = math.exp %get3A_1690 : vector<16xf32>
        %add3A_1692 = arith.addf %add3A_1668, %exp3A_1691 : vector<16xf32>
        %gt3A_1693 = arith.cmpf ogt, %get3A_1690, %max3A_1682 : vector<16xf32>
        %max3A_1694 = arith.maximumf %get3A_1690, %max3A_1682 : vector<16xf32>
        %jit3A_1695 = arith.constant 6.500000e+01 : f32
        %broadcast_in_dim3A_1696 = vector.broadcast %jit3A_1695 : f32 to vector<16xf32>
        %select_n3A_1697 = arith.select %gt3A_1693, %broadcast_in_dim3A_1696, %select_n3A_1685 : vector<16xi1>, vector<16xf32>
        %get3A_1698 = arith.constant 71 : i32
        %get3A_1699 = arith.index_cast %get3A_1698 : i32 to index
        %get3A_1700 = arith.index_cast %select_n3A_827 : i32 to index
        %get3A_1701 = arith.index_cast %select_n3A_843 : i32 to index
        %get3A_1702 = tpu.vector_load %arg6[%get3A_1699, %get3A_1700, %get3A_1701] {strides = array<i32>} : memref<85x4x64xf32, #tpu.memory_space<vmem>>, vector<16xf32>,
        %exp3A_1703 = math.exp %get3A_1702 : vector<16xf32>
        %add3A_1704 = arith.addf %add3A_1680, %exp3A_1703 : vector<16xf32>
        %gt3A_1705 = arith.cmpf ogt, %get3A_1702, %max3A_1694 : vector<16xf32>
        %max3A_1706 = arith.maximumf %get3A_1702, %max3A_1694 : vector<16xf32>
        %jit3A_1707 = arith.constant 6.600000e+01 : f32
        %broadcast_in_dim3A_1708 = vector.broadcast %jit3A_1707 : f32 to vector<16xf32>
        %select_n3A_1709 = arith.select %gt3A_1705, %broadcast_in_dim3A_1708, %select_n3A_1697 : vector<16xi1>, vector<16xf32>
        %get3A_1710 = arith.constant 72 : i32
        %get3A_1711 = arith.index_cast %get3A_1710 : i32 to index
        %get3A_1712 = arith.index_cast %select_n3A_827 : i32 to index
        %get3A_1713 = arith.index_cast %select_n3A_843 : i32 to index
        %get3A_1714 = tpu.vector_load %arg6[%get3A_1711, %get3A_1712, %get3A_1713] {strides = array<i32>} : memref<85x4x64xf32, #tpu.memory_space<vmem>>, vector<16xf32>,
        %exp3A_1715 = math.exp %get3A_1714 : vector<16xf32>
        %add3A_1716 = arith.addf %add3A_1692, %exp3A_1715 : vector<16xf32>
        %gt3A_1717 = arith.cmpf ogt, %get3A_1714, %max3A_1706 : vector<16xf32>
        %max3A_1718 = arith.maximumf %get3A_1714, %max3A_1706 : vector<16xf32>
        %jit3A_1719 = arith.constant 6.700000e+01 : f32
        %broadcast_in_dim3A_1720 = vector.broadcast %jit3A_1719 : f32 to vector<16xf32>
        %select_n3A_1721 = arith.select %gt3A_1717, %broadcast_in_dim3A_1720, %select_n3A_1709 : vector<16xi1>, vector<16xf32>
        %get3A_1722 = arith.constant 73 : i32
        %get3A_1723 = arith.index_cast %get3A_1722 : i32 to index
        %get3A_1724 = arith.index_cast %select_n3A_827 : i32 to index
        %get3A_1725 = arith.index_cast %select_n3A_843 : i32 to index
        %get3A_1726 = tpu.vector_load %arg6[%get3A_1723, %get3A_1724, %get3A_1725] {strides = array<i32>} : memref<85x4x64xf32, #tpu.memory_space<vmem>>, vector<16xf32>,
        %exp3A_1727 = math.exp %get3A_1726 : vector<16xf32>
        %add3A_1728 = arith.addf %add3A_1704, %exp3A_1727 : vector<16xf32>
        %gt3A_1729 = arith.cmpf ogt, %get3A_1726, %max3A_1718 : vector<16xf32>
        %max3A_1730 = arith.maximumf %get3A_1726, %max3A_1718 : vector<16xf32>
        %jit3A_1731 = arith.constant 6.800000e+01 : f32
        %broadcast_in_dim3A_1732 = vector.broadcast %jit3A_1731 : f32 to vector<16xf32>
        %select_n3A_1733 = arith.select %gt3A_1729, %broadcast_in_dim3A_1732, %select_n3A_1721 : vector<16xi1>, vector<16xf32>
        %get3A_1734 = arith.constant 74 : i32
        %get3A_1735 = arith.index_cast %get3A_1734 : i32 to index
        %get3A_1736 = arith.index_cast %select_n3A_827 : i32 to index
        %get3A_1737 = arith.index_cast %select_n3A_843 : i32 to index
        %get3A_1738 = tpu.vector_load %arg6[%get3A_1735, %get3A_1736, %get3A_1737] {strides = array<i32>} : memref<85x4x64xf32, #tpu.memory_space<vmem>>, vector<16xf32>,
        %exp3A_1739 = math.exp %get3A_1738 : vector<16xf32>
        %add3A_1740 = arith.addf %add3A_1716, %exp3A_1739 : vector<16xf32>
        %gt3A_1741 = arith.cmpf ogt, %get3A_1738, %max3A_1730 : vector<16xf32>
        %max3A_1742 = arith.maximumf %get3A_1738, %max3A_1730 : vector<16xf32>
        %jit3A_1743 = arith.constant 6.900000e+01 : f32
        %broadcast_in_dim3A_1744 = vector.broadcast %jit3A_1743 : f32 to vector<16xf32>
        %select_n3A_1745 = arith.select %gt3A_1741, %broadcast_in_dim3A_1744, %select_n3A_1733 : vector<16xi1>, vector<16xf32>
        %get3A_1746 = arith.constant 75 : i32
        %get3A_1747 = arith.index_cast %get3A_1746 : i32 to index
        %get3A_1748 = arith.index_cast %select_n3A_827 : i32 to index
        %get3A_1749 = arith.index_cast %select_n3A_843 : i32 to index
        %get3A_1750 = tpu.vector_load %arg6[%get3A_1747, %get3A_1748, %get3A_1749] {strides = array<i32>} : memref<85x4x64xf32, #tpu.memory_space<vmem>>, vector<16xf32>,
        %exp3A_1751 = math.exp %get3A_1750 : vector<16xf32>
        %add3A_1752 = arith.addf %add3A_1728, %exp3A_1751 : vector<16xf32>
        %gt3A_1753 = arith.cmpf ogt, %get3A_1750, %max3A_1742 : vector<16xf32>
        %max3A_1754 = arith.maximumf %get3A_1750, %max3A_1742 : vector<16xf32>
        %jit3A_1755 = arith.constant 7.000000e+01 : f32
        %broadcast_in_dim3A_1756 = vector.broadcast %jit3A_1755 : f32 to vector<16xf32>
        %select_n3A_1757 = arith.select %gt3A_1753, %broadcast_in_dim3A_1756, %select_n3A_1745 : vector<16xi1>, vector<16xf32>
        %get3A_1758 = arith.constant 76 : i32
        %get3A_1759 = arith.index_cast %get3A_1758 : i32 to index
        %get3A_1760 = arith.index_cast %select_n3A_827 : i32 to index
        %get3A_1761 = arith.index_cast %select_n3A_843 : i32 to index
        %get3A_1762 = tpu.vector_load %arg6[%get3A_1759, %get3A_1760, %get3A_1761] {strides = array<i32>} : memref<85x4x64xf32, #tpu.memory_space<vmem>>, vector<16xf32>,
        %exp3A_1763 = math.exp %get3A_1762 : vector<16xf32>
        %add3A_1764 = arith.addf %add3A_1740, %exp3A_1763 : vector<16xf32>
        %gt3A_1765 = arith.cmpf ogt, %get3A_1762, %max3A_1754 : vector<16xf32>
        %max3A_1766 = arith.maximumf %get3A_1762, %max3A_1754 : vector<16xf32>
        %jit3A_1767 = arith.constant 7.100000e+01 : f32
        %broadcast_in_dim3A_1768 = vector.broadcast %jit3A_1767 : f32 to vector<16xf32>
        %select_n3A_1769 = arith.select %gt3A_1765, %broadcast_in_dim3A_1768, %select_n3A_1757 : vector<16xi1>, vector<16xf32>
        %get3A_1770 = arith.constant 77 : i32
        %get3A_1771 = arith.index_cast %get3A_1770 : i32 to index
        %get3A_1772 = arith.index_cast %select_n3A_827 : i32 to index
        %get3A_1773 = arith.index_cast %select_n3A_843 : i32 to index
        %get3A_1774 = tpu.vector_load %arg6[%get3A_1771, %get3A_1772, %get3A_1773] {strides = array<i32>} : memref<85x4x64xf32, #tpu.memory_space<vmem>>, vector<16xf32>,
        %exp3A_1775 = math.exp %get3A_1774 : vector<16xf32>
        %add3A_1776 = arith.addf %add3A_1752, %exp3A_1775 : vector<16xf32>
        %gt3A_1777 = arith.cmpf ogt, %get3A_1774, %max3A_1766 : vector<16xf32>
        %max3A_1778 = arith.maximumf %get3A_1774, %max3A_1766 : vector<16xf32>
        %jit3A_1779 = arith.constant 7.200000e+01 : f32
        %broadcast_in_dim3A_1780 = vector.broadcast %jit3A_1779 : f32 to vector<16xf32>
        %select_n3A_1781 = arith.select %gt3A_1777, %broadcast_in_dim3A_1780, %select_n3A_1769 : vector<16xi1>, vector<16xf32>
        %get3A_1782 = arith.constant 78 : i32
        %get3A_1783 = arith.index_cast %get3A_1782 : i32 to index
        %get3A_1784 = arith.index_cast %select_n3A_827 : i32 to index
        %get3A_1785 = arith.index_cast %select_n3A_843 : i32 to index
        %get3A_1786 = tpu.vector_load %arg6[%get3A_1783, %get3A_1784, %get3A_1785] {strides = array<i32>} : memref<85x4x64xf32, #tpu.memory_space<vmem>>, vector<16xf32>,
        %exp3A_1787 = math.exp %get3A_1786 : vector<16xf32>
        %add3A_1788 = arith.addf %add3A_1764, %exp3A_1787 : vector<16xf32>
        %gt3A_1789 = arith.cmpf ogt, %get3A_1786, %max3A_1778 : vector<16xf32>
        %max3A_1790 = arith.maximumf %get3A_1786, %max3A_1778 : vector<16xf32>
        %jit3A_1791 = arith.constant 7.300000e+01 : f32
        %broadcast_in_dim3A_1792 = vector.broadcast %jit3A_1791 : f32 to vector<16xf32>
        %select_n3A_1793 = arith.select %gt3A_1789, %broadcast_in_dim3A_1792, %select_n3A_1781 : vector<16xi1>, vector<16xf32>
        %get3A_1794 = arith.constant 79 : i32
        %get3A_1795 = arith.index_cast %get3A_1794 : i32 to index
        %get3A_1796 = arith.index_cast %select_n3A_827 : i32 to index
        %get3A_1797 = arith.index_cast %select_n3A_843 : i32 to index
        %get3A_1798 = tpu.vector_load %arg6[%get3A_1795, %get3A_1796, %get3A_1797] {strides = array<i32>} : memref<85x4x64xf32, #tpu.memory_space<vmem>>, vector<16xf32>,
        %exp3A_1799 = math.exp %get3A_1798 : vector<16xf32>
        %add3A_1800 = arith.addf %add3A_1776, %exp3A_1799 : vector<16xf32>
        %gt3A_1801 = arith.cmpf ogt, %get3A_1798, %max3A_1790 : vector<16xf32>
        %max3A_1802 = arith.maximumf %get3A_1798, %max3A_1790 : vector<16xf32>
        %jit3A_1803 = arith.constant 7.400000e+01 : f32
        %broadcast_in_dim3A_1804 = vector.broadcast %jit3A_1803 : f32 to vector<16xf32>
        %select_n3A_1805 = arith.select %gt3A_1801, %broadcast_in_dim3A_1804, %select_n3A_1793 : vector<16xi1>, vector<16xf32>
        %get3A_1806 = arith.constant 80 : i32
        %get3A_1807 = arith.index_cast %get3A_1806 : i32 to index
        %get3A_1808 = arith.index_cast %select_n3A_827 : i32 to index
        %get3A_1809 = arith.index_cast %select_n3A_843 : i32 to index
        %get3A_1810 = tpu.vector_load %arg6[%get3A_1807, %get3A_1808, %get3A_1809] {strides = array<i32>} : memref<85x4x64xf32, #tpu.memory_space<vmem>>, vector<16xf32>,
        %exp3A_1811 = math.exp %get3A_1810 : vector<16xf32>
        %add3A_1812 = arith.addf %add3A_1788, %exp3A_1811 : vector<16xf32>
        %gt3A_1813 = arith.cmpf ogt, %get3A_1810, %max3A_1802 : vector<16xf32>
        %max3A_1814 = arith.maximumf %get3A_1810, %max3A_1802 : vector<16xf32>
        %jit3A_1815 = arith.constant 7.500000e+01 : f32
        %broadcast_in_dim3A_1816 = vector.broadcast %jit3A_1815 : f32 to vector<16xf32>
        %select_n3A_1817 = arith.select %gt3A_1813, %broadcast_in_dim3A_1816, %select_n3A_1805 : vector<16xi1>, vector<16xf32>
        %get3A_1818 = arith.constant 81 : i32
        %get3A_1819 = arith.index_cast %get3A_1818 : i32 to index
        %get3A_1820 = arith.index_cast %select_n3A_827 : i32 to index
        %get3A_1821 = arith.index_cast %select_n3A_843 : i32 to index
        %get3A_1822 = tpu.vector_load %arg6[%get3A_1819, %get3A_1820, %get3A_1821] {strides = array<i32>} : memref<85x4x64xf32, #tpu.memory_space<vmem>>, vector<16xf32>,
        %exp3A_1823 = math.exp %get3A_1822 : vector<16xf32>
        %add3A_1824 = arith.addf %add3A_1800, %exp3A_1823 : vector<16xf32>
        %gt3A_1825 = arith.cmpf ogt, %get3A_1822, %max3A_1814 : vector<16xf32>
        %max3A_1826 = arith.maximumf %get3A_1822, %max3A_1814 : vector<16xf32>
        %jit3A_1827 = arith.constant 7.600000e+01 : f32
        %broadcast_in_dim3A_1828 = vector.broadcast %jit3A_1827 : f32 to vector<16xf32>
        %select_n3A_1829 = arith.select %gt3A_1825, %broadcast_in_dim3A_1828, %select_n3A_1817 : vector<16xi1>, vector<16xf32>
        %get3A_1830 = arith.constant 82 : i32
        %get3A_1831 = arith.index_cast %get3A_1830 : i32 to index
        %get3A_1832 = arith.index_cast %select_n3A_827 : i32 to index
        %get3A_1833 = arith.index_cast %select_n3A_843 : i32 to index
        %get3A_1834 = tpu.vector_load %arg6[%get3A_1831, %get3A_1832, %get3A_1833] {strides = array<i32>} : memref<85x4x64xf32, #tpu.memory_space<vmem>>, vector<16xf32>,
        %exp3A_1835 = math.exp %get3A_1834 : vector<16xf32>
        %add3A_1836 = arith.addf %add3A_1812, %exp3A_1835 : vector<16xf32>
        %gt3A_1837 = arith.cmpf ogt, %get3A_1834, %max3A_1826 : vector<16xf32>
        %max3A_1838 = arith.maximumf %get3A_1834, %max3A_1826 : vector<16xf32>
        %jit3A_1839 = arith.constant 7.700000e+01 : f32
        %broadcast_in_dim3A_1840 = vector.broadcast %jit3A_1839 : f32 to vector<16xf32>
        %select_n3A_1841 = arith.select %gt3A_1837, %broadcast_in_dim3A_1840, %select_n3A_1829 : vector<16xi1>, vector<16xf32>
        %get3A_1842 = arith.constant 83 : i32
        %get3A_1843 = arith.index_cast %get3A_1842 : i32 to index
        %get3A_1844 = arith.index_cast %select_n3A_827 : i32 to index
        %get3A_1845 = arith.index_cast %select_n3A_843 : i32 to index
        %get3A_1846 = tpu.vector_load %arg6[%get3A_1843, %get3A_1844, %get3A_1845] {strides = array<i32>} : memref<85x4x64xf32, #tpu.memory_space<vmem>>, vector<16xf32>,
        %exp3A_1847 = math.exp %get3A_1846 : vector<16xf32>
        %add3A_1848 = arith.addf %add3A_1824, %exp3A_1847 : vector<16xf32>
        %gt3A_1849 = arith.cmpf ogt, %get3A_1846, %max3A_1838 : vector<16xf32>
        %max3A_1850 = arith.maximumf %get3A_1846, %max3A_1838 : vector<16xf32>
        %jit3A_1851 = arith.constant 7.800000e+01 : f32
        %broadcast_in_dim3A_1852 = vector.broadcast %jit3A_1851 : f32 to vector<16xf32>
        %select_n3A_1853 = arith.select %gt3A_1849, %broadcast_in_dim3A_1852, %select_n3A_1841 : vector<16xi1>, vector<16xf32>
        %get3A_1854 = arith.constant 84 : i32
        %get3A_1855 = arith.index_cast %get3A_1854 : i32 to index
        %get3A_1856 = arith.index_cast %select_n3A_827 : i32 to index
        %get3A_1857 = arith.index_cast %select_n3A_843 : i32 to index
        %get3A_1858 = tpu.vector_load %arg6[%get3A_1855, %get3A_1856, %get3A_1857] {strides = array<i32>} : memref<85x4x64xf32, #tpu.memory_space<vmem>>, vector<16xf32>,
        %exp3A_1859 = math.exp %get3A_1858 : vector<16xf32>
        %add3A_1860 = arith.addf %add3A_1836, %exp3A_1859 : vector<16xf32>
        %gt3A_1861 = arith.cmpf ogt, %get3A_1858, %max3A_1850 : vector<16xf32>
        %max3A_1862 = arith.maximumf %get3A_1858, %max3A_1850 : vector<16xf32>
        %jit3A_1863 = arith.constant 7.900000e+01 : f32
        %broadcast_in_dim3A_1864 = vector.broadcast %jit3A_1863 : f32 to vector<16xf32>
        %select_n3A_1865 = arith.select %gt3A_1861, %broadcast_in_dim3A_1864, %select_n3A_1853 : vector<16xi1>, vector<16xf32>
        %add3A_1866 = arith.addf %add3A_1848, %add3A_1860 : vector<16xf32>
        %gt3A_1867 = arith.cmpf ogt, %max3A_1384, %max3A_1145 : vector<16xf32>
        %select_n3A_1868 = arith.select %gt3A_1867, %max3A_1384, %max3A_1145 : vector<16xi1>, vector<16xf32>
        %select_n3A_1869 = arith.select %gt3A_1867, %select_n3A_1387, %select_n3A_1148 : vector<16xi1>, vector<16xf32>
        %add3A_1870 = arith.addf %add3A_1149, %add3A_1388 : vector<16xf32>
        %gt3A_1871 = arith.cmpf ogt, %max3A_1862, %max3A_1623 : vector<16xf32>
        %select_n3A_1872 = arith.select %gt3A_1871, %max3A_1862, %max3A_1623 : vector<16xi1>, vector<16xf32>
        %select_n3A_1873 = arith.select %gt3A_1871, %select_n3A_1865, %select_n3A_1626 : vector<16xi1>, vector<16xf32>
        %add3A_1874 = arith.addf %add3A_1627, %add3A_1866 : vector<16xf32>
        %gt3A_1875 = arith.cmpf ogt, %select_n3A_1872, %select_n3A_1868 : vector<16xf32>
        %select_n3A_1876 = arith.select %gt3A_1875, %select_n3A_1872, %select_n3A_1868 : vector<16xi1>, vector<16xf32>
        %select_n3A_1877 = arith.select %gt3A_1875, %select_n3A_1873, %select_n3A_1869 : vector<16xi1>, vector<16xf32>
        %add3A_1878 = arith.addf %add3A_1870, %add3A_1874 : vector<16xf32>
        %exp3A_1879 = math.exp %select_n3A_1876 : vector<16xf32>
        %div3A_1880 = arith.divf %exp3A_1879, %add3A_1878 : vector<16xf32>
        %gt3A_1881 = arith.cmpf ogt, %div3A_896, %get3A_1 : vector<16xf32>
        %jit3A_1882 = arith.constant 1.000000e+00 : f32
        %jit3A_1883 = arith.constant 0.000000e+00 : f32
        %broadcast_in_dim3A_1884 = vector.broadcast %jit3A_1882 : f32 to vector<16xf32>
        %broadcast_in_dim3A_1885 = vector.broadcast %jit3A_1883 : f32 to vector<16xf32>
        %select_n3A_1886 = arith.select %gt3A_1881, %broadcast_in_dim3A_1884, %broadcast_in_dim3A_1885 : vector<16xi1>, vector<16xf32>
        %jit3A_1887 = arith.constant 128 : i32
        %div3A_1888 = arith.divsi %mul3A_760, %jit3A_1887 : i32
        %sign3A_1889 = arith.constant 0 : i32
        %sign3A_1890 = arith.cmpi sgt, %mul3A_760, %sign3A_1889 : i32
        %sign3A_1891 = arith.extui %sign3A_1890 : i1 to i32
        %sign3A_1892 = arith.constant 0 : i32
        %sign3A_1893 = arith.cmpi slt, %mul3A_760, %sign3A_1892 : i32
        %sign3A_1894 = arith.extui %sign3A_1893 : i1 to i32
        %sign3A_1895 = arith.subi %sign3A_1891, %sign3A_1894 : i32
        %sign3A_1896 = arith.constant 0 : i32
        %sign3A_1897 = arith.cmpi sgt, %jit3A_1887, %sign3A_1896 : i32
        %sign3A_1898 = arith.extui %sign3A_1897 : i1 to i32
        %sign3A_1899 = arith.constant 0 : i32
        %sign3A_1900 = arith.cmpi slt, %jit3A_1887, %sign3A_1899 : i32
        %sign3A_1901 = arith.extui %sign3A_1900 : i1 to i32
        %sign3A_1902 = arith.subi %sign3A_1898, %sign3A_1901 : i32
        %ne3A_1903 = arith.cmpi ne, %sign3A_1895, %sign3A_1902 : i32
        %rem3A_1904 = arith.remsi %mul3A_760, %jit3A_1887 : i32
        %ne3A_1905 = arith.constant 0 : i32
        %ne3A_1906 = arith.cmpi ne, %rem3A_1904, %ne3A_1905 : i32
        %and3A_1907 = arith.andi %ne3A_1903, %ne3A_1906 : i1
        %sub3A_1908 = arith.constant 1 : i32
        %sub3A_1909 = arith.subi %div3A_1888, %sub3A_1908 : i32
        %select_n3A_1910 = arith.select %and3A_1907, %sub3A_1909, %div3A_1888 : i32
        %jit3A_1911 = arith.constant 128 : i32
        %eq3A_1912 = arith.constant 0 : i32
        %eq3A_1913 = arith.cmpi eq, %jit3A_1911, %eq3A_1912 : i32
        %jit3A_1914 = arith.constant 1 : i32
        %select_n3A_1915 = arith.select %eq3A_1913, %jit3A_1914, %jit3A_1911 : i32
        %rem3A_1916 = arith.remsi %mul3A_760, %select_n3A_1915 : i32
        %ne3A_1917 = arith.constant 0 : i32
        %ne3A_1918 = arith.cmpi ne, %rem3A_1916, %ne3A_1917 : i32
        %lt3A_1919 = arith.constant 0 : i32
        %lt3A_1920 = arith.cmpi slt, %rem3A_1916, %lt3A_1919 : i32
        %lt3A_1921 = arith.constant 0 : i32
        %lt3A_1922 = arith.cmpi slt, %select_n3A_1915, %lt3A_1921 : i32
        %ne3A_1923 = arith.xori %lt3A_1920, %lt3A_1922 : i1
        %and3A_1924 = arith.andi %ne3A_1923, %ne3A_1918 : i1
        %add3A_1925 = arith.addi %rem3A_1916, %select_n3A_1915 : i32
        %select_n3A_1926 = arith.select %and3A_1924, %add3A_1925, %rem3A_1916 : i32
        %mul3A_1927 = arith.mulf %mul3A_902, %select_n3A_1886 : vector<16xf32>
        %swap3A = arith.constant 0 : i32
        %swap3A_1928 = arith.index_cast %swap3A : i32 to index
        %swap3A_1929 = arith.index_cast %select_n3A_1910 : i32 to index
        %swap3A_1930 = arith.index_cast %select_n3A_1926 : i32 to index
        %swap3A_1931 = tpu.vector_load %arg7[%swap3A_1928, %swap3A_1929, %swap3A_1930] {strides = array<i32>} : memref<7x2x128xf32, #tpu.memory_space<vmem>>, vector<16xf32>,
        tpu.vector_store %arg7[%swap3A_1928, %swap3A_1929, %swap3A_1930], %mul3A_1927 {strides = array<i32>} : memref<7x2x128xf32, #tpu.memory_space<vmem>>, vector<16xf32>,
        %mul3A_1932 = arith.mulf %mul3A_907, %select_n3A_1886 : vector<16xf32>
        %swap3A_1933 = arith.constant 1 : i32
        %swap3A_1934 = arith.index_cast %swap3A_1933 : i32 to index
        %swap3A_1935 = arith.index_cast %select_n3A_1910 : i32 to index
        %swap3A_1936 = arith.index_cast %select_n3A_1926 : i32 to index
        %swap3A_1937 = tpu.vector_load %arg7[%swap3A_1934, %swap3A_1935, %swap3A_1936] {strides = array<i32>} : memref<7x2x128xf32, #tpu.memory_space<vmem>>, vector<16xf32>,
        tpu.vector_store %arg7[%swap3A_1934, %swap3A_1935, %swap3A_1936], %mul3A_1932 {strides = array<i32>} : memref<7x2x128xf32, #tpu.memory_space<vmem>>, vector<16xf32>,
        %mul3A_1938 = arith.mulf %mul3A_910, %select_n3A_1886 : vector<16xf32>
        %swap3A_1939 = arith.constant 2 : i32
        %swap3A_1940 = arith.index_cast %swap3A_1939 : i32 to index
        %swap3A_1941 = arith.index_cast %select_n3A_1910 : i32 to index
        %swap3A_1942 = arith.index_cast %select_n3A_1926 : i32 to index
        %swap3A_1943 = tpu.vector_load %arg7[%swap3A_1940, %swap3A_1941, %swap3A_1942] {strides = array<i32>} : memref<7x2x128xf32, #tpu.memory_space<vmem>>, vector<16xf32>,
        tpu.vector_store %arg7[%swap3A_1940, %swap3A_1941, %swap3A_1942], %mul3A_1938 {strides = array<i32>} : memref<7x2x128xf32, #tpu.memory_space<vmem>>, vector<16xf32>,
        %mul3A_1944 = arith.mulf %mul3A_913, %select_n3A_1886 : vector<16xf32>
        %swap3A_1945 = arith.constant 3 : i32
        %swap3A_1946 = arith.index_cast %swap3A_1945 : i32 to index
        %swap3A_1947 = arith.index_cast %select_n3A_1910 : i32 to index
        %swap3A_1948 = arith.index_cast %select_n3A_1926 : i32 to index
        %swap3A_1949 = tpu.vector_load %arg7[%swap3A_1946, %swap3A_1947, %swap3A_1948] {strides = array<i32>} : memref<7x2x128xf32, #tpu.memory_space<vmem>>, vector<16xf32>,
        tpu.vector_store %arg7[%swap3A_1946, %swap3A_1947, %swap3A_1948], %mul3A_1944 {strides = array<i32>} : memref<7x2x128xf32, #tpu.memory_space<vmem>>, vector<16xf32>,
        %mul3A_1950 = arith.mulf %div3A_896, %select_n3A_1886 : vector<16xf32>
        %swap3A_1951 = arith.constant 4 : i32
        %swap3A_1952 = arith.index_cast %swap3A_1951 : i32 to index
        %swap3A_1953 = arith.index_cast %select_n3A_1910 : i32 to index
        %swap3A_1954 = arith.index_cast %select_n3A_1926 : i32 to index
        %swap3A_1955 = tpu.vector_load %arg7[%swap3A_1952, %swap3A_1953, %swap3A_1954] {strides = array<i32>} : memref<7x2x128xf32, #tpu.memory_space<vmem>>, vector<16xf32>,
        tpu.vector_store %arg7[%swap3A_1952, %swap3A_1953, %swap3A_1954], %mul3A_1950 {strides = array<i32>} : memref<7x2x128xf32, #tpu.memory_space<vmem>>, vector<16xf32>,
        %mul3A_1956 = arith.mulf %div3A_1880, %select_n3A_1886 : vector<16xf32>
        %swap3A_1957 = arith.constant 5 : i32
        %swap3A_1958 = arith.index_cast %swap3A_1957 : i32 to index
        %swap3A_1959 = arith.index_cast %select_n3A_1910 : i32 to index
        %swap3A_1960 = arith.index_cast %select_n3A_1926 : i32 to index
        %swap3A_1961 = tpu.vector_load %arg7[%swap3A_1958, %swap3A_1959, %swap3A_1960] {strides = array<i32>} : memref<7x2x128xf32, #tpu.memory_space<vmem>>, vector<16xf32>,
        tpu.vector_store %arg7[%swap3A_1958, %swap3A_1959, %swap3A_1960], %mul3A_1956 {strides = array<i32>} : memref<7x2x128xf32, #tpu.memory_space<vmem>>, vector<16xf32>,
        %mul3A_1962 = arith.mulf %select_n3A_1877, %select_n3A_1886 : vector<16xf32>
        %swap3A_1963 = arith.constant 6 : i32
        %swap3A_1964 = arith.index_cast %swap3A_1963 : i32 to index
        %swap3A_1965 = arith.index_cast %select_n3A_1910 : i32 to index
        %swap3A_1966 = arith.index_cast %select_n3A_1926 : i32 to index
        %swap3A_1967 = tpu.vector_load %arg7[%swap3A_1964, %swap3A_1965, %swap3A_1966] {strides = array<i32>} : memref<7x2x128xf32, #tpu.memory_space<vmem>>, vector<16xf32>,
        tpu.vector_store %arg7[%swap3A_1964, %swap3A_1965, %swap3A_1966], %mul3A_1962 {strides = array<i32>} : memref<7x2x128xf32, #tpu.memory_space<vmem>>, vector<16xf32>,
      }
      %scan3A_698 = arith.constant 16 : i32
      %jit3A_699 = arith.constant 3 : i32
      %div3A_700 = arith.divsi %select_n3A_642, %jit3A_699 : i32
      %sign3A_701 = arith.constant 0 : i32
      %sign3A_702 = arith.cmpi sgt, %select_n3A_642, %sign3A_701 : i32
      %sign3A_703 = arith.extui %sign3A_702 : i1 to i32
      %sign3A_704 = arith.constant 0 : i32
      %sign3A_705 = arith.cmpi slt, %select_n3A_642, %sign3A_704 : i32
      %sign3A_706 = arith.extui %sign3A_705 : i1 to i32
      %sign3A_707 = arith.subi %sign3A_703, %sign3A_706 : i32
      %sign3A_708 = arith.constant 0 : i32
      %sign3A_709 = arith.cmpi sgt, %jit3A_699, %sign3A_708 : i32
      %sign3A_710 = arith.extui %sign3A_709 : i1 to i32
      %sign3A_711 = arith.constant 0 : i32
      %sign3A_712 = arith.cmpi slt, %jit3A_699, %sign3A_711 : i32
      %sign3A_713 = arith.extui %sign3A_712 : i1 to i32
      %sign3A_714 = arith.subi %sign3A_710, %sign3A_713 : i32
      %ne3A_715 = arith.cmpi ne, %sign3A_707, %sign3A_714 : i32
      %rem3A_716 = arith.remsi %select_n3A_642, %jit3A_699 : i32
      %ne3A_717 = arith.constant 0 : i32
      %ne3A_718 = arith.cmpi ne, %rem3A_716, %ne3A_717 : i32
      %and3A_719 = arith.andi %ne3A_715, %ne3A_718 : i1
      %sub3A_720 = arith.constant 1 : i32
      %sub3A_721 = arith.subi %div3A_700, %sub3A_720 : i32
      %select_n3A_722 = arith.select %and3A_719, %sub3A_721, %div3A_700 : i32
      %mul3A_723 = arith.constant 32 : i32
      %mul3A_724 = arith.muli %select_n3A_674, %mul3A_723 : i32
      %jit3A_725 = arith.constant 128 : i32
      %div3A_726 = arith.divsi %select_n3A_658, %jit3A_725 : i32
      %sign3A_727 = arith.constant 0 : i32
      %sign3A_728 = arith.cmpi sgt, %select_n3A_658, %sign3A_727 : i32
      %sign3A_729 = arith.extui %sign3A_728 : i1 to i32
      %sign3A_730 = arith.constant 0 : i32
      %sign3A_731 = arith.cmpi slt, %select_n3A_658, %sign3A_730 : i32
      %sign3A_732 = arith.extui %sign3A_731 : i1 to i32
      %sign3A_733 = arith.subi %sign3A_729, %sign3A_732 : i32
      %sign3A_734 = arith.constant 0 : i32
      %sign3A_735 = arith.cmpi sgt, %jit3A_725, %sign3A_734 : i32
      %sign3A_736 = arith.extui %sign3A_735 : i1 to i32
      %sign3A_737 = arith.constant 0 : i32
      %sign3A_738 = arith.cmpi slt, %jit3A_725, %sign3A_737 : i32
      %sign3A_739 = arith.extui %sign3A_738 : i1 to i32
      %sign3A_740 = arith.subi %sign3A_736, %sign3A_739 : i32
      %ne3A_741 = arith.cmpi ne, %sign3A_733, %sign3A_740 : i32
      %rem3A_742 = arith.remsi %select_n3A_658, %jit3A_725 : i32
      %ne3A_743 = arith.constant 0 : i32
      %ne3A_744 = arith.cmpi ne, %rem3A_742, %ne3A_743 : i32
      %and3A_745 = arith.andi %ne3A_741, %ne3A_744 : i1
      %sub3A_746 = arith.constant 1 : i32
      %sub3A_747 = arith.subi %div3A_726, %sub3A_746 : i32
      %select_n3A_748 = arith.select %and3A_745, %sub3A_747, %div3A_726 : i32
      %multiple_of3A_749 = tpu.assume_multiple %select_n3A_748, 2 : i32
      %add3A_750 = arith.addi %mul3A_724, %multiple_of3A_749 : i32
      "tpu.region"() ({
        %run_scoped3A = tpu.sem_alloc : memref<!tpu.dma_semaphore, #tpu.memory_space<semaphore_mem>>
        %dma_start3A_758 = arith.constant 0 : i32
        %dma_start3A_759 = arith.constant 0 : i32
        %dma_start3A_760 = tpu.memref_slice %arg4[%dma_start3A_758, %add3A_750, %select_n3A_722, %dma_start3A_759] : memref<7x96x8x128xf32, #tpu.memory_space<hbm>> -> memref<7x2x1x128xf32, #tpu.memory_space<hbm>>
        %dma_start3A_761 = tpu.memref_squeeze %dma_start3A_760 : memref<7x2x1x128xf32, #tpu.memory_space<hbm>> -> memref<7x2x128xf32, #tpu.memory_space<hbm>>
        %dma_start3A_762 = arith.constant 0 : i32
        %dma_start3A_763 = arith.constant 0 : i32
        %dma_start3A_764 = tpu.memref_slice %arg4[%dma_start3A_762, %add3A_750, %select_n3A_722, %dma_start3A_763] : memref<7x96x8x128xf32, #tpu.memory_space<hbm>> -> memref<7x2x1x128xf32, #tpu.memory_space<hbm>>
        %dma_start3A_765 = tpu.memref_squeeze %dma_start3A_764 : memref<7x2x1x128xf32, #tpu.memory_space<hbm>> -> memref<7x2x128xf32, #tpu.memory_space<hbm>>
        tpu.enqueue_dma source(%arg7 : memref<7x2x128xf32, #tpu.memory_space<vmem>>) target(%dma_start3A_765 : memref<7x2x128xf32, #tpu.memory_space<hbm>>) target_semaphore(%run_scoped3A : memref<!tpu.dma_semaphore, #tpu.memory_space<semaphore_mem>>)
        %dma_wait3A_766 = arith.constant 0 : i32
        %dma_wait3A_767 = arith.constant 0 : i32
        %dma_wait3A_768 = tpu.memref_slice %arg4[%dma_wait3A_766, %add3A_750, %select_n3A_722, %dma_wait3A_767] : memref<7x96x8x128xf32, #tpu.memory_space<hbm>> -> memref<7x2x1x128xf32, #tpu.memory_space<hbm>>
        %dma_wait3A_769 = tpu.memref_squeeze %dma_wait3A_768 : memref<7x2x1x128xf32, #tpu.memory_space<hbm>> -> memref<7x2x128xf32, #tpu.memory_space<hbm>>
        %dma_wait3A_770 = arith.constant 0 : i32
        %dma_wait3A_771 = arith.constant 0 : i32
        %dma_wait3A_772 = tpu.memref_slice %arg4[%dma_wait3A_770, %add3A_750, %select_n3A_722, %dma_wait3A_771] : memref<7x96x8x128xf32, #tpu.memory_space<hbm>> -> memref<7x2x1x128xf32, #tpu.memory_space<hbm>>
        %dma_wait3A_773 = tpu.memref_squeeze %dma_wait3A_772 : memref<7x2x1x128xf32, #tpu.memory_space<hbm>> -> memref<7x2x128xf32, #tpu.memory_space<hbm>>
        tpu.wait_dma2 semaphore(%run_scoped3A : memref<!tpu.dma_semaphore, #tpu.memory_space<semaphore_mem>>) src(%arg7 : memref<7x2x128xf32, #tpu.memory_space<vmem>>) dst(%dma_wait3A_773 : memref<7x2x128xf32, #tpu.memory_space<hbm>>)
        tpu.yield
      }) : () -> ()
      %add3A_751 = arith.constant 2 : i32
      %add3A_752 = arith.addi %add3A_495, %add3A_751 : i32
      %lt3A_753 = arith.constant 12 : i32
      %lt3A_754 = arith.cmpi slt, %add3A_752, %lt3A_753 : i32
      %convert_element_type3A_755 = arith.extui %lt3A_754 : i1 to i32
      %cond3A_756 = arith.constant 0 : i32
      %cond3A_757 = arith.cmpi ne, %convert_element_type3A_755, %cond3A_756 : i32
      scf.if %cond3A_757 {
        %add3A_758 = arith.constant 2 : i32
        %add3A_759 = arith.addi %add3A_495, %add3A_758 : i32
        %mul3A_760 = arith.constant 3072 : i32
        %mul3A_761 = arith.muli %add3A, %mul3A_760 : i32
        %mul3A_762 = arith.constant 256 : i32
        %mul3A_763 = arith.muli %add3A_759, %mul3A_762 : i32
        %add3A_764 = arith.addi %mul3A_761, %mul3A_763 : i32
        %jit3A_765 = arith.constant 4096 : i32
        %div3A_766 = arith.divsi %add3A_764, %jit3A_765 : i32
        %sign3A_767 = arith.constant 0 : i32
        %sign3A_768 = arith.cmpi sgt, %add3A_764, %sign3A_767 : i32
        %sign3A_769 = arith.extui %sign3A_768 : i1 to i32
        %sign3A_770 = arith.constant 0 : i32
        %sign3A_771 = arith.cmpi slt, %add3A_764, %sign3A_770 : i32
        %sign3A_772 = arith.extui %sign3A_771 : i1 to i32
        %sign3A_773 = arith.subi %sign3A_769, %sign3A_772 : i32
        %sign3A_774 = arith.constant 0 : i32
        %sign3A_775 = arith.cmpi sgt, %jit3A_765, %sign3A_774 : i32
        %sign3A_776 = arith.extui %sign3A_775 : i1 to i32
        %sign3A_777 = arith.constant 0 : i32
        %sign3A_778 = arith.cmpi slt, %jit3A_765, %sign3A_777 : i32
        %sign3A_779 = arith.extui %sign3A_778 : i1 to i32
        %sign3A_780 = arith.subi %sign3A_776, %sign3A_779 : i32
        %ne3A_781 = arith.cmpi ne, %sign3A_773, %sign3A_780 : i32
        %rem3A_782 = arith.remsi %add3A_764, %jit3A_765 : i32
        %ne3A_783 = arith.constant 0 : i32
        %ne3A_784 = arith.cmpi ne, %rem3A_782, %ne3A_783 : i32
        %and3A_785 = arith.andi %ne3A_781, %ne3A_784 : i1
        %sub3A_786 = arith.constant 1 : i32
        %sub3A_787 = arith.subi %div3A_766, %sub3A_786 : i32
        %select_n3A_788 = arith.select %and3A_785, %sub3A_787, %div3A_766 : i32
        %jit3A_789 = arith.constant 4096 : i32
        %eq3A_790 = arith.constant 0 : i32
        %eq3A_791 = arith.cmpi eq, %jit3A_789, %eq3A_790 : i32
        %jit3A_792 = arith.constant 1 : i32
        %select_n3A_793 = arith.select %eq3A_791, %jit3A_792, %jit3A_789 : i32
        %rem3A_794 = arith.remsi %add3A_764, %select_n3A_793 : i32
        %ne3A_795 = arith.constant 0 : i32
        %ne3A_796 = arith.cmpi ne, %rem3A_794, %ne3A_795 : i32
        %lt3A_797 = arith.constant 0 : i32
        %lt3A_798 = arith.cmpi slt, %rem3A_794, %lt3A_797 : i32
        %lt3A_799 = arith.constant 0 : i32
        %lt3A_800 = arith.cmpi slt, %select_n3A_793, %lt3A_799 : i32
        %ne3A_801 = arith.xori %lt3A_798, %lt3A_800 : i1
        %and3A_802 = arith.andi %ne3A_801, %ne3A_796 : i1
        %add3A_803 = arith.addi %rem3A_794, %select_n3A_793 : i32
        %select_n3A_804 = arith.select %and3A_802, %add3A_803, %rem3A_794 : i32
        %jit3A_805 = arith.constant 3 : i32
        %div3A_806 = arith.divsi %select_n3A_788, %jit3A_805 : i32
        %sign3A_807 = arith.constant 0 : i32
        %sign3A_808 = arith.cmpi sgt, %select_n3A_788, %sign3A_807 : i32
        %sign3A_809 = arith.extui %sign3A_808 : i1 to i32
        %sign3A_810 = arith.constant 0 : i32
        %sign3A_811 = arith.cmpi slt, %select_n3A_788, %sign3A_810 : i32
        %sign3A_812 = arith.extui %sign3A_811 : i1 to i32
        %sign3A_813 = arith.subi %sign3A_809, %sign3A_812 : i32
        %sign3A_814 = arith.constant 0 : i32
        %sign3A_815 = arith.cmpi sgt, %jit3A_805, %sign3A_814 : i32
        %sign3A_816 = arith.extui %sign3A_815 : i1 to i32
        %sign3A_817 = arith.constant 0 : i32
        %sign3A_818 = arith.cmpi slt, %jit3A_805, %sign3A_817 : i32
        %sign3A_819 = arith.extui %sign3A_818 : i1 to i32
        %sign3A_820 = arith.subi %sign3A_816, %sign3A_819 : i32
        %ne3A_821 = arith.cmpi ne, %sign3A_813, %sign3A_820 : i32
        %rem3A_822 = arith.remsi %select_n3A_788, %jit3A_805 : i32
        %ne3A_823 = arith.constant 0 : i32
        %ne3A_824 = arith.cmpi ne, %rem3A_822, %ne3A_823 : i32
        %and3A_825 = arith.andi %ne3A_821, %ne3A_824 : i1
        %sub3A_826 = arith.constant 1 : i32
        %sub3A_827 = arith.subi %div3A_806, %sub3A_826 : i32
        %select_n3A_828 = arith.select %and3A_825, %sub3A_827, %div3A_806 : i32
        %jit3A_829 = arith.constant 3 : i32
        %eq3A_830 = arith.constant 0 : i32
        %eq3A_831 = arith.cmpi eq, %jit3A_829, %eq3A_830 : i32
        %jit3A_832 = arith.constant 1 : i32
        %select_n3A_833 = arith.select %eq3A_831, %jit3A_832, %jit3A_829 : i32
        %rem3A_834 = arith.remsi %select_n3A_788, %select_n3A_833 : i32
        %ne3A_835 = arith.constant 0 : i32
        %ne3A_836 = arith.cmpi ne, %rem3A_834, %ne3A_835 : i32
        %lt3A_837 = arith.constant 0 : i32
        %lt3A_838 = arith.cmpi slt, %rem3A_834, %lt3A_837 : i32
        %lt3A_839 = arith.constant 0 : i32
        %lt3A_840 = arith.cmpi slt, %select_n3A_833, %lt3A_839 : i32
        %ne3A_841 = arith.xori %lt3A_838, %lt3A_840 : i1
        %and3A_842 = arith.andi %ne3A_841, %ne3A_836 : i1
        %add3A_843 = arith.addi %rem3A_834, %select_n3A_833 : i32
        %select_n3A_844 = arith.select %and3A_842, %add3A_843, %rem3A_834 : i32
        %jit3A_845 = arith.constant 64 : i32
        %div3A_846 = arith.divsi %select_n3A_804, %jit3A_845 : i32
        %sign3A_847 = arith.constant 0 : i32
        %sign3A_848 = arith.cmpi sgt, %select_n3A_804, %sign3A_847 : i32
        %sign3A_849 = arith.extui %sign3A_848 : i1 to i32
        %sign3A_850 = arith.constant 0 : i32
        %sign3A_851 = arith.cmpi slt, %select_n3A_804, %sign3A_850 : i32
        %sign3A_852 = arith.extui %sign3A_851 : i1 to i32
        %sign3A_853 = arith.subi %sign3A_849, %sign3A_852 : i32
        %sign3A_854 = arith.constant 0 : i32
        %sign3A_855 = arith.cmpi sgt, %jit3A_845, %sign3A_854 : i32
        %sign3A_856 = arith.extui %sign3A_855 : i1 to i32
        %sign3A_857 = arith.constant 0 : i32
        %sign3A_858 = arith.cmpi slt, %jit3A_845, %sign3A_857 : i32
        %sign3A_859 = arith.extui %sign3A_858 : i1 to i32
        %sign3A_860 = arith.subi %sign3A_856, %sign3A_859 : i32
        %ne3A_861 = arith.cmpi ne, %sign3A_853, %sign3A_860 : i32
        %rem3A_862 = arith.remsi %select_n3A_804, %jit3A_845 : i32
        %ne3A_863 = arith.constant 0 : i32
        %ne3A_864 = arith.cmpi ne, %rem3A_862, %ne3A_863 : i32
        %and3A_865 = arith.andi %ne3A_861, %ne3A_864 : i1
        %sub3A_866 = arith.constant 1 : i32
        %sub3A_867 = arith.subi %div3A_846, %sub3A_866 : i32
        %select_n3A_868 = arith.select %and3A_865, %sub3A_867, %div3A_846 : i32
        %multiple_of3A_869 = tpu.assume_multiple %select_n3A_868, 4 : i32
        %mul3A_870 = arith.constant 85 : i32
        %mul3A_871 = arith.muli %select_n3A_844, %mul3A_870 : i32
        %dma_start3A_872 = arith.constant 0 : i32
        %dma_start3A_873 = tpu.memref_slice %arg2[%select_n3A_828, %mul3A_871, %multiple_of3A_869, %dma_start3A_872] : memref<8x255x64x64xf32, #tpu.memory_space<hbm>> -> memref<1x85x4x64xf32, #tpu.memory_space<hbm>>
        %dma_start3A_874 = tpu.memref_squeeze %dma_start3A_873 : memref<1x85x4x64xf32, #tpu.memory_space<hbm>> -> memref<85x4x64xf32, #tpu.memory_space<hbm>>
        %dma_start3A_875 = arith.constant 0 : i32
        %dma_start3A_876 = tpu.memref_slice %arg2[%select_n3A_828, %mul3A_871, %multiple_of3A_869, %dma_start3A_875] : memref<8x255x64x64xf32, #tpu.memory_space<hbm>> -> memref<1x85x4x64xf32, #tpu.memory_space<hbm>>
        %dma_start3A_877 = tpu.memref_squeeze %dma_start3A_876 : memref<1x85x4x64xf32, #tpu.memory_space<hbm>> -> memref<85x4x64xf32, #tpu.memory_space<hbm>>
        tpu.enqueue_dma source(%dma_start3A_877 : memref<85x4x64xf32, #tpu.memory_space<hbm>>) target(%arg6 : memref<85x4x64xf32, #tpu.memory_space<vmem>>) target_semaphore(%arg10 : memref<!tpu.dma_semaphore, #tpu.memory_space<semaphore_mem>>)
      } else {
      }
    }
    %scan3A_228 = arith.constant 6 : i32
    return
  }
}

</mosaic_0001>

<sc_bundles>
// kernel: _yolo_sc.3.cloned.1.call-start
scs
__scs_entry_jumppad:
0x0: {  	(pc) =	sbr.rel $0x88, $3  }
0x1: {  	(tag) =	ssettag $0x0;
	lr =	simm.s32 $0x1  }
0x2: {  	[smem:$0x3F9F] =	sst lr;
	_ =	strace $0xD0000000  }
0x3: {  	_ = 	snop  }
0x4: {  	_ = 	snop  }
0x5: {  	_ = 	snop  }
0x6: {  	_ = 	snop  }
0x7: {  	_ = 	snop  }
__scs_overlays_trampoline_lowered:
0x8: {  	[smem:$0x3FAE] =	sst s0  }
0x9: {  	[smem:$0x3FAF] =	sst s1  }
0xa: {  	[smem:$0x3FB0] =	sst s2  }
0xb: {  	[smem:$0x3FB1] =	sst s3  }
0xc: {  	[smem:$0x3FB2] =	sst s4  }
0xd: {  	[smem:$0x3FB3] =	sst s5  }
0xe: {  	[smem:$0x3FB4] =	sst s6  }
0xf: {  	[smem:$0x3FB5] =	sst s7  }
0x10: {  	[smem:$0x3FB6] =	sst s8  }
0x11: {  	[smem:$0x3FB7] =	sst s9;
	s0 =	simm.s32 @!p0 $0x0  }
0x12: {  	s1 =	sld [smem:$0x3F9D];
	s0 =	simm.s32 @p0 $0x1  }
0x13: {  	[smem:$0x3FB8] =	sst s0;
	s0 =	simm.s32 @!p1 $0x0  }
0x14: {  	s2 =	sld [smem:$0x3F9C];
	s0 =	simm.s32 @p1 $0x1  }
0x15: {  	[smem:$0x3FB9] =	sst s0;
	s0 =	simm.s32 @!p2 $0x0  }
0x16: {  	s3 =	sld [smem:$0x3FDB];
	s0 =	simm.s32 @p2 $0x1  }
0x17: {  	s4 =	simm.s32 $0x1BF5;
	[smem:$0x3FBB] =	sst s0  }
0x18: {  	s0 =	sld [smem:$0x3F9E];
	_ =	swait.ge [sflag:s4], $0x0  }
0x19: {  	s7 =	sld [smem:$0x3F9F]  }
0x1a: {  	s8 =	sadd.s32 $0xFFFFE003, lr  }
0x1b: {  	s9 =	sadd.s32 $0xFFFFFEF7, lr;
	s5 =	simm.s32 $0xFFFFFFFF;
	p2 =	slt.u32 s8, $0xFFFFF086  }
0x1c: {  	p1 =	slt.u32 s9, $0xF7A;
	s5 =	simm.s32 @!p2 $0x0  }
0x1d: {  	s5 =	simm.s32 @p1 $0x1;
	p0 =	seq.s32 s7, s2  }
0x1e: {  	s7 =	smul.u32 @!p0 $0xF7A, s2;
	p2 =	seq.s32 @!p0 s5, $0x0  }
0x1f: {  	s9 =	smul.u32 $0xF7A, s1;
	s8 =	simm.s32 @!p0 $0x1BF5;
	p2 =	por !p2, p0  }
0x20: {  	[sflag:s8] =	ssyncset.s32 @!p0 $0xFFFFF086;
	s6 =	sadd.s32 @!p0 s3, s7;
	s7 =	simm.s32 @!p0 $0x108  }
0x21: {  	s3 =	sadd.s32 s3, s9;
	s6 =	sadd.s32 @!p0 $0x88, s6;
	s7 =	simm.s32 @p2 $0x1082  }
0x22: {  	[simem:s7], [sflag:s8] =	dma.local @!p0 [hbm:s6], $0xF7A  }
0x23: {  	s9 =	sor.u32 $0xD0000000, s2;
	s6 =	simm.s32 $0x108;
	_ =	swait.ge @!p0 [sflag:s8], $0x0  }
0x24: {  	s3 =	sadd.s32 $0x88, s3;
	s6 =	simm.s32 @!p1 $0x1082;
	[sflag:s4] =	ssyncset.s32 $0xFFFFF086  }
0x25: {  	[simem:s6], [sflag:s4] =	dma.local [hbm:s3], $0xF7A  }
0x26: {  	[smem:$0x3F9F] =	sst s1;
	(tag) =	ssettag s2;
	_ =	strace s9  }
0x27: {  	s1 =	sld [smem:$0x3FAF]  }
0x28: {  	s2 =	sld [smem:$0x3FB0]  }
0x29: {  	s4 =	sld [smem:$0x3FB2]  }
0x2a: {  	p0 =	seq.s32 s5, $0x0;
	s5 =	sld [smem:$0x3FB3]  }
0x2b: {  	s6 =	sld [smem:$0x3FB4]  }
0x2c: {  	s7 =	sld [smem:$0x3FB5]  }
0x2d: {  	s3 =	simm.s32 $0x108;
	s8 =	sld [smem:$0x3FB6]  }
0x2e: {  	s3 =	simm.s32 @!p0 $0x1082;
	s9 =	sld [smem:$0x3FB7]  }
0x2f: {  	lr =	sadd.s32 s0, s3;
	s0 =	sld [smem:$0x3FAE]  }
0x30: {  	s3 =	sld [smem:$0x3FB1]  }
0x31: {  	[smem:$0x3FBA] =	sst s10  }
0x32: {  	s10 =	sld [smem:$0x3FB8];
	_ =	sdelay $0x3  }
0x33: {  	p0 =	seq.s32 s10, $0x1;
	s10 =	sld [smem:$0x3FBA];
	_ =	sdelay $0x3  }
0x34: {  	[smem:$0x3FBA] =	sst s10  }
0x35: {  	s10 =	sld [smem:$0x3FB9];
	_ =	sdelay $0x3  }
0x36: {  	p1 =	seq.s32 s10, $0x1;
	s10 =	sld [smem:$0x3FBA];
	_ =	sdelay $0x3  }
0x37: {  	[smem:$0x3FBA] =	sst s10  }
0x38: {  	s10 =	sld [smem:$0x3FBB]  }
0x39: {  	_ = 	snop;
	(pc) =	sbr.ind lr, $3  }
0x3a: {  	_ = 	snop  }
0x3b: {  	_ = 	snop  }
0x3c: {  	p2 =	seq.s32 s10, $0x1;
	s10 =	sld [smem:$0x3FBA]  }
0x3d: {  	_ =	shalt  }
0x3e: {  	_ =	shalt  }
0x3f: {  	_ =	shalt  }
0x40: {  	_ =	shalt  }
0x41: {  	_ =	shalt  }
0x42: {  	_ =	shalt  }
0x43: {  	_ =	shalt  }
0x44: {  	_ =	shalt  }
0x45: {  	_ =	shalt  }
0x46: {  	_ =	shalt  }
0x47: {  	_ =	shalt  }
0x48: {  	_ =	shalt  }
0x49: {  	_ =	shalt  }
0x4a: {  	_ =	shalt  }
0x4b: {  	_ =	shalt  }
0x4c: {  	_ =	shalt  }
0x4d: {  	_ =	shalt  }
0x4e: {  	_ =	shalt  }
0x4f: {  	_ =	shalt  }
0x50: {  	_ =	shalt  }
0x51: {  	_ =	shalt  }
0x52: {  	_ =	shalt  }
0x53: {  	_ =	shalt  }
0x54: {  	_ =	shalt  }
0x55: {  	_ =	shalt  }
0x56: {  	_ =	shalt  }
0x57: {  	_ =	shalt  }
0x58: {  	_ =	shalt  }
0x59: {  	_ =	shalt  }
0x5a: {  	_ =	shalt  }
0x5b: {  	_ =	shalt  }
0x5c: {  	_ =	shalt  }
0x5d: {  	_ =	shalt  }
0x5e: {  	_ =	shalt  }
0x5f: {  	_ =	shalt  }
0x60: {  	_ =	shalt  }
0x61: {  	_ =	shalt  }
0x62: {  	_ =	shalt  }
0x63: {  	_ =	shalt  }
0x64: {  	_ =	shalt  }
0x65: {  	_ =	shalt  }
0x66: {  	_ =	shalt  }
0x67: {  	_ =	shalt  }
0x68: {  	_ =	shalt  }
0x69: {  	_ =	shalt  }
0x6a: {  	_ =	shalt  }
0x6b: {  	_ =	shalt  }
0x6c: {  	_ =	shalt  }
0x6d: {  	_ =	shalt  }
0x6e: {  	_ =	shalt  }
0x6f: {  	_ =	shalt  }
0x70: {  	_ =	shalt  }
0x71: {  	_ =	shalt  }
0x72: {  	_ =	shalt  }
0x73: {  	_ =	shalt  }
0x74: {  	_ =	shalt  }
0x75: {  	_ =	shalt  }
0x76: {  	_ =	shalt  }
0x77: {  	_ =	shalt  }
0x78: {  	_ =	shalt  }
0x79: {  	_ =	shalt  }
0x7a: {  	_ =	shalt  }
0x7b: {  	_ =	shalt  }
0x7c: {  	_ =	shalt  }
0x7d: {  	_ =	shalt  }
0x7e: {  	_ =	shalt  }
0x7f: {  	_ =	shalt  }
0x80: {  	_ =	shalt  }
0x81: {  	_ =	shalt  }
0x82: {  	_ =	shalt  }
0x83: {  	_ =	shalt  }
0x84: {  	_ =	shalt  }
0x85: {  	_ =	shalt  }
0x86: {  	_ =	shalt  }
0x87: {  	_ =	shalt  }
.Lfunc_end0:
.L_simem_size_0:
called_computation_lowered:
.L_overlay_start_0:
0x88: {  	s2 =	sld [smem:$0x3FD9]  }
0x89: {  	s3 =	sld [smem:$0x3FFE];
	_ =	sdelay $0x1  }
0x8a: {  	s1 =	srdreg.scid  }
0x8b: {  	s0 =	sand.u32 $0x1, s1  }
0x8c: {  	s17 =	sshll.u32 s0, $0xA;
	s2 =	sadd.s32 s3, s2  }
0x8d: {  	s2 =	sadd.s32 s2, s17  }
0x8e: {  	[smem:$0x3FC6] =	sst s2  }
0x8f: {  	_ = 	snop  }
0x90: {  	s2 =	sld [smem:$0x3FC8]  }
0x91: {  	s18 =	sld [smem:$0x3FD0];
	(tm) =	ssettm $0x1  }
0x92: {  	s4 =	sld [smem:$0x3FFB];
	_ =	sdelay $0x3  }
0x93: {  	_ =	strace s4  }
0x94: {  	s4 =	sld [smem:$0x3FFC];
	_ =	sdelay $0x3  }
0x95: {  	_ =	strace s4  }
0x96: {  	s4 =	sld [smem:$0x3FFD];
	_ =	sdelay $0x3  }
0x97: {  	_ =	strace s4  }
0x98: {  	_ =	strace $0x8FFFFFFF  }
0x99: {  	s19 =	sld [smem:$0x3FDB];
	_ =	sdelay $0x1  }
0x9a: {  	s5 =	simm.s32 $_scs_section_size  }
0x9b: {  	s6 =	simm.s32 $_size__tile_overlayer_lowered;
	s7 =	simm.s32 $_tile_overlayer_lowered  }
0x9c: {  	s22 =	simm.s32 $0x1BFF;
	s21 =	sshll.u32 s7, $0x1;
	s4 =	sadd.s32 s5, s19  }
0x9d: {  	s8 =	simm.s32 $0x0;
	s20 =	sshll.u32 s6, $0x1;
	s6 =	sadd.s32 s21, s4  }
0x9e: {  	[timem:s8], [sflag:s22] =	dma.local [hbm:s6], s20  }
0x9f: {  	_ =	swait.ge [sflag:s22], s20  }
0xa0: {  	s5 =	ssub.s32 $0x0, s20;
	[sflag:s22] =	ssyncset.done $0x0  }
0xa1: {  	[sflag:s22] =	ssyncadd.s32 s5;
	_ =	sdelay $0x1  }
0xa2: {  	s23 =	simm.s32 $0x1B8B  }
0xa3: {  	_ =	swait.ge [sflag:s23], $0x1  }
0xa4: {  	[sflag:s23] =	ssyncset.done $0x0  }
0xa5: {  	s25 =	simm.s32 $0x1B8E;
	s24 =	sld [smem:$0x3FFE];
	[sflag:s23] =	ssyncadd.s32 $0xFFFFFFFF  }
0xa6: {  	s26 =	simm.s32 $execute0_lowered;
	[smem:$0x3FD2] =	sst s25  }
0xa7: {  	s6 =	sshll.u32 s26, $0x1;
	_ =	strace $0x80000046;
	[dreg:$0x1] =	wrdreg $0xFFFFFFFF  }
0xa8: {  	s28 =	simm.s32 $_size_execute0_lowered;
	s4 =	sadd.s32 s4, s6;
	[dreg:$0x0] =	wrdreg $0x0  }
0xa9: {  	s6 =	sshll.u32 s28, $0x1;
	[dreg:$0x2] =	wrdreg s4  }
0xaa: {  	[dreg:$0x3] =	wrdreg s6  }
0xab: {  	[dreg:$0x4] =	wrdreg $0xC0  }
0xac: {  	_ =	task [dreg:s8], $0x5FFFF  }
0xad: {  	[dreg:$0x1] =	wrdreg $0xFFFFFFFF  }
0xae: {  	[dreg:$0x0] =	wrdreg $0x60  }
0xaf: {  	[dreg:$0x2] =	wrdreg s24  }
0xb0: {  	[dreg:$0x3] =	wrdreg s2  }
0xb1: {  	[dreg:$0x4] =	wrdreg s18  }
0xb2: {  	[dreg:$0x5] =	wrdreg $0x9  }
0xb3: {  	_ =	task.clear_ibuf [dreg:s8], $0x6FFFF;
	_ =	strace $0x90000046  }
0xb4: {  	s29 =	simm.s32 $0x9;
	_ =	strace $0x80000048  }
0xb5: {  	_ =	swait.ge [sflag:s29], $0x1  }
0xb6: {  	[sflag:s29] =	ssyncadd.s32 $0xFFFFFFFF  }
0xb7: {  	_ =	strace $0x90000048  }
0xb8: {  	_ =	sfence  }
0xb9: {  	s30 =	sld [smem:$0x0];
	_ =	sdelay $0x2  }
0xba: {  	s31 =	sshll.u32 s1, $0xD;
	s1 =	sshrl.u32 s1, $0x2  }
0xbb: {  	s3 =	sand.u32 $0x4000, s31;
	s1 =	sadd.s32 s1, s30  }
0xbc: {  	s0 =	sor.u32 s3, s0;
	s1 =	sshll.u32 s1, $0x11  }
0xbd: {  	s0 =	sor.u32 s1, s0  }
0xbe: {  	s0 =	sadd.s32 $0x8F2B, s0  }
0xbf: {  	[sflag:s0] =	ssyncadd.remote.s32 $0x1  }
0xc0: {  	_ =	sfence.sel $0xFFFF  }
0xc1: {  	[dreg:$0x0] =	wrdreg $0xFFFFFFFF;
	(pc) =	sbr.abs _section_cstart, $3  }
0xc2: {  	[dreg:$0x1] =	wrdreg $0xFFFFFFFF  }
0xc3: {  	_ =	task.clear_ibuf [dreg:s8], $0x2FFFF;
	_ =	strace $0x9FFFFFFF  }
0xc4: {  	(tm) =	ssettm $0x7FFFFFFF  }
0xc5: {  	_ =	shalt  }
tec
execute0_lowered:
.L_overlay_start_1:
0x0: {  	(tag) =	ssettag $0x1  }
0x1: {  	s0 =	srdreg.scid;
	s10 =	stileid.u32  }
0x2: {  	s5 =	rddreg [dreg:$0x0];
	s0 =	sand.u32 $0x1, s0;
	s1 =	sshll.u32 s10, $0x1  }
0x3: {  	s19 =	simm.s32 $0x0;
	s16 =	simm.s32 $0x3;
	s2 =	sor.u32 s0, s1  }
0x4: {  	s28 =	simm.s32 $0x15800;
	s29 =	simm.s32 $0x15900;
	s1 =	smul.u32 $0xC00, s2  }
0x5: {  	s30 =	simm.s32 $0x15A00;
	s6 =	sshrl.u32 s10, $0x1;
	s20 =	smul.u32 $0x1800, s10  }
0x6: {  	vm0 =	vcmask $0x300;
	v0 =	vimm.f32 $1.500000000e+01;
	s31 =	simm.s32 $0x2;
	s7 =	smul.u32 $0x1FE000, s6;
	s3 =	sshrl.u32 s1, $0xC  }
0x7: {  	vm14 =	vcmask $0x704;
	v0 =	vsel vm0, $0x0, v0;
	[smem:$0x7FF] =	sst s19;
	s21 =	sadd.s32 $0x440, s5;
	s4 =	smul.u32 $0x56, s3  }
0x8: {  	vm15 =	vcmask $0xB08;
	v0 =	vsel vm14, $0x3F800000, v0;
	s6 =	sadd.s32 $0x400, s5;
	s8 =	ssub.s32 $0x2, s0;
	s0 =	smul.u32 $0xC00, s0  }
0x9: {  	vm4 =	vcmask $0xF0C;
	s2 =	smul.u32 $0x1800, s2;
	v0 =	vsel vm15, $0x40000000, v0;
	s9 =	sshrl.u32 s8, $0x1;
	s4 =	sshrl.u32 s4, $0x8  }
0xa: {  	vm5 =	vcmask $0x1310;
	s11 =	smov.u32 s21;
	v0 =	vsel vm4, $0x40400000, v0;
	s22 =	ssub.s32 s8, s9;
	s4 =	smul.u32 $0x3, s4  }
0xb: {  	vm6 =	vcmask $0x1714;
	s0 =	sadd.s32 s0, s20;
	s20 =	simm.s32 $0x1;
	s2 =	sand.u32 $0x1800, s2;
	v0 =	vsel vm5, $0x40800000, v0  }
0xc: {  	vm7 =	vcmask $0x1B18;
	s10 =	sor.u32 $0x200, s1;
	s24 =	sor.u32 $0x300, s1;
	v0 =	vsel vm6, $0x40A00000, v0;
	s3 =	ssub.s32 s3, s4  }
0xd: {  	vm8 =	vcmask $0x1F1C;
	s25 =	smax.u32 s22, $0x1;
	s26 =	sshrl.u32 s0, $0x9;
	v0 =	vsel vm7, $0x40C00000, v0;
	s3 =	sand.u32 $0xFF, s3  }
0xe: {  	vm9 =	vcmask $0x2320;
	s0 =	sor.u32 $0x100, s0;
	v0 =	vsel vm8, $0x40E00000, v0;
	s4 =	rddreg [dreg:$0x2];
	s3 =	smul.u32 $0xAA000, s3  }
0xf: {  	vm10 =	vcmask $0x2724;
	s22 =	simm.s32 $0x400;
	v0 =	vsel vm9, $0x41000000, v0;
	_ =	strace $0x80000047;
	[dreg:$0x6] =	wrdreg s24  }
0x10: {  	vm11 =	vcmask $0x2B28;
	s0 =	sshrl.u32 s0, $0x8;
	v0 =	vsel vm10, $0x41100000, v0;
	[dreg:$0x7] =	wrdreg s25;
	s3 =	sadd.s32 s7, s3  }
.Ltmp0:
0x11: {  	vm12 =	vcmask $0x2F2C;
	[dreg:$0x8] =	wrdreg s26;
	v0 =	vsel vm11, $0x41200000, v0;
	s2 =	sor.u32 s2, s3;
	(pc) =	sbr.rel .LBB2_1-.Ltmp0, $4  }
0x12: {  	vm13 =	vcmask $0x3330;
	[dreg:$0x9] =	wrdreg s0;
	s24 =	simm.s32 $0x15500;
	v0 =	vsel vm12, $0x41300000, v0;
	s2 =	sshrl.u32 s2, $0x3  }
0x13: {  	v1 =	vimm.f32 $0.0e+00;
	vm14 =	vcmask $0x3734;
	s25 =	simm.s32 $0x15600;
	s26 =	simm.s32 $0x15700;
	v0 =	vsel vm13, $0x41400000, v0;
	s23 =	sadd.s32 s6, s2  }
0x14: {  	v2 =	vimm.f32 $2.000000000e+01;
	vm15 =	vcmask $0x3B38;
	v0 =	vsel vm14, $0x41500000, v0;
	s2 =	sadd.s32 s2, s21;
	s21 =	simm.s32 $0x80;
	[dreg:$0x4] =	wrdreg s23  }
0x15: {  	v3 =	vimm.f32 $4.000000000e+01;
	v4 =	vimm.f32 $6.000000000e+01;
	v0 =	vsel vm15, $0x41600000, v0;
	[dreg:$0x5] =	wrdreg s2;
	s23 =	simm.s32 $0x15400;
	s2 =	simm.s32 $0x0  }
.LBB2_8:
0x16: {  	s2 =	rddreg [dreg:$0xa]  }
0x17: {  	s0 =	rddreg [dreg:$0x7];
	s2 =	sadd.s32 $0x1, s2  }
0x18: {  	p0 =	sne.s32 s2, s0  }
.Ltmp1:
0x19: {  	_ = 	snop;
	(pc) =	sbr.rel @!p0 .LBB2_9-.Ltmp1, $1  }
0x1a: {  	_ =	sdelay $0x3  }
.LBB2_1:
0x1b: {  	[dreg:$0xa] =	wrdreg s2  }
0x1c: {  	s0 =	rddreg [dreg:$0x1];
	s14 =	simm.s32 $0x0;
	s3 =	simm.s32 $0x15B00  }
0x1d: {  	[tilespmem:s3], [sflag:$0x3] =	stream.linear.gather [hbm4b:s0+s14], $0x80, $0x38;
	[tilespmem:$0x15B80] =	vst v63  }
0x1e: {  	_ =	swait.ge [sflag:s16], $0x80  }
0x1f: {  	s15 =	rddreg [dreg:$0x4]  }
0x20: {  	s17 =	simm.s32 $0x200;
	[sflag:s16] =	ssyncset.done $0x0;
	s18 =	rddreg [dreg:$0x5]  }
0x21: {  	s5 =	simm.s32 $0x2000;
	s13 =	rddreg [dreg:$0x8];
	[sflag:s16] =	ssyncadd.s32 $0xFFFFFF80  }
0x22: {  	v5 =	vld [tilespmem:$0x15B00];
	[tilespmem:s14], [sflag:$0x1] =	stream.strided.gather [hbm4b:s15+s17], $0xAA00, s5, s17, $0x38  }
0x23: {  	s19 =	simm.s32 $0xAA00;
	s14 =	rddreg [dreg:$0x9];
	s15 =	simm.s32 $0x0  }
0x24: {  	[tilespmem:s19], [sflag:$0x2] =	stream.strided.gather [hbm4b:s18+s17], $0xAA00, s5, s17, $0x38;
	[tilespmem:$0x15B80] =	vst v63  }
.LBB2_2:
0x25: {  	s5 =	sshll.u32 s15, $0x9  }
0x26: {  	s9 =	sadd.s32 s1, s5  }
0x27: {  	s2 =	sshrl.u32 s9, $0xC  }
0x28: {  	s0 =	smulhi.u32 $0x55555556, s2;
	_ =	sdelay $0x1  }
0x29: {  	s3 =	sand.u32 $0xF, s14;
	s17 =	smul.u32 $0x3, s0  }
0x2a: {  	s12 =	sand.u32 $0x7, s13;
	_ =	swait.ge [sflag:s20], $0xAA00;
	s19 =	simm.s32 $0xFFFFFE00  }
0x2b: {  	s8 =	sshll.u32 s3, $0x8;
	s3 =	simm.f32 $3.027343750e-02;
	s2 =	ssub.s32 s2, s17  }
0x2c: {  	[sflag:s20] =	ssyncset.done $0x0;
	s17 =	simm.f32 $2.197265630e-02;
	p0 =	seq.s32 s2, $0x1  }
0x2d: {  	p1 =	seq.s32 s2, $0x0;
	s3 =	simm.s32 @!p0 $0x3CEC0000;
	s17 =	simm.s32 @!p0 $0x3D6E0000  }
0x2e: {  	[sflag:s20] =	ssyncadd.s32 $0xFFFF5600;
	s3 =	simm.s32 @p1 $0x3C700000;
	s17 =	simm.s32 @p1 $0x3CF40000  }
0x2f: {  	s0 =	sshll.u32 s12, $0x9;
	s12 =	sand.u32 $0xE00, s9;
	v6 =	vmov s3;
	v7 =	vmov s17;
	s3 =	simm.s32 $0x0  }
.LBB2_3:
0x30: {  	s18 =	sadd.s32 $0x200, s19  }
0x31: {  	s17 =	sand.u32 $0x30, s3;
	s18 =	sand.u32 $0x180, s18  }
0x32: {  	s18 =	sor.u32 s17, s18  }
0x33: {  	v8 =	vld [tilespmem:s18+$0x0];
	_ =	sdelay $0x4  }
0x34: {  	v8 =	vsub.f32 $0.0e+00, v8;
	_ =	sdelay $0x1  }
0x35: {  	v8 =	vmul.f32 $1.442695020e+00, v8;
	_ =	sdelay $0x1  }
0x36: {  	(erf) = vpow2.f32 v8;
	_ =	sdelay $0x3  }
0x37: {  	v8 =	vld [tilespmem:s18+$0x200];
	_ =	sdelay $0x4  }
0x38: {  	v8 =	vsub.f32 $0.0e+00, v8;
	v9 =	vpop (erf)  }
0x39: {  	v9 =	vadd.f32 $1.000000000e+00, v9  }
0x3a: {  	v8 =	vmul.f32 $1.442695020e+00, v8  }
0x3b: {  	(erf) = vrcp.f32 v9  }
0x3c: {  	(erf) = vpow2.f32 v8;
	_ =	sdelay $0x3  }
0x3d: {  	v8 =	vld [tilespmem:s18+$0x800]  }
0x3e: {  	v11 =	vld [tilespmem:s18+$0x600]  }
0x3f: {  	v14 =	vld [tilespmem:s18+$0xC00]  }
0x40: {  	v16 =	vld [tilespmem:s18+$0x1000]  }
0x41: {  	v17 =	vld [tilespmem:s18+$0x1200];
	v9 =	vpop (erf)  }
0x42: {  	v18 =	vld [tilespmem:s18+$0x1400];
	v8 =	vsub.f32 $0.0e+00, v8;
	v10 =	vpop (erf)  }
0x43: {  	v19 =	vld [tilespmem:s18+$0x1600];
	v10 =	vadd.f32 $1.000000000e+00, v10  }
0x44: {  	v21 =	vld [tilespmem:s18+$0x1800];
	v8 =	vmul.f32 $1.442695020e+00, v8  }
0x45: {  	v23 =	vld [tilespmem:s18+$0x1A00];
	(erf) = vrcp.f32 v10  }
0x46: {  	v25 =	vld [tilespmem:s18+$0x1C00];
	(erf) = vpow2.f32 v8  }
0x47: {  	v54 =	vld [tilespmem:s18+$0x1E00]  }
0x48: {  	v27 =	vld [tilespmem:s18+$0x2000]  }
0x49: {  	v57 =	vld [tilespmem:s18+$0x2200]  }
0x4a: {  	v60 =	vld [tilespmem:s18+$0x2400];
	v11 =	vmul.f32 $1.442695020e+00, v11  }
0x4b: {  	v34 =	vld [tilespmem:s18+$0x2600];
	v48 =	vmul.f32 $1.442695020e+00, v14;
	v49 =	vmul.f32 $1.442695020e+00, v16  }
0x4c: {  	v20 =	vmul.f32 $1.442695020e+00, v17;
	v50 =	vmul.f32 $1.442695020e+00, v18;
	v8 =	vld [tilespmem:s18+$0x400]  }
0x4d: {  	v37 =	vld [tilespmem:s18+$0x2800];
	v51 =	vmul.f32 $1.442695020e+00, v19;
	v52 =	vmul.f32 $1.442695020e+00, v21  }
0x4e: {  	v13 =	vld [tilespmem:s18+$0xA00];
	v55 =	vmul.f32 $1.442695020e+00, v23;
	v28 =	vmul.f32 $1.442695020e+00, v25;
	v10 =	vpop (erf)  }
0x4f: {  	v41 =	vld [tilespmem:s18+$0x2A00];
	v59 =	vmul.f32 $1.442695020e+00, v54;
	v63 =	vmul.f32 $1.442695020e+00, v27;
	v12 =	vpop (erf)  }
0x50: {  	v15 =	vld [tilespmem:s18+$0xE00];
	v33 =	vmul.f32 $1.442695020e+00, v57;
	v36 =	vmul.f32 $1.442695020e+00, v60;
	v12 =	vadd.f32 $1.000000000e+00, v12  }
0x51: {  	v40 =	vmul.f32 $1.442695020e+00, v34;
	v8 =	vmul.f32 $1.442695020e+00, v8  }
0x52: {  	p0 =	sne.s32 s17, $0x0;
	s17 =	scvt.s32.f32 s17;
	v44 =	vmul.f32 $1.442695020e+00, v37;
	(erf) = vrcp.f32 v12  }
0x53: {  	vm0 =	vgt.f32 v14, v13;
	(erf) = vpow2.f32 v8;
	v8 =	vmul.f32 $1.442695020e+00, v13  }
0x54: {  	v47 =	vmul.f32 $1.442695020e+00, v41;
	v9 =	vadd.f32 s17, v9;
	(erf) = vpow2.f32 v11  }
0x55: {  	v53 =	vsel vm0, $0x3F800000, v1;
	(erf) = vpow2.f32 v8;
	v8 =	vmul.f32 $1.442695020e+00, v15  }
0x56: {  	v9 =	vadd.f32 v0, v9;
	v13 =	vmax.f32 v14, v13;
	(erf) = vpow2.f32 v48  }
0x57: {  	vm14 =	vgt.f32 v15, v13;
	v13 =	vmax.f32 v15, v13;
	(erf) = vpow2.f32 v8  }
0x58: {  	v14 =	vsel vm14, $0x40000000, v53;
	vm15 =	vgt.f32 v16, v13;
	v13 =	vmax.f32 v16, v13  }
0x59: {  	v14 =	vsel vm15, $0x40400000, v14;
	vm4 =	vgt.f32 v17, v13;
	v13 =	vmax.f32 v17, v13  }
0x5a: {  	v14 =	vsel vm4, $0x40800000, v14;
	vm5 =	vgt.f32 v18, v13;
	v13 =	vmax.f32 v18, v13  }
0x5b: {  	v9 =	vmul.f32 $1.562500000e-02, v9;
	v14 =	vsel vm5, $0x40A00000, v14;
	vm6 =	vgt.f32 v19, v13;
	v8 =	vpop (erf)  }
0x5c: {  	v48 =	vld [tilespmem:s18+$0x3000];
	(erf) = vpow2.f32 v49;
	v13 =	vmax.f32 v19, v13;
	v14 =	vsel vm6, $0x40C00000, v14;
	v11 =	vpop (erf)  }
0x5d: {  	v45 =	vld [tilespmem:s18+$0x2E00];
	vm7 =	vgt.f32 v21, v13;
	v13 =	vmax.f32 v21, v13;
	v12 =	vpop (erf);
	(erf) = vpow2.f32 v20  }
0x5e: {  	v14 =	vsel vm7, $0x40E00000, v14;
	vm8 =	vgt.f32 v23, v13;
	v22 =	vpop (erf);
	(erf) = vpow2.f32 v50  }
0x5f: {  	v42 =	vld [tilespmem:s18+$0x2C00];
	v13 =	vmax.f32 v23, v13;
	v14 =	vsel vm8, $0x41000000, v14;
	v24 =	vpop (erf);
	(erf) = vpow2.f32 v51  }
0x60: {  	vm9 =	vgt.f32 v25, v13;
	v13 =	vmax.f32 v25, v13;
	v26 =	vpop (erf);
	(erf) = vpow2.f32 v52  }
0x61: {  	v61 =	vmul.f32 $1.442695020e+00, v48;
	v14 =	vsel vm9, $0x41100000, v14;
	(erf) = vpow2.f32 v55  }
0x62: {  	vm10 =	vgt.f32 v54, v13;
	v13 =	vmax.f32 v54, v13;
	v54 =	vmul.f32 $1.442695020e+00, v45  }
0x63: {  	v14 =	vsel vm10, $0x41200000, v14;
	vm11 =	vgt.f32 v27, v13;
	v11 =	vmul.f32 v11, v6  }
0x64: {  	v13 =	vmax.f32 v27, v13;
	v50 =	vmul.f32 $1.442695020e+00, v42;
	(erf) = vpow2.f32 v28  }
0x65: {  	v14 =	vsel vm11, $0x41300000, v14;
	vm12 =	vgt.f32 v57, v13;
	v13 =	vmax.f32 v57, v13;
	v56 =	vpop (erf)  }
0x66: {  	v12 =	vmul.f32 v12, v7;
	v14 =	vsel vm12, $0x41400000, v14;
	v58 =	vpop (erf);
	(erf) = vpow2.f32 v59  }
0x67: {  	vm13 =	vgt.f32 v60, v13;
	v13 =	vmax.f32 v60, v13;
	v62 =	vpop (erf);
	(erf) = vpow2.f32 v63  }
0x68: {  	v24 =	vadd.f32 $0.0e+00, v24;
	v14 =	vsel vm13, $0x41500000, v14;
	vm14 =	vgt.f32 v34, v13;
	v32 =	vpop (erf)  }
0x69: {  	v29 =	vld [tilespmem:s18+$0x3800];
	v13 =	vmax.f32 v34, v13;
	v14 =	vsel vm14, $0x41600000, v14;
	v35 =	vpop (erf);
	(erf) = vpow2.f32 v33  }
0x6a: {  	vm15 =	vgt.f32 v37, v13;
	v13 =	vmax.f32 v37, v13;
	v38 =	vpop (erf);
	(erf) = vpow2.f32 v36  }
0x6b: {  	v51 =	vld [tilespmem:s18+$0x3200];
	v22 =	vadd.f32 v26, v22;
	v14 =	vsel vm15, $0x41700000, v14;
	vm4 =	vgt.f32 v41, v13  }
0x6c: {  	v52 =	vld [tilespmem:s18+$0x3400];
	v15 =	vadd.f32 v56, v24;
	v13 =	vmax.f32 v41, v13;
	v14 =	vsel vm4, $0x41800000, v14  }
0x6d: {  	vm5 =	vgt.f32 v42, v13;
	v13 =	vmax.f32 v42, v13;
	v39 =	vpop (erf);
	(erf) = vpow2.f32 v40  }
0x6e: {  	v55 =	vld [tilespmem:s18+$0x3600];
	v37 =	vmul.f32 $1.442695020e+00, v29;
	v14 =	vsel vm5, $0x41880000, v14;
	vm6 =	vgt.f32 v45, v13  }
0x6f: {  	v13 =	vmax.f32 v45, v13;
	v16 =	vadd.f32 v58, v22;
	v15 =	vadd.f32 v62, v15;
	v43 =	vpop (erf)  }
0x70: {  	v14 =	vsel vm6, $0x41900000, v14;
	vm7 =	vgt.f32 v48, v13;
	v46 =	vpop (erf);
	(erf) = vpow2.f32 v44  }
0x71: {  	vm8 =	vgt.f32 v52, v51;
	v16 =	vadd.f32 v32, v16;
	v15 =	vadd.f32 v35, v15;
	v35 =	vld [tilespmem:s18+$0x3A00]  }
0x72: {  	v19 =	vmax.f32 v52, v51;
	v32 =	vmul.f32 $1.442695020e+00, v52;
	v52 =	vld [tilespmem:s18+$0x4A00];
	(erf) = vpow2.f32 v47;
	v49 =	vpop (erf)  }
0x73: {  	v34 =	vmul.f32 $1.442695020e+00, v55;
	v16 =	vadd.f32 v38, v16;
	v38 =	vld [tilespmem:s18+$0x3C00];
	v53 =	vpop (erf);
	(erf) = vpow2.f32 v50  }
0x74: {  	vm9 =	vgt.f32 v55, v19;
	v19 =	vmax.f32 v55, v19;
	v63 =	vmul.f32 $1.442695020e+00, v51;
	v40 =	vld [tilespmem:s18+$0x3E00]  }
0x75: {  	v58 =	vld [tilespmem:s18+$0x4000];
	vm10 =	vgt.f32 v29, v19;
	v19 =	vmax.f32 v29, v19;
	(erf) = vpow2.f32 v54  }
0x76: {  	v15 =	vadd.f32 v39, v15;
	v57 =	vmul.f32 $1.442695020e+00, v35;
	v62 =	vpop (erf);
	(erf) = vpow2.f32 v61  }
0x77: {  	vm11 =	vgt.f32 v35, v19;
	v19 =	vmax.f32 v35, v19;
	v35 =	vmul.f32 $1.442695020e+00, v52  }
0x78: {  	v16 =	vadd.f32 v43, v16;
	v60 =	vmul.f32 $1.442695020e+00, v38;
	(erf) = vpow2.f32 v63  }
0x79: {  	v42 =	vmul.f32 $1.442695020e+00, v40;
	vm12 =	vgt.f32 v38, v19;
	v33 =	vpop (erf);
	(erf) = vpow2.f32 v32  }
0x7a: {  	v30 =	vld [tilespmem:s18+$0x4600];
	v19 =	vmax.f32 v38, v19;
	v15 =	vadd.f32 v46, v15;
	v46 =	vmul.f32 $1.442695020e+00, v58  }
0x7b: {  	v44 =	vld [tilespmem:s18+$0x4400];
	v47 =	vsel vm8, $0x41A80000, v2;
	v16 =	vadd.f32 v49, v16;
	v36 =	vpop (erf);
	(erf) = vpow2.f32 v34  }
0x7c: {  	v31 =	vld [tilespmem:s18+$0x4800];
	vm13 =	vgt.f32 v40, v19;
	v50 =	vsel vm9, $0x41B00000, v47;
	v39 =	vpop (erf);
	(erf) = vpow2.f32 v37  }
0x7d: {  	v17 =	vmax.f32 v40, v19;
	v20 =	vsel vm10, $0x41B80000, v50;
	v16 =	vadd.f32 v62, v16;
	v62 =	vld [tilespmem:s18+$0x4200]  }
0x7e: {  	vm14 =	vgt.f32 v58, v17;
	v17 =	vmax.f32 v58, v17;
	v20 =	vsel vm11, $0x41C00000, v20;
	v56 =	vpop (erf)  }
0x7f: {  	v15 =	vadd.f32 v53, v15;
	v20 =	vsel vm12, $0x41C80000, v20;
	v59 =	vpop (erf);
	(erf) = vpow2.f32 v57  }
0x80: {  	v54 =	vmul.f32 $1.442695020e+00, v30;
	v51 =	vmul.f32 $1.442695020e+00, v44;
	v20 =	vsel vm13, $0x41D00000, v20  }
0x81: {  	v55 =	vld [tilespmem:s18+$0x4C00];
	v20 =	vsel vm14, $0x41D80000, v20;
	v32 =	vmul.f32 $1.442695020e+00, v31;
	v15 =	vadd.f32 v33, v15;
	v61 =	vpop (erf)  }
0x82: {  	v49 =	vmul.f32 $1.442695020e+00, v62;
	vm15 =	vgt.f32 v62, v17;
	v41 =	vpop (erf);
	(erf) = vpow2.f32 v60  }
0x83: {  	v17 =	vmax.f32 v62, v17;
	v15 =	vadd.f32 v39, v15;
	(erf) = vpow2.f32 v42  }
0x84: {  	v16 =	vadd.f32 v36, v16;
	v20 =	vsel vm15, $0x41E00000, v20;
	v45 =	vpop (erf);
	(erf) = vpow2.f32 v46  }
0x85: {  	v33 =	vld [tilespmem:s18+$0x4E00];
	v22 =	vadd.f32 v59, v15;
	v15 =	vmax.f32 v48, v13;
	v48 =	vpop (erf);
	(erf) = vpow2.f32 v49  }
0x86: {  	vm4 =	vgt.f32 v44, v17;
	v17 =	vmax.f32 v44, v17;
	v37 =	vmul.f32 $1.442695020e+00, v55  }
0x87: {  	v38 =	vld [tilespmem:s18+$0x5000];
	v20 =	vsel vm4, $0x41E80000, v20;
	vm5 =	vgt.f32 v30, v17;
	v17 =	vmax.f32 v30, v17  }
0x88: {  	v20 =	vsel vm5, $0x41F00000, v20;
	vm6 =	vgt.f32 v31, v17;
	v53 =	vpop (erf);
	(erf) = vpow2.f32 v51  }
0x89: {  	v17 =	vmax.f32 v31, v17;
	v16 =	vadd.f32 v56, v16;
	v20 =	vsel vm6, $0x41F80000, v20  }
0x8a: {  	v13 =	vsel vm7, $0x41980000, v14;
	v40 =	vmul.f32 $1.442695020e+00, v33;
	(erf) = vpow2.f32 v54  }
0x8b: {  	v47 =	vld [tilespmem:s18+$0x5E00];
	vm7 =	vgt.f32 v52, v17;
	v17 =	vmax.f32 v52, v17;
	v63 =	vpop (erf);
	(erf) = vpow2.f32 v32  }
0x8c: {  	v44 =	vld [tilespmem:s18+$0x5C00];
	v59 =	vmul.f32 $1.442695020e+00, v38;
	v20 =	vsel vm7, $0x42000000, v20;
	vm8 =	vgt.f32 v55, v17;
	v34 =	vpop (erf)  }
0x8d: {  	v17 =	vmax.f32 v55, v17;
	v20 =	vsel vm8, $0x42040000, v20;
	v60 =	vld [tilespmem:s18+$0x5600];
	v36 =	vpop (erf);
	(erf) = vpow2.f32 v35  }
0x8e: {  	vm9 =	vgt.f32 v33, v17;
	v43 =	vadd.f32 $0.0e+00, v41;
	v41 =	vld [tilespmem:s18+$0x5200];
	v39 =	vpop (erf);
	(erf) = vpow2.f32 v37  }
0x8f: {  	v57 =	vld [tilespmem:s18+$0x5400];
	v14 =	vadd.f32 v22, v16;
	v17 =	vmax.f32 v33, v17;
	v20 =	vsel vm9, $0x42080000, v20  }
0x90: {  	v52 =	vld [tilespmem:s18+$0x6200];
	vm10 =	vgt.f32 v38, v17;
	v17 =	vmax.f32 v38, v17;
	v23 =	vadd.f32 v45, v61  }
0x91: {  	v20 =	vsel vm10, $0x420C0000, v20;
	v16 =	vadd.f32 v48, v43;
	v56 =	vpop (erf);
	(erf) = vpow2.f32 v40  }
0x92: {  	v49 =	vld [tilespmem:s18+$0x6000];
	v43 =	vmul.f32 $1.442695020e+00, v60;
	v51 =	vmul.f32 $1.442695020e+00, v44;
	v23 =	vadd.f32 v53, v23  }
0x93: {  	v62 =	vmul.f32 $1.442695020e+00, v41;
	v54 =	vmul.f32 $1.442695020e+00, v47;
	v16 =	vadd.f32 v63, v16;
	v63 =	vld [tilespmem:s18+$0x5800];
	v58 =	vpop (erf)  }
0x94: {  	vm11 =	vgt.f32 v41, v17;
	v35 =	vmul.f32 $1.442695020e+00, v57;
	v61 =	vpop (erf);
	(erf) = vpow2.f32 v59  }
0x95: {  	v55 =	vld [tilespmem:s18+$0x6400];
	v17 =	vmax.f32 v41, v17;
	v41 =	vmul.f32 $1.442695020e+00, v52;
	(erf) = vpow2.f32 v62  }
0x96: {  	v23 =	vadd.f32 v34, v23;
	v16 =	vadd.f32 v36, v16;
	v36 =	vld [tilespmem:s18+$0x5A00];
	v34 =	vpop (erf);
	(erf) = vpow2.f32 v35  }
0x97: {  	v20 =	vsel vm11, $0x42100000, v20;
	vm12 =	vgt.f32 v57, v17;
	v42 =	vpop (erf);
	(erf) = vpow2.f32 v43  }
0x98: {  	v33 =	vld [tilespmem:s18+$0x6C00];
	v17 =	vmax.f32 v57, v17;
	v38 =	vmul.f32 $1.442695020e+00, v49;
	v46 =	vmul.f32 $1.442695020e+00, v63  }
0x99: {  	v20 =	vsel vm12, $0x42140000, v20;
	vm13 =	vgt.f32 v60, v17;
	v18 =	vadd.f32 v39, v23;
	v39 =	vld [tilespmem:s18+$0x6600]  }
0x9a: {  	v17 =	vmax.f32 v60, v17;
	v20 =	vsel vm13, $0x42180000, v20;
	v45 =	vpop (erf);
	(erf) = vpow2.f32 v46  }
0x9b: {  	v57 =	vmul.f32 $1.442695020e+00, v55;
	v16 =	vadd.f32 v56, v16;
	v48 =	vmul.f32 $1.442695020e+00, v36  }
0x9c: {  	vm14 =	vgt.f32 v63, v17;
	v18 =	vadd.f32 v58, v18;
	vm15 =	vgt.f32 v44, v36  }
0x9d: {  	v22 =	vld [tilespmem:s18+$0x6E00];
	v29 =	vmax.f32 v44, v36;
	v44 =	vmul.f32 $1.442695020e+00, v33;
	v50 =	vpop (erf);
	(erf) = vpow2.f32 v48  }
0x9e: {  	v58 =	vld [tilespmem:s18+$0x6A00];
	v60 =	vmul.f32 $1.442695020e+00, v39;
	vm4 =	vgt.f32 v47, v29;
	v53 =	vpop (erf);
	(erf) = vpow2.f32 v51  }
0x9f: {  	v29 =	vmax.f32 v47, v29;
	v16 =	vadd.f32 v61, v16;
	v35 =	vld [tilespmem:s18+$0x8400];
	v37 =	vpop (erf);
	(erf) = vpow2.f32 v54  }
0xa0: {  	v25 =	vmax.f32 v49, v29;
	v18 =	vadd.f32 v34, v18;
	v34 =	vld [tilespmem:s18+$0x8200];
	v40 =	vpop (erf);
	(erf) = vpow2.f32 v38  }
0xa1: {  	vm5 =	vgt.f32 v49, v29;
	v21 =	vmax.f32 v52, v25;
	v16 =	vadd.f32 v42, v16;
	v42 =	vld [tilespmem:s18+$0x6800]  }
0xa2: {  	vm6 =	vgt.f32 v52, v25;
	vm7 =	vgt.f32 v55, v21;
	v21 =	vmax.f32 v55, v21  }
0xa3: {  	v36 =	vmul.f32 $1.442695020e+00, v58;
	vm8 =	vgt.f32 v39, v21;
	v56 =	vpop (erf);
	(erf) = vpow2.f32 v41  }
0xa4: {  	v21 =	vmax.f32 v39, v21;
	v46 =	vmul.f32 $1.442695020e+00, v22;
	v18 =	vadd.f32 v45, v18  }
0xa5: {  	v31 =	vld [tilespmem:s18+$0x8600];
	vm2 =	vgt.f32 v35, v34;
	v28 =	vmax.f32 v35, v34;
	v16 =	vadd.f32 v50, v16  }
0xa6: {  	v30 =	vld [tilespmem:s18+$0x7200];
	v62 =	vmul.f32 $1.442695020e+00, v42;
	v18 =	vadd.f32 v53, v18;
	v59 =	vpop (erf);
	(erf) = vpow2.f32 v57  }
0xa7: {  	vm9 =	vgt.f32 v42, v21;
	v16 =	vadd.f32 v37, v16;
	v61 =	vpop (erf);
	(erf) = vpow2.f32 v60  }
0xa8: {  	v38 =	vld [tilespmem:s18+$0x7000];
	v19 =	vadd.f32 v40, v18;
	v18 =	vmax.f32 v63, v17;
	v63 =	vpop (erf);
	(erf) = vpow2.f32 v62  }
0xa9: {  	v29 =	vld [tilespmem:s18+$0x7400];
	v21 =	vmax.f32 v42, v21;
	v32 =	vadd.f32 v56, v16;
	v43 =	vpop (erf);
	(erf) = vpow2.f32 v36  }
0xaa: {  	vm3 =	vgt.f32 v31, v28;
	vm10 =	vgt.f32 v58, v21;
	v37 =	vsel vm15, $0x42240000, v3  }
0xab: {  	v54 =	vmul.f32 $1.442695020e+00, v30;
	v56 =	vld [tilespmem:s18+$0x7600];
	v17 =	vadd.f32 v32, v19;
	v32 =	vsel vm4, $0x42280000, v37  }
0xac: {  	v16 =	vsel vm14, $0x421C0000, v20;
	v32 =	vsel vm5, $0x422C0000, v32;
	v45 =	vpop (erf);
	(erf) = vpow2.f32 v44  }
0xad: {  	v48 =	vmul.f32 $1.442695020e+00, v38;
	v57 =	vmax.f32 v58, v21;
	v49 =	vsel vm6, $0x42300000, v32  }
0xae: {  	v60 =	vmul.f32 $1.442695020e+00, v29;
	vm11 =	vgt.f32 v33, v57;
	v19 =	vadd.f32 $0.0e+00, v61  }
0xaf: {  	v14 =	vadd.f32 v17, v14;
	v50 =	vsel vm7, $0x42340000, v49;
	v47 =	vpop (erf);
	(erf) = vpow2.f32 v46  }
0xb0: {  	v62 =	vmax.f32 v33, v57;
	v42 =	vmul.f32 $1.442695020e+00, v56;
	v19 =	vadd.f32 v43, v19;
	v51 =	vpop (erf)  }
0xb1: {  	v40 =	vld [tilespmem:s18+$0x7800];
	v49 =	vmul.f32 $1.442695020e+00, v34;
	v23 =	vadd.f32 v63, v59;
	(erf) = vpow2.f32 v48;
	v53 =	vpop (erf)  }
0xb2: {  	v37 =	vld [tilespmem:s18+$0x8A00];
	v55 =	vsel vm8, $0x42380000, v50;
	v19 =	vadd.f32 v47, v19;
	v39 =	vpop (erf);
	(erf) = vpow2.f32 v54  }
0xb3: {  	v61 =	vld [tilespmem:s18+$0x7A00];
	vm12 =	vgt.f32 v22, v62;
	v22 =	vmax.f32 v22, v62;
	v50 =	vmul.f32 $1.442695020e+00, v35  }
0xb4: {  	v63 =	vld [tilespmem:s18+$0x7C00];
	v24 =	vsel vm9, $0x423C0000, v55;
	v23 =	vadd.f32 v45, v23;
	v19 =	vadd.f32 v53, v19  }
0xb5: {  	v20 =	vld [tilespmem:s18+$0x7E00];
	vm13 =	vgt.f32 v38, v22;
	v22 =	vmax.f32 v38, v22;
	v58 =	vsel vm10, $0x42400000, v24;
	v59 =	vpop (erf)  }
0xb6: {  	v52 =	vadd.f32 v51, v23;
	(erf) = vpow2.f32 v60;
	v24 =	vadd.f32 v59, v19;
	v19 =	vld [tilespmem:s18+$0x8000]  }
0xb7: {  	v57 =	vmul.f32 $1.442695020e+00, v37;
	v44 =	vmul.f32 $1.442695020e+00, v40;
	vm14 =	vgt.f32 v30, v22  }
0xb8: {  	v45 =	vmul.f32 $1.442695020e+00, v61;
	v25 =	vadd.f32 v39, v52;
	v41 =	vpop (erf);
	(erf) = vpow2.f32 v42  }
0xb9: {  	v22 =	vmax.f32 v30, v22;
	v46 =	vmul.f32 $1.442695020e+00, v63;
	(erf) = vpow2.f32 v44  }
0xba: {  	v47 =	vmul.f32 $1.442695020e+00, v20;
	v25 =	vadd.f32 v41, v25;
	v43 =	vpop (erf);
	(erf) = vpow2.f32 v45  }
0xbb: {  	v21 =	vsel vm11, $0x42440000, v58;
	v48 =	vmul.f32 $1.442695020e+00, v19;
	v36 =	vpop (erf);
	(erf) = vpow2.f32 v46  }
0xbc: {  	vm15 =	vgt.f32 v29, v22;
	v25 =	vadd.f32 v36, v25;
	v36 =	vld [tilespmem:s18+$0x8800];
	(erf) = vpow2.f32 v47  }
0xbd: {  	v22 =	vmax.f32 v29, v22;
	v21 =	vsel vm12, $0x42480000, v21;
	(erf) = vpow2.f32 v48  }
0xbe: {  	vm4 =	vgt.f32 v56, v22;
	v22 =	vmax.f32 v56, v22;
	(erf) = vpow2.f32 v49  }
0xbf: {  	v29 =	vld [tilespmem:s18+$0x8E00];
	v21 =	vsel vm13, $0x424C0000, v21;
	vm5 =	vgt.f32 v40, v22;
	v51 =	vpop (erf);
	(erf) = vpow2.f32 v50  }
0xc0: {  	v33 =	vld [tilespmem:s18+$0x9000];
	v22 =	vmax.f32 v40, v22;
	v21 =	vsel vm14, $0x42500000, v21;
	v52 =	vmul.f32 $1.442695020e+00, v31  }
0xc1: {  	v30 =	vld [tilespmem:s18+$0x8C00];
	vm6 =	vgt.f32 v61, v22;
	v22 =	vmax.f32 v61, v22;
	v53 =	vpop (erf);
	v54 =	vmul.f32 $1.442695020e+00, v36  }
0xc2: {  	v21 =	vsel vm15, $0x42540000, v21;
	vm7 =	vgt.f32 v63, v22;
	v44 =	vld [tilespmem:s18+$0x9A00];
	(erf) = vpow2.f32 v52;
	v55 =	vpop (erf)  }
0xc3: {  	v32 =	vmax.f32 v63, v22;
	v21 =	vsel vm4, $0x42580000, v21;
	v39 =	vld [tilespmem:s18+$0x9200];
	(erf) = vpow2.f32 v54;
	v56 =	vpop (erf)  }
0xc4: {  	v63 =	vmul.f32 $1.442695020e+00, v29;
	vm0 =	vgt.f32 v20, v32;
	v21 =	vsel vm5, $0x425C0000, v21;
	v41 =	vld [tilespmem:s18+$0x9400];
	v58 =	vpop (erf)  }
0xc5: {  	v20 =	vmax.f32 v20, v32;
	v21 =	vsel vm6, $0x42600000, v21;
	v24 =	vadd.f32 v43, v24;
	v43 =	vld [tilespmem:s18+$0x9600];
	v59 =	vpop (erf)  }
0xc6: {  	v34 =	vld [tilespmem:s18+$0x9800];
	v60 =	vmul.f32 $1.442695020e+00, v30;
	v21 =	vsel vm7, $0x42640000, v21;
	(erf) = vpow2.f32 v57;
	v38 =	vpop (erf)  }
0xc7: {  	v24 =	vadd.f32 v51, v24;
	v49 =	vmul.f32 $1.442695020e+00, v33;
	v45 =	vmul.f32 $1.442695020e+00, v44;
	v61 =	vpop (erf)  }
0xc8: {  	v50 =	vmax.f32 v31, v28;
	v25 =	vadd.f32 v53, v25;
	v62 =	vpop (erf);
	(erf) = vpow2.f32 v60  }
0xc9: {  	v27 =	vld [tilespmem:s18+$0x9C00];
	v52 =	vmul.f32 $1.442695020e+00, v39;
	v23 =	vadd.f32 v55, v24;
	v54 =	vmul.f32 $1.442695020e+00, v41  }
0xca: {  	v28 =	vld [tilespmem:s18+$0x9E00];
	v55 =	vmul.f32 $1.442695020e+00, v43;
	v24 =	vadd.f32 v56, v25;
	v56 =	vmax.f32 v36, v50  }
0xcb: {  	v22 =	vld [tilespmem:s18+$0xA200];
	v40 =	vadd.f32 v58, v23;
	v58 =	vmul.f32 $1.442695020e+00, v34;
	v47 =	vpop (erf);
	(erf) = vpow2.f32 v63  }
0xcc: {  	v26 =	vld [tilespmem:s18+$0xA000];
	vm1 =	vgt.f32 v37, v56;
	v23 =	vadd.f32 $0.0e+00, v62;
	v51 =	vpop (erf);
	(erf) = vpow2.f32 v49  }
0xcd: {  	v25 =	vld [tilespmem:s18+$0xA800];
	v37 =	vmax.f32 v37, v56;
	v42 =	vadd.f32 v59, v24;
	(erf) = vpow2.f32 v52  }
0xce: {  	v59 =	vmul.f32 $1.442695020e+00, v27;
	v53 =	vadd.f32 v51, v23;
	v23 =	vld [tilespmem:s18+$0xA400];
	(erf) = vpow2.f32 v54  }
0xcf: {  	v24 =	vld [tilespmem:s18+$0xA600];
	v60 =	vmul.f32 $1.442695020e+00, v28;
	v48 =	vadd.f32 v47, v61;
	v57 =	vpop (erf);
	(erf) = vpow2.f32 v55  }
0xd0: {  	vm8 =	vgt.f32 v30, v37;
	v62 =	vmul.f32 $1.442695020e+00, v22;
	(erf) = vpow2.f32 v58  }
0xd1: {  	v61 =	vmul.f32 $1.442695020e+00, v26;
	v35 =	vadd.f32 v57, v48;
	v46 =	vpop (erf);
	(erf) = vpow2.f32 v45  }
0xd2: {  	v55 =	vmul.f32 $1.442695020e+00, v25;
	v31 =	vadd.f32 v46, v53;
	(erf) = vpow2.f32 v59  }
0xd3: {  	v46 =	vmax.f32 v30, v37;
	v63 =	vmul.f32 $1.442695020e+00, v23;
	(erf) = vpow2.f32 v60  }
0xd4: {  	v53 =	vmul.f32 $1.442695020e+00, v24;
	v47 =	vpop (erf);
	v52 =	vmax.f32 v29, v46;
	(erf) = vpow2.f32 v61  }
0xd5: {  	v35 =	vadd.f32 v47, v35;
	v56 =	vmax.f32 v33, v52;
	v48 =	vpop (erf);
	(erf) = vpow2.f32 v62  }
0xd6: {  	v30 =	vmax.f32 v39, v56;
	v31 =	vadd.f32 v48, v31;
	v54 =	vpop (erf);
	(erf) = vpow2.f32 v63  }
0xd7: {  	vm4 =	vgt.f32 v36, v50;
	v48 =	vmax.f32 v41, v30;
	v49 =	vpop (erf);
	(erf) = vpow2.f32 v53  }
0xd8: {  	v35 =	vadd.f32 v54, v35;
	v31 =	vadd.f32 v49, v31;
	v57 =	vpop (erf);
	(erf) = vpow2.f32 v55  }
0xd9: {  	v59 =	vsel vm2, $0x42740000, v4;
	vm9 =	vgt.f32 v29, v46;
	v29 =	vmax.f32 v43, v48;
	v58 =	vpop (erf)  }
0xda: {  	v37 =	vmax.f32 v34, v29;
	v35 =	vadd.f32 v57, v35;
	v60 =	vpop (erf);
	v31 =	vadd.f32 v58, v31  }
0xdb: {  	vm10 =	vgt.f32 v33, v52;
	vm5 =	vgt.f32 v39, v56;
	v33 =	vmax.f32 v44, v37;
	v61 =	vpop (erf)  }
0xdc: {  	v46 =	vmax.f32 v27, v33;
	v35 =	vadd.f32 v60, v35;
	v62 =	vpop (erf);
	v31 =	vadd.f32 v61, v31  }
0xdd: {  	s18 =	sadd.s32 s3, s0;
	v53 =	vadd.f32 v38, v40;
	v49 =	vsel vm3, $0x42780000, v59;
	v38 =	vmax.f32 v28, v46;
	v63 =	vpop (erf)  }
0xde: {  	p1 =	seq.s32 s18, $0x0;
	v40 =	vmax.f32 v26, v38;
	v35 =	vadd.f32 v62, v35;
	v51 =	vpop (erf);
	v31 =	vadd.f32 v63, v31  }
0xdf: {  	p0 =	por !p1, !p0;
	v59 =	vmax.f32 v19, v20;
	v49 =	vsel vm4, $0x427C0000, v49;
	v56 =	vmax.f32 v22, v40;
	v52 =	vpop (erf)  }
0xe0: {  	s7 =	simm.s32 $0x1;
	p0 =	por !p0, !p0;
	v58 =	vmax.f32 v23, v56;
	v35 =	vadd.f32 v51, v35;
	v31 =	vadd.f32 v52, v31;
	v54 =	vpop (erf)  }
0xe1: {  	s18 =	sshrl.u32 s18, $0x6;
	s7 =	simm.s32 @!p0 $0x0;
	v32 =	vadd.f32 v53, v42;
	v55 =	vsel vm1, $0x42800000, v49;
	v60 =	vmax.f32 v24, v58;
	v57 =	vpop (erf)  }
0xe2: {  	s7 =	ssub.s32 s18, s7;
	v61 =	vmax.f32 v25, v60;
	v35 =	vadd.f32 v54, v35;
	v31 =	vadd.f32 v57, v31  }
0xe3: {  	s7 =	scvt.s32.f32 s7;
	vm1 =	vgt.f32 v18, v15;
	v47 =	vsel vm8, $0x42820000, v55;
	vm2 =	vgt.f32 v61, v59  }
0xe4: {  	v15 =	vsel vm1, v18, v15;
	v62 =	vsel vm2, v61, v59;
	v31 =	vadd.f32 v31, v35  }
0xe5: {  	v10 =	vadd.f32 s7, v10;
	v47 =	vsel vm9, $0x42840000, v47;
	vm3 =	vgt.f32 v62, v15  }
0xe6: {  	v63 =	vsel vm10, $0x42860000, v47;
	v15 =	vsel vm3, v62, v15;
	v47 =	vadd.f32 v31, v32  }
0xe7: {  	vm11 =	vgt.f32 v41, v30;
	v45 =	vsel vm5, $0x42880000, v63;
	v15 =	vmul.f32 $1.442695020e+00, v15  }
0xe8: {  	vm12 =	vgt.f32 v43, v48;
	v49 =	vsel vm11, $0x428A0000, v45;
	v14 =	vadd.f32 v47, v14  }
0xe9: {  	vm13 =	vgt.f32 v34, v29;
	v18 =	vsel vm12, $0x428C0000, v49;
	(erf) = vpow2.f32 v15  }
0xea: {  	vm14 =	vgt.f32 v44, v37;
	v50 =	vsel vm13, $0x428E0000, v18;
	(erf) = vrcp.f32 v14  }
0xeb: {  	v10 =	vmul.f32 $1.562500000e-02, v10;
	vm15 =	vgt.f32 v27, v33;
	v51 =	vsel vm14, $0x42900000, v50  }
0xec: {  	v53 =	vsel vm0, $0x42680000, v21;
	vm8 =	vgt.f32 v28, v46;
	v52 =	vsel vm15, $0x42920000, v51  }
0xed: {  	vm9 =	vgt.f32 v19, v20;
	vm10 =	vgt.f32 v26, v38;
	v14 =	vsel vm8, $0x42940000, v52  }
0xee: {  	vm11 =	vgt.f32 v8, v5;
	vm12 =	vgt.f32 v22, v40;
	v14 =	vsel vm10, $0x42960000, v14  }
0xef: {  	v54 =	vsel vm11, $0x3F800000, v1;
	vm13 =	vgt.f32 v23, v56;
	v14 =	vsel vm12, $0x42980000, v14  }
0xf0: {  	v9 =	vmul.f32 v54, v9;
	vm14 =	vgt.f32 v24, v58;
	v14 =	vsel vm13, $0x429A0000, v14  }
0xf1: {  	s18 =	sand.u32 $0xF0, s3;
	v10 =	vmul.f32 v54, v10;
	vm15 =	vgt.f32 v25, v60;
	v14 =	vsel vm14, $0x429C0000, v14  }
0xf2: {  	v57 =	vmul.f32 v54, v11;
	[tilespmem:s18+$0x15400] =	vst v9;
	v15 =	vsel vm9, $0x426C0000, v53;
	v58 =	vsel vm15, $0x429E0000, v14;
	v55 =	vpop (erf)  }
0xf3: {  	p0 =	sne.s32 s3, $0xF0;
	v61 =	vsel vm1, v16, v13;
	v8 =	vmul.f32 v54, v8;
	[tilespmem:s18+$0x15500] =	vst v10;
	v11 =	vsel vm2, v58, v15;
	v56 =	vpop (erf)  }
.Ltmp2:
0xf4: {  	v60 =	vmul.f32 v54, v12;
	[tilespmem:s18+$0x15600] =	vst v57;
	v62 =	vsel vm3, v11, v61;
	v59 =	vmul.f32 v56, v55;
	(pc) =	sbr.rel @p0 .LBB2_3-.Ltmp2, $4  }
0xf5: {  	[tilespmem:s18+$0x15800] =	vst v8;
	v8 =	vmul.f32 v62, v54  }
0xf6: {  	[tilespmem:s18+$0x15700] =	vst v60;
	v63 =	vmul.f32 v59, v54  }
0xf7: {  	[tilespmem:s18+$0x15A00] =	vst v8  }
0xf8: {  	s19 =	sadd.s32 $0x20, s19;
	s3 =	sadd.s32 $0x10, s3;
	[tilespmem:s18+$0x15900] =	vst v63  }
0xf9: {  	s0 =	smulhi.u32 $0x2AAAAAAB, s9;
	_ =	sdelay $0x1  }
0xfa: {  	s2 =	sshll.u32 s2, $0xC;
	s3 =	sadd.s32 s4, s12;
	s0 =	sshrl.u32 s0, $0x7  }
0xfb: {  	s2 =	sadd.s32 s2, s3;
	s7 =	sand.u32 $0x3FFF80, s0  }
0xfc: {  	s0 =	sand.u32 $0x70, s0;
	s2 =	sadd.s32 s7, s2  }
0xfd: {  	s0 =	sadd.s32 s0, s2  }
0xfe: {  	[hbm4b:s0+s21] =	stream.strided.scatter [tilespmem:s23], [sflag:$0x3], $0x100, s22, s21, $0x38;
	[tilespmem:$0x15B80] =	vst v63  }
0xff: {  	s2 =	sadd.s32 $0x3000, s0  }
0x100: {  	[hbm4b:s2+s21] =	stream.strided.scatter [tilespmem:s24], [sflag:$0x3], $0x100, s22, s21, $0x38;
	[tilespmem:$0x15B80] =	vst v63  }
0x101: {  	s3 =	sadd.s32 $0x6000, s0  }
0x102: {  	[hbm4b:s3+s21] =	stream.strided.scatter [tilespmem:s25], [sflag:$0x3], $0x100, s22, s21, $0x38;
	[tilespmem:$0x15B80] =	vst v63  }
0x103: {  	s7 =	sadd.s32 $0x9000, s0  }
0x104: {  	[hbm4b:s7+s21] =	stream.strided.scatter [tilespmem:s26], [sflag:$0x3], $0x100, s22, s21, $0x38;
	[tilespmem:$0x15B80] =	vst v63  }
0x105: {  	s9 =	sadd.s32 $0xC000, s0  }
0x106: {  	[hbm4b:s9+s21] =	stream.strided.scatter [tilespmem:s28], [sflag:$0x3], $0x100, s22, s21, $0x38;
	[tilespmem:$0x15B80] =	vst v63  }
0x107: {  	s12 =	sadd.s32 $0xF000, s0  }
0x108: {  	[hbm4b:s12+s21] =	stream.strided.scatter [tilespmem:s29], [sflag:$0x3], $0x100, s22, s21, $0x38;
	[tilespmem:$0x15B80] =	vst v63  }
0x109: {  	p0 =	seq.s32 s15, $0x5;
	s0 =	sadd.s32 $0x12000, s0  }
0x10a: {  	[hbm4b:s0+s21] =	stream.strided.scatter [tilespmem:s30], [sflag:$0x3], $0x100, s22, s21, $0x38;
	[tilespmem:$0x15B80] =	vst v63  }
0x10b: {  	s0 =	sadd.s32 @!p0 s5, s10  }
0x10c: {  	s2 =	sshrl.u32 @!p0 s0, $0xC  }
0x10d: {  	s17 =	sadd.s32 s5, s1;
	s3 =	smulhi.u32 @!p0 $0x55555556, s2  }
0x10e: {  	s9 =	sadd.s32 $0x100, s17;
	s7 =	smulhi.u32 @!p0 $0x2AAAAAAB, s0  }
0x10f: {  	s18 =	sshrl.u32 s9, $0xC;
	s3 =	smul.u32 @!p0 $0x3, s3  }
0x110: {  	s19 =	smulhi.u32 $0x55555556, s18;
	s7 =	sshrl.u32 @!p0 s7, $0xB  }
0x111: {  	s7 =	smul.u32 @!p0 $0x1FE000, s7;
	s2 =	ssub.s32 @!p0 s2, s3  }
0x112: {  	s0 =	sshll.u32 @!p0 s0, $0x1;
	s2 =	smul.u32 @!p0 $0xAA000, s2  }
0x113: {  	s17 =	simm.s32 @!p0 $0x0;
	_ =	swait.ge [sflag:s16], $0x700;
	s0 =	sand.u32 @!p0 $0x1C00, s0  }
0x114: {  	[sflag:s16] =	ssyncset.done $0x0;
	s3 =	smul.u32 $0x3, s19;
	s2 =	sadd.s32 @!p0 s7, s2  }
0x115: {  	s12 =	simm.s32 @!p0 $0x2000;
	[sflag:s16] =	ssyncadd.s32 $0xFFFFF900;
	s0 =	sor.u32 @!p0 s0, s2  }
0x116: {  	s7 =	simm.s32 @!p0 $0x200;
	s2 =	ssub.s32 s18, s3;
	s0 =	sshrl.u32 @!p0 s0, $0x3  }
0x117: {  	s3 =	simm.f32 $3.027343750e-02;
	p1 =	seq.s32 s2, $0x1;
	s0 =	sadd.s32 @!p0 s6, s0  }
0x118: {  	[tilespmem:s17], [sflag:$0x1] =	stream.strided.gather @!p0 [hbm4b:s0+s7], $0xAA00, s12, s7, $0x38;
	[tilespmem:$0x15B80] =	vst v63  }
0x119: {  	p2 =	seq.s32 s2, $0x0;
	s3 =	simm.s32 @!p1 $0x3CEC0000;
	s7 =	simm.f32 $2.197265630e-02  }
0x11a: {  	s0 =	sand.u32 $0xF00, s9;
	_ =	swait.ge [sflag:s31], $0xAA00;
	s7 =	simm.s32 @!p1 $0x3D6E0000  }
0x11b: {  	s3 =	simm.s32 @p2 $0x3C700000;
	[sflag:s31] =	ssyncset.done $0x0;
	s7 =	simm.s32 @p2 $0x3CF40000  }
0x11c: {  	s12 =	simm.s32 $0x0;
	v6 =	vmov s3;
	s3 =	simm.s32 $0x0;
	[sflag:s31] =	ssyncadd.s32 $0xFFFF5600;
	v7 =	vmov s7  }
.LBB2_5:
0x11d: {  	s17 =	sand.u32 $0x30, s3;
	s7 =	sand.u32 $0x180, s12  }
0x11e: {  	s18 =	sor.u32 s17, s7  }
0x11f: {  	v8 =	vld [tilespmem:s18+$0xAA00];
	_ =	sdelay $0x4  }
0x120: {  	v8 =	vsub.f32 $0.0e+00, v8;
	_ =	sdelay $0x1  }
0x121: {  	v8 =	vmul.f32 $1.442695020e+00, v8;
	_ =	sdelay $0x1  }
0x122: {  	(erf) = vpow2.f32 v8;
	_ =	sdelay $0x3  }
0x123: {  	v8 =	vld [tilespmem:s18+$0xAC00];
	_ =	sdelay $0x4  }
0x124: {  	v8 =	vsub.f32 $0.0e+00, v8;
	v9 =	vpop (erf)  }
0x125: {  	v9 =	vadd.f32 $1.000000000e+00, v9  }
0x126: {  	v8 =	vmul.f32 $1.442695020e+00, v8  }
0x127: {  	(erf) = vrcp.f32 v9  }
0x128: {  	(erf) = vpow2.f32 v8;
	_ =	sdelay $0x1  }
0x129: {  	v11 =	vld [tilespmem:s18+$0xB000]  }
0x12a: {  	v13 =	vld [tilespmem:s18+$0xB400]  }
0x12b: {  	v8 =	vld [tilespmem:s18+$0xB200]  }
0x12c: {  	v14 =	vld [tilespmem:s18+$0xB600]  }
0x12d: {  	v16 =	vld [tilespmem:s18+$0xBA00]  }
0x12e: {  	v17 =	vld [tilespmem:s18+$0xBC00]  }
0x12f: {  	v18 =	vld [tilespmem:s18+$0xBE00];
	v9 =	vpop (erf)  }
0x130: {  	v19 =	vld [tilespmem:s18+$0xC000];
	v8 =	vsub.f32 $0.0e+00, v8;
	v10 =	vpop (erf)  }
0x131: {  	v21 =	vld [tilespmem:s18+$0xC200];
	v10 =	vadd.f32 $1.000000000e+00, v10  }
0x132: {  	v23 =	vld [tilespmem:s18+$0xC400];
	v8 =	vmul.f32 $1.442695020e+00, v8  }
0x133: {  	v25 =	vld [tilespmem:s18+$0xC600];
	(erf) = vrcp.f32 v10  }
0x134: {  	v63 =	vld [tilespmem:s18+$0xC800];
	(erf) = vpow2.f32 v8  }
0x135: {  	v27 =	vld [tilespmem:s18+$0xCA00]  }
0x136: {  	v34 =	vld [tilespmem:s18+$0xCC00]  }
0x137: {  	v37 =	vld [tilespmem:s18+$0xCE00]  }
0x138: {  	v42 =	vld [tilespmem:s18+$0xD000];
	v11 =	vmul.f32 $1.442695020e+00, v11;
	v57 =	vmul.f32 $1.442695020e+00, v14  }
0x139: {  	v45 =	vld [tilespmem:s18+$0xD200];
	v58 =	vmul.f32 $1.442695020e+00, v16;
	v20 =	vmul.f32 $1.442695020e+00, v17  }
0x13a: {  	v59 =	vmul.f32 $1.442695020e+00, v18;
	v60 =	vmul.f32 $1.442695020e+00, v19;
	v8 =	vld [tilespmem:s18+$0xAE00]  }
0x13b: {  	v49 =	vld [tilespmem:s18+$0xD400];
	v61 =	vmul.f32 $1.442695020e+00, v21;
	v32 =	vmul.f32 $1.442695020e+00, v23  }
0x13c: {  	v28 =	vmul.f32 $1.442695020e+00, v25;
	v36 =	vmul.f32 $1.442695020e+00, v63;
	v10 =	vpop (erf)  }
0x13d: {  	s17 =	scvt.s32.f32 s17;
	v39 =	vmul.f32 $1.442695020e+00, v27;
	v41 =	vmul.f32 $1.442695020e+00, v34;
	v12 =	vpop (erf)  }
0x13e: {  	v15 =	vld [tilespmem:s18+$0xB800];
	v44 =	vmul.f32 $1.442695020e+00, v37;
	v48 =	vmul.f32 $1.442695020e+00, v42;
	v12 =	vadd.f32 $1.000000000e+00, v12  }
0x13f: {  	v52 =	vmul.f32 $1.442695020e+00, v45;
	v9 =	vadd.f32 s17, v9;
	v8 =	vmul.f32 $1.442695020e+00, v8  }
0x140: {  	vm0 =	vgt.f32 v14, v13;
	v55 =	vmul.f32 $1.442695020e+00, v49;
	(erf) = vrcp.f32 v12  }
0x141: {  	v62 =	vsel vm0, $0x3F800000, v1;
	v9 =	vadd.f32 v0, v9;
	(erf) = vpow2.f32 v8  }
0x142: {  	v53 =	vld [tilespmem:s18+$0xD800];
	v8 =	vmul.f32 $1.442695020e+00, v13;
	v13 =	vmax.f32 v14, v13;
	(erf) = vpow2.f32 v11  }
0x143: {  	v9 =	vmul.f32 $1.562500000e-02, v9;
	vm14 =	vgt.f32 v15, v13;
	v13 =	vmax.f32 v15, v13  }
0x144: {  	(erf) = vpow2.f32 v8;
	v8 =	vmul.f32 $1.442695020e+00, v15;
	v14 =	vsel vm14, $0x40000000, v62  }
0x145: {  	vm15 =	vgt.f32 v16, v13;
	v13 =	vmax.f32 v16, v13;
	(erf) = vpow2.f32 v57  }
0x146: {  	v14 =	vsel vm15, $0x40400000, v14;
	vm4 =	vgt.f32 v17, v13;
	(erf) = vpow2.f32 v8  }
0x147: {  	v50 =	vld [tilespmem:s18+$0xD600];
	v62 =	vmul.f32 $1.442695020e+00, v53;
	v13 =	vmax.f32 v17, v13;
	v14 =	vsel vm4, $0x40800000, v14  }
0x148: {  	vm5 =	vgt.f32 v18, v13;
	v13 =	vmax.f32 v18, v13;
	(erf) = vpow2.f32 v58  }
0x149: {  	v14 =	vsel vm5, $0x40A00000, v14;
	vm6 =	vgt.f32 v19, v13;
	v13 =	vmax.f32 v19, v13;
	v8 =	vpop (erf)  }
0x14a: {  	v14 =	vsel vm6, $0x40C00000, v14;
	vm7 =	vgt.f32 v21, v13;
	v13 =	vmax.f32 v21, v13;
	v11 =	vpop (erf)  }
0x14b: {  	v14 =	vsel vm7, $0x40E00000, v14;
	vm8 =	vgt.f32 v23, v13;
	v12 =	vpop (erf);
	(erf) = vpow2.f32 v20  }
0x14c: {  	v58 =	vmul.f32 $1.442695020e+00, v50;
	v13 =	vmax.f32 v23, v13;
	v14 =	vsel vm8, $0x41000000, v14  }
0x14d: {  	vm9 =	vgt.f32 v25, v13;
	v13 =	vmax.f32 v25, v13;
	v22 =	vpop (erf);
	(erf) = vpow2.f32 v59  }
0x14e: {  	v14 =	vsel vm9, $0x41100000, v14;
	vm10 =	vgt.f32 v63, v13;
	v24 =	vpop (erf);
	(erf) = vpow2.f32 v60  }
0x14f: {  	v13 =	vmax.f32 v63, v13;
	v14 =	vsel vm10, $0x41200000, v14;
	v26 =	vpop (erf);
	(erf) = vpow2.f32 v61  }
0x150: {  	vm11 =	vgt.f32 v27, v13;
	v13 =	vmax.f32 v27, v13;
	(erf) = vpow2.f32 v32  }
0x151: {  	v56 =	vld [tilespmem:s18+$0xDA00];
	v11 =	vmul.f32 v11, v6;
	v14 =	vsel vm11, $0x41300000, v14;
	vm12 =	vgt.f32 v34, v13  }
0x152: {  	v63 =	vld [tilespmem:s18+$0xE000];
	v13 =	vmax.f32 v34, v13;
	v12 =	vmul.f32 v12, v7;
	(erf) = vpow2.f32 v28  }
0x153: {  	v14 =	vsel vm12, $0x41400000, v14;
	vm13 =	vgt.f32 v37, v13;
	v13 =	vmax.f32 v37, v13;
	v33 =	vpop (erf)  }
0x154: {  	v24 =	vadd.f32 $0.0e+00, v24;
	v14 =	vsel vm13, $0x41500000, v14;
	v35 =	vpop (erf);
	(erf) = vpow2.f32 v36  }
0x155: {  	v59 =	vld [tilespmem:s18+$0xDC00];
	vm14 =	vgt.f32 v42, v13;
	v13 =	vmax.f32 v42, v13;
	(erf) = vpow2.f32 v39  }
0x156: {  	v22 =	vadd.f32 v26, v22;
	v32 =	vmul.f32 $1.442695020e+00, v56;
	v14 =	vsel vm14, $0x41600000, v14;
	v38 =	vpop (erf)  }
0x157: {  	v60 =	vld [tilespmem:s18+$0xDE00];
	v37 =	vmul.f32 $1.442695020e+00, v63;
	vm15 =	vgt.f32 v45, v13;
	v13 =	vmax.f32 v45, v13;
	v40 =	vpop (erf)  }
0x158: {  	v15 =	vadd.f32 v33, v24;
	v14 =	vsel vm15, $0x41700000, v14;
	v43 =	vpop (erf);
	(erf) = vpow2.f32 v41  }
0x159: {  	vm4 =	vgt.f32 v49, v13;
	v13 =	vmax.f32 v49, v13;
	v46 =	vpop (erf);
	(erf) = vpow2.f32 v44  }
0x15a: {  	v29 =	vld [tilespmem:s18+$0xE200];
	v34 =	vmul.f32 $1.442695020e+00, v59;
	v14 =	vsel vm4, $0x41800000, v14;
	vm5 =	vgt.f32 v50, v13  }
0x15b: {  	v13 =	vmax.f32 v50, v13;
	v14 =	vsel vm5, $0x41880000, v14;
	v47 =	vpop (erf);
	(erf) = vpow2.f32 v48  }
0x15c: {  	v50 =	vld [tilespmem:s18+$0xEC00];
	vm6 =	vgt.f32 v53, v13;
	v13 =	vmax.f32 v53, v13;
	v19 =	vmax.f32 v60, v59  }
0x15d: {  	vm8 =	vgt.f32 v60, v59;
	vm9 =	vgt.f32 v63, v19;
	v19 =	vmax.f32 v63, v19;
	v51 =	vpop (erf)  }
0x15e: {  	v16 =	vadd.f32 v35, v22;
	v15 =	vadd.f32 v38, v15;
	v38 =	vld [tilespmem:s18+$0xE400];
	v54 =	vpop (erf);
	(erf) = vpow2.f32 v52  }
0x15f: {  	v14 =	vsel vm6, $0x41900000, v14;
	vm7 =	vgt.f32 v56, v13;
	vm10 =	vgt.f32 v29, v19  }
0x160: {  	v19 =	vmax.f32 v29, v19;
	v35 =	vmul.f32 $1.442695020e+00, v60;
	v16 =	vadd.f32 v40, v16;
	v41 =	vld [tilespmem:s18+$0xE600]  }
0x161: {  	v59 =	vmul.f32 $1.442695020e+00, v50;
	v15 =	vadd.f32 v43, v15;
	v43 =	vld [tilespmem:s18+$0xE800];
	(erf) = vpow2.f32 v55;
	v57 =	vpop (erf)  }
0x162: {  	v40 =	vmul.f32 $1.442695020e+00, v29;
	v16 =	vadd.f32 v46, v16;
	v61 =	vpop (erf);
	(erf) = vpow2.f32 v58  }
0x163: {  	v46 =	vld [tilespmem:s18+$0xEA00];
	v15 =	vadd.f32 v47, v15;
	v45 =	vmul.f32 $1.442695020e+00, v38;
	(erf) = vpow2.f32 v62  }
0x164: {  	vm11 =	vgt.f32 v38, v19;
	v19 =	vmax.f32 v38, v19;
	v33 =	vpop (erf);
	(erf) = vpow2.f32 v32  }
0x165: {  	v48 =	vmul.f32 $1.442695020e+00, v41;
	vm12 =	vgt.f32 v41, v19;
	v19 =	vmax.f32 v41, v19  }
0x166: {  	v30 =	vld [tilespmem:s18+$0xF000];
	vm13 =	vgt.f32 v43, v19;
	v17 =	vmax.f32 v43, v19;
	(erf) = vpow2.f32 v34  }
0x167: {  	v16 =	vadd.f32 v51, v16;
	v15 =	vadd.f32 v54, v15;
	v54 =	vld [tilespmem:s18+$0xEE00];
	v36 =	vpop (erf);
	(erf) = vpow2.f32 v35  }
0x168: {  	v52 =	vmul.f32 $1.442695020e+00, v43;
	vm14 =	vgt.f32 v46, v17;
	v17 =	vmax.f32 v46, v17  }
0x169: {  	vm15 =	vgt.f32 v50, v17;
	v16 =	vadd.f32 v57, v16;
	v57 =	vsel vm8, $0x41A80000, v2  }
0x16a: {  	v17 =	vmax.f32 v50, v17;
	v15 =	vadd.f32 v61, v15;
	v60 =	vsel vm9, $0x41B00000, v57;
	v39 =	vpop (erf)  }
0x16b: {  	v31 =	vld [tilespmem:s18+$0xF200];
	v16 =	vadd.f32 v33, v16;
	v32 =	vmul.f32 $1.442695020e+00, v30;
	(erf) = vpow2.f32 v37;
	v42 =	vpop (erf)  }
0x16c: {  	v20 =	vsel vm10, $0x41B80000, v60;
	v61 =	vmul.f32 $1.442695020e+00, v54;
	(erf) = vpow2.f32 v40;
	v44 =	vpop (erf)  }
0x16d: {  	v20 =	vsel vm11, $0x41C00000, v20;
	vm4 =	vgt.f32 v54, v17;
	v47 =	vpop (erf);
	(erf) = vpow2.f32 v45  }
0x16e: {  	v62 =	vld [tilespmem:s18+$0xF400];
	v17 =	vmax.f32 v54, v17;
	v20 =	vsel vm12, $0x41C80000, v20;
	v15 =	vadd.f32 v36, v15  }
0x16f: {  	vm5 =	vgt.f32 v30, v17;
	v17 =	vmax.f32 v30, v17;
	v20 =	vsel vm13, $0x41D00000, v20;
	v49 =	vpop (erf)  }
0x170: {  	v33 =	vld [tilespmem:s18+$0xF600];
	vm6 =	vgt.f32 v31, v17;
	v15 =	vadd.f32 v42, v15;
	v51 =	vpop (erf);
	(erf) = vpow2.f32 v48  }
0x171: {  	v17 =	vmax.f32 v31, v17;
	v35 =	vmul.f32 $1.442695020e+00, v31;
	v20 =	vsel vm14, $0x41D80000, v20  }
0x172: {  	v36 =	vld [tilespmem:s18+$0xF800];
	v22 =	vadd.f32 v47, v15;
	v15 =	vmax.f32 v56, v13;
	v56 =	vmul.f32 $1.442695020e+00, v46  }
0x173: {  	v38 =	vmul.f32 $1.442695020e+00, v62;
	v20 =	vsel vm15, $0x41E00000, v20;
	(erf) = vpow2.f32 v52  }
0x174: {  	v16 =	vadd.f32 v39, v16;
	v20 =	vsel vm4, $0x41E80000, v20;
	v55 =	vpop (erf);
	(erf) = vpow2.f32 v56  }
0x175: {  	v40 =	vmul.f32 $1.442695020e+00, v33;
	v20 =	vsel vm5, $0x41F00000, v20;
	v58 =	vpop (erf);
	(erf) = vpow2.f32 v59  }
0x176: {  	v41 =	vld [tilespmem:s18+$0xFA00];
	v20 =	vsel vm6, $0x41F80000, v20;
	v16 =	vadd.f32 v44, v16;
	v63 =	vpop (erf);
	(erf) = vpow2.f32 v61  }
0x177: {  	v13 =	vsel vm7, $0x41980000, v14;
	v43 =	vmul.f32 $1.442695020e+00, v36;
	vm7 =	vgt.f32 v62, v17  }
0x178: {  	v44 =	vld [tilespmem:s18+$0xFC00];
	v17 =	vmax.f32 v62, v17;
	v20 =	vsel vm7, $0x42000000, v20;
	(erf) = vpow2.f32 v32  }
0x179: {  	vm8 =	vgt.f32 v33, v17;
	v17 =	vmax.f32 v33, v17;
	v34 =	vpop (erf);
	(erf) = vpow2.f32 v35  }
0x17a: {  	v46 =	vld [tilespmem:s18+$0xFE00];
	v14 =	vadd.f32 v22, v16;
	v20 =	vsel vm8, $0x42040000, v20;
	vm9 =	vgt.f32 v36, v17  }
0x17b: {  	v17 =	vmax.f32 v36, v17;
	v48 =	vmul.f32 $1.442695020e+00, v41;
	v20 =	vsel vm9, $0x42080000, v20  }
0x17c: {  	v36 =	vld [tilespmem:s18+$0x10C00];
	vm10 =	vgt.f32 v41, v17;
	v17 =	vmax.f32 v41, v17;
	v53 =	vadd.f32 $0.0e+00, v51;
	v37 =	vpop (erf)  }
0x17d: {  	v51 =	vmul.f32 $1.442695020e+00, v44;
	v52 =	vld [tilespmem:s18+$0x10200];
	v20 =	vsel vm10, $0x420C0000, v20;
	v39 =	vpop (erf);
	(erf) = vpow2.f32 v38  }
0x17e: {  	vm11 =	vgt.f32 v44, v17;
	v23 =	vadd.f32 v55, v49;
	v49 =	vld [tilespmem:s18+$0x10000];
	v42 =	vpop (erf);
	(erf) = vpow2.f32 v40  }
0x17f: {  	v17 =	vmax.f32 v44, v17;
	v54 =	vmul.f32 $1.442695020e+00, v46;
	v55 =	vld [tilespmem:s18+$0x10400];
	v45 =	vpop (erf);
	(erf) = vpow2.f32 v43  }
0x180: {  	v20 =	vsel vm11, $0x42100000, v20;
	vm12 =	vgt.f32 v46, v17;
	v16 =	vadd.f32 v58, v53;
	v58 =	vld [tilespmem:s18+$0x10600]  }
0x181: {  	v17 =	vmax.f32 v46, v17;
	v20 =	vsel vm12, $0x42140000, v20;
	v44 =	vmul.f32 $1.442695020e+00, v36;
	v47 =	vpop (erf)  }
0x182: {  	v23 =	vadd.f32 v63, v23;
	v60 =	vmul.f32 $1.442695020e+00, v52;
	v50 =	vpop (erf);
	(erf) = vpow2.f32 v48  }
0x183: {  	v61 =	vld [tilespmem:s18+$0x10800];
	v57 =	vmul.f32 $1.442695020e+00, v49;
	vm13 =	vgt.f32 v49, v17;
	v17 =	vmax.f32 v49, v17  }
0x184: {  	v62 =	vmul.f32 $1.442695020e+00, v55;
	v20 =	vsel vm13, $0x42180000, v20;
	vm14 =	vgt.f32 v52, v17  }
0x185: {  	v63 =	vld [tilespmem:s18+$0x10A00];
	v17 =	vmax.f32 v52, v17;
	v35 =	vmul.f32 $1.442695020e+00, v58;
	(erf) = vpow2.f32 v51  }
0x186: {  	vm15 =	vgt.f32 v58, v55;
	v29 =	vmax.f32 v58, v55;
	v53 =	vpop (erf);
	(erf) = vpow2.f32 v54  }
0x187: {  	v32 =	vld [tilespmem:s18+$0x11600];
	v16 =	vadd.f32 v34, v16;
	v33 =	vsel vm15, $0x42240000, v3;
	v56 =	vpop (erf);
	(erf) = vpow2.f32 v57  }
0x188: {  	vm4 =	vgt.f32 v61, v29;
	v29 =	vmax.f32 v61, v29;
	v59 =	vpop (erf);
	(erf) = vpow2.f32 v60  }
0x189: {  	v23 =	vadd.f32 v37, v23;
	v38 =	vmul.f32 $1.442695020e+00, v61;
	v16 =	vadd.f32 v39, v16;
	v39 =	vld [tilespmem:s18+$0x10E00]  }
0x18a: {  	v41 =	vmul.f32 $1.442695020e+00, v63;
	v33 =	vsel vm4, $0x42280000, v33;
	vm5 =	vgt.f32 v63, v29  }
0x18b: {  	v25 =	vmax.f32 v63, v29;
	v61 =	vld [tilespmem:s18+$0x11C00];
	v18 =	vadd.f32 v42, v23;
	v34 =	vpop (erf);
	(erf) = vpow2.f32 v62  }
0x18c: {  	v58 =	vmul.f32 $1.442695020e+00, v32;
	v33 =	vsel vm5, $0x422C0000, v33;
	vm6 =	vgt.f32 v36, v25;
	v42 =	vld [tilespmem:s18+$0x11000]  }
0x18d: {  	v21 =	vmax.f32 v36, v25;
	v16 =	vadd.f32 v45, v16;
	v45 =	vld [tilespmem:s18+$0x11200];
	v18 =	vadd.f32 v47, v18  }
0x18e: {  	v47 =	vmul.f32 $1.442695020e+00, v39;
	vm7 =	vgt.f32 v39, v21;
	v48 =	vld [tilespmem:s18+$0x11400];
	v37 =	vpop (erf);
	(erf) = vpow2.f32 v35  }
0x18f: {  	v21 =	vmax.f32 v39, v21;
	v16 =	vadd.f32 v50, v16;
	v40 =	vpop (erf);
	(erf) = vpow2.f32 v38  }
0x190: {  	v39 =	vmul.f32 $1.442695020e+00, v61;
	v18 =	vadd.f32 v53, v18;
	v53 =	vld [tilespmem:s18+$0x11800];
	v43 =	vpop (erf);
	(erf) = vpow2.f32 v41  }
0x191: {  	vm8 =	vgt.f32 v42, v21;
	v16 =	vadd.f32 v56, v16;
	v56 =	vld [tilespmem:s18+$0x11A00];
	v46 =	vpop (erf);
	(erf) = vpow2.f32 v44  }
0x192: {  	v21 =	vmax.f32 v42, v21;
	v50 =	vmul.f32 $1.442695020e+00, v42;
	v52 =	vmul.f32 $1.442695020e+00, v45  }
0x193: {  	vm9 =	vgt.f32 v45, v21;
	v21 =	vmax.f32 v45, v21;
	v55 =	vmul.f32 $1.442695020e+00, v48  }
0x194: {  	vm10 =	vgt.f32 v48, v21;
	v18 =	vadd.f32 v59, v18;
	v49 =	vpop (erf);
	(erf) = vpow2.f32 v47  }
0x195: {  	v60 =	vmul.f32 $1.442695020e+00, v53;
	v16 =	vadd.f32 v34, v16;
	v34 =	vsel vm6, $0x42300000, v33  }
0x196: {  	v29 =	vld [tilespmem:s18+$0x11E00];
	v63 =	vmul.f32 $1.442695020e+00, v56;
	v18 =	vadd.f32 v37, v18;
	v35 =	vsel vm7, $0x42340000, v34  }
0x197: {  	v16 =	vadd.f32 v40, v16;
	v40 =	vsel vm8, $0x42380000, v35;
	v51 =	vpop (erf);
	(erf) = vpow2.f32 v50  }
0x198: {  	v18 =	vadd.f32 v43, v18;
	v24 =	vsel vm9, $0x423C0000, v40;
	v54 =	vpop (erf);
	(erf) = vpow2.f32 v52  }
0x199: {  	v43 =	vmax.f32 v48, v21;
	v44 =	vsel vm10, $0x42400000, v24;
	v57 =	vpop (erf);
	(erf) = vpow2.f32 v55  }
0x19a: {  	v26 =	vld [tilespmem:s18+$0x12200];
	vm11 =	vgt.f32 v32, v43;
	v19 =	vadd.f32 v46, v16;
	v59 =	vpop (erf);
	(erf) = vpow2.f32 v58  }
0x19b: {  	v34 =	vld [tilespmem:s18+$0x12C00];
	v48 =	vmax.f32 v32, v43;
	v16 =	vsel vm14, $0x421C0000, v20;
	v46 =	vmul.f32 $1.442695020e+00, v29  }
0x19c: {  	v35 =	vld [tilespmem:s18+$0x12E00];
	v21 =	vsel vm11, $0x42440000, v44;
	v18 =	vadd.f32 v19, v18;
	v19 =	vadd.f32 $0.0e+00, v51  }
0x19d: {  	vm12 =	vgt.f32 v53, v48;
	v22 =	vmax.f32 v53, v48;
	v62 =	vpop (erf);
	(erf) = vpow2.f32 v60  }
0x19e: {  	v21 =	vsel vm12, $0x42480000, v21;
	vm13 =	vgt.f32 v56, v22;
	v19 =	vadd.f32 v57, v19  }
0x19f: {  	v41 =	vld [tilespmem:s18+$0x12000];
	v53 =	vmul.f32 $1.442695020e+00, v26;
	v22 =	vmax.f32 v56, v22;
	v21 =	vsel vm13, $0x424C0000, v21  }
0x1a0: {  	vm14 =	vgt.f32 v61, v22;
	v22 =	vmax.f32 v61, v22;
	v19 =	vadd.f32 v62, v19;
	v36 =	vpop (erf)  }
0x1a1: {  	v61 =	vmul.f32 $1.442695020e+00, v35;
	vm2 =	vgt.f32 v35, v34;
	v47 =	vld [tilespmem:s18+$0x12400];
	(erf) = vpow2.f32 v63;
	v38 =	vpop (erf)  }
0x1a2: {  	v23 =	vadd.f32 v54, v49;
	v49 =	vld [tilespmem:s18+$0x12600];
	v19 =	vadd.f32 v38, v19;
	v42 =	vpop (erf);
	(erf) = vpow2.f32 v39  }
0x1a3: {  	v20 =	vld [tilespmem:s18+$0x12800];
	v21 =	vsel vm14, $0x42500000, v21;
	vm15 =	vgt.f32 v29, v22;
	v22 =	vmax.f32 v29, v22;
	v45 =	vpop (erf)  }
0x1a4: {  	v51 =	vmul.f32 $1.442695020e+00, v41;
	(erf) = vpow2.f32 v46;
	v24 =	vadd.f32 v45, v19;
	v19 =	vld [tilespmem:s18+$0x12A00]  }
0x1a5: {  	v21 =	vsel vm15, $0x42540000, v21;
	vm4 =	vgt.f32 v41, v22;
	v22 =	vmax.f32 v41, v22  }
0x1a6: {  	v14 =	vadd.f32 v18, v14;
	v54 =	vmul.f32 $1.442695020e+00, v47;
	v50 =	vpop (erf);
	(erf) = vpow2.f32 v51  }
0x1a7: {  	v21 =	vsel vm4, $0x42580000, v21;
	v55 =	vmul.f32 $1.442695020e+00, v49;
	(erf) = vpow2.f32 v53  }
0x1a8: {  	v56 =	vld [tilespmem:s18+$0x13000];
	v57 =	vmul.f32 $1.442695020e+00, v20;
	v23 =	vadd.f32 v59, v23;
	(erf) = vpow2.f32 v54  }
0x1a9: {  	vm5 =	vgt.f32 v26, v22;
	v59 =	vld [tilespmem:s18+$0x13200];
	v58 =	vmul.f32 $1.442695020e+00, v19;
	(erf) = vpow2.f32 v55  }
0x1aa: {  	v30 =	vld [tilespmem:s18+$0x13800];
	v60 =	vmul.f32 $1.442695020e+00, v34;
	v37 =	vadd.f32 v36, v23;
	v52 =	vpop (erf);
	(erf) = vpow2.f32 v57  }
0x1ab: {  	v22 =	vmax.f32 v26, v22;
	v21 =	vsel vm5, $0x425C0000, v21;
	v36 =	vpop (erf);
	(erf) = vpow2.f32 v58  }
0x1ac: {  	vm6 =	vgt.f32 v47, v22;
	v25 =	vadd.f32 v42, v37;
	v37 =	vld [tilespmem:s18+$0x13400];
	(erf) = vpow2.f32 v60  }
0x1ad: {  	v22 =	vmax.f32 v47, v22;
	v63 =	vmul.f32 $1.442695020e+00, v56;
	v62 =	vpop (erf);
	(erf) = vpow2.f32 v61  }
0x1ae: {  	v27 =	vld [tilespmem:s18+$0x13600];
	v21 =	vsel vm6, $0x42600000, v21;
	vm7 =	vgt.f32 v49, v22;
	v40 =	vmul.f32 $1.442695020e+00, v59  }
0x1af: {  	v28 =	vld [tilespmem:s18+$0x13A00];
	v22 =	vmax.f32 v49, v22;
	v49 =	vmul.f32 $1.442695020e+00, v30;
	v39 =	vpop (erf);
	(erf) = vpow2.f32 v63  }
0x1b0: {  	v32 =	vld [tilespmem:s18+$0x13E00];
	v34 =	vmax.f32 v35, v34;
	v25 =	vadd.f32 v50, v25;
	v41 =	vpop (erf);
	(erf) = vpow2.f32 v40  }
0x1b1: {  	v21 =	vsel vm7, $0x42640000, v21;
	v35 =	vld [tilespmem:s18+$0x14400];
	vm3 =	vgt.f32 v56, v34;
	v43 =	vmul.f32 $1.442695020e+00, v37;
	v42 =	vpop (erf)  }
0x1b2: {  	v31 =	vmax.f32 v56, v34;
	v34 =	vld [tilespmem:s18+$0x14800];
	v24 =	vadd.f32 v52, v24;
	v25 =	vadd.f32 v36, v25;
	v44 =	vpop (erf)  }
0x1b3: {  	vm0 =	vgt.f32 v20, v22;
	vm4 =	vgt.f32 v59, v31;
	v38 =	vld [tilespmem:s18+$0x13C00];
	v45 =	vpop (erf);
	(erf) = vpow2.f32 v43  }
0x1b4: {  	v46 =	vmul.f32 $1.442695020e+00, v27;
	v24 =	vadd.f32 v62, v24;
	v25 =	vadd.f32 v39, v25;
	v39 =	vld [tilespmem:s18+$0x14000];
	v29 =	vpop (erf)  }
0x1b5: {  	v31 =	vmax.f32 v59, v31;
	v51 =	vmul.f32 $1.442695020e+00, v28;
	v53 =	vmul.f32 $1.442695020e+00, v32;
	v40 =	vld [tilespmem:s18+$0x14200];
	v47 =	vpop (erf)  }
0x1b6: {  	v23 =	vadd.f32 v41, v24;
	v24 =	vadd.f32 v42, v25;
	v42 =	vld [tilespmem:s18+$0x14600];
	v48 =	vpop (erf);
	(erf) = vpow2.f32 v46  }
0x1b7: {  	vm1 =	vgt.f32 v37, v31;
	v57 =	vmul.f32 $1.442695020e+00, v35;
	v60 =	vmul.f32 $1.442695020e+00, v34;
	v43 =	vld [tilespmem:s18+$0x14A00]  }
0x1b8: {  	v41 =	vmul.f32 $1.442695020e+00, v38;
	v23 =	vadd.f32 v44, v23;
	v44 =	vld [tilespmem:s18+$0x14C00];
	v50 =	vpop (erf);
	(erf) = vpow2.f32 v49  }
0x1b9: {  	v31 =	vmax.f32 v37, v31;
	v54 =	vmul.f32 $1.442695020e+00, v39;
	v52 =	vpop (erf);
	(erf) = vpow2.f32 v51  }
0x1ba: {  	v24 =	vadd.f32 v45, v24;
	v45 =	vld [tilespmem:s18+$0x15000];
	v56 =	vmul.f32 $1.442695020e+00, v40;
	(erf) = vpow2.f32 v41  }
0x1bb: {  	vm8 =	vgt.f32 v27, v31;
	v58 =	vmul.f32 $1.442695020e+00, v42;
	(erf) = vpow2.f32 v53  }
0x1bc: {  	v26 =	vadd.f32 $0.0e+00, v48;
	v61 =	vmul.f32 $1.442695020e+00, v43;
	v41 =	vld [tilespmem:s18+$0x14E00];
	v55 =	vpop (erf);
	(erf) = vpow2.f32 v54  }
0x1bd: {  	v62 =	vmax.f32 v27, v31;
	v46 =	vld [tilespmem:s18+$0x15200];
	v63 =	vmul.f32 $1.442695020e+00, v44;
	(erf) = vpow2.f32 v56  }
0x1be: {  	v25 =	vadd.f32 v50, v47;
	v26 =	vadd.f32 v52, v26;
	(erf) = vpow2.f32 v57  }
0x1bf: {  	v53 =	vmax.f32 v30, v62;
	v54 =	vmul.f32 $1.442695020e+00, v45;
	v59 =	vpop (erf);
	(erf) = vpow2.f32 v58  }
0x1c0: {  	v36 =	vmax.f32 v28, v53;
	v25 =	vadd.f32 v55, v25;
	(erf) = vpow2.f32 v60  }
0x1c1: {  	v52 =	vmul.f32 $1.442695020e+00, v41;
	v26 =	vadd.f32 v59, v26;
	v47 =	vpop (erf);
	(erf) = vpow2.f32 v61  }
0x1c2: {  	v56 =	vmul.f32 $1.442695020e+00, v46;
	v27 =	vmax.f32 v38, v36;
	v48 =	vpop (erf);
	(erf) = vpow2.f32 v63  }
0x1c3: {  	v25 =	vadd.f32 v47, v25;
	v26 =	vadd.f32 v48, v26;
	v55 =	vpop (erf);
	(erf) = vpow2.f32 v52  }
0x1c4: {  	v20 =	vmax.f32 v20, v22;
	v48 =	vmax.f32 v32, v27;
	v49 =	vpop (erf);
	(erf) = vpow2.f32 v54  }
0x1c5: {  	v25 =	vadd.f32 v55, v25;
	v26 =	vadd.f32 v49, v26;
	v57 =	vpop (erf);
	(erf) = vpow2.f32 v56  }
0x1c6: {  	vm9 =	vgt.f32 v30, v62;
	vm10 =	vgt.f32 v28, v53;
	v30 =	vmax.f32 v39, v48;
	v58 =	vpop (erf)  }
0x1c7: {  	v31 =	vmax.f32 v40, v30;
	v25 =	vadd.f32 v57, v25;
	v60 =	vpop (erf);
	v26 =	vadd.f32 v58, v26  }
0x1c8: {  	v53 =	vadd.f32 v29, v23;
	v59 =	vsel vm2, $0x42740000, v4;
	v28 =	vmax.f32 v35, v31;
	v61 =	vpop (erf)  }
0x1c9: {  	v37 =	vmax.f32 v42, v28;
	v25 =	vadd.f32 v60, v25;
	v62 =	vpop (erf);
	v26 =	vadd.f32 v61, v26  }
0x1ca: {  	vm5 =	vgt.f32 v38, v36;
	v49 =	vsel vm3, $0x42780000, v59;
	v54 =	vmax.f32 v34, v37;
	v63 =	vpop (erf)  }
0x1cb: {  	v55 =	vmax.f32 v43, v54;
	v25 =	vadd.f32 v62, v25;
	v51 =	vpop (erf);
	v26 =	vadd.f32 v63, v26  }
0x1cc: {  	v22 =	vadd.f32 v53, v24;
	v49 =	vsel vm4, $0x427C0000, v49;
	v58 =	vmax.f32 v44, v55;
	v52 =	vpop (erf)  }
0x1cd: {  	v60 =	vmax.f32 v41, v58;
	v25 =	vadd.f32 v51, v25;
	v26 =	vadd.f32 v52, v26;
	v56 =	vpop (erf)  }
0x1ce: {  	v57 =	vsel vm1, $0x42800000, v49;
	v61 =	vmax.f32 v19, v20;
	v62 =	vmax.f32 v45, v60;
	v59 =	vpop (erf)  }
0x1cf: {  	v63 =	vmax.f32 v46, v62;
	v25 =	vadd.f32 v56, v25;
	v26 =	vadd.f32 v59, v26  }
0x1d0: {  	s18 =	sadd.s32 s3, s8;
	vm1 =	vgt.f32 v17, v15;
	v47 =	vsel vm8, $0x42820000, v57;
	vm2 =	vgt.f32 v63, v61  }
0x1d1: {  	s7 =	sshrl.u32 s18, $0x6;
	v15 =	vsel vm1, v17, v15;
	v38 =	vsel vm2, v63, v61;
	v25 =	vadd.f32 v26, v25  }
0x1d2: {  	s7 =	scvt.s32.f32 s7;
	vm11 =	vgt.f32 v32, v27;
	v47 =	vsel vm9, $0x42840000, v47;
	vm3 =	vgt.f32 v38, v15  }
0x1d3: {  	v47 =	vsel vm10, $0x42860000, v47;
	v15 =	vsel vm3, v38, v15;
	v49 =	vadd.f32 v25, v22  }
0x1d4: {  	v10 =	vadd.f32 s7, v10;
	v26 =	vsel vm5, $0x42880000, v47;
	v15 =	vmul.f32 $1.442695020e+00, v15  }
0x1d5: {  	vm12 =	vgt.f32 v39, v48;
	v50 =	vsel vm11, $0x428A0000, v26;
	v14 =	vadd.f32 v49, v14  }
0x1d6: {  	vm13 =	vgt.f32 v40, v30;
	v17 =	vsel vm12, $0x428C0000, v50;
	(erf) = vpow2.f32 v15  }
0x1d7: {  	vm14 =	vgt.f32 v35, v31;
	v17 =	vsel vm13, $0x428E0000, v17;
	(erf) = vrcp.f32 v14  }
0x1d8: {  	v53 =	vsel vm0, $0x42680000, v21;
	vm15 =	vgt.f32 v42, v28;
	v51 =	vsel vm14, $0x42900000, v17  }
0x1d9: {  	v10 =	vmul.f32 $1.562500000e-02, v10;
	vm8 =	vgt.f32 v34, v37;
	v52 =	vsel vm15, $0x42920000, v51  }
0x1da: {  	vm9 =	vgt.f32 v19, v20;
	vm10 =	vgt.f32 v43, v54;
	v14 =	vsel vm8, $0x42940000, v52  }
0x1db: {  	vm11 =	vgt.f32 v8, v5;
	vm12 =	vgt.f32 v44, v55;
	v14 =	vsel vm10, $0x42960000, v14  }
0x1dc: {  	v54 =	vsel vm11, $0x3F800000, v1;
	vm13 =	vgt.f32 v41, v58;
	v14 =	vsel vm12, $0x42980000, v14  }
0x1dd: {  	v9 =	vmul.f32 v54, v9;
	vm14 =	vgt.f32 v45, v60;
	v14 =	vsel vm13, $0x429A0000, v14  }
0x1de: {  	s19 =	sand.u32 $0xF0, s3;
	v10 =	vmul.f32 v54, v10;
	vm15 =	vgt.f32 v46, v62;
	v14 =	vsel vm14, $0x429C0000, v14  }
0x1df: {  	v15 =	vsel vm9, $0x426C0000, v53;
	v57 =	vmul.f32 v54, v11;
	[tilespmem:s19+$0x15400] =	vst v9;
	v58 =	vsel vm15, $0x429E0000, v14;
	v55 =	vpop (erf)  }
0x1e0: {  	p1 =	sne.s32 s12, $0x1E0;
	v61 =	vsel vm1, v16, v13;
	v8 =	vmul.f32 v54, v8;
	[tilespmem:s19+$0x15500] =	vst v10;
	v11 =	vsel vm2, v58, v15;
	v56 =	vpop (erf)  }
.Ltmp3:
0x1e1: {  	v60 =	vmul.f32 v54, v12;
	[tilespmem:s19+$0x15600] =	vst v57;
	v62 =	vsel vm3, v11, v61;
	v59 =	vmul.f32 v56, v55;
	(pc) =	sbr.rel @p1 .LBB2_5-.Ltmp3, $4  }
0x1e2: {  	[tilespmem:s19+$0x15800] =	vst v8;
	v8 =	vmul.f32 v62, v54  }
0x1e3: {  	[tilespmem:s19+$0x15700] =	vst v60;
	v63 =	vmul.f32 v59, v54  }
0x1e4: {  	[tilespmem:s19+$0x15A00] =	vst v8  }
0x1e5: {  	s12 =	sadd.s32 $0x20, s12;
	s3 =	sadd.s32 $0x10, s3;
	[tilespmem:s19+$0x15900] =	vst v63  }
0x1e6: {  	s3 =	smulhi.u32 $0xAAAAAAAB, s9;
	_ =	sdelay $0x1  }
0x1e7: {  	s2 =	sshll.u32 s2, $0xC;
	s0 =	sadd.s32 s4, s0;
	s3 =	sshrl.u32 s3, $0x9  }
0x1e8: {  	s0 =	sadd.s32 s2, s0;
	s7 =	sand.u32 $0x3FFF80, s3  }
0x1e9: {  	s9 =	sand.u32 $0x70, s3;
	s0 =	sadd.s32 s7, s0  }
0x1ea: {  	s0 =	sadd.s32 s9, s0  }
0x1eb: {  	[hbm4b:s0+s21] =	stream.strided.scatter [tilespmem:s23], [sflag:$0x3], $0x100, s22, s21, $0x38;
	[tilespmem:$0x15B80] =	vst v63  }
0x1ec: {  	s2 =	sadd.s32 $0x3000, s0  }
0x1ed: {  	[hbm4b:s2+s21] =	stream.strided.scatter [tilespmem:s24], [sflag:$0x3], $0x100, s22, s21, $0x38;
	[tilespmem:$0x15B80] =	vst v63  }
0x1ee: {  	s12 =	sadd.s32 $0x6000, s0  }
0x1ef: {  	[hbm4b:s12+s21] =	stream.strided.scatter [tilespmem:s25], [sflag:$0x3], $0x100, s22, s21, $0x38;
	[tilespmem:$0x15B80] =	vst v63  }
0x1f0: {  	s17 =	sadd.s32 $0x9000, s0  }
0x1f1: {  	[hbm4b:s17+s21] =	stream.strided.scatter [tilespmem:s26], [sflag:$0x3], $0x100, s22, s21, $0x38;
	[tilespmem:$0x15B80] =	vst v63  }
0x1f2: {  	s18 =	sadd.s32 $0xC000, s0  }
0x1f3: {  	[hbm4b:s18+s21] =	stream.strided.scatter [tilespmem:s28], [sflag:$0x3], $0x100, s22, s21, $0x38;
	[tilespmem:$0x15B80] =	vst v63  }
0x1f4: {  	s19 =	sadd.s32 $0xF000, s0  }
0x1f5: {  	[hbm4b:s19+s21] =	stream.strided.scatter [tilespmem:s29], [sflag:$0x3], $0x100, s22, s21, $0x38;
	[tilespmem:$0x15B80] =	vst v63  }
.Ltmp4:
0x1f6: {  	s0 =	sadd.s32 $0x12000, s0;
	(pc) =	sbr.rel @p0 .LBB2_8-.Ltmp4, $4  }
0x1f7: {  	[hbm4b:s0+s21] =	stream.strided.scatter [tilespmem:s30], [sflag:$0x3], $0x100, s22, s21, $0x38;
	[tilespmem:$0x15B80] =	vst v63  }
0x1f8: {  	_ =	swait.ge [sflag:s16], $0x700  }
0x1f9: {  	[sflag:s16] =	ssyncset.done $0x0  }
0x1fa: {  	[sflag:s16] =	ssyncadd.s32 $0xFFFFF900  }
0x1fb: {  	s0 =	rddreg [dreg:$0x6]  }
0x1fc: {  	s0 =	sadd.s32 s5, s0  }
0x1fd: {  	s2 =	sshrl.u32 s0, $0xC  }
0x1fe: {  	s3 =	smulhi.u32 $0x55555556, s2  }
0x1ff: {  	s5 =	smulhi.u32 $0x2AAAAAAB, s0  }
0x200: {  	s3 =	smul.u32 $0x3, s3  }
0x201: {  	s5 =	sshrl.u32 s5, $0xB  }
0x202: {  	s5 =	smul.u32 $0x1FE000, s5;
	s2 =	ssub.s32 s2, s3  }
0x203: {  	s2 =	smul.u32 $0xAA000, s2  }
0x204: {  	s0 =	sshll.u32 s0, $0x1  }
.Ltmp5:
0x205: {  	s0 =	sand.u32 $0x1C00, s0;
	s2 =	sadd.s32 s5, s2;
	(pc) =	sbr.rel .LBB2_2-.Ltmp5, $4  }
0x206: {  	s17 =	simm.s32 $0x200;
	s18 =	simm.s32 $0x2000;
	s0 =	sor.u32 s0, s2  }
0x207: {  	s19 =	simm.s32 $0xAA00;
	s15 =	sadd.s32 $0x1, s15;
	s0 =	sshrl.u32 s0, $0x3  }
0x208: {  	s13 =	sadd.s32 $0x1, s13;
	s14 =	sadd.s32 $0x2, s14;
	s0 =	sadd.s32 s0, s11  }
0x209: {  	[tilespmem:s19], [sflag:$0x2] =	stream.strided.gather [hbm4b:s0+s17], $0xAA00, s18, s17, $0x38;
	[tilespmem:$0x15B80] =	vst v63  }
.LBB2_9:
0x20a: {  	_ =	sfence.sel $0x180000  }
0x20b: {  	[bflag:$0x0] =	sbarrier.arrive $0xFFFF  }
0x20c: {  	_ =	strace $0x90000047  }
0x20d: {  	s0 =	stileid.u32;
	[bflag:$0x2] =	sbarrier.arrive $0xFFFF  }
0x20e: {  	p0 =	sne.s32 s0, $0x0;
	s0 =	rddreg [dreg:$0x3]  }
0x20f: {  	s0 =	sadd.s32 @!p0 $0x100000, s0  }
0x210: {  	[sflag:s0] =	ssyncadd.tile.s32 @!p0 $0x1;
	_ =	shalt  }
.Lfunc_end2:
_tile_overlayer_lowered:
.L_overlay_start_2:
0x211: {  	(tag) =	ssettag $0x2  }
0x212: {  	s0 =	rddreg [dreg:$0x0];
	s2 =	stileid.u32  }
0x213: {  	s1 =	rddreg [dreg:$0x1];
	p0 =	sne.s32 s2, $0x0  }
0x214: {  	s3 =	rddreg [dreg:$0x2];
	[bflag:$0x3] =	sbarrier.arrive $0xFFFF;
	s2 =	simm.s32 @!p0 $0x1C03  }
0x215: {  	[timem:s3], [sflag:s2] =	dma.local @!p0 [hbm:s0], s1  }
0x216: {  	s0 =	simm.s32 @!p0 $0x3  }
0x217: {  	_ =	swait.ge @!p0 [sflag:s0], s1  }
0x218: {  	s1 =	ssub.s32 @!p0 $0x0, s1;
	[sflag:s0] =	ssyncset.done @!p0 $0x0  }
0x219: {  	[sflag:s0] =	ssyncadd.s32 @!p0 s1  }
0x21a: {  	[bflag:$0x3] =	sbarrier.arrive $0xFFFF  }
0x21b: {  	_ =	shalt  }

</sc_bundles>
